<compile_context>
chip_gen: v7x
topology: tpu7x:2x2x1
jax: 0.10.2.dev20260603
libtpu: 0.0.44.dev20260713+nightly
codegen_flags: <defaults>
</compile_context>

<pallas_src>
import functools
import math

import jax
import jax.numpy as jnp
from jax import lax
from jax.experimental import pallas as pl
from jax.experimental.pallas import tpu as pltpu
from jax.experimental.pallas import tpu_sc as plsc

N = 10000
E = 320000
H = 128
NE = 4
STEPS = 2

NW = 32
C = 64
NCH = 160
NBUF = 4
E_PAD = NW * NCH * C
NPAD = 10112
ROWS_PER_TILE = NPAD // 16
OUT_ROWS_PER_TILE = 624

BN = 2000


def _th_body(h_ref, wt_ref, b_ref, out_ref):
    hv = h_ref[...]
    wt = wt_ref[...]
    bv = b_ref[...]
    for e in range(NE):
        out_ref[e, :, :] = (
            jnp.dot(hv, wt[e], preferred_element_type=jnp.float32)
            + bv[e, :][None, :]
        )


def _th_call(h, wt, b):
    return pl.pallas_call(
        _th_body,
        grid=(N // BN,),
        in_specs=[
            pl.BlockSpec((BN, H), lambda i: (i, 0)),
            pl.BlockSpec((NE, H, H), lambda i: (0, 0, 0)),
            pl.BlockSpec((NE, H), lambda i: (0, 0)),
        ],
        out_specs=pl.BlockSpec((NE, BN, H), lambda i: (0, i, 0)),
        out_shape=jax.ShapeDtypeStruct((NE, N, H), jnp.float32),
    )(h, wt, b)


_sc_mesh = plsc.VectorSubcoreMesh(core_axis_name="c", subcore_axis_name="s")


@functools.partial(
    pl.kernel,
    out_type=jax.ShapeDtypeStruct((2, N, H), jnp.float32),
    mesh=_sc_mesh,
    scratch_types=[
        pltpu.VMEM((NCH // 4, C), jnp.int32),
        pltpu.VMEM((NCH // 4, C), jnp.int32),
        pltpu.VMEM((C, H), jnp.float32),
        pltpu.VMEM((C, H), jnp.float32),
        pltpu.VMEM((C, H), jnp.float32),
        pltpu.VMEM((C, H), jnp.float32),
        pltpu.VMEM_SHARED((NPAD, H), jnp.float32),
        pltpu.SemaphoreType.DMA,
    ],
)
def _sc_scatter(tab_hbm, comb_hbm, dst_hbm, zeros_hbm, out_hbm,
                comb_v, dst_v, b0, b1, b2, b3, acc, gsem):
    bufs = (b0, b1, b2, b3)
    cid = lax.axis_index("c")
    sid = lax.axis_index("s")
    wid = sid * 2 + cid

    buf0 = bufs[0]
    pltpu.sync_copy(zeros_hbm, buf0)
    zbase = sid * ROWS_PER_TILE
    nfull = ROWS_PER_TILE // C
    rem = ROWS_PER_TILE % C
    for k in range(nfull):
        pltpu.sync_copy(buf0, acc.at[pl.ds(zbase + k * C, C)])
    if rem:
        pltpu.sync_copy(buf0.at[pl.ds(0, rem)],
                        acc.at[pl.ds(zbase + nfull * C, rem)])
    plsc.subcore_barrier()

    NCHH = NCH // 4

    def gstart(j, b):
        pltpu.async_copy(tab_hbm.at[comb_v.at[j]], b, gsem)

    def gwait(j, b):
        pltpu.make_async_copy(tab_hbm.at[comb_v.at[j]], b, gsem).wait()

    for hf in range(4):
        pltpu.sync_copy(comb_hbm.at[wid, hf], comb_v)
        pltpu.sync_copy(dst_hbm.at[wid, hf], dst_v)
        for b in range(NBUF):
            gstart(b, bufs[b])

        def body(i, carry):
            for b in range(NBUF):
                j = NBUF * i + b
                gwait(j, bufs[b])
                pltpu.sync_copy(bufs[b], acc.at[dst_v.at[j]], add=True)

                @pl.when(j + NBUF < NCHH)
                def _():
                    gstart(j + NBUF, bufs[b])

            return carry

        lax.fori_loop(0, NCHH // NBUF, body, 0)
    plsc.subcore_barrier()

    obase = sid * OUT_ROWS_PER_TILE
    pltpu.sync_copy(acc.at[pl.ds(obase, OUT_ROWS_PER_TILE)],
                    out_hbm.at[cid, pl.ds(obase, OUT_ROWS_PER_TILE)])

    tail = N - 16 * OUT_ROWS_PER_TILE
    @pl.when(sid == 15)
    def _():
        pltpu.sync_copy(acc.at[pl.ds(16 * OUT_ROWS_PER_TILE, tail)],
                        out_hbm.at[cid, pl.ds(16 * OUT_ROWS_PER_TILE, tail)])


def _gru_core(parts_ref, h_ref, wih_ref, whh_ref, bih_ref, bhh_ref):
    a = parts_ref[0, :, :] + parts_ref[1, :, :]
    hv = h_ref[...]
    gi = jnp.dot(a, wih_ref[...], preferred_element_type=jnp.float32) + bih_ref[...]
    gh = jnp.dot(hv, whh_ref[...], preferred_element_type=jnp.float32) + bhh_ref[...]
    r = 1.0 / (1.0 + jnp.exp(-(gi[:, :H] + gh[:, :H])))
    z = 1.0 / (1.0 + jnp.exp(-(gi[:, H:2 * H] + gh[:, H:2 * H])))
    n = jnp.tanh(gi[:, 2 * H:] + r * gh[:, 2 * H:])
    return (1.0 - z) * n + z * hv


def _gru_tab_body(parts_ref, h_ref, wih_ref, whh_ref, bih_ref, bhh_ref,
                  wt_ref, b_ref, tab_ref, hn_ref):
    hn = _gru_core(parts_ref, h_ref, wih_ref, whh_ref, bih_ref, bhh_ref)
    hn_ref[...] = hn
    wt = wt_ref[...]
    bv = b_ref[...]
    for e in range(NE):
        tab_ref[e, :, :] = (
            jnp.dot(hn, wt[e], preferred_element_type=jnp.float32)
            + bv[e, :][None, :]
        )


def _gru_tab_call(parts, h, wih_t, whh_t, bih, bhh, wt, b):
    return pl.pallas_call(
        _gru_tab_body,
        grid=(N // BN,),
        in_specs=[
            pl.BlockSpec((2, BN, H), lambda i: (0, i, 0)),
            pl.BlockSpec((BN, H), lambda i: (i, 0)),
            pl.BlockSpec((H, 3 * H), lambda i: (0, 0)),
            pl.BlockSpec((H, 3 * H), lambda i: (0, 0)),
            pl.BlockSpec((1, 3 * H), lambda i: (0, 0)),
            pl.BlockSpec((1, 3 * H), lambda i: (0, 0)),
            pl.BlockSpec((NE, H, H), lambda i: (0, 0, 0)),
            pl.BlockSpec((NE, H), lambda i: (0, 0)),
        ],
        out_specs=[
            pl.BlockSpec((NE, BN, H), lambda i: (0, i, 0)),
            pl.BlockSpec((BN, H), lambda i: (i, 0)),
        ],
        out_shape=[
            jax.ShapeDtypeStruct((NE, N, H), jnp.float32),
            jax.ShapeDtypeStruct((N, H), jnp.float32),
        ],
    )(parts, h, wih_t, whh_t, bih, bhh, wt, b)


def _gru_fin_body(parts_ref, h_ref, wih_ref, whh_ref, bih_ref, bhh_ref,
                  gamma_ref, beta_ref, wg_ref, h2_ref, gate_ref):
    hn = _gru_core(parts_ref, h_ref, wih_ref, whh_ref, bih_ref, bhh_ref)
    h2 = jnp.where(hn > 0.0, hn, jnp.exp(hn) - 1.0)
    h2 = h2 * (gamma_ref[...] * _BN_SCALE) + beta_ref[...]
    h2_ref[...] = h2
    gate_ref[...] = jnp.sum(h2 * wg_ref[...], axis=1, keepdims=True)


def _gru_fin_call(parts, h, wih_t, whh_t, bih, bhh, gamma, beta, wg):
    return pl.pallas_call(
        _gru_fin_body,
        grid=(N // BN,),
        in_specs=[
            pl.BlockSpec((2, BN, H), lambda i: (0, i, 0)),
            pl.BlockSpec((BN, H), lambda i: (i, 0)),
            pl.BlockSpec((H, 3 * H), lambda i: (0, 0)),
            pl.BlockSpec((H, 3 * H), lambda i: (0, 0)),
            pl.BlockSpec((1, 3 * H), lambda i: (0, 0)),
            pl.BlockSpec((1, 3 * H), lambda i: (0, 0)),
            pl.BlockSpec((1, H), lambda i: (0, 0)),
            pl.BlockSpec((1, H), lambda i: (0, 0)),
            pl.BlockSpec((1, H), lambda i: (0, 0)),
        ],
        out_specs=[
            pl.BlockSpec((BN, H), lambda i: (i, 0)),
            pl.BlockSpec((BN, 1), lambda i: (i, 0)),
        ],
        out_shape=[
            jax.ShapeDtypeStruct((N, H), jnp.float32),
            jax.ShapeDtypeStruct((N, 1), jnp.float32),
        ],
    )(parts, h, wih_t, whh_t, bih, bhh, gamma, beta, wg)


_BN_SCALE = 1.0 / math.sqrt(1.0 + 1e-5)


def _pool_body(h2_ref, gate_ref, w1_ref, b1_ref, w2_ref, b2_ref, out_ref):
    h2 = h2_ref[...]
    gate = gate_ref[...]
    m = jnp.max(gate)
    ex = jnp.exp(gate - m)
    alpha = ex / jnp.sum(ex)
    hg = jnp.sum(alpha * h2, axis=0, keepdims=True)
    hgb = jnp.broadcast_to(hg, (8, H))
    t1 = jnp.dot(hgb, w1_ref[...], preferred_element_type=jnp.float32) + b1_ref[...]
    t1 = jnp.maximum(t1, 0.0)
    t2 = jnp.dot(t1, w2_ref[...], preferred_element_type=jnp.float32) + b2_ref[...]
    out_ref[...] = t2[0:1, :]


def _pool_call(h2, gate, w1_t, b1, w2_t, b2):
    return pl.pallas_call(
        _pool_body,
        out_shape=jax.ShapeDtypeStruct((1, 10), jnp.float32),
    )(h2, gate, w1_t, b1, w2_t, b2)


def kernel(x, edge_index, edge_type, W_etype, b_etype, W_ih, W_hh, b_ih, b_hh,
           bn_gamma, bn_beta, Wg, bg, W1, b1, W2, b2):
    src = edge_index[0]
    dst = edge_index[1]
    et = edge_type.astype(jnp.int32)

    pad = E_PAD - E
    ar = jnp.arange(pad, dtype=jnp.int32)
    comb = jnp.concatenate([et * N + src, (ar * 37) % (NE * N)])
    dstp = jnp.concatenate([dst, N + (ar % (NPAD - N))])
    comb3 = comb.reshape(NW, 4, NCH // 4, C)
    dst3 = dstp.reshape(NW, 4, NCH // 4, C)
    zeros = jnp.zeros((C, H), jnp.float32)

    wt = jnp.swapaxes(W_etype, 1, 2)
    wih_t = W_ih.T
    whh_t = W_hh.T
    bih = b_ih.reshape(1, 3 * H)
    bhh = b_hh.reshape(1, 3 * H)

    tab = _th_call(x, wt, b_etype)
    parts = _sc_scatter(tab.reshape(NE * N, H), comb3, dst3, zeros)
    tab2, h1 = _gru_tab_call(parts, x, wih_t, whh_t, bih, bhh, wt, b_etype)
    parts2 = _sc_scatter(tab2.reshape(NE * N, H), comb3, dst3, zeros)
    h2, gate = _gru_fin_call(parts2, h1, wih_t, whh_t, bih, bhh,
                             bn_gamma.reshape(1, H), bn_beta.reshape(1, H),
                             Wg.reshape(1, H))
    return _pool_call(h2, gate, W1.T, b1.reshape(1, H // 2), W2.T,
                      b2.reshape(1, 10))

# --- scband reference (transcript-rebuilt; emitter-appended) ---
"""Pipeline reference for scband-only-gate-51780125720667 (READ-ONLY COPY).

The authoritative reference and input builder live on the scoring server;
editing this copy changes nothing except your own understanding.
"""

import jax, jax.numpy as jnp
import numpy as np

N = 10000
E = 320000
D = 128
H = 128
NE = 4
STEPS = 2
NC = 10


def setup_inputs(seed: int = 0) -> dict:
    key = jax.random.key(seed)
    ks = jax.random.split(key, 20)
    s = 1.0 / np.sqrt(H)
    x = jax.random.normal(ks[0], (N, D), dtype=jnp.float32)
    edge_index = jax.random.randint(ks[1], (2, E), 0, N)
    edge_type = jax.random.randint(ks[2], (E,), 0, NE)
    # GatedGraphConv per-etype linears (out_feats x out_feats)
    W_etype = jax.random.uniform(ks[3], (NE, H, H), jnp.float32, -s, s)
    b_etype = jax.random.uniform(ks[4], (NE, H), jnp.float32, -s, s)
    # GRUCell params
    W_ih = jax.random.uniform(ks[5], (3 * H, H), jnp.float32, -s, s)
    W_hh = jax.random.uniform(ks[6], (3 * H, H), jnp.float32, -s, s)
    b_ih = jax.random.uniform(ks[7], (3 * H,), jnp.float32, -s, s)
    b_hh = jax.random.uniform(ks[8], (3 * H,), jnp.float32, -s, s)
    # BatchNorm1d (eval mode: running_mean=0, running_var=1)
    bn_gamma = jnp.ones((H,), jnp.float32)
    bn_beta = jnp.zeros((H,), jnp.float32)
    # GlobalAttentionPooling gate_nn: Linear(H, 1)
    Wg = jax.random.uniform(ks[9], (1, H), jnp.float32, -s, s)
    bg = jax.random.uniform(ks[10], (1,), jnp.float32, -s, s)
    # classifier
    s2 = 1.0 / np.sqrt(H)
    W1 = jax.random.uniform(ks[11], (H // 2, H), jnp.float32, -s2, s2)
    b1 = jax.random.uniform(ks[12], (H // 2,), jnp.float32, -s2, s2)
    s3 = 1.0 / np.sqrt(H // 2)
    W2 = jax.random.uniform(ks[13], (NC, H // 2), jnp.float32, -s3, s3)
    b2 = jax.random.uniform(ks[14], (NC,), jnp.float32, -s3, s3)
    return {"x": x, "edge_index": edge_index, "edge_type": edge_type,
            "W_etype": W_etype, "b_etype": b_etype,
            "W_ih": W_ih, "W_hh": W_hh, "b_ih": b_ih, "b_hh": b_hh,
            "bn_gamma": bn_gamma, "bn_beta": bn_beta,
            "Wg": Wg, "bg": bg, "W1": W1, "b1": b1, "W2": W2, "b2": b2}


def reference(x, edge_index, edge_type, W_etype, b_etype, W_ih, W_hh, b_ih, b_hh,
              bn_gamma, bn_beta, Wg, bg, W1, b1, W2, b2):
    src = edge_index[0]
    dst = edge_index[1]
    h = x  # input_dim == hidden_dim, no padding needed
    for _ in range(STEPS):
        a = jnp.zeros((N, H), jnp.float32)
        for e in range(NE):
            th = h @ W_etype[e].T + b_etype[e]
            mask = (edge_type == e).astype(jnp.float32)[:, None]
            msgs = th[src] * mask
            a = a + jax.ops.segment_sum(msgs, dst, num_segments=N)
        # GRUCell(a, h)
        gi = a @ W_ih.T + b_ih
        gh = h @ W_hh.T + b_hh
        ir, iz, inn = jnp.split(gi, 3, axis=1)
        hr, hz, hn = jnp.split(gh, 3, axis=1)
        r = jax.nn.sigmoid(ir + hr)
        z = jax.nn.sigmoid(iz + hz)
        n = jnp.tanh(inn + r * hn)
        h = (1.0 - z) * n + z * h
    h2 = jax.nn.elu(h)
    # BatchNorm1d in eval mode (running_mean=0, running_var=1)
    h2 = h2 / jnp.sqrt(1.0 + 1e-5) * bn_gamma + bn_beta
    # GlobalAttentionPooling (single graph)
    gate = h2 @ Wg.T + bg  # [N, 1]
    alpha = jax.nn.softmax(gate, axis=0)
    h_g = jnp.sum(alpha * h2, axis=0, keepdims=True)  # [1, H]
    # classifier (dropout = identity in eval)
    out = jax.nn.relu(h_g @ W1.T + b1) @ W2.T + b2
    return out

if __name__ == "__main__":
    import jax
    _d = setup_inputs()
    print(jax.jit(kernel)(*tuple(_d.values())))

</pallas_src>

<mosaic_0001>
#map = affine_map<(d0, d1) -> (0, 0)>
#map1 = affine_map<(d0, d1) -> (0, 0, 0, 0)>
#map2 = affine_map<(d0, d1) -> (0, 0, 0)>
module attributes {stable_mosaic.version = 14 : i64} {
  func.func @_sc_scatter(%arg0: i32, %arg1: i32, %arg2: memref<40000x128xf32, #tpu.memory_space<hbm>>, %arg3: memref<32x4x40x64xi32, #tpu.memory_space<hbm>>, %arg4: memref<32x4x40x64xi32, #tpu.memory_space<hbm>>, %arg5: memref<64x128xf32, #tpu.memory_space<hbm>>, %arg6: memref<2x10000x128xf32, #tpu.memory_space<hbm>>, %arg7: memref<40x64xi32, #tpu.memory_space<vmem>>, %arg8: memref<40x64xi32, #tpu.memory_space<vmem>>, %arg9: memref<64x128xf32, #tpu.memory_space<vmem>>, %arg10: memref<64x128xf32, #tpu.memory_space<vmem>>, %arg11: memref<64x128xf32, #tpu.memory_space<vmem>>, %arg12: memref<64x128xf32, #tpu.memory_space<vmem>>, %arg13: memref<10112x128xf32, #tpu.memory_space<vmem_shared>>, %arg14: memref<!tpu.dma_semaphore, #tpu.memory_space<semaphore_mem>>) attributes {dimension_semantics = [#tpu.dimension_semantics<core_parallel>, #tpu.dimension_semantics<subcore_parallel>], iteration_bounds = array<i64: 2, 16>, scalar_prefetch = 0 : i64, scratch_operands = 8 : i64, tpu.core_type = #tpu.core_type<sc_vector_subcore>, window_params = [{transform_indices = #map}, {transform_indices = #map1}, {transform_indices = #map1}, {transform_indices = #map}, {transform_indices = #map2}]} {
    %mul3A = arith.constant 2 : i32
    %mul3A_0 = arith.muli %arg1, %mul3A : i32
    %add3A = arith.addi %mul3A_0, %arg0 : i32
    "tpu.region"() ({
      %run_scoped3A_169 = tpu.sem_alloc : memref<!tpu.dma_semaphore, #tpu.memory_space<semaphore_mem>>
      tpu.enqueue_dma source(%arg5 : memref<64x128xf32, #tpu.memory_space<hbm>>) target(%arg9 : memref<64x128xf32, #tpu.memory_space<vmem>>) target_semaphore(%run_scoped3A_169 : memref<!tpu.dma_semaphore, #tpu.memory_space<semaphore_mem>>)
      tpu.wait_dma2 semaphore(%run_scoped3A_169 : memref<!tpu.dma_semaphore, #tpu.memory_space<semaphore_mem>>) src(%arg5 : memref<64x128xf32, #tpu.memory_space<hbm>>) dst(%arg9 : memref<64x128xf32, #tpu.memory_space<vmem>>)
      tpu.yield
    }) : () -> ()
    %mul3A_1 = arith.constant 632 : i32
    %mul3A_2 = arith.muli %arg1, %mul3A_1 : i32
    %add3A_3 = arith.constant 0 : i32
    %add3A_4 = arith.addi %mul3A_2, %add3A_3 : i32
    "tpu.region"() ({
      %run_scoped3A_169 = tpu.sem_alloc : memref<!tpu.dma_semaphore, #tpu.memory_space<semaphore_mem>>
      %dma_start3A_170 = arith.constant 0 : i32
      %dma_start3A_171 = tpu.memref_slice %arg13[%add3A_4, %dma_start3A_170] : memref<10112x128xf32, #tpu.memory_space<vmem_shared>> -> memref<64x128xf32, #tpu.memory_space<vmem_shared>>
      %dma_start3A_172 = arith.constant 0 : i32
      %dma_start3A_173 = tpu.memref_slice %arg13[%add3A_4, %dma_start3A_172] : memref<10112x128xf32, #tpu.memory_space<vmem_shared>> -> memref<64x128xf32, #tpu.memory_space<vmem_shared>>
      tpu.enqueue_dma source(%arg9 : memref<64x128xf32, #tpu.memory_space<vmem>>) target(%dma_start3A_173 : memref<64x128xf32, #tpu.memory_space<vmem_shared>>) target_semaphore(%run_scoped3A_169 : memref<!tpu.dma_semaphore, #tpu.memory_space<semaphore_mem>>)
      %dma_wait3A = arith.constant 0 : i32
      %dma_wait3A_174 = tpu.memref_slice %arg13[%add3A_4, %dma_wait3A] : memref<10112x128xf32, #tpu.memory_space<vmem_shared>> -> memref<64x128xf32, #tpu.memory_space<vmem_shared>>
      %dma_wait3A_175 = arith.constant 0 : i32
      %dma_wait3A_176 = tpu.memref_slice %arg13[%add3A_4, %dma_wait3A_175] : memref<10112x128xf32, #tpu.memory_space<vmem_shared>> -> memref<64x128xf32, #tpu.memory_space<vmem_shared>>
      tpu.wait_dma2 semaphore(%run_scoped3A_169 : memref<!tpu.dma_semaphore, #tpu.memory_space<semaphore_mem>>) src(%arg9 : memref<64x128xf32, #tpu.memory_space<vmem>>) dst(%dma_wait3A_176 : memref<64x128xf32, #tpu.memory_space<vmem_shared>>)
      tpu.yield
    }) : () -> ()
    %add3A_5 = arith.constant 64 : i32
    %add3A_6 = arith.addi %mul3A_2, %add3A_5 : i32
    "tpu.region"() ({
      %run_scoped3A_169 = tpu.sem_alloc : memref<!tpu.dma_semaphore, #tpu.memory_space<semaphore_mem>>
      %dma_start3A_170 = arith.constant 0 : i32
      %dma_start3A_171 = tpu.memref_slice %arg13[%add3A_6, %dma_start3A_170] : memref<10112x128xf32, #tpu.memory_space<vmem_shared>> -> memref<64x128xf32, #tpu.memory_space<vmem_shared>>
      %dma_start3A_172 = arith.constant 0 : i32
      %dma_start3A_173 = tpu.memref_slice %arg13[%add3A_6, %dma_start3A_172] : memref<10112x128xf32, #tpu.memory_space<vmem_shared>> -> memref<64x128xf32, #tpu.memory_space<vmem_shared>>
      tpu.enqueue_dma source(%arg9 : memref<64x128xf32, #tpu.memory_space<vmem>>) target(%dma_start3A_173 : memref<64x128xf32, #tpu.memory_space<vmem_shared>>) target_semaphore(%run_scoped3A_169 : memref<!tpu.dma_semaphore, #tpu.memory_space<semaphore_mem>>)
      %dma_wait3A = arith.constant 0 : i32
      %dma_wait3A_174 = tpu.memref_slice %arg13[%add3A_6, %dma_wait3A] : memref<10112x128xf32, #tpu.memory_space<vmem_shared>> -> memref<64x128xf32, #tpu.memory_space<vmem_shared>>
      %dma_wait3A_175 = arith.constant 0 : i32
      %dma_wait3A_176 = tpu.memref_slice %arg13[%add3A_6, %dma_wait3A_175] : memref<10112x128xf32, #tpu.memory_space<vmem_shared>> -> memref<64x128xf32, #tpu.memory_space<vmem_shared>>
      tpu.wait_dma2 semaphore(%run_scoped3A_169 : memref<!tpu.dma_semaphore, #tpu.memory_space<semaphore_mem>>) src(%arg9 : memref<64x128xf32, #tpu.memory_space<vmem>>) dst(%dma_wait3A_176 : memref<64x128xf32, #tpu.memory_space<vmem_shared>>)
      tpu.yield
    }) : () -> ()
    %add3A_7 = arith.constant 128 : i32
    %add3A_8 = arith.addi %mul3A_2, %add3A_7 : i32
    "tpu.region"() ({
      %run_scoped3A_169 = tpu.sem_alloc : memref<!tpu.dma_semaphore, #tpu.memory_space<semaphore_mem>>
      %dma_start3A_170 = arith.constant 0 : i32
      %dma_start3A_171 = tpu.memref_slice %arg13[%add3A_8, %dma_start3A_170] : memref<10112x128xf32, #tpu.memory_space<vmem_shared>> -> memref<64x128xf32, #tpu.memory_space<vmem_shared>>
      %dma_start3A_172 = arith.constant 0 : i32
      %dma_start3A_173 = tpu.memref_slice %arg13[%add3A_8, %dma_start3A_172] : memref<10112x128xf32, #tpu.memory_space<vmem_shared>> -> memref<64x128xf32, #tpu.memory_space<vmem_shared>>
      tpu.enqueue_dma source(%arg9 : memref<64x128xf32, #tpu.memory_space<vmem>>) target(%dma_start3A_173 : memref<64x128xf32, #tpu.memory_space<vmem_shared>>) target_semaphore(%run_scoped3A_169 : memref<!tpu.dma_semaphore, #tpu.memory_space<semaphore_mem>>)
      %dma_wait3A = arith.constant 0 : i32
      %dma_wait3A_174 = tpu.memref_slice %arg13[%add3A_8, %dma_wait3A] : memref<10112x128xf32, #tpu.memory_space<vmem_shared>> -> memref<64x128xf32, #tpu.memory_space<vmem_shared>>
      %dma_wait3A_175 = arith.constant 0 : i32
      %dma_wait3A_176 = tpu.memref_slice %arg13[%add3A_8, %dma_wait3A_175] : memref<10112x128xf32, #tpu.memory_space<vmem_shared>> -> memref<64x128xf32, #tpu.memory_space<vmem_shared>>
      tpu.wait_dma2 semaphore(%run_scoped3A_169 : memref<!tpu.dma_semaphore, #tpu.memory_space<semaphore_mem>>) src(%arg9 : memref<64x128xf32, #tpu.memory_space<vmem>>) dst(%dma_wait3A_176 : memref<64x128xf32, #tpu.memory_space<vmem_shared>>)
      tpu.yield
    }) : () -> ()
    %add3A_9 = arith.constant 192 : i32
    %add3A_10 = arith.addi %mul3A_2, %add3A_9 : i32
    "tpu.region"() ({
      %run_scoped3A_169 = tpu.sem_alloc : memref<!tpu.dma_semaphore, #tpu.memory_space<semaphore_mem>>
      %dma_start3A_170 = arith.constant 0 : i32
      %dma_start3A_171 = tpu.memref_slice %arg13[%add3A_10, %dma_start3A_170] : memref<10112x128xf32, #tpu.memory_space<vmem_shared>> -> memref<64x128xf32, #tpu.memory_space<vmem_shared>>
      %dma_start3A_172 = arith.constant 0 : i32
      %dma_start3A_173 = tpu.memref_slice %arg13[%add3A_10, %dma_start3A_172] : memref<10112x128xf32, #tpu.memory_space<vmem_shared>> -> memref<64x128xf32, #tpu.memory_space<vmem_shared>>
      tpu.enqueue_dma source(%arg9 : memref<64x128xf32, #tpu.memory_space<vmem>>) target(%dma_start3A_173 : memref<64x128xf32, #tpu.memory_space<vmem_shared>>) target_semaphore(%run_scoped3A_169 : memref<!tpu.dma_semaphore, #tpu.memory_space<semaphore_mem>>)
      %dma_wait3A = arith.constant 0 : i32
      %dma_wait3A_174 = tpu.memref_slice %arg13[%add3A_10, %dma_wait3A] : memref<10112x128xf32, #tpu.memory_space<vmem_shared>> -> memref<64x128xf32, #tpu.memory_space<vmem_shared>>
      %dma_wait3A_175 = arith.constant 0 : i32
      %dma_wait3A_176 = tpu.memref_slice %arg13[%add3A_10, %dma_wait3A_175] : memref<10112x128xf32, #tpu.memory_space<vmem_shared>> -> memref<64x128xf32, #tpu.memory_space<vmem_shared>>
      tpu.wait_dma2 semaphore(%run_scoped3A_169 : memref<!tpu.dma_semaphore, #tpu.memory_space<semaphore_mem>>) src(%arg9 : memref<64x128xf32, #tpu.memory_space<vmem>>) dst(%dma_wait3A_176 : memref<64x128xf32, #tpu.memory_space<vmem_shared>>)
      tpu.yield
    }) : () -> ()
    %add3A_11 = arith.constant 256 : i32
    %add3A_12 = arith.addi %mul3A_2, %add3A_11 : i32
    "tpu.region"() ({
      %run_scoped3A_169 = tpu.sem_alloc : memref<!tpu.dma_semaphore, #tpu.memory_space<semaphore_mem>>
      %dma_start3A_170 = arith.constant 0 : i32
      %dma_start3A_171 = tpu.memref_slice %arg13[%add3A_12, %dma_start3A_170] : memref<10112x128xf32, #tpu.memory_space<vmem_shared>> -> memref<64x128xf32, #tpu.memory_space<vmem_shared>>
      %dma_start3A_172 = arith.constant 0 : i32
      %dma_start3A_173 = tpu.memref_slice %arg13[%add3A_12, %dma_start3A_172] : memref<10112x128xf32, #tpu.memory_space<vmem_shared>> -> memref<64x128xf32, #tpu.memory_space<vmem_shared>>
      tpu.enqueue_dma source(%arg9 : memref<64x128xf32, #tpu.memory_space<vmem>>) target(%dma_start3A_173 : memref<64x128xf32, #tpu.memory_space<vmem_shared>>) target_semaphore(%run_scoped3A_169 : memref<!tpu.dma_semaphore, #tpu.memory_space<semaphore_mem>>)
      %dma_wait3A = arith.constant 0 : i32
      %dma_wait3A_174 = tpu.memref_slice %arg13[%add3A_12, %dma_wait3A] : memref<10112x128xf32, #tpu.memory_space<vmem_shared>> -> memref<64x128xf32, #tpu.memory_space<vmem_shared>>
      %dma_wait3A_175 = arith.constant 0 : i32
      %dma_wait3A_176 = tpu.memref_slice %arg13[%add3A_12, %dma_wait3A_175] : memref<10112x128xf32, #tpu.memory_space<vmem_shared>> -> memref<64x128xf32, #tpu.memory_space<vmem_shared>>
      tpu.wait_dma2 semaphore(%run_scoped3A_169 : memref<!tpu.dma_semaphore, #tpu.memory_space<semaphore_mem>>) src(%arg9 : memref<64x128xf32, #tpu.memory_space<vmem>>) dst(%dma_wait3A_176 : memref<64x128xf32, #tpu.memory_space<vmem_shared>>)
      tpu.yield
    }) : () -> ()
    %add3A_13 = arith.constant 320 : i32
    %add3A_14 = arith.addi %mul3A_2, %add3A_13 : i32
    "tpu.region"() ({
      %run_scoped3A_169 = tpu.sem_alloc : memref<!tpu.dma_semaphore, #tpu.memory_space<semaphore_mem>>
      %dma_start3A_170 = arith.constant 0 : i32
      %dma_start3A_171 = tpu.memref_slice %arg13[%add3A_14, %dma_start3A_170] : memref<10112x128xf32, #tpu.memory_space<vmem_shared>> -> memref<64x128xf32, #tpu.memory_space<vmem_shared>>
      %dma_start3A_172 = arith.constant 0 : i32
      %dma_start3A_173 = tpu.memref_slice %arg13[%add3A_14, %dma_start3A_172] : memref<10112x128xf32, #tpu.memory_space<vmem_shared>> -> memref<64x128xf32, #tpu.memory_space<vmem_shared>>
      tpu.enqueue_dma source(%arg9 : memref<64x128xf32, #tpu.memory_space<vmem>>) target(%dma_start3A_173 : memref<64x128xf32, #tpu.memory_space<vmem_shared>>) target_semaphore(%run_scoped3A_169 : memref<!tpu.dma_semaphore, #tpu.memory_space<semaphore_mem>>)
      %dma_wait3A = arith.constant 0 : i32
      %dma_wait3A_174 = tpu.memref_slice %arg13[%add3A_14, %dma_wait3A] : memref<10112x128xf32, #tpu.memory_space<vmem_shared>> -> memref<64x128xf32, #tpu.memory_space<vmem_shared>>
      %dma_wait3A_175 = arith.constant 0 : i32
      %dma_wait3A_176 = tpu.memref_slice %arg13[%add3A_14, %dma_wait3A_175] : memref<10112x128xf32, #tpu.memory_space<vmem_shared>> -> memref<64x128xf32, #tpu.memory_space<vmem_shared>>
      tpu.wait_dma2 semaphore(%run_scoped3A_169 : memref<!tpu.dma_semaphore, #tpu.memory_space<semaphore_mem>>) src(%arg9 : memref<64x128xf32, #tpu.memory_space<vmem>>) dst(%dma_wait3A_176 : memref<64x128xf32, #tpu.memory_space<vmem_shared>>)
      tpu.yield
    }) : () -> ()
    %add3A_15 = arith.constant 384 : i32
    %add3A_16 = arith.addi %mul3A_2, %add3A_15 : i32
    "tpu.region"() ({
      %run_scoped3A_169 = tpu.sem_alloc : memref<!tpu.dma_semaphore, #tpu.memory_space<semaphore_mem>>
      %dma_start3A_170 = arith.constant 0 : i32
      %dma_start3A_171 = tpu.memref_slice %arg13[%add3A_16, %dma_start3A_170] : memref<10112x128xf32, #tpu.memory_space<vmem_shared>> -> memref<64x128xf32, #tpu.memory_space<vmem_shared>>
      %dma_start3A_172 = arith.constant 0 : i32
      %dma_start3A_173 = tpu.memref_slice %arg13[%add3A_16, %dma_start3A_172] : memref<10112x128xf32, #tpu.memory_space<vmem_shared>> -> memref<64x128xf32, #tpu.memory_space<vmem_shared>>
      tpu.enqueue_dma source(%arg9 : memref<64x128xf32, #tpu.memory_space<vmem>>) target(%dma_start3A_173 : memref<64x128xf32, #tpu.memory_space<vmem_shared>>) target_semaphore(%run_scoped3A_169 : memref<!tpu.dma_semaphore, #tpu.memory_space<semaphore_mem>>)
      %dma_wait3A = arith.constant 0 : i32
      %dma_wait3A_174 = tpu.memref_slice %arg13[%add3A_16, %dma_wait3A] : memref<10112x128xf32, #tpu.memory_space<vmem_shared>> -> memref<64x128xf32, #tpu.memory_space<vmem_shared>>
      %dma_wait3A_175 = arith.constant 0 : i32
      %dma_wait3A_176 = tpu.memref_slice %arg13[%add3A_16, %dma_wait3A_175] : memref<10112x128xf32, #tpu.memory_space<vmem_shared>> -> memref<64x128xf32, #tpu.memory_space<vmem_shared>>
      tpu.wait_dma2 semaphore(%run_scoped3A_169 : memref<!tpu.dma_semaphore, #tpu.memory_space<semaphore_mem>>) src(%arg9 : memref<64x128xf32, #tpu.memory_space<vmem>>) dst(%dma_wait3A_176 : memref<64x128xf32, #tpu.memory_space<vmem_shared>>)
      tpu.yield
    }) : () -> ()
    %add3A_17 = arith.constant 448 : i32
    %add3A_18 = arith.addi %mul3A_2, %add3A_17 : i32
    "tpu.region"() ({
      %run_scoped3A_169 = tpu.sem_alloc : memref<!tpu.dma_semaphore, #tpu.memory_space<semaphore_mem>>
      %dma_start3A_170 = arith.constant 0 : i32
      %dma_start3A_171 = tpu.memref_slice %arg13[%add3A_18, %dma_start3A_170] : memref<10112x128xf32, #tpu.memory_space<vmem_shared>> -> memref<64x128xf32, #tpu.memory_space<vmem_shared>>
      %dma_start3A_172 = arith.constant 0 : i32
      %dma_start3A_173 = tpu.memref_slice %arg13[%add3A_18, %dma_start3A_172] : memref<10112x128xf32, #tpu.memory_space<vmem_shared>> -> memref<64x128xf32, #tpu.memory_space<vmem_shared>>
      tpu.enqueue_dma source(%arg9 : memref<64x128xf32, #tpu.memory_space<vmem>>) target(%dma_start3A_173 : memref<64x128xf32, #tpu.memory_space<vmem_shared>>) target_semaphore(%run_scoped3A_169 : memref<!tpu.dma_semaphore, #tpu.memory_space<semaphore_mem>>)
      %dma_wait3A = arith.constant 0 : i32
      %dma_wait3A_174 = tpu.memref_slice %arg13[%add3A_18, %dma_wait3A] : memref<10112x128xf32, #tpu.memory_space<vmem_shared>> -> memref<64x128xf32, #tpu.memory_space<vmem_shared>>
      %dma_wait3A_175 = arith.constant 0 : i32
      %dma_wait3A_176 = tpu.memref_slice %arg13[%add3A_18, %dma_wait3A_175] : memref<10112x128xf32, #tpu.memory_space<vmem_shared>> -> memref<64x128xf32, #tpu.memory_space<vmem_shared>>
      tpu.wait_dma2 semaphore(%run_scoped3A_169 : memref<!tpu.dma_semaphore, #tpu.memory_space<semaphore_mem>>) src(%arg9 : memref<64x128xf32, #tpu.memory_space<vmem>>) dst(%dma_wait3A_176 : memref<64x128xf32, #tpu.memory_space<vmem_shared>>)
      tpu.yield
    }) : () -> ()
    %add3A_19 = arith.constant 512 : i32
    %add3A_20 = arith.addi %mul3A_2, %add3A_19 : i32
    "tpu.region"() ({
      %run_scoped3A_169 = tpu.sem_alloc : memref<!tpu.dma_semaphore, #tpu.memory_space<semaphore_mem>>
      %dma_start3A_170 = arith.constant 0 : i32
      %dma_start3A_171 = tpu.memref_slice %arg13[%add3A_20, %dma_start3A_170] : memref<10112x128xf32, #tpu.memory_space<vmem_shared>> -> memref<64x128xf32, #tpu.memory_space<vmem_shared>>
      %dma_start3A_172 = arith.constant 0 : i32
      %dma_start3A_173 = tpu.memref_slice %arg13[%add3A_20, %dma_start3A_172] : memref<10112x128xf32, #tpu.memory_space<vmem_shared>> -> memref<64x128xf32, #tpu.memory_space<vmem_shared>>
      tpu.enqueue_dma source(%arg9 : memref<64x128xf32, #tpu.memory_space<vmem>>) target(%dma_start3A_173 : memref<64x128xf32, #tpu.memory_space<vmem_shared>>) target_semaphore(%run_scoped3A_169 : memref<!tpu.dma_semaphore, #tpu.memory_space<semaphore_mem>>)
      %dma_wait3A = arith.constant 0 : i32
      %dma_wait3A_174 = tpu.memref_slice %arg13[%add3A_20, %dma_wait3A] : memref<10112x128xf32, #tpu.memory_space<vmem_shared>> -> memref<64x128xf32, #tpu.memory_space<vmem_shared>>
      %dma_wait3A_175 = arith.constant 0 : i32
      %dma_wait3A_176 = tpu.memref_slice %arg13[%add3A_20, %dma_wait3A_175] : memref<10112x128xf32, #tpu.memory_space<vmem_shared>> -> memref<64x128xf32, #tpu.memory_space<vmem_shared>>
      tpu.wait_dma2 semaphore(%run_scoped3A_169 : memref<!tpu.dma_semaphore, #tpu.memory_space<semaphore_mem>>) src(%arg9 : memref<64x128xf32, #tpu.memory_space<vmem>>) dst(%dma_wait3A_176 : memref<64x128xf32, #tpu.memory_space<vmem_shared>>)
      tpu.yield
    }) : () -> ()
    %add3A_21 = arith.constant 576 : i32
    %add3A_22 = arith.addi %mul3A_2, %add3A_21 : i32
    "tpu.region"() ({
      %run_scoped3A_169 = tpu.sem_alloc : memref<!tpu.dma_semaphore, #tpu.memory_space<semaphore_mem>>
      %dma_start3A_170 = arith.constant 0 : i32
      %dma_start3A_171 = arith.constant 0 : i32
      %dma_start3A_172 = tpu.memref_slice %arg9[%dma_start3A_170, %dma_start3A_171] : memref<64x128xf32, #tpu.memory_space<vmem>> -> memref<56x128xf32, #tpu.memory_space<vmem>>
      %dma_start3A_173 = arith.constant 0 : i32
      %dma_start3A_174 = tpu.memref_slice %arg13[%add3A_22, %dma_start3A_173] : memref<10112x128xf32, #tpu.memory_space<vmem_shared>> -> memref<56x128xf32, #tpu.memory_space<vmem_shared>>
      %dma_start3A_175 = arith.constant 0 : i32
      %dma_start3A_176 = tpu.memref_slice %arg13[%add3A_22, %dma_start3A_175] : memref<10112x128xf32, #tpu.memory_space<vmem_shared>> -> memref<56x128xf32, #tpu.memory_space<vmem_shared>>
      %dma_start3A_177 = arith.constant 0 : i32
      %dma_start3A_178 = arith.constant 0 : i32
      %dma_start3A_179 = tpu.memref_slice %arg9[%dma_start3A_177, %dma_start3A_178] : memref<64x128xf32, #tpu.memory_space<vmem>> -> memref<56x128xf32, #tpu.memory_space<vmem>>
      tpu.enqueue_dma source(%dma_start3A_179 : memref<56x128xf32, #tpu.memory_space<vmem>>) target(%dma_start3A_176 : memref<56x128xf32, #tpu.memory_space<vmem_shared>>) target_semaphore(%run_scoped3A_169 : memref<!tpu.dma_semaphore, #tpu.memory_space<semaphore_mem>>)
      %dma_wait3A = arith.constant 0 : i32
      %dma_wait3A_180 = arith.constant 0 : i32
      %dma_wait3A_181 = tpu.memref_slice %arg9[%dma_wait3A, %dma_wait3A_180] : memref<64x128xf32, #tpu.memory_space<vmem>> -> memref<56x128xf32, #tpu.memory_space<vmem>>
      %dma_wait3A_182 = arith.constant 0 : i32
      %dma_wait3A_183 = tpu.memref_slice %arg13[%add3A_22, %dma_wait3A_182] : memref<10112x128xf32, #tpu.memory_space<vmem_shared>> -> memref<56x128xf32, #tpu.memory_space<vmem_shared>>
      %dma_wait3A_184 = arith.constant 0 : i32
      %dma_wait3A_185 = tpu.memref_slice %arg13[%add3A_22, %dma_wait3A_184] : memref<10112x128xf32, #tpu.memory_space<vmem_shared>> -> memref<56x128xf32, #tpu.memory_space<vmem_shared>>
      %dma_wait3A_186 = arith.constant 0 : i32
      %dma_wait3A_187 = arith.constant 0 : i32
      %dma_wait3A_188 = tpu.memref_slice %arg9[%dma_wait3A_186, %dma_wait3A_187] : memref<64x128xf32, #tpu.memory_space<vmem>> -> memref<56x128xf32, #tpu.memory_space<vmem>>
      tpu.wait_dma2 semaphore(%run_scoped3A_169 : memref<!tpu.dma_semaphore, #tpu.memory_space<semaphore_mem>>) src(%dma_wait3A_188 : memref<56x128xf32, #tpu.memory_space<vmem>>) dst(%dma_wait3A_185 : memref<56x128xf32, #tpu.memory_space<vmem_shared>>)
      tpu.yield
    }) : () -> ()
    %barrier3A = arith.constant 0 : index
    tpu.barrier barrier_id(%barrier3A)
    %run_scoped3A = arith.constant 0 : i32
    "tpu.region"() ({
      %run_scoped3A_169 = tpu.sem_alloc : memref<!tpu.dma_semaphore, #tpu.memory_space<semaphore_mem>>
      %dma_start3A_170 = arith.constant 0 : i32
      %dma_start3A_171 = arith.constant 0 : i32
      %dma_start3A_172 = tpu.memref_slice %arg3[%add3A, %run_scoped3A, %dma_start3A_170, %dma_start3A_171] : memref<32x4x40x64xi32, #tpu.memory_space<hbm>> -> memref<1x1x40x64xi32, #tpu.memory_space<hbm>>
      %dma_start3A_173 = tpu.memref_squeeze %dma_start3A_172 : memref<1x1x40x64xi32, #tpu.memory_space<hbm>> -> memref<40x64xi32, #tpu.memory_space<hbm>>
      %dma_start3A_174 = arith.constant 0 : i32
      %dma_start3A_175 = arith.constant 0 : i32
      %dma_start3A_176 = tpu.memref_slice %arg3[%add3A, %run_scoped3A, %dma_start3A_174, %dma_start3A_175] : memref<32x4x40x64xi32, #tpu.memory_space<hbm>> -> memref<1x1x40x64xi32, #tpu.memory_space<hbm>>
      %dma_start3A_177 = tpu.memref_squeeze %dma_start3A_176 : memref<1x1x40x64xi32, #tpu.memory_space<hbm>> -> memref<40x64xi32, #tpu.memory_space<hbm>>
      tpu.enqueue_dma source(%dma_start3A_177 : memref<40x64xi32, #tpu.memory_space<hbm>>) target(%arg7 : memref<40x64xi32, #tpu.memory_space<vmem>>) target_semaphore(%run_scoped3A_169 : memref<!tpu.dma_semaphore, #tpu.memory_space<semaphore_mem>>)
      %dma_wait3A = arith.constant 0 : i32
      %dma_wait3A_178 = arith.constant 0 : i32
      %dma_wait3A_179 = tpu.memref_slice %arg3[%add3A, %run_scoped3A, %dma_wait3A, %dma_wait3A_178] : memref<32x4x40x64xi32, #tpu.memory_space<hbm>> -> memref<1x1x40x64xi32, #tpu.memory_space<hbm>>
      %dma_wait3A_180 = tpu.memref_squeeze %dma_wait3A_179 : memref<1x1x40x64xi32, #tpu.memory_space<hbm>> -> memref<40x64xi32, #tpu.memory_space<hbm>>
      %dma_wait3A_181 = arith.constant 0 : i32
      %dma_wait3A_182 = arith.constant 0 : i32
      %dma_wait3A_183 = tpu.memref_slice %arg3[%add3A, %run_scoped3A, %dma_wait3A_181, %dma_wait3A_182] : memref<32x4x40x64xi32, #tpu.memory_space<hbm>> -> memref<1x1x40x64xi32, #tpu.memory_space<hbm>>
      %dma_wait3A_184 = tpu.memref_squeeze %dma_wait3A_183 : memref<1x1x40x64xi32, #tpu.memory_space<hbm>> -> memref<40x64xi32, #tpu.memory_space<hbm>>
      tpu.wait_dma2 semaphore(%run_scoped3A_169 : memref<!tpu.dma_semaphore, #tpu.memory_space<semaphore_mem>>) src(%dma_wait3A_184 : memref<40x64xi32, #tpu.memory_space<hbm>>) dst(%arg7 : memref<40x64xi32, #tpu.memory_space<vmem>>)
      tpu.yield
    }) : () -> ()
    %run_scoped3A_23 = arith.constant 0 : i32
    "tpu.region"() ({
      %run_scoped3A_169 = tpu.sem_alloc : memref<!tpu.dma_semaphore, #tpu.memory_space<semaphore_mem>>
      %dma_start3A_170 = arith.constant 0 : i32
      %dma_start3A_171 = arith.constant 0 : i32
      %dma_start3A_172 = tpu.memref_slice %arg4[%add3A, %run_scoped3A_23, %dma_start3A_170, %dma_start3A_171] : memref<32x4x40x64xi32, #tpu.memory_space<hbm>> -> memref<1x1x40x64xi32, #tpu.memory_space<hbm>>
      %dma_start3A_173 = tpu.memref_squeeze %dma_start3A_172 : memref<1x1x40x64xi32, #tpu.memory_space<hbm>> -> memref<40x64xi32, #tpu.memory_space<hbm>>
      %dma_start3A_174 = arith.constant 0 : i32
      %dma_start3A_175 = arith.constant 0 : i32
      %dma_start3A_176 = tpu.memref_slice %arg4[%add3A, %run_scoped3A_23, %dma_start3A_174, %dma_start3A_175] : memref<32x4x40x64xi32, #tpu.memory_space<hbm>> -> memref<1x1x40x64xi32, #tpu.memory_space<hbm>>
      %dma_start3A_177 = tpu.memref_squeeze %dma_start3A_176 : memref<1x1x40x64xi32, #tpu.memory_space<hbm>> -> memref<40x64xi32, #tpu.memory_space<hbm>>
      tpu.enqueue_dma source(%dma_start3A_177 : memref<40x64xi32, #tpu.memory_space<hbm>>) target(%arg8 : memref<40x64xi32, #tpu.memory_space<vmem>>) target_semaphore(%run_scoped3A_169 : memref<!tpu.dma_semaphore, #tpu.memory_space<semaphore_mem>>)
      %dma_wait3A = arith.constant 0 : i32
      %dma_wait3A_178 = arith.constant 0 : i32
      %dma_wait3A_179 = tpu.memref_slice %arg4[%add3A, %run_scoped3A_23, %dma_wait3A, %dma_wait3A_178] : memref<32x4x40x64xi32, #tpu.memory_space<hbm>> -> memref<1x1x40x64xi32, #tpu.memory_space<hbm>>
      %dma_wait3A_180 = tpu.memref_squeeze %dma_wait3A_179 : memref<1x1x40x64xi32, #tpu.memory_space<hbm>> -> memref<40x64xi32, #tpu.memory_space<hbm>>
      %dma_wait3A_181 = arith.constant 0 : i32
      %dma_wait3A_182 = arith.constant 0 : i32
      %dma_wait3A_183 = tpu.memref_slice %arg4[%add3A, %run_scoped3A_23, %dma_wait3A_181, %dma_wait3A_182] : memref<32x4x40x64xi32, #tpu.memory_space<hbm>> -> memref<1x1x40x64xi32, #tpu.memory_space<hbm>>
      %dma_wait3A_184 = tpu.memref_squeeze %dma_wait3A_183 : memref<1x1x40x64xi32, #tpu.memory_space<hbm>> -> memref<40x64xi32, #tpu.memory_space<hbm>>
      tpu.wait_dma2 semaphore(%run_scoped3A_169 : memref<!tpu.dma_semaphore, #tpu.memory_space<semaphore_mem>>) src(%dma_wait3A_184 : memref<40x64xi32, #tpu.memory_space<hbm>>) dst(%arg8 : memref<40x64xi32, #tpu.memory_space<vmem>>)
      tpu.yield
    }) : () -> ()
    %dma_start3A = arith.constant 0 : i32
    %dma_start3A_24 = arith.constant 0 : i32
    %dma_start3A_25 = tpu.memref_slice %arg7[%dma_start3A, %dma_start3A_24] : memref<40x64xi32, #tpu.memory_space<vmem>> -> memref<1x64xi32, #tpu.memory_space<vmem>>
    %dma_start3A_26 = tpu.memref_squeeze %dma_start3A_25 : memref<1x64xi32, #tpu.memory_space<vmem>> -> memref<64xi32, #tpu.memory_space<vmem>>
    %dma_start3A_27 = arith.constant 0 : i32
    %dma_start3A_28 = arith.constant 0 : i32
    %dma_start3A_29 = tpu.memref_slice %arg2[%dma_start3A_27, %dma_start3A_28] : memref<40000x128xf32, #tpu.memory_space<hbm>> -> memref<40000x128xf32, #tpu.memory_space<hbm>>
    tpu.enqueue_indirect_dma source(%dma_start3A_29 : memref<40000x128xf32, #tpu.memory_space<hbm>>) target(%arg9 : memref<64x128xf32, #tpu.memory_space<vmem>>) offsets(%dma_start3A_26 : memref<64xi32, #tpu.memory_space<vmem>>) semaphore(%arg14 : memref<!tpu.dma_semaphore, #tpu.memory_space<semaphore_mem>>)
    %dma_start3A_30 = arith.constant 1 : i32
    %dma_start3A_31 = arith.constant 0 : i32
    %dma_start3A_32 = tpu.memref_slice %arg7[%dma_start3A_30, %dma_start3A_31] : memref<40x64xi32, #tpu.memory_space<vmem>> -> memref<1x64xi32, #tpu.memory_space<vmem>>
    %dma_start3A_33 = tpu.memref_squeeze %dma_start3A_32 : memref<1x64xi32, #tpu.memory_space<vmem>> -> memref<64xi32, #tpu.memory_space<vmem>>
    %dma_start3A_34 = arith.constant 0 : i32
    %dma_start3A_35 = arith.constant 0 : i32
    %dma_start3A_36 = tpu.memref_slice %arg2[%dma_start3A_34, %dma_start3A_35] : memref<40000x128xf32, #tpu.memory_space<hbm>> -> memref<40000x128xf32, #tpu.memory_space<hbm>>
    tpu.enqueue_indirect_dma source(%dma_start3A_36 : memref<40000x128xf32, #tpu.memory_space<hbm>>) target(%arg10 : memref<64x128xf32, #tpu.memory_space<vmem>>) offsets(%dma_start3A_33 : memref<64xi32, #tpu.memory_space<vmem>>) semaphore(%arg14 : memref<!tpu.dma_semaphore, #tpu.memory_space<semaphore_mem>>)
    %dma_start3A_37 = arith.constant 2 : i32
    %dma_start3A_38 = arith.constant 0 : i32
    %dma_start3A_39 = tpu.memref_slice %arg7[%dma_start3A_37, %dma_start3A_38] : memref<40x64xi32, #tpu.memory_space<vmem>> -> memref<1x64xi32, #tpu.memory_space<vmem>>
    %dma_start3A_40 = tpu.memref_squeeze %dma_start3A_39 : memref<1x64xi32, #tpu.memory_space<vmem>> -> memref<64xi32, #tpu.memory_space<vmem>>
    %dma_start3A_41 = arith.constant 0 : i32
    %dma_start3A_42 = arith.constant 0 : i32
    %dma_start3A_43 = tpu.memref_slice %arg2[%dma_start3A_41, %dma_start3A_42] : memref<40000x128xf32, #tpu.memory_space<hbm>> -> memref<40000x128xf32, #tpu.memory_space<hbm>>
    tpu.enqueue_indirect_dma source(%dma_start3A_43 : memref<40000x128xf32, #tpu.memory_space<hbm>>) target(%arg11 : memref<64x128xf32, #tpu.memory_space<vmem>>) offsets(%dma_start3A_40 : memref<64xi32, #tpu.memory_space<vmem>>) semaphore(%arg14 : memref<!tpu.dma_semaphore, #tpu.memory_space<semaphore_mem>>)
    %dma_start3A_44 = arith.constant 3 : i32
    %dma_start3A_45 = arith.constant 0 : i32
    %dma_start3A_46 = tpu.memref_slice %arg7[%dma_start3A_44, %dma_start3A_45] : memref<40x64xi32, #tpu.memory_space<vmem>> -> memref<1x64xi32, #tpu.memory_space<vmem>>
    %dma_start3A_47 = tpu.memref_squeeze %dma_start3A_46 : memref<1x64xi32, #tpu.memory_space<vmem>> -> memref<64xi32, #tpu.memory_space<vmem>>
    %dma_start3A_48 = arith.constant 0 : i32
    %dma_start3A_49 = arith.constant 0 : i32
    %dma_start3A_50 = tpu.memref_slice %arg2[%dma_start3A_48, %dma_start3A_49] : memref<40000x128xf32, #tpu.memory_space<hbm>> -> memref<40000x128xf32, #tpu.memory_space<hbm>>
    tpu.enqueue_indirect_dma source(%dma_start3A_50 : memref<40000x128xf32, #tpu.memory_space<hbm>>) target(%arg12 : memref<64x128xf32, #tpu.memory_space<vmem>>) offsets(%dma_start3A_47 : memref<64xi32, #tpu.memory_space<vmem>>) semaphore(%arg14 : memref<!tpu.dma_semaphore, #tpu.memory_space<semaphore_mem>>)
    %scan3A = arith.constant 0 : i32
    %scan3A_51 = arith.constant 0 : i32
    %scan3A_52 = arith.constant 10 : i32
    %scan3A_53 = arith.addi %scan3A_51, %scan3A_52 : i32
    %scan3A_54 = arith.constant 1 : i32
    scf.for %scan3A_169 = %scan3A_51 to %scan3A_53 step %scan3A_54  : i32 {
      %mul3A_170 = arith.constant 4 : i32
      %mul3A_171 = arith.muli %mul3A_170, %scan3A_169 : i32
      %add3A_172 = arith.constant 0 : i32
      %add3A_173 = arith.addi %mul3A_171, %add3A_172 : i32
      %dma_wait3A = arith.constant 0 : i32
      %dma_wait3A_174 = tpu.memref_slice %arg7[%add3A_173, %dma_wait3A] : memref<40x64xi32, #tpu.memory_space<vmem>> -> memref<1x64xi32, #tpu.memory_space<vmem>>
      %dma_wait3A_175 = tpu.memref_squeeze %dma_wait3A_174 : memref<1x64xi32, #tpu.memory_space<vmem>> -> memref<64xi32, #tpu.memory_space<vmem>>
      %dma_wait3A_176 = arith.constant 0 : i32
      %dma_wait3A_177 = arith.constant 0 : i32
      %dma_wait3A_178 = tpu.memref_slice %arg2[%dma_wait3A_176, %dma_wait3A_177] : memref<40000x128xf32, #tpu.memory_space<hbm>> -> memref<40000x128xf32, #tpu.memory_space<hbm>>
      tpu.wait_indirect_dma semaphore(%arg14 : memref<!tpu.dma_semaphore, #tpu.memory_space<semaphore_mem>>) src(%dma_wait3A_178 : memref<40000x128xf32, #tpu.memory_space<hbm>>) dst(%arg9 : memref<64x128xf32, #tpu.memory_space<vmem>>)
      "tpu.region"() ({
        %run_scoped3A_236 = tpu.sem_alloc : memref<!tpu.dma_semaphore, #tpu.memory_space<semaphore_mem>>
        %dma_start3A_237 = arith.constant 0 : i32
        %dma_start3A_238 = tpu.memref_slice %arg8[%add3A_173, %dma_start3A_237] : memref<40x64xi32, #tpu.memory_space<vmem>> -> memref<1x64xi32, #tpu.memory_space<vmem>>
        %dma_start3A_239 = tpu.memref_squeeze %dma_start3A_238 : memref<1x64xi32, #tpu.memory_space<vmem>> -> memref<64xi32, #tpu.memory_space<vmem>>
        %dma_start3A_240 = arith.constant 0 : i32
        %dma_start3A_241 = arith.constant 0 : i32
        %dma_start3A_242 = tpu.memref_slice %arg13[%dma_start3A_240, %dma_start3A_241] : memref<10112x128xf32, #tpu.memory_space<vmem_shared>> -> memref<10112x128xf32, #tpu.memory_space<vmem_shared>>
        tpu.enqueue_indirect_dma source(%arg9 : memref<64x128xf32, #tpu.memory_space<vmem>>) target(%dma_start3A_242 : memref<10112x128xf32, #tpu.memory_space<vmem_shared>>) offsets(%dma_start3A_239 : memref<64xi32, #tpu.memory_space<vmem>>) semaphore(%run_scoped3A_236 : memref<!tpu.dma_semaphore, #tpu.memory_space<semaphore_mem>>) {add = true}
        %dma_wait3A_243 = arith.constant 0 : i32
        %dma_wait3A_244 = tpu.memref_slice %arg8[%add3A_173, %dma_wait3A_243] : memref<40x64xi32, #tpu.memory_space<vmem>> -> memref<1x64xi32, #tpu.memory_space<vmem>>
        %dma_wait3A_245 = tpu.memref_squeeze %dma_wait3A_244 : memref<1x64xi32, #tpu.memory_space<vmem>> -> memref<64xi32, #tpu.memory_space<vmem>>
        %dma_wait3A_246 = arith.constant 0 : i32
        %dma_wait3A_247 = arith.constant 0 : i32
        %dma_wait3A_248 = tpu.memref_slice %arg13[%dma_wait3A_246, %dma_wait3A_247] : memref<10112x128xf32, #tpu.memory_space<vmem_shared>> -> memref<10112x128xf32, #tpu.memory_space<vmem_shared>>
        tpu.wait_indirect_dma semaphore(%run_scoped3A_236 : memref<!tpu.dma_semaphore, #tpu.memory_space<semaphore_mem>>) src(%arg9 : memref<64x128xf32, #tpu.memory_space<vmem>>) dst(%dma_wait3A_248 : memref<10112x128xf32, #tpu.memory_space<vmem_shared>>)
        tpu.yield
      }) : () -> ()
      %add3A_179 = arith.constant 4 : i32
      %add3A_180 = arith.addi %add3A_173, %add3A_179 : i32
      %lt3A = arith.constant 40 : i32
      %lt3A_181 = arith.cmpi slt, %add3A_180, %lt3A : i32
      %convert_element_type3A_182 = arith.extui %lt3A_181 : i1 to i32
      %cond3A_183 = arith.constant 0 : i32
      %cond3A_184 = arith.cmpi ne, %convert_element_type3A_182, %cond3A_183 : i32
      scf.if %cond3A_184 {
        %add3A_236 = arith.constant 4 : i32
        %add3A_237 = arith.addi %add3A_173, %add3A_236 : i32
        %dma_start3A_238 = arith.constant 0 : i32
        %dma_start3A_239 = tpu.memref_slice %arg7[%add3A_237, %dma_start3A_238] : memref<40x64xi32, #tpu.memory_space<vmem>> -> memref<1x64xi32, #tpu.memory_space<vmem>>
        %dma_start3A_240 = tpu.memref_squeeze %dma_start3A_239 : memref<1x64xi32, #tpu.memory_space<vmem>> -> memref<64xi32, #tpu.memory_space<vmem>>
        %dma_start3A_241 = arith.constant 0 : i32
        %dma_start3A_242 = arith.constant 0 : i32
        %dma_start3A_243 = tpu.memref_slice %arg2[%dma_start3A_241, %dma_start3A_242] : memref<40000x128xf32, #tpu.memory_space<hbm>> -> memref<40000x128xf32, #tpu.memory_space<hbm>>
        tpu.enqueue_indirect_dma source(%dma_start3A_243 : memref<40000x128xf32, #tpu.memory_space<hbm>>) target(%arg9 : memref<64x128xf32, #tpu.memory_space<vmem>>) offsets(%dma_start3A_240 : memref<64xi32, #tpu.memory_space<vmem>>) semaphore(%arg14 : memref<!tpu.dma_semaphore, #tpu.memory_space<semaphore_mem>>)
      } else {
      }
      %mul3A_185 = arith.constant 4 : i32
      %mul3A_186 = arith.muli %mul3A_185, %scan3A_169 : i32
      %add3A_187 = arith.constant 1 : i32
      %add3A_188 = arith.addi %mul3A_186, %add3A_187 : i32
      %dma_wait3A_189 = arith.constant 0 : i32
      %dma_wait3A_190 = tpu.memref_slice %arg7[%add3A_188, %dma_wait3A_189] : memref<40x64xi32, #tpu.memory_space<vmem>> -> memref<1x64xi32, #tpu.memory_space<vmem>>
      %dma_wait3A_191 = tpu.memref_squeeze %dma_wait3A_190 : memref<1x64xi32, #tpu.memory_space<vmem>> -> memref<64xi32, #tpu.memory_space<vmem>>
      %dma_wait3A_192 = arith.constant 0 : i32
      %dma_wait3A_193 = arith.constant 0 : i32
      %dma_wait3A_194 = tpu.memref_slice %arg2[%dma_wait3A_192, %dma_wait3A_193] : memref<40000x128xf32, #tpu.memory_space<hbm>> -> memref<40000x128xf32, #tpu.memory_space<hbm>>
      tpu.wait_indirect_dma semaphore(%arg14 : memref<!tpu.dma_semaphore, #tpu.memory_space<semaphore_mem>>) src(%dma_wait3A_194 : memref<40000x128xf32, #tpu.memory_space<hbm>>) dst(%arg10 : memref<64x128xf32, #tpu.memory_space<vmem>>)
      "tpu.region"() ({
        %run_scoped3A_236 = tpu.sem_alloc : memref<!tpu.dma_semaphore, #tpu.memory_space<semaphore_mem>>
        %dma_start3A_237 = arith.constant 0 : i32
        %dma_start3A_238 = tpu.memref_slice %arg8[%add3A_188, %dma_start3A_237] : memref<40x64xi32, #tpu.memory_space<vmem>> -> memref<1x64xi32, #tpu.memory_space<vmem>>
        %dma_start3A_239 = tpu.memref_squeeze %dma_start3A_238 : memref<1x64xi32, #tpu.memory_space<vmem>> -> memref<64xi32, #tpu.memory_space<vmem>>
        %dma_start3A_240 = arith.constant 0 : i32
        %dma_start3A_241 = arith.constant 0 : i32
        %dma_start3A_242 = tpu.memref_slice %arg13[%dma_start3A_240, %dma_start3A_241] : memref<10112x128xf32, #tpu.memory_space<vmem_shared>> -> memref<10112x128xf32, #tpu.memory_space<vmem_shared>>
        tpu.enqueue_indirect_dma source(%arg10 : memref<64x128xf32, #tpu.memory_space<vmem>>) target(%dma_start3A_242 : memref<10112x128xf32, #tpu.memory_space<vmem_shared>>) offsets(%dma_start3A_239 : memref<64xi32, #tpu.memory_space<vmem>>) semaphore(%run_scoped3A_236 : memref<!tpu.dma_semaphore, #tpu.memory_space<semaphore_mem>>) {add = true}
        %dma_wait3A_243 = arith.constant 0 : i32
        %dma_wait3A_244 = tpu.memref_slice %arg8[%add3A_188, %dma_wait3A_243] : memref<40x64xi32, #tpu.memory_space<vmem>> -> memref<1x64xi32, #tpu.memory_space<vmem>>
        %dma_wait3A_245 = tpu.memref_squeeze %dma_wait3A_244 : memref<1x64xi32, #tpu.memory_space<vmem>> -> memref<64xi32, #tpu.memory_space<vmem>>
        %dma_wait3A_246 = arith.constant 0 : i32
        %dma_wait3A_247 = arith.constant 0 : i32
        %dma_wait3A_248 = tpu.memref_slice %arg13[%dma_wait3A_246, %dma_wait3A_247] : memref<10112x128xf32, #tpu.memory_space<vmem_shared>> -> memref<10112x128xf32, #tpu.memory_space<vmem_shared>>
        tpu.wait_indirect_dma semaphore(%run_scoped3A_236 : memref<!tpu.dma_semaphore, #tpu.memory_space<semaphore_mem>>) src(%arg10 : memref<64x128xf32, #tpu.memory_space<vmem>>) dst(%dma_wait3A_248 : memref<10112x128xf32, #tpu.memory_space<vmem_shared>>)
        tpu.yield
      }) : () -> ()
      %add3A_195 = arith.constant 4 : i32
      %add3A_196 = arith.addi %add3A_188, %add3A_195 : i32
      %lt3A_197 = arith.constant 40 : i32
      %lt3A_198 = arith.cmpi slt, %add3A_196, %lt3A_197 : i32
      %convert_element_type3A_199 = arith.extui %lt3A_198 : i1 to i32
      %cond3A_200 = arith.constant 0 : i32
      %cond3A_201 = arith.cmpi ne, %convert_element_type3A_199, %cond3A_200 : i32
      scf.if %cond3A_201 {
        %add3A_236 = arith.constant 4 : i32
        %add3A_237 = arith.addi %add3A_188, %add3A_236 : i32
        %dma_start3A_238 = arith.constant 0 : i32
        %dma_start3A_239 = tpu.memref_slice %arg7[%add3A_237, %dma_start3A_238] : memref<40x64xi32, #tpu.memory_space<vmem>> -> memref<1x64xi32, #tpu.memory_space<vmem>>
        %dma_start3A_240 = tpu.memref_squeeze %dma_start3A_239 : memref<1x64xi32, #tpu.memory_space<vmem>> -> memref<64xi32, #tpu.memory_space<vmem>>
        %dma_start3A_241 = arith.constant 0 : i32
        %dma_start3A_242 = arith.constant 0 : i32
        %dma_start3A_243 = tpu.memref_slice %arg2[%dma_start3A_241, %dma_start3A_242] : memref<40000x128xf32, #tpu.memory_space<hbm>> -> memref<40000x128xf32, #tpu.memory_space<hbm>>
        tpu.enqueue_indirect_dma source(%dma_start3A_243 : memref<40000x128xf32, #tpu.memory_space<hbm>>) target(%arg10 : memref<64x128xf32, #tpu.memory_space<vmem>>) offsets(%dma_start3A_240 : memref<64xi32, #tpu.memory_space<vmem>>) semaphore(%arg14 : memref<!tpu.dma_semaphore, #tpu.memory_space<semaphore_mem>>)
      } else {
      }
      %mul3A_202 = arith.constant 4 : i32
      %mul3A_203 = arith.muli %mul3A_202, %scan3A_169 : i32
      %add3A_204 = arith.constant 2 : i32
      %add3A_205 = arith.addi %mul3A_203, %add3A_204 : i32
      %dma_wait3A_206 = arith.constant 0 : i32
      %dma_wait3A_207 = tpu.memref_slice %arg7[%add3A_205, %dma_wait3A_206] : memref<40x64xi32, #tpu.memory_space<vmem>> -> memref<1x64xi32, #tpu.memory_space<vmem>>
      %dma_wait3A_208 = tpu.memref_squeeze %dma_wait3A_207 : memref<1x64xi32, #tpu.memory_space<vmem>> -> memref<64xi32, #tpu.memory_space<vmem>>
      %dma_wait3A_209 = arith.constant 0 : i32
      %dma_wait3A_210 = arith.constant 0 : i32
      %dma_wait3A_211 = tpu.memref_slice %arg2[%dma_wait3A_209, %dma_wait3A_210] : memref<40000x128xf32, #tpu.memory_space<hbm>> -> memref<40000x128xf32, #tpu.memory_space<hbm>>
      tpu.wait_indirect_dma semaphore(%arg14 : memref<!tpu.dma_semaphore, #tpu.memory_space<semaphore_mem>>) src(%dma_wait3A_211 : memref<40000x128xf32, #tpu.memory_space<hbm>>) dst(%arg11 : memref<64x128xf32, #tpu.memory_space<vmem>>)
      "tpu.region"() ({
        %run_scoped3A_236 = tpu.sem_alloc : memref<!tpu.dma_semaphore, #tpu.memory_space<semaphore_mem>>
        %dma_start3A_237 = arith.constant 0 : i32
        %dma_start3A_238 = tpu.memref_slice %arg8[%add3A_205, %dma_start3A_237] : memref<40x64xi32, #tpu.memory_space<vmem>> -> memref<1x64xi32, #tpu.memory_space<vmem>>
        %dma_start3A_239 = tpu.memref_squeeze %dma_start3A_238 : memref<1x64xi32, #tpu.memory_space<vmem>> -> memref<64xi32, #tpu.memory_space<vmem>>
        %dma_start3A_240 = arith.constant 0 : i32
        %dma_start3A_241 = arith.constant 0 : i32
        %dma_start3A_242 = tpu.memref_slice %arg13[%dma_start3A_240, %dma_start3A_241] : memref<10112x128xf32, #tpu.memory_space<vmem_shared>> -> memref<10112x128xf32, #tpu.memory_space<vmem_shared>>
        tpu.enqueue_indirect_dma source(%arg11 : memref<64x128xf32, #tpu.memory_space<vmem>>) target(%dma_start3A_242 : memref<10112x128xf32, #tpu.memory_space<vmem_shared>>) offsets(%dma_start3A_239 : memref<64xi32, #tpu.memory_space<vmem>>) semaphore(%run_scoped3A_236 : memref<!tpu.dma_semaphore, #tpu.memory_space<semaphore_mem>>) {add = true}
        %dma_wait3A_243 = arith.constant 0 : i32
        %dma_wait3A_244 = tpu.memref_slice %arg8[%add3A_205, %dma_wait3A_243] : memref<40x64xi32, #tpu.memory_space<vmem>> -> memref<1x64xi32, #tpu.memory_space<vmem>>
        %dma_wait3A_245 = tpu.memref_squeeze %dma_wait3A_244 : memref<1x64xi32, #tpu.memory_space<vmem>> -> memref<64xi32, #tpu.memory_space<vmem>>
        %dma_wait3A_246 = arith.constant 0 : i32
        %dma_wait3A_247 = arith.constant 0 : i32
        %dma_wait3A_248 = tpu.memref_slice %arg13[%dma_wait3A_246, %dma_wait3A_247] : memref<10112x128xf32, #tpu.memory_space<vmem_shared>> -> memref<10112x128xf32, #tpu.memory_space<vmem_shared>>
        tpu.wait_indirect_dma semaphore(%run_scoped3A_236 : memref<!tpu.dma_semaphore, #tpu.memory_space<semaphore_mem>>) src(%arg11 : memref<64x128xf32, #tpu.memory_space<vmem>>) dst(%dma_wait3A_248 : memref<10112x128xf32, #tpu.memory_space<vmem_shared>>)
        tpu.yield
      }) : () -> ()
      %add3A_212 = arith.constant 4 : i32
      %add3A_213 = arith.addi %add3A_205, %add3A_212 : i32
      %lt3A_214 = arith.constant 40 : i32
      %lt3A_215 = arith.cmpi slt, %add3A_213, %lt3A_214 : i32
      %convert_element_type3A_216 = arith.extui %lt3A_215 : i1 to i32
      %cond3A_217 = arith.constant 0 : i32
      %cond3A_218 = arith.cmpi ne, %convert_element_type3A_216, %cond3A_217 : i32
      scf.if %cond3A_218 {
        %add3A_236 = arith.constant 4 : i32
        %add3A_237 = arith.addi %add3A_205, %add3A_236 : i32
        %dma_start3A_238 = arith.constant 0 : i32
        %dma_start3A_239 = tpu.memref_slice %arg7[%add3A_237, %dma_start3A_238] : memref<40x64xi32, #tpu.memory_space<vmem>> -> memref<1x64xi32, #tpu.memory_space<vmem>>
        %dma_start3A_240 = tpu.memref_squeeze %dma_start3A_239 : memref<1x64xi32, #tpu.memory_space<vmem>> -> memref<64xi32, #tpu.memory_space<vmem>>
        %dma_start3A_241 = arith.constant 0 : i32
        %dma_start3A_242 = arith.constant 0 : i32
        %dma_start3A_243 = tpu.memref_slice %arg2[%dma_start3A_241, %dma_start3A_242] : memref<40000x128xf32, #tpu.memory_space<hbm>> -> memref<40000x128xf32, #tpu.memory_space<hbm>>
        tpu.enqueue_indirect_dma source(%dma_start3A_243 : memref<40000x128xf32, #tpu.memory_space<hbm>>) target(%arg11 : memref<64x128xf32, #tpu.memory_space<vmem>>) offsets(%dma_start3A_240 : memref<64xi32, #tpu.memory_space<vmem>>) semaphore(%arg14 : memref<!tpu.dma_semaphore, #tpu.memory_space<semaphore_mem>>)
      } else {
      }
      %mul3A_219 = arith.constant 4 : i32
      %mul3A_220 = arith.muli %mul3A_219, %scan3A_169 : i32
      %add3A_221 = arith.constant 3 : i32
      %add3A_222 = arith.addi %mul3A_220, %add3A_221 : i32
      %dma_wait3A_223 = arith.constant 0 : i32
      %dma_wait3A_224 = tpu.memref_slice %arg7[%add3A_222, %dma_wait3A_223] : memref<40x64xi32, #tpu.memory_space<vmem>> -> memref<1x64xi32, #tpu.memory_space<vmem>>
      %dma_wait3A_225 = tpu.memref_squeeze %dma_wait3A_224 : memref<1x64xi32, #tpu.memory_space<vmem>> -> memref<64xi32, #tpu.memory_space<vmem>>
      %dma_wait3A_226 = arith.constant 0 : i32
      %dma_wait3A_227 = arith.constant 0 : i32
      %dma_wait3A_228 = tpu.memref_slice %arg2[%dma_wait3A_226, %dma_wait3A_227] : memref<40000x128xf32, #tpu.memory_space<hbm>> -> memref<40000x128xf32, #tpu.memory_space<hbm>>
      tpu.wait_indirect_dma semaphore(%arg14 : memref<!tpu.dma_semaphore, #tpu.memory_space<semaphore_mem>>) src(%dma_wait3A_228 : memref<40000x128xf32, #tpu.memory_space<hbm>>) dst(%arg12 : memref<64x128xf32, #tpu.memory_space<vmem>>)
      "tpu.region"() ({
        %run_scoped3A_236 = tpu.sem_alloc : memref<!tpu.dma_semaphore, #tpu.memory_space<semaphore_mem>>
        %dma_start3A_237 = arith.constant 0 : i32
        %dma_start3A_238 = tpu.memref_slice %arg8[%add3A_222, %dma_start3A_237] : memref<40x64xi32, #tpu.memory_space<vmem>> -> memref<1x64xi32, #tpu.memory_space<vmem>>
        %dma_start3A_239 = tpu.memref_squeeze %dma_start3A_238 : memref<1x64xi32, #tpu.memory_space<vmem>> -> memref<64xi32, #tpu.memory_space<vmem>>
        %dma_start3A_240 = arith.constant 0 : i32
        %dma_start3A_241 = arith.constant 0 : i32
        %dma_start3A_242 = tpu.memref_slice %arg13[%dma_start3A_240, %dma_start3A_241] : memref<10112x128xf32, #tpu.memory_space<vmem_shared>> -> memref<10112x128xf32, #tpu.memory_space<vmem_shared>>
        tpu.enqueue_indirect_dma source(%arg12 : memref<64x128xf32, #tpu.memory_space<vmem>>) target(%dma_start3A_242 : memref<10112x128xf32, #tpu.memory_space<vmem_shared>>) offsets(%dma_start3A_239 : memref<64xi32, #tpu.memory_space<vmem>>) semaphore(%run_scoped3A_236 : memref<!tpu.dma_semaphore, #tpu.memory_space<semaphore_mem>>) {add = true}
        %dma_wait3A_243 = arith.constant 0 : i32
        %dma_wait3A_244 = tpu.memref_slice %arg8[%add3A_222, %dma_wait3A_243] : memref<40x64xi32, #tpu.memory_space<vmem>> -> memref<1x64xi32, #tpu.memory_space<vmem>>
        %dma_wait3A_245 = tpu.memref_squeeze %dma_wait3A_244 : memref<1x64xi32, #tpu.memory_space<vmem>> -> memref<64xi32, #tpu.memory_space<vmem>>
        %dma_wait3A_246 = arith.constant 0 : i32
        %dma_wait3A_247 = arith.constant 0 : i32
        %dma_wait3A_248 = tpu.memref_slice %arg13[%dma_wait3A_246, %dma_wait3A_247] : memref<10112x128xf32, #tpu.memory_space<vmem_shared>> -> memref<10112x128xf32, #tpu.memory_space<vmem_shared>>
        tpu.wait_indirect_dma semaphore(%run_scoped3A_236 : memref<!tpu.dma_semaphore, #tpu.memory_space<semaphore_mem>>) src(%arg12 : memref<64x128xf32, #tpu.memory_space<vmem>>) dst(%dma_wait3A_248 : memref<10112x128xf32, #tpu.memory_space<vmem_shared>>)
        tpu.yield
      }) : () -> ()
      %add3A_229 = arith.constant 4 : i32
      %add3A_230 = arith.addi %add3A_222, %add3A_229 : i32
      %lt3A_231 = arith.constant 40 : i32
      %lt3A_232 = arith.cmpi slt, %add3A_230, %lt3A_231 : i32
      %convert_element_type3A_233 = arith.extui %lt3A_232 : i1 to i32
      %cond3A_234 = arith.constant 0 : i32
      %cond3A_235 = arith.cmpi ne, %convert_element_type3A_233, %cond3A_234 : i32
      scf.if %cond3A_235 {
        %add3A_236 = arith.constant 4 : i32
        %add3A_237 = arith.addi %add3A_222, %add3A_236 : i32
        %dma_start3A_238 = arith.constant 0 : i32
        %dma_start3A_239 = tpu.memref_slice %arg7[%add3A_237, %dma_start3A_238] : memref<40x64xi32, #tpu.memory_space<vmem>> -> memref<1x64xi32, #tpu.memory_space<vmem>>
        %dma_start3A_240 = tpu.memref_squeeze %dma_start3A_239 : memref<1x64xi32, #tpu.memory_space<vmem>> -> memref<64xi32, #tpu.memory_space<vmem>>
        %dma_start3A_241 = arith.constant 0 : i32
        %dma_start3A_242 = arith.constant 0 : i32
        %dma_start3A_243 = tpu.memref_slice %arg2[%dma_start3A_241, %dma_start3A_242] : memref<40000x128xf32, #tpu.memory_space<hbm>> -> memref<40000x128xf32, #tpu.memory_space<hbm>>
        tpu.enqueue_indirect_dma source(%dma_start3A_243 : memref<40000x128xf32, #tpu.memory_space<hbm>>) target(%arg12 : memref<64x128xf32, #tpu.memory_space<vmem>>) offsets(%dma_start3A_240 : memref<64xi32, #tpu.memory_space<vmem>>) semaphore(%arg14 : memref<!tpu.dma_semaphore, #tpu.memory_space<semaphore_mem>>)
      } else {
      }
    }
    %scan3A_55 = arith.constant 10 : i32
    %run_scoped3A_56 = arith.constant 1 : i32
    "tpu.region"() ({
      %run_scoped3A_169 = tpu.sem_alloc : memref<!tpu.dma_semaphore, #tpu.memory_space<semaphore_mem>>
      %dma_start3A_170 = arith.constant 0 : i32
      %dma_start3A_171 = arith.constant 0 : i32
      %dma_start3A_172 = tpu.memref_slice %arg3[%add3A, %run_scoped3A_56, %dma_start3A_170, %dma_start3A_171] : memref<32x4x40x64xi32, #tpu.memory_space<hbm>> -> memref<1x1x40x64xi32, #tpu.memory_space<hbm>>
      %dma_start3A_173 = tpu.memref_squeeze %dma_start3A_172 : memref<1x1x40x64xi32, #tpu.memory_space<hbm>> -> memref<40x64xi32, #tpu.memory_space<hbm>>
      %dma_start3A_174 = arith.constant 0 : i32
      %dma_start3A_175 = arith.constant 0 : i32
      %dma_start3A_176 = tpu.memref_slice %arg3[%add3A, %run_scoped3A_56, %dma_start3A_174, %dma_start3A_175] : memref<32x4x40x64xi32, #tpu.memory_space<hbm>> -> memref<1x1x40x64xi32, #tpu.memory_space<hbm>>
      %dma_start3A_177 = tpu.memref_squeeze %dma_start3A_176 : memref<1x1x40x64xi32, #tpu.memory_space<hbm>> -> memref<40x64xi32, #tpu.memory_space<hbm>>
      tpu.enqueue_dma source(%dma_start3A_177 : memref<40x64xi32, #tpu.memory_space<hbm>>) target(%arg7 : memref<40x64xi32, #tpu.memory_space<vmem>>) target_semaphore(%run_scoped3A_169 : memref<!tpu.dma_semaphore, #tpu.memory_space<semaphore_mem>>)
      %dma_wait3A = arith.constant 0 : i32
      %dma_wait3A_178 = arith.constant 0 : i32
      %dma_wait3A_179 = tpu.memref_slice %arg3[%add3A, %run_scoped3A_56, %dma_wait3A, %dma_wait3A_178] : memref<32x4x40x64xi32, #tpu.memory_space<hbm>> -> memref<1x1x40x64xi32, #tpu.memory_space<hbm>>
      %dma_wait3A_180 = tpu.memref_squeeze %dma_wait3A_179 : memref<1x1x40x64xi32, #tpu.memory_space<hbm>> -> memref<40x64xi32, #tpu.memory_space<hbm>>
      %dma_wait3A_181 = arith.constant 0 : i32
      %dma_wait3A_182 = arith.constant 0 : i32
      %dma_wait3A_183 = tpu.memref_slice %arg3[%add3A, %run_scoped3A_56, %dma_wait3A_181, %dma_wait3A_182] : memref<32x4x40x64xi32, #tpu.memory_space<hbm>> -> memref<1x1x40x64xi32, #tpu.memory_space<hbm>>
      %dma_wait3A_184 = tpu.memref_squeeze %dma_wait3A_183 : memref<1x1x40x64xi32, #tpu.memory_space<hbm>> -> memref<40x64xi32, #tpu.memory_space<hbm>>
      tpu.wait_dma2 semaphore(%run_scoped3A_169 : memref<!tpu.dma_semaphore, #tpu.memory_space<semaphore_mem>>) src(%dma_wait3A_184 : memref<40x64xi32, #tpu.memory_space<hbm>>) dst(%arg7 : memref<40x64xi32, #tpu.memory_space<vmem>>)
      tpu.yield
    }) : () -> ()
    %run_scoped3A_57 = arith.constant 1 : i32
    "tpu.region"() ({
      %run_scoped3A_169 = tpu.sem_alloc : memref<!tpu.dma_semaphore, #tpu.memory_space<semaphore_mem>>
      %dma_start3A_170 = arith.constant 0 : i32
      %dma_start3A_171 = arith.constant 0 : i32
      %dma_start3A_172 = tpu.memref_slice %arg4[%add3A, %run_scoped3A_57, %dma_start3A_170, %dma_start3A_171] : memref<32x4x40x64xi32, #tpu.memory_space<hbm>> -> memref<1x1x40x64xi32, #tpu.memory_space<hbm>>
      %dma_start3A_173 = tpu.memref_squeeze %dma_start3A_172 : memref<1x1x40x64xi32, #tpu.memory_space<hbm>> -> memref<40x64xi32, #tpu.memory_space<hbm>>
      %dma_start3A_174 = arith.constant 0 : i32
      %dma_start3A_175 = arith.constant 0 : i32
      %dma_start3A_176 = tpu.memref_slice %arg4[%add3A, %run_scoped3A_57, %dma_start3A_174, %dma_start3A_175] : memref<32x4x40x64xi32, #tpu.memory_space<hbm>> -> memref<1x1x40x64xi32, #tpu.memory_space<hbm>>
      %dma_start3A_177 = tpu.memref_squeeze %dma_start3A_176 : memref<1x1x40x64xi32, #tpu.memory_space<hbm>> -> memref<40x64xi32, #tpu.memory_space<hbm>>
      tpu.enqueue_dma source(%dma_start3A_177 : memref<40x64xi32, #tpu.memory_space<hbm>>) target(%arg8 : memref<40x64xi32, #tpu.memory_space<vmem>>) target_semaphore(%run_scoped3A_169 : memref<!tpu.dma_semaphore, #tpu.memory_space<semaphore_mem>>)
      %dma_wait3A = arith.constant 0 : i32
      %dma_wait3A_178 = arith.constant 0 : i32
      %dma_wait3A_179 = tpu.memref_slice %arg4[%add3A, %run_scoped3A_57, %dma_wait3A, %dma_wait3A_178] : memref<32x4x40x64xi32, #tpu.memory_space<hbm>> -> memref<1x1x40x64xi32, #tpu.memory_space<hbm>>
      %dma_wait3A_180 = tpu.memref_squeeze %dma_wait3A_179 : memref<1x1x40x64xi32, #tpu.memory_space<hbm>> -> memref<40x64xi32, #tpu.memory_space<hbm>>
      %dma_wait3A_181 = arith.constant 0 : i32
      %dma_wait3A_182 = arith.constant 0 : i32
      %dma_wait3A_183 = tpu.memref_slice %arg4[%add3A, %run_scoped3A_57, %dma_wait3A_181, %dma_wait3A_182] : memref<32x4x40x64xi32, #tpu.memory_space<hbm>> -> memref<1x1x40x64xi32, #tpu.memory_space<hbm>>
      %dma_wait3A_184 = tpu.memref_squeeze %dma_wait3A_183 : memref<1x1x40x64xi32, #tpu.memory_space<hbm>> -> memref<40x64xi32, #tpu.memory_space<hbm>>
      tpu.wait_dma2 semaphore(%run_scoped3A_169 : memref<!tpu.dma_semaphore, #tpu.memory_space<semaphore_mem>>) src(%dma_wait3A_184 : memref<40x64xi32, #tpu.memory_space<hbm>>) dst(%arg8 : memref<40x64xi32, #tpu.memory_space<vmem>>)
      tpu.yield
    }) : () -> ()
    %dma_start3A_58 = arith.constant 0 : i32
    %dma_start3A_59 = arith.constant 0 : i32
    %dma_start3A_60 = tpu.memref_slice %arg7[%dma_start3A_58, %dma_start3A_59] : memref<40x64xi32, #tpu.memory_space<vmem>> -> memref<1x64xi32, #tpu.memory_space<vmem>>
    %dma_start3A_61 = tpu.memref_squeeze %dma_start3A_60 : memref<1x64xi32, #tpu.memory_space<vmem>> -> memref<64xi32, #tpu.memory_space<vmem>>
    %dma_start3A_62 = arith.constant 0 : i32
    %dma_start3A_63 = arith.constant 0 : i32
    %dma_start3A_64 = tpu.memref_slice %arg2[%dma_start3A_62, %dma_start3A_63] : memref<40000x128xf32, #tpu.memory_space<hbm>> -> memref<40000x128xf32, #tpu.memory_space<hbm>>
    tpu.enqueue_indirect_dma source(%dma_start3A_64 : memref<40000x128xf32, #tpu.memory_space<hbm>>) target(%arg9 : memref<64x128xf32, #tpu.memory_space<vmem>>) offsets(%dma_start3A_61 : memref<64xi32, #tpu.memory_space<vmem>>) semaphore(%arg14 : memref<!tpu.dma_semaphore, #tpu.memory_space<semaphore_mem>>)
    %dma_start3A_65 = arith.constant 1 : i32
    %dma_start3A_66 = arith.constant 0 : i32
    %dma_start3A_67 = tpu.memref_slice %arg7[%dma_start3A_65, %dma_start3A_66] : memref<40x64xi32, #tpu.memory_space<vmem>> -> memref<1x64xi32, #tpu.memory_space<vmem>>
    %dma_start3A_68 = tpu.memref_squeeze %dma_start3A_67 : memref<1x64xi32, #tpu.memory_space<vmem>> -> memref<64xi32, #tpu.memory_space<vmem>>
    %dma_start3A_69 = arith.constant 0 : i32
    %dma_start3A_70 = arith.constant 0 : i32
    %dma_start3A_71 = tpu.memref_slice %arg2[%dma_start3A_69, %dma_start3A_70] : memref<40000x128xf32, #tpu.memory_space<hbm>> -> memref<40000x128xf32, #tpu.memory_space<hbm>>
    tpu.enqueue_indirect_dma source(%dma_start3A_71 : memref<40000x128xf32, #tpu.memory_space<hbm>>) target(%arg10 : memref<64x128xf32, #tpu.memory_space<vmem>>) offsets(%dma_start3A_68 : memref<64xi32, #tpu.memory_space<vmem>>) semaphore(%arg14 : memref<!tpu.dma_semaphore, #tpu.memory_space<semaphore_mem>>)
    %dma_start3A_72 = arith.constant 2 : i32
    %dma_start3A_73 = arith.constant 0 : i32
    %dma_start3A_74 = tpu.memref_slice %arg7[%dma_start3A_72, %dma_start3A_73] : memref<40x64xi32, #tpu.memory_space<vmem>> -> memref<1x64xi32, #tpu.memory_space<vmem>>
    %dma_start3A_75 = tpu.memref_squeeze %dma_start3A_74 : memref<1x64xi32, #tpu.memory_space<vmem>> -> memref<64xi32, #tpu.memory_space<vmem>>
    %dma_start3A_76 = arith.constant 0 : i32
    %dma_start3A_77 = arith.constant 0 : i32
    %dma_start3A_78 = tpu.memref_slice %arg2[%dma_start3A_76, %dma_start3A_77] : memref<40000x128xf32, #tpu.memory_space<hbm>> -> memref<40000x128xf32, #tpu.memory_space<hbm>>
    tpu.enqueue_indirect_dma source(%dma_start3A_78 : memref<40000x128xf32, #tpu.memory_space<hbm>>) target(%arg11 : memref<64x128xf32, #tpu.memory_space<vmem>>) offsets(%dma_start3A_75 : memref<64xi32, #tpu.memory_space<vmem>>) semaphore(%arg14 : memref<!tpu.dma_semaphore, #tpu.memory_space<semaphore_mem>>)
    %dma_start3A_79 = arith.constant 3 : i32
    %dma_start3A_80 = arith.constant 0 : i32
    %dma_start3A_81 = tpu.memref_slice %arg7[%dma_start3A_79, %dma_start3A_80] : memref<40x64xi32, #tpu.memory_space<vmem>> -> memref<1x64xi32, #tpu.memory_space<vmem>>
    %dma_start3A_82 = tpu.memref_squeeze %dma_start3A_81 : memref<1x64xi32, #tpu.memory_space<vmem>> -> memref<64xi32, #tpu.memory_space<vmem>>
    %dma_start3A_83 = arith.constant 0 : i32
    %dma_start3A_84 = arith.constant 0 : i32
    %dma_start3A_85 = tpu.memref_slice %arg2[%dma_start3A_83, %dma_start3A_84] : memref<40000x128xf32, #tpu.memory_space<hbm>> -> memref<40000x128xf32, #tpu.memory_space<hbm>>
    tpu.enqueue_indirect_dma source(%dma_start3A_85 : memref<40000x128xf32, #tpu.memory_space<hbm>>) target(%arg12 : memref<64x128xf32, #tpu.memory_space<vmem>>) offsets(%dma_start3A_82 : memref<64xi32, #tpu.memory_space<vmem>>) semaphore(%arg14 : memref<!tpu.dma_semaphore, #tpu.memory_space<semaphore_mem>>)
    %scan3A_86 = arith.constant 0 : i32
    %scan3A_87 = arith.constant 0 : i32
    %scan3A_88 = arith.constant 10 : i32
    %scan3A_89 = arith.addi %scan3A_87, %scan3A_88 : i32
    %scan3A_90 = arith.constant 1 : i32
    scf.for %scan3A_169 = %scan3A_87 to %scan3A_89 step %scan3A_90  : i32 {
      %mul3A_170 = arith.constant 4 : i32
      %mul3A_171 = arith.muli %mul3A_170, %scan3A_169 : i32
      %add3A_172 = arith.constant 0 : i32
      %add3A_173 = arith.addi %mul3A_171, %add3A_172 : i32
      %dma_wait3A = arith.constant 0 : i32
      %dma_wait3A_174 = tpu.memref_slice %arg7[%add3A_173, %dma_wait3A] : memref<40x64xi32, #tpu.memory_space<vmem>> -> memref<1x64xi32, #tpu.memory_space<vmem>>
      %dma_wait3A_175 = tpu.memref_squeeze %dma_wait3A_174 : memref<1x64xi32, #tpu.memory_space<vmem>> -> memref<64xi32, #tpu.memory_space<vmem>>
      %dma_wait3A_176 = arith.constant 0 : i32
      %dma_wait3A_177 = arith.constant 0 : i32
      %dma_wait3A_178 = tpu.memref_slice %arg2[%dma_wait3A_176, %dma_wait3A_177] : memref<40000x128xf32, #tpu.memory_space<hbm>> -> memref<40000x128xf32, #tpu.memory_space<hbm>>
      tpu.wait_indirect_dma semaphore(%arg14 : memref<!tpu.dma_semaphore, #tpu.memory_space<semaphore_mem>>) src(%dma_wait3A_178 : memref<40000x128xf32, #tpu.memory_space<hbm>>) dst(%arg9 : memref<64x128xf32, #tpu.memory_space<vmem>>)
      "tpu.region"() ({
        %run_scoped3A_236 = tpu.sem_alloc : memref<!tpu.dma_semaphore, #tpu.memory_space<semaphore_mem>>
        %dma_start3A_237 = arith.constant 0 : i32
        %dma_start3A_238 = tpu.memref_slice %arg8[%add3A_173, %dma_start3A_237] : memref<40x64xi32, #tpu.memory_space<vmem>> -> memref<1x64xi32, #tpu.memory_space<vmem>>
        %dma_start3A_239 = tpu.memref_squeeze %dma_start3A_238 : memref<1x64xi32, #tpu.memory_space<vmem>> -> memref<64xi32, #tpu.memory_space<vmem>>
        %dma_start3A_240 = arith.constant 0 : i32
        %dma_start3A_241 = arith.constant 0 : i32
        %dma_start3A_242 = tpu.memref_slice %arg13[%dma_start3A_240, %dma_start3A_241] : memref<10112x128xf32, #tpu.memory_space<vmem_shared>> -> memref<10112x128xf32, #tpu.memory_space<vmem_shared>>
        tpu.enqueue_indirect_dma source(%arg9 : memref<64x128xf32, #tpu.memory_space<vmem>>) target(%dma_start3A_242 : memref<10112x128xf32, #tpu.memory_space<vmem_shared>>) offsets(%dma_start3A_239 : memref<64xi32, #tpu.memory_space<vmem>>) semaphore(%run_scoped3A_236 : memref<!tpu.dma_semaphore, #tpu.memory_space<semaphore_mem>>) {add = true}
        %dma_wait3A_243 = arith.constant 0 : i32
        %dma_wait3A_244 = tpu.memref_slice %arg8[%add3A_173, %dma_wait3A_243] : memref<40x64xi32, #tpu.memory_space<vmem>> -> memref<1x64xi32, #tpu.memory_space<vmem>>
        %dma_wait3A_245 = tpu.memref_squeeze %dma_wait3A_244 : memref<1x64xi32, #tpu.memory_space<vmem>> -> memref<64xi32, #tpu.memory_space<vmem>>
        %dma_wait3A_246 = arith.constant 0 : i32
        %dma_wait3A_247 = arith.constant 0 : i32
        %dma_wait3A_248 = tpu.memref_slice %arg13[%dma_wait3A_246, %dma_wait3A_247] : memref<10112x128xf32, #tpu.memory_space<vmem_shared>> -> memref<10112x128xf32, #tpu.memory_space<vmem_shared>>
        tpu.wait_indirect_dma semaphore(%run_scoped3A_236 : memref<!tpu.dma_semaphore, #tpu.memory_space<semaphore_mem>>) src(%arg9 : memref<64x128xf32, #tpu.memory_space<vmem>>) dst(%dma_wait3A_248 : memref<10112x128xf32, #tpu.memory_space<vmem_shared>>)
        tpu.yield
      }) : () -> ()
      %add3A_179 = arith.constant 4 : i32
      %add3A_180 = arith.addi %add3A_173, %add3A_179 : i32
      %lt3A = arith.constant 40 : i32
      %lt3A_181 = arith.cmpi slt, %add3A_180, %lt3A : i32
      %convert_element_type3A_182 = arith.extui %lt3A_181 : i1 to i32
      %cond3A_183 = arith.constant 0 : i32
      %cond3A_184 = arith.cmpi ne, %convert_element_type3A_182, %cond3A_183 : i32
      scf.if %cond3A_184 {
        %add3A_236 = arith.constant 4 : i32
        %add3A_237 = arith.addi %add3A_173, %add3A_236 : i32
        %dma_start3A_238 = arith.constant 0 : i32
        %dma_start3A_239 = tpu.memref_slice %arg7[%add3A_237, %dma_start3A_238] : memref<40x64xi32, #tpu.memory_space<vmem>> -> memref<1x64xi32, #tpu.memory_space<vmem>>
        %dma_start3A_240 = tpu.memref_squeeze %dma_start3A_239 : memref<1x64xi32, #tpu.memory_space<vmem>> -> memref<64xi32, #tpu.memory_space<vmem>>
        %dma_start3A_241 = arith.constant 0 : i32
        %dma_start3A_242 = arith.constant 0 : i32
        %dma_start3A_243 = tpu.memref_slice %arg2[%dma_start3A_241, %dma_start3A_242] : memref<40000x128xf32, #tpu.memory_space<hbm>> -> memref<40000x128xf32, #tpu.memory_space<hbm>>
        tpu.enqueue_indirect_dma source(%dma_start3A_243 : memref<40000x128xf32, #tpu.memory_space<hbm>>) target(%arg9 : memref<64x128xf32, #tpu.memory_space<vmem>>) offsets(%dma_start3A_240 : memref<64xi32, #tpu.memory_space<vmem>>) semaphore(%arg14 : memref<!tpu.dma_semaphore, #tpu.memory_space<semaphore_mem>>)
      } else {
      }
      %mul3A_185 = arith.constant 4 : i32
      %mul3A_186 = arith.muli %mul3A_185, %scan3A_169 : i32
      %add3A_187 = arith.constant 1 : i32
      %add3A_188 = arith.addi %mul3A_186, %add3A_187 : i32
      %dma_wait3A_189 = arith.constant 0 : i32
      %dma_wait3A_190 = tpu.memref_slice %arg7[%add3A_188, %dma_wait3A_189] : memref<40x64xi32, #tpu.memory_space<vmem>> -> memref<1x64xi32, #tpu.memory_space<vmem>>
      %dma_wait3A_191 = tpu.memref_squeeze %dma_wait3A_190 : memref<1x64xi32, #tpu.memory_space<vmem>> -> memref<64xi32, #tpu.memory_space<vmem>>
      %dma_wait3A_192 = arith.constant 0 : i32
      %dma_wait3A_193 = arith.constant 0 : i32
      %dma_wait3A_194 = tpu.memref_slice %arg2[%dma_wait3A_192, %dma_wait3A_193] : memref<40000x128xf32, #tpu.memory_space<hbm>> -> memref<40000x128xf32, #tpu.memory_space<hbm>>
      tpu.wait_indirect_dma semaphore(%arg14 : memref<!tpu.dma_semaphore, #tpu.memory_space<semaphore_mem>>) src(%dma_wait3A_194 : memref<40000x128xf32, #tpu.memory_space<hbm>>) dst(%arg10 : memref<64x128xf32, #tpu.memory_space<vmem>>)
      "tpu.region"() ({
        %run_scoped3A_236 = tpu.sem_alloc : memref<!tpu.dma_semaphore, #tpu.memory_space<semaphore_mem>>
        %dma_start3A_237 = arith.constant 0 : i32
        %dma_start3A_238 = tpu.memref_slice %arg8[%add3A_188, %dma_start3A_237] : memref<40x64xi32, #tpu.memory_space<vmem>> -> memref<1x64xi32, #tpu.memory_space<vmem>>
        %dma_start3A_239 = tpu.memref_squeeze %dma_start3A_238 : memref<1x64xi32, #tpu.memory_space<vmem>> -> memref<64xi32, #tpu.memory_space<vmem>>
        %dma_start3A_240 = arith.constant 0 : i32
        %dma_start3A_241 = arith.constant 0 : i32
        %dma_start3A_242 = tpu.memref_slice %arg13[%dma_start3A_240, %dma_start3A_241] : memref<10112x128xf32, #tpu.memory_space<vmem_shared>> -> memref<10112x128xf32, #tpu.memory_space<vmem_shared>>
        tpu.enqueue_indirect_dma source(%arg10 : memref<64x128xf32, #tpu.memory_space<vmem>>) target(%dma_start3A_242 : memref<10112x128xf32, #tpu.memory_space<vmem_shared>>) offsets(%dma_start3A_239 : memref<64xi32, #tpu.memory_space<vmem>>) semaphore(%run_scoped3A_236 : memref<!tpu.dma_semaphore, #tpu.memory_space<semaphore_mem>>) {add = true}
        %dma_wait3A_243 = arith.constant 0 : i32
        %dma_wait3A_244 = tpu.memref_slice %arg8[%add3A_188, %dma_wait3A_243] : memref<40x64xi32, #tpu.memory_space<vmem>> -> memref<1x64xi32, #tpu.memory_space<vmem>>
        %dma_wait3A_245 = tpu.memref_squeeze %dma_wait3A_244 : memref<1x64xi32, #tpu.memory_space<vmem>> -> memref<64xi32, #tpu.memory_space<vmem>>
        %dma_wait3A_246 = arith.constant 0 : i32
        %dma_wait3A_247 = arith.constant 0 : i32
        %dma_wait3A_248 = tpu.memref_slice %arg13[%dma_wait3A_246, %dma_wait3A_247] : memref<10112x128xf32, #tpu.memory_space<vmem_shared>> -> memref<10112x128xf32, #tpu.memory_space<vmem_shared>>
        tpu.wait_indirect_dma semaphore(%run_scoped3A_236 : memref<!tpu.dma_semaphore, #tpu.memory_space<semaphore_mem>>) src(%arg10 : memref<64x128xf32, #tpu.memory_space<vmem>>) dst(%dma_wait3A_248 : memref<10112x128xf32, #tpu.memory_space<vmem_shared>>)
        tpu.yield
      }) : () -> ()
      %add3A_195 = arith.constant 4 : i32
      %add3A_196 = arith.addi %add3A_188, %add3A_195 : i32
      %lt3A_197 = arith.constant 40 : i32
      %lt3A_198 = arith.cmpi slt, %add3A_196, %lt3A_197 : i32
      %convert_element_type3A_199 = arith.extui %lt3A_198 : i1 to i32
      %cond3A_200 = arith.constant 0 : i32
      %cond3A_201 = arith.cmpi ne, %convert_element_type3A_199, %cond3A_200 : i32
      scf.if %cond3A_201 {
        %add3A_236 = arith.constant 4 : i32
        %add3A_237 = arith.addi %add3A_188, %add3A_236 : i32
        %dma_start3A_238 = arith.constant 0 : i32
        %dma_start3A_239 = tpu.memref_slice %arg7[%add3A_237, %dma_start3A_238] : memref<40x64xi32, #tpu.memory_space<vmem>> -> memref<1x64xi32, #tpu.memory_space<vmem>>
        %dma_start3A_240 = tpu.memref_squeeze %dma_start3A_239 : memref<1x64xi32, #tpu.memory_space<vmem>> -> memref<64xi32, #tpu.memory_space<vmem>>
        %dma_start3A_241 = arith.constant 0 : i32
        %dma_start3A_242 = arith.constant 0 : i32
        %dma_start3A_243 = tpu.memref_slice %arg2[%dma_start3A_241, %dma_start3A_242] : memref<40000x128xf32, #tpu.memory_space<hbm>> -> memref<40000x128xf32, #tpu.memory_space<hbm>>
        tpu.enqueue_indirect_dma source(%dma_start3A_243 : memref<40000x128xf32, #tpu.memory_space<hbm>>) target(%arg10 : memref<64x128xf32, #tpu.memory_space<vmem>>) offsets(%dma_start3A_240 : memref<64xi32, #tpu.memory_space<vmem>>) semaphore(%arg14 : memref<!tpu.dma_semaphore, #tpu.memory_space<semaphore_mem>>)
      } else {
      }
      %mul3A_202 = arith.constant 4 : i32
      %mul3A_203 = arith.muli %mul3A_202, %scan3A_169 : i32
      %add3A_204 = arith.constant 2 : i32
      %add3A_205 = arith.addi %mul3A_203, %add3A_204 : i32
      %dma_wait3A_206 = arith.constant 0 : i32
      %dma_wait3A_207 = tpu.memref_slice %arg7[%add3A_205, %dma_wait3A_206] : memref<40x64xi32, #tpu.memory_space<vmem>> -> memref<1x64xi32, #tpu.memory_space<vmem>>
      %dma_wait3A_208 = tpu.memref_squeeze %dma_wait3A_207 : memref<1x64xi32, #tpu.memory_space<vmem>> -> memref<64xi32, #tpu.memory_space<vmem>>
      %dma_wait3A_209 = arith.constant 0 : i32
      %dma_wait3A_210 = arith.constant 0 : i32
      %dma_wait3A_211 = tpu.memref_slice %arg2[%dma_wait3A_209, %dma_wait3A_210] : memref<40000x128xf32, #tpu.memory_space<hbm>> -> memref<40000x128xf32, #tpu.memory_space<hbm>>
      tpu.wait_indirect_dma semaphore(%arg14 : memref<!tpu.dma_semaphore, #tpu.memory_space<semaphore_mem>>) src(%dma_wait3A_211 : memref<40000x128xf32, #tpu.memory_space<hbm>>) dst(%arg11 : memref<64x128xf32, #tpu.memory_space<vmem>>)
      "tpu.region"() ({
        %run_scoped3A_236 = tpu.sem_alloc : memref<!tpu.dma_semaphore, #tpu.memory_space<semaphore_mem>>
        %dma_start3A_237 = arith.constant 0 : i32
        %dma_start3A_238 = tpu.memref_slice %arg8[%add3A_205, %dma_start3A_237] : memref<40x64xi32, #tpu.memory_space<vmem>> -> memref<1x64xi32, #tpu.memory_space<vmem>>
        %dma_start3A_239 = tpu.memref_squeeze %dma_start3A_238 : memref<1x64xi32, #tpu.memory_space<vmem>> -> memref<64xi32, #tpu.memory_space<vmem>>
        %dma_start3A_240 = arith.constant 0 : i32
        %dma_start3A_241 = arith.constant 0 : i32
        %dma_start3A_242 = tpu.memref_slice %arg13[%dma_start3A_240, %dma_start3A_241] : memref<10112x128xf32, #tpu.memory_space<vmem_shared>> -> memref<10112x128xf32, #tpu.memory_space<vmem_shared>>
        tpu.enqueue_indirect_dma source(%arg11 : memref<64x128xf32, #tpu.memory_space<vmem>>) target(%dma_start3A_242 : memref<10112x128xf32, #tpu.memory_space<vmem_shared>>) offsets(%dma_start3A_239 : memref<64xi32, #tpu.memory_space<vmem>>) semaphore(%run_scoped3A_236 : memref<!tpu.dma_semaphore, #tpu.memory_space<semaphore_mem>>) {add = true}
        %dma_wait3A_243 = arith.constant 0 : i32
        %dma_wait3A_244 = tpu.memref_slice %arg8[%add3A_205, %dma_wait3A_243] : memref<40x64xi32, #tpu.memory_space<vmem>> -> memref<1x64xi32, #tpu.memory_space<vmem>>
        %dma_wait3A_245 = tpu.memref_squeeze %dma_wait3A_244 : memref<1x64xi32, #tpu.memory_space<vmem>> -> memref<64xi32, #tpu.memory_space<vmem>>
        %dma_wait3A_246 = arith.constant 0 : i32
        %dma_wait3A_247 = arith.constant 0 : i32
        %dma_wait3A_248 = tpu.memref_slice %arg13[%dma_wait3A_246, %dma_wait3A_247] : memref<10112x128xf32, #tpu.memory_space<vmem_shared>> -> memref<10112x128xf32, #tpu.memory_space<vmem_shared>>
        tpu.wait_indirect_dma semaphore(%run_scoped3A_236 : memref<!tpu.dma_semaphore, #tpu.memory_space<semaphore_mem>>) src(%arg11 : memref<64x128xf32, #tpu.memory_space<vmem>>) dst(%dma_wait3A_248 : memref<10112x128xf32, #tpu.memory_space<vmem_shared>>)
        tpu.yield
      }) : () -> ()
      %add3A_212 = arith.constant 4 : i32
      %add3A_213 = arith.addi %add3A_205, %add3A_212 : i32
      %lt3A_214 = arith.constant 40 : i32
      %lt3A_215 = arith.cmpi slt, %add3A_213, %lt3A_214 : i32
      %convert_element_type3A_216 = arith.extui %lt3A_215 : i1 to i32
      %cond3A_217 = arith.constant 0 : i32
      %cond3A_218 = arith.cmpi ne, %convert_element_type3A_216, %cond3A_217 : i32
      scf.if %cond3A_218 {
        %add3A_236 = arith.constant 4 : i32
        %add3A_237 = arith.addi %add3A_205, %add3A_236 : i32
        %dma_start3A_238 = arith.constant 0 : i32
        %dma_start3A_239 = tpu.memref_slice %arg7[%add3A_237, %dma_start3A_238] : memref<40x64xi32, #tpu.memory_space<vmem>> -> memref<1x64xi32, #tpu.memory_space<vmem>>
        %dma_start3A_240 = tpu.memref_squeeze %dma_start3A_239 : memref<1x64xi32, #tpu.memory_space<vmem>> -> memref<64xi32, #tpu.memory_space<vmem>>
        %dma_start3A_241 = arith.constant 0 : i32
        %dma_start3A_242 = arith.constant 0 : i32
        %dma_start3A_243 = tpu.memref_slice %arg2[%dma_start3A_241, %dma_start3A_242] : memref<40000x128xf32, #tpu.memory_space<hbm>> -> memref<40000x128xf32, #tpu.memory_space<hbm>>
        tpu.enqueue_indirect_dma source(%dma_start3A_243 : memref<40000x128xf32, #tpu.memory_space<hbm>>) target(%arg11 : memref<64x128xf32, #tpu.memory_space<vmem>>) offsets(%dma_start3A_240 : memref<64xi32, #tpu.memory_space<vmem>>) semaphore(%arg14 : memref<!tpu.dma_semaphore, #tpu.memory_space<semaphore_mem>>)
      } else {
      }
      %mul3A_219 = arith.constant 4 : i32
      %mul3A_220 = arith.muli %mul3A_219, %scan3A_169 : i32
      %add3A_221 = arith.constant 3 : i32
      %add3A_222 = arith.addi %mul3A_220, %add3A_221 : i32
      %dma_wait3A_223 = arith.constant 0 : i32
      %dma_wait3A_224 = tpu.memref_slice %arg7[%add3A_222, %dma_wait3A_223] : memref<40x64xi32, #tpu.memory_space<vmem>> -> memref<1x64xi32, #tpu.memory_space<vmem>>
      %dma_wait3A_225 = tpu.memref_squeeze %dma_wait3A_224 : memref<1x64xi32, #tpu.memory_space<vmem>> -> memref<64xi32, #tpu.memory_space<vmem>>
      %dma_wait3A_226 = arith.constant 0 : i32
      %dma_wait3A_227 = arith.constant 0 : i32
      %dma_wait3A_228 = tpu.memref_slice %arg2[%dma_wait3A_226, %dma_wait3A_227] : memref<40000x128xf32, #tpu.memory_space<hbm>> -> memref<40000x128xf32, #tpu.memory_space<hbm>>
      tpu.wait_indirect_dma semaphore(%arg14 : memref<!tpu.dma_semaphore, #tpu.memory_space<semaphore_mem>>) src(%dma_wait3A_228 : memref<40000x128xf32, #tpu.memory_space<hbm>>) dst(%arg12 : memref<64x128xf32, #tpu.memory_space<vmem>>)
      "tpu.region"() ({
        %run_scoped3A_236 = tpu.sem_alloc : memref<!tpu.dma_semaphore, #tpu.memory_space<semaphore_mem>>
        %dma_start3A_237 = arith.constant 0 : i32
        %dma_start3A_238 = tpu.memref_slice %arg8[%add3A_222, %dma_start3A_237] : memref<40x64xi32, #tpu.memory_space<vmem>> -> memref<1x64xi32, #tpu.memory_space<vmem>>
        %dma_start3A_239 = tpu.memref_squeeze %dma_start3A_238 : memref<1x64xi32, #tpu.memory_space<vmem>> -> memref<64xi32, #tpu.memory_space<vmem>>
        %dma_start3A_240 = arith.constant 0 : i32
        %dma_start3A_241 = arith.constant 0 : i32
        %dma_start3A_242 = tpu.memref_slice %arg13[%dma_start3A_240, %dma_start3A_241] : memref<10112x128xf32, #tpu.memory_space<vmem_shared>> -> memref<10112x128xf32, #tpu.memory_space<vmem_shared>>
        tpu.enqueue_indirect_dma source(%arg12 : memref<64x128xf32, #tpu.memory_space<vmem>>) target(%dma_start3A_242 : memref<10112x128xf32, #tpu.memory_space<vmem_shared>>) offsets(%dma_start3A_239 : memref<64xi32, #tpu.memory_space<vmem>>) semaphore(%run_scoped3A_236 : memref<!tpu.dma_semaphore, #tpu.memory_space<semaphore_mem>>) {add = true}
        %dma_wait3A_243 = arith.constant 0 : i32
        %dma_wait3A_244 = tpu.memref_slice %arg8[%add3A_222, %dma_wait3A_243] : memref<40x64xi32, #tpu.memory_space<vmem>> -> memref<1x64xi32, #tpu.memory_space<vmem>>
        %dma_wait3A_245 = tpu.memref_squeeze %dma_wait3A_244 : memref<1x64xi32, #tpu.memory_space<vmem>> -> memref<64xi32, #tpu.memory_space<vmem>>
        %dma_wait3A_246 = arith.constant 0 : i32
        %dma_wait3A_247 = arith.constant 0 : i32
        %dma_wait3A_248 = tpu.memref_slice %arg13[%dma_wait3A_246, %dma_wait3A_247] : memref<10112x128xf32, #tpu.memory_space<vmem_shared>> -> memref<10112x128xf32, #tpu.memory_space<vmem_shared>>
        tpu.wait_indirect_dma semaphore(%run_scoped3A_236 : memref<!tpu.dma_semaphore, #tpu.memory_space<semaphore_mem>>) src(%arg12 : memref<64x128xf32, #tpu.memory_space<vmem>>) dst(%dma_wait3A_248 : memref<10112x128xf32, #tpu.memory_space<vmem_shared>>)
        tpu.yield
      }) : () -> ()
      %add3A_229 = arith.constant 4 : i32
      %add3A_230 = arith.addi %add3A_222, %add3A_229 : i32
      %lt3A_231 = arith.constant 40 : i32
      %lt3A_232 = arith.cmpi slt, %add3A_230, %lt3A_231 : i32
      %convert_element_type3A_233 = arith.extui %lt3A_232 : i1 to i32
      %cond3A_234 = arith.constant 0 : i32
      %cond3A_235 = arith.cmpi ne, %convert_element_type3A_233, %cond3A_234 : i32
      scf.if %cond3A_235 {
        %add3A_236 = arith.constant 4 : i32
        %add3A_237 = arith.addi %add3A_222, %add3A_236 : i32
        %dma_start3A_238 = arith.constant 0 : i32
        %dma_start3A_239 = tpu.memref_slice %arg7[%add3A_237, %dma_start3A_238] : memref<40x64xi32, #tpu.memory_space<vmem>> -> memref<1x64xi32, #tpu.memory_space<vmem>>
        %dma_start3A_240 = tpu.memref_squeeze %dma_start3A_239 : memref<1x64xi32, #tpu.memory_space<vmem>> -> memref<64xi32, #tpu.memory_space<vmem>>
        %dma_start3A_241 = arith.constant 0 : i32
        %dma_start3A_242 = arith.constant 0 : i32
        %dma_start3A_243 = tpu.memref_slice %arg2[%dma_start3A_241, %dma_start3A_242] : memref<40000x128xf32, #tpu.memory_space<hbm>> -> memref<40000x128xf32, #tpu.memory_space<hbm>>
        tpu.enqueue_indirect_dma source(%dma_start3A_243 : memref<40000x128xf32, #tpu.memory_space<hbm>>) target(%arg12 : memref<64x128xf32, #tpu.memory_space<vmem>>) offsets(%dma_start3A_240 : memref<64xi32, #tpu.memory_space<vmem>>) semaphore(%arg14 : memref<!tpu.dma_semaphore, #tpu.memory_space<semaphore_mem>>)
      } else {
      }
    }
    %scan3A_91 = arith.constant 10 : i32
    %run_scoped3A_92 = arith.constant 2 : i32
    "tpu.region"() ({
      %run_scoped3A_169 = tpu.sem_alloc : memref<!tpu.dma_semaphore, #tpu.memory_space<semaphore_mem>>
      %dma_start3A_170 = arith.constant 0 : i32
      %dma_start3A_171 = arith.constant 0 : i32
      %dma_start3A_172 = tpu.memref_slice %arg3[%add3A, %run_scoped3A_92, %dma_start3A_170, %dma_start3A_171] : memref<32x4x40x64xi32, #tpu.memory_space<hbm>> -> memref<1x1x40x64xi32, #tpu.memory_space<hbm>>
      %dma_start3A_173 = tpu.memref_squeeze %dma_start3A_172 : memref<1x1x40x64xi32, #tpu.memory_space<hbm>> -> memref<40x64xi32, #tpu.memory_space<hbm>>
      %dma_start3A_174 = arith.constant 0 : i32
      %dma_start3A_175 = arith.constant 0 : i32
      %dma_start3A_176 = tpu.memref_slice %arg3[%add3A, %run_scoped3A_92, %dma_start3A_174, %dma_start3A_175] : memref<32x4x40x64xi32, #tpu.memory_space<hbm>> -> memref<1x1x40x64xi32, #tpu.memory_space<hbm>>
      %dma_start3A_177 = tpu.memref_squeeze %dma_start3A_176 : memref<1x1x40x64xi32, #tpu.memory_space<hbm>> -> memref<40x64xi32, #tpu.memory_space<hbm>>
      tpu.enqueue_dma source(%dma_start3A_177 : memref<40x64xi32, #tpu.memory_space<hbm>>) target(%arg7 : memref<40x64xi32, #tpu.memory_space<vmem>>) target_semaphore(%run_scoped3A_169 : memref<!tpu.dma_semaphore, #tpu.memory_space<semaphore_mem>>)
      %dma_wait3A = arith.constant 0 : i32
      %dma_wait3A_178 = arith.constant 0 : i32
      %dma_wait3A_179 = tpu.memref_slice %arg3[%add3A, %run_scoped3A_92, %dma_wait3A, %dma_wait3A_178] : memref<32x4x40x64xi32, #tpu.memory_space<hbm>> -> memref<1x1x40x64xi32, #tpu.memory_space<hbm>>
      %dma_wait3A_180 = tpu.memref_squeeze %dma_wait3A_179 : memref<1x1x40x64xi32, #tpu.memory_space<hbm>> -> memref<40x64xi32, #tpu.memory_space<hbm>>
      %dma_wait3A_181 = arith.constant 0 : i32
      %dma_wait3A_182 = arith.constant 0 : i32
      %dma_wait3A_183 = tpu.memref_slice %arg3[%add3A, %run_scoped3A_92, %dma_wait3A_181, %dma_wait3A_182] : memref<32x4x40x64xi32, #tpu.memory_space<hbm>> -> memref<1x1x40x64xi32, #tpu.memory_space<hbm>>
      %dma_wait3A_184 = tpu.memref_squeeze %dma_wait3A_183 : memref<1x1x40x64xi32, #tpu.memory_space<hbm>> -> memref<40x64xi32, #tpu.memory_space<hbm>>
      tpu.wait_dma2 semaphore(%run_scoped3A_169 : memref<!tpu.dma_semaphore, #tpu.memory_space<semaphore_mem>>) src(%dma_wait3A_184 : memref<40x64xi32, #tpu.memory_space<hbm>>) dst(%arg7 : memref<40x64xi32, #tpu.memory_space<vmem>>)
      tpu.yield
    }) : () -> ()
    %run_scoped3A_93 = arith.constant 2 : i32
    "tpu.region"() ({
      %run_scoped3A_169 = tpu.sem_alloc : memref<!tpu.dma_semaphore, #tpu.memory_space<semaphore_mem>>
      %dma_start3A_170 = arith.constant 0 : i32
      %dma_start3A_171 = arith.constant 0 : i32
      %dma_start3A_172 = tpu.memref_slice %arg4[%add3A, %run_scoped3A_93, %dma_start3A_170, %dma_start3A_171] : memref<32x4x40x64xi32, #tpu.memory_space<hbm>> -> memref<1x1x40x64xi32, #tpu.memory_space<hbm>>
      %dma_start3A_173 = tpu.memref_squeeze %dma_start3A_172 : memref<1x1x40x64xi32, #tpu.memory_space<hbm>> -> memref<40x64xi32, #tpu.memory_space<hbm>>
      %dma_start3A_174 = arith.constant 0 : i32
      %dma_start3A_175 = arith.constant 0 : i32
      %dma_start3A_176 = tpu.memref_slice %arg4[%add3A, %run_scoped3A_93, %dma_start3A_174, %dma_start3A_175] : memref<32x4x40x64xi32, #tpu.memory_space<hbm>> -> memref<1x1x40x64xi32, #tpu.memory_space<hbm>>
      %dma_start3A_177 = tpu.memref_squeeze %dma_start3A_176 : memref<1x1x40x64xi32, #tpu.memory_space<hbm>> -> memref<40x64xi32, #tpu.memory_space<hbm>>
      tpu.enqueue_dma source(%dma_start3A_177 : memref<40x64xi32, #tpu.memory_space<hbm>>) target(%arg8 : memref<40x64xi32, #tpu.memory_space<vmem>>) target_semaphore(%run_scoped3A_169 : memref<!tpu.dma_semaphore, #tpu.memory_space<semaphore_mem>>)
      %dma_wait3A = arith.constant 0 : i32
      %dma_wait3A_178 = arith.constant 0 : i32
      %dma_wait3A_179 = tpu.memref_slice %arg4[%add3A, %run_scoped3A_93, %dma_wait3A, %dma_wait3A_178] : memref<32x4x40x64xi32, #tpu.memory_space<hbm>> -> memref<1x1x40x64xi32, #tpu.memory_space<hbm>>
      %dma_wait3A_180 = tpu.memref_squeeze %dma_wait3A_179 : memref<1x1x40x64xi32, #tpu.memory_space<hbm>> -> memref<40x64xi32, #tpu.memory_space<hbm>>
      %dma_wait3A_181 = arith.constant 0 : i32
      %dma_wait3A_182 = arith.constant 0 : i32
      %dma_wait3A_183 = tpu.memref_slice %arg4[%add3A, %run_scoped3A_93, %dma_wait3A_181, %dma_wait3A_182] : memref<32x4x40x64xi32, #tpu.memory_space<hbm>> -> memref<1x1x40x64xi32, #tpu.memory_space<hbm>>
      %dma_wait3A_184 = tpu.memref_squeeze %dma_wait3A_183 : memref<1x1x40x64xi32, #tpu.memory_space<hbm>> -> memref<40x64xi32, #tpu.memory_space<hbm>>
      tpu.wait_dma2 semaphore(%run_scoped3A_169 : memref<!tpu.dma_semaphore, #tpu.memory_space<semaphore_mem>>) src(%dma_wait3A_184 : memref<40x64xi32, #tpu.memory_space<hbm>>) dst(%arg8 : memref<40x64xi32, #tpu.memory_space<vmem>>)
      tpu.yield
    }) : () -> ()
    %dma_start3A_94 = arith.constant 0 : i32
    %dma_start3A_95 = arith.constant 0 : i32
    %dma_start3A_96 = tpu.memref_slice %arg7[%dma_start3A_94, %dma_start3A_95] : memref<40x64xi32, #tpu.memory_space<vmem>> -> memref<1x64xi32, #tpu.memory_space<vmem>>
    %dma_start3A_97 = tpu.memref_squeeze %dma_start3A_96 : memref<1x64xi32, #tpu.memory_space<vmem>> -> memref<64xi32, #tpu.memory_space<vmem>>
    %dma_start3A_98 = arith.constant 0 : i32
    %dma_start3A_99 = arith.constant 0 : i32
    %dma_start3A_100 = tpu.memref_slice %arg2[%dma_start3A_98, %dma_start3A_99] : memref<40000x128xf32, #tpu.memory_space<hbm>> -> memref<40000x128xf32, #tpu.memory_space<hbm>>
    tpu.enqueue_indirect_dma source(%dma_start3A_100 : memref<40000x128xf32, #tpu.memory_space<hbm>>) target(%arg9 : memref<64x128xf32, #tpu.memory_space<vmem>>) offsets(%dma_start3A_97 : memref<64xi32, #tpu.memory_space<vmem>>) semaphore(%arg14 : memref<!tpu.dma_semaphore, #tpu.memory_space<semaphore_mem>>)
    %dma_start3A_101 = arith.constant 1 : i32
    %dma_start3A_102 = arith.constant 0 : i32
    %dma_start3A_103 = tpu.memref_slice %arg7[%dma_start3A_101, %dma_start3A_102] : memref<40x64xi32, #tpu.memory_space<vmem>> -> memref<1x64xi32, #tpu.memory_space<vmem>>
    %dma_start3A_104 = tpu.memref_squeeze %dma_start3A_103 : memref<1x64xi32, #tpu.memory_space<vmem>> -> memref<64xi32, #tpu.memory_space<vmem>>
    %dma_start3A_105 = arith.constant 0 : i32
    %dma_start3A_106 = arith.constant 0 : i32
    %dma_start3A_107 = tpu.memref_slice %arg2[%dma_start3A_105, %dma_start3A_106] : memref<40000x128xf32, #tpu.memory_space<hbm>> -> memref<40000x128xf32, #tpu.memory_space<hbm>>
    tpu.enqueue_indirect_dma source(%dma_start3A_107 : memref<40000x128xf32, #tpu.memory_space<hbm>>) target(%arg10 : memref<64x128xf32, #tpu.memory_space<vmem>>) offsets(%dma_start3A_104 : memref<64xi32, #tpu.memory_space<vmem>>) semaphore(%arg14 : memref<!tpu.dma_semaphore, #tpu.memory_space<semaphore_mem>>)
    %dma_start3A_108 = arith.constant 2 : i32
    %dma_start3A_109 = arith.constant 0 : i32
    %dma_start3A_110 = tpu.memref_slice %arg7[%dma_start3A_108, %dma_start3A_109] : memref<40x64xi32, #tpu.memory_space<vmem>> -> memref<1x64xi32, #tpu.memory_space<vmem>>
    %dma_start3A_111 = tpu.memref_squeeze %dma_start3A_110 : memref<1x64xi32, #tpu.memory_space<vmem>> -> memref<64xi32, #tpu.memory_space<vmem>>
    %dma_start3A_112 = arith.constant 0 : i32
    %dma_start3A_113 = arith.constant 0 : i32
    %dma_start3A_114 = tpu.memref_slice %arg2[%dma_start3A_112, %dma_start3A_113] : memref<40000x128xf32, #tpu.memory_space<hbm>> -> memref<40000x128xf32, #tpu.memory_space<hbm>>
    tpu.enqueue_indirect_dma source(%dma_start3A_114 : memref<40000x128xf32, #tpu.memory_space<hbm>>) target(%arg11 : memref<64x128xf32, #tpu.memory_space<vmem>>) offsets(%dma_start3A_111 : memref<64xi32, #tpu.memory_space<vmem>>) semaphore(%arg14 : memref<!tpu.dma_semaphore, #tpu.memory_space<semaphore_mem>>)
    %dma_start3A_115 = arith.constant 3 : i32
    %dma_start3A_116 = arith.constant 0 : i32
    %dma_start3A_117 = tpu.memref_slice %arg7[%dma_start3A_115, %dma_start3A_116] : memref<40x64xi32, #tpu.memory_space<vmem>> -> memref<1x64xi32, #tpu.memory_space<vmem>>
    %dma_start3A_118 = tpu.memref_squeeze %dma_start3A_117 : memref<1x64xi32, #tpu.memory_space<vmem>> -> memref<64xi32, #tpu.memory_space<vmem>>
    %dma_start3A_119 = arith.constant 0 : i32
    %dma_start3A_120 = arith.constant 0 : i32
    %dma_start3A_121 = tpu.memref_slice %arg2[%dma_start3A_119, %dma_start3A_120] : memref<40000x128xf32, #tpu.memory_space<hbm>> -> memref<40000x128xf32, #tpu.memory_space<hbm>>
    tpu.enqueue_indirect_dma source(%dma_start3A_121 : memref<40000x128xf32, #tpu.memory_space<hbm>>) target(%arg12 : memref<64x128xf32, #tpu.memory_space<vmem>>) offsets(%dma_start3A_118 : memref<64xi32, #tpu.memory_space<vmem>>) semaphore(%arg14 : memref<!tpu.dma_semaphore, #tpu.memory_space<semaphore_mem>>)
    %scan3A_122 = arith.constant 0 : i32
    %scan3A_123 = arith.constant 0 : i32
    %scan3A_124 = arith.constant 10 : i32
    %scan3A_125 = arith.addi %scan3A_123, %scan3A_124 : i32
    %scan3A_126 = arith.constant 1 : i32
    scf.for %scan3A_169 = %scan3A_123 to %scan3A_125 step %scan3A_126  : i32 {
      %mul3A_170 = arith.constant 4 : i32
      %mul3A_171 = arith.muli %mul3A_170, %scan3A_169 : i32
      %add3A_172 = arith.constant 0 : i32
      %add3A_173 = arith.addi %mul3A_171, %add3A_172 : i32
      %dma_wait3A = arith.constant 0 : i32
      %dma_wait3A_174 = tpu.memref_slice %arg7[%add3A_173, %dma_wait3A] : memref<40x64xi32, #tpu.memory_space<vmem>> -> memref<1x64xi32, #tpu.memory_space<vmem>>
      %dma_wait3A_175 = tpu.memref_squeeze %dma_wait3A_174 : memref<1x64xi32, #tpu.memory_space<vmem>> -> memref<64xi32, #tpu.memory_space<vmem>>
      %dma_wait3A_176 = arith.constant 0 : i32
      %dma_wait3A_177 = arith.constant 0 : i32
      %dma_wait3A_178 = tpu.memref_slice %arg2[%dma_wait3A_176, %dma_wait3A_177] : memref<40000x128xf32, #tpu.memory_space<hbm>> -> memref<40000x128xf32, #tpu.memory_space<hbm>>
      tpu.wait_indirect_dma semaphore(%arg14 : memref<!tpu.dma_semaphore, #tpu.memory_space<semaphore_mem>>) src(%dma_wait3A_178 : memref<40000x128xf32, #tpu.memory_space<hbm>>) dst(%arg9 : memref<64x128xf32, #tpu.memory_space<vmem>>)
      "tpu.region"() ({
        %run_scoped3A_236 = tpu.sem_alloc : memref<!tpu.dma_semaphore, #tpu.memory_space<semaphore_mem>>
        %dma_start3A_237 = arith.constant 0 : i32
        %dma_start3A_238 = tpu.memref_slice %arg8[%add3A_173, %dma_start3A_237] : memref<40x64xi32, #tpu.memory_space<vmem>> -> memref<1x64xi32, #tpu.memory_space<vmem>>
        %dma_start3A_239 = tpu.memref_squeeze %dma_start3A_238 : memref<1x64xi32, #tpu.memory_space<vmem>> -> memref<64xi32, #tpu.memory_space<vmem>>
        %dma_start3A_240 = arith.constant 0 : i32
        %dma_start3A_241 = arith.constant 0 : i32
        %dma_start3A_242 = tpu.memref_slice %arg13[%dma_start3A_240, %dma_start3A_241] : memref<10112x128xf32, #tpu.memory_space<vmem_shared>> -> memref<10112x128xf32, #tpu.memory_space<vmem_shared>>
        tpu.enqueue_indirect_dma source(%arg9 : memref<64x128xf32, #tpu.memory_space<vmem>>) target(%dma_start3A_242 : memref<10112x128xf32, #tpu.memory_space<vmem_shared>>) offsets(%dma_start3A_239 : memref<64xi32, #tpu.memory_space<vmem>>) semaphore(%run_scoped3A_236 : memref<!tpu.dma_semaphore, #tpu.memory_space<semaphore_mem>>) {add = true}
        %dma_wait3A_243 = arith.constant 0 : i32
        %dma_wait3A_244 = tpu.memref_slice %arg8[%add3A_173, %dma_wait3A_243] : memref<40x64xi32, #tpu.memory_space<vmem>> -> memref<1x64xi32, #tpu.memory_space<vmem>>
        %dma_wait3A_245 = tpu.memref_squeeze %dma_wait3A_244 : memref<1x64xi32, #tpu.memory_space<vmem>> -> memref<64xi32, #tpu.memory_space<vmem>>
        %dma_wait3A_246 = arith.constant 0 : i32
        %dma_wait3A_247 = arith.constant 0 : i32
        %dma_wait3A_248 = tpu.memref_slice %arg13[%dma_wait3A_246, %dma_wait3A_247] : memref<10112x128xf32, #tpu.memory_space<vmem_shared>> -> memref<10112x128xf32, #tpu.memory_space<vmem_shared>>
        tpu.wait_indirect_dma semaphore(%run_scoped3A_236 : memref<!tpu.dma_semaphore, #tpu.memory_space<semaphore_mem>>) src(%arg9 : memref<64x128xf32, #tpu.memory_space<vmem>>) dst(%dma_wait3A_248 : memref<10112x128xf32, #tpu.memory_space<vmem_shared>>)
        tpu.yield
      }) : () -> ()
      %add3A_179 = arith.constant 4 : i32
      %add3A_180 = arith.addi %add3A_173, %add3A_179 : i32
      %lt3A = arith.constant 40 : i32
      %lt3A_181 = arith.cmpi slt, %add3A_180, %lt3A : i32
      %convert_element_type3A_182 = arith.extui %lt3A_181 : i1 to i32
      %cond3A_183 = arith.constant 0 : i32
      %cond3A_184 = arith.cmpi ne, %convert_element_type3A_182, %cond3A_183 : i32
      scf.if %cond3A_184 {
        %add3A_236 = arith.constant 4 : i32
        %add3A_237 = arith.addi %add3A_173, %add3A_236 : i32
        %dma_start3A_238 = arith.constant 0 : i32
        %dma_start3A_239 = tpu.memref_slice %arg7[%add3A_237, %dma_start3A_238] : memref<40x64xi32, #tpu.memory_space<vmem>> -> memref<1x64xi32, #tpu.memory_space<vmem>>
        %dma_start3A_240 = tpu.memref_squeeze %dma_start3A_239 : memref<1x64xi32, #tpu.memory_space<vmem>> -> memref<64xi32, #tpu.memory_space<vmem>>
        %dma_start3A_241 = arith.constant 0 : i32
        %dma_start3A_242 = arith.constant 0 : i32
        %dma_start3A_243 = tpu.memref_slice %arg2[%dma_start3A_241, %dma_start3A_242] : memref<40000x128xf32, #tpu.memory_space<hbm>> -> memref<40000x128xf32, #tpu.memory_space<hbm>>
        tpu.enqueue_indirect_dma source(%dma_start3A_243 : memref<40000x128xf32, #tpu.memory_space<hbm>>) target(%arg9 : memref<64x128xf32, #tpu.memory_space<vmem>>) offsets(%dma_start3A_240 : memref<64xi32, #tpu.memory_space<vmem>>) semaphore(%arg14 : memref<!tpu.dma_semaphore, #tpu.memory_space<semaphore_mem>>)
      } else {
      }
      %mul3A_185 = arith.constant 4 : i32
      %mul3A_186 = arith.muli %mul3A_185, %scan3A_169 : i32
      %add3A_187 = arith.constant 1 : i32
      %add3A_188 = arith.addi %mul3A_186, %add3A_187 : i32
      %dma_wait3A_189 = arith.constant 0 : i32
      %dma_wait3A_190 = tpu.memref_slice %arg7[%add3A_188, %dma_wait3A_189] : memref<40x64xi32, #tpu.memory_space<vmem>> -> memref<1x64xi32, #tpu.memory_space<vmem>>
      %dma_wait3A_191 = tpu.memref_squeeze %dma_wait3A_190 : memref<1x64xi32, #tpu.memory_space<vmem>> -> memref<64xi32, #tpu.memory_space<vmem>>
      %dma_wait3A_192 = arith.constant 0 : i32
      %dma_wait3A_193 = arith.constant 0 : i32
      %dma_wait3A_194 = tpu.memref_slice %arg2[%dma_wait3A_192, %dma_wait3A_193] : memref<40000x128xf32, #tpu.memory_space<hbm>> -> memref<40000x128xf32, #tpu.memory_space<hbm>>
      tpu.wait_indirect_dma semaphore(%arg14 : memref<!tpu.dma_semaphore, #tpu.memory_space<semaphore_mem>>) src(%dma_wait3A_194 : memref<40000x128xf32, #tpu.memory_space<hbm>>) dst(%arg10 : memref<64x128xf32, #tpu.memory_space<vmem>>)
      "tpu.region"() ({
        %run_scoped3A_236 = tpu.sem_alloc : memref<!tpu.dma_semaphore, #tpu.memory_space<semaphore_mem>>
        %dma_start3A_237 = arith.constant 0 : i32
        %dma_start3A_238 = tpu.memref_slice %arg8[%add3A_188, %dma_start3A_237] : memref<40x64xi32, #tpu.memory_space<vmem>> -> memref<1x64xi32, #tpu.memory_space<vmem>>
        %dma_start3A_239 = tpu.memref_squeeze %dma_start3A_238 : memref<1x64xi32, #tpu.memory_space<vmem>> -> memref<64xi32, #tpu.memory_space<vmem>>
        %dma_start3A_240 = arith.constant 0 : i32
        %dma_start3A_241 = arith.constant 0 : i32
        %dma_start3A_242 = tpu.memref_slice %arg13[%dma_start3A_240, %dma_start3A_241] : memref<10112x128xf32, #tpu.memory_space<vmem_shared>> -> memref<10112x128xf32, #tpu.memory_space<vmem_shared>>
        tpu.enqueue_indirect_dma source(%arg10 : memref<64x128xf32, #tpu.memory_space<vmem>>) target(%dma_start3A_242 : memref<10112x128xf32, #tpu.memory_space<vmem_shared>>) offsets(%dma_start3A_239 : memref<64xi32, #tpu.memory_space<vmem>>) semaphore(%run_scoped3A_236 : memref<!tpu.dma_semaphore, #tpu.memory_space<semaphore_mem>>) {add = true}
        %dma_wait3A_243 = arith.constant 0 : i32
        %dma_wait3A_244 = tpu.memref_slice %arg8[%add3A_188, %dma_wait3A_243] : memref<40x64xi32, #tpu.memory_space<vmem>> -> memref<1x64xi32, #tpu.memory_space<vmem>>
        %dma_wait3A_245 = tpu.memref_squeeze %dma_wait3A_244 : memref<1x64xi32, #tpu.memory_space<vmem>> -> memref<64xi32, #tpu.memory_space<vmem>>
        %dma_wait3A_246 = arith.constant 0 : i32
        %dma_wait3A_247 = arith.constant 0 : i32
        %dma_wait3A_248 = tpu.memref_slice %arg13[%dma_wait3A_246, %dma_wait3A_247] : memref<10112x128xf32, #tpu.memory_space<vmem_shared>> -> memref<10112x128xf32, #tpu.memory_space<vmem_shared>>
        tpu.wait_indirect_dma semaphore(%run_scoped3A_236 : memref<!tpu.dma_semaphore, #tpu.memory_space<semaphore_mem>>) src(%arg10 : memref<64x128xf32, #tpu.memory_space<vmem>>) dst(%dma_wait3A_248 : memref<10112x128xf32, #tpu.memory_space<vmem_shared>>)
        tpu.yield
      }) : () -> ()
      %add3A_195 = arith.constant 4 : i32
      %add3A_196 = arith.addi %add3A_188, %add3A_195 : i32
      %lt3A_197 = arith.constant 40 : i32
      %lt3A_198 = arith.cmpi slt, %add3A_196, %lt3A_197 : i32
      %convert_element_type3A_199 = arith.extui %lt3A_198 : i1 to i32
      %cond3A_200 = arith.constant 0 : i32
      %cond3A_201 = arith.cmpi ne, %convert_element_type3A_199, %cond3A_200 : i32
      scf.if %cond3A_201 {
        %add3A_236 = arith.constant 4 : i32
        %add3A_237 = arith.addi %add3A_188, %add3A_236 : i32
        %dma_start3A_238 = arith.constant 0 : i32
        %dma_start3A_239 = tpu.memref_slice %arg7[%add3A_237, %dma_start3A_238] : memref<40x64xi32, #tpu.memory_space<vmem>> -> memref<1x64xi32, #tpu.memory_space<vmem>>
        %dma_start3A_240 = tpu.memref_squeeze %dma_start3A_239 : memref<1x64xi32, #tpu.memory_space<vmem>> -> memref<64xi32, #tpu.memory_space<vmem>>
        %dma_start3A_241 = arith.constant 0 : i32
        %dma_start3A_242 = arith.constant 0 : i32
        %dma_start3A_243 = tpu.memref_slice %arg2[%dma_start3A_241, %dma_start3A_242] : memref<40000x128xf32, #tpu.memory_space<hbm>> -> memref<40000x128xf32, #tpu.memory_space<hbm>>
        tpu.enqueue_indirect_dma source(%dma_start3A_243 : memref<40000x128xf32, #tpu.memory_space<hbm>>) target(%arg10 : memref<64x128xf32, #tpu.memory_space<vmem>>) offsets(%dma_start3A_240 : memref<64xi32, #tpu.memory_space<vmem>>) semaphore(%arg14 : memref<!tpu.dma_semaphore, #tpu.memory_space<semaphore_mem>>)
      } else {
      }
      %mul3A_202 = arith.constant 4 : i32
      %mul3A_203 = arith.muli %mul3A_202, %scan3A_169 : i32
      %add3A_204 = arith.constant 2 : i32
      %add3A_205 = arith.addi %mul3A_203, %add3A_204 : i32
      %dma_wait3A_206 = arith.constant 0 : i32
      %dma_wait3A_207 = tpu.memref_slice %arg7[%add3A_205, %dma_wait3A_206] : memref<40x64xi32, #tpu.memory_space<vmem>> -> memref<1x64xi32, #tpu.memory_space<vmem>>
      %dma_wait3A_208 = tpu.memref_squeeze %dma_wait3A_207 : memref<1x64xi32, #tpu.memory_space<vmem>> -> memref<64xi32, #tpu.memory_space<vmem>>
      %dma_wait3A_209 = arith.constant 0 : i32
      %dma_wait3A_210 = arith.constant 0 : i32
      %dma_wait3A_211 = tpu.memref_slice %arg2[%dma_wait3A_209, %dma_wait3A_210] : memref<40000x128xf32, #tpu.memory_space<hbm>> -> memref<40000x128xf32, #tpu.memory_space<hbm>>
      tpu.wait_indirect_dma semaphore(%arg14 : memref<!tpu.dma_semaphore, #tpu.memory_space<semaphore_mem>>) src(%dma_wait3A_211 : memref<40000x128xf32, #tpu.memory_space<hbm>>) dst(%arg11 : memref<64x128xf32, #tpu.memory_space<vmem>>)
      "tpu.region"() ({
        %run_scoped3A_236 = tpu.sem_alloc : memref<!tpu.dma_semaphore, #tpu.memory_space<semaphore_mem>>
        %dma_start3A_237 = arith.constant 0 : i32
        %dma_start3A_238 = tpu.memref_slice %arg8[%add3A_205, %dma_start3A_237] : memref<40x64xi32, #tpu.memory_space<vmem>> -> memref<1x64xi32, #tpu.memory_space<vmem>>
        %dma_start3A_239 = tpu.memref_squeeze %dma_start3A_238 : memref<1x64xi32, #tpu.memory_space<vmem>> -> memref<64xi32, #tpu.memory_space<vmem>>
        %dma_start3A_240 = arith.constant 0 : i32
        %dma_start3A_241 = arith.constant 0 : i32
        %dma_start3A_242 = tpu.memref_slice %arg13[%dma_start3A_240, %dma_start3A_241] : memref<10112x128xf32, #tpu.memory_space<vmem_shared>> -> memref<10112x128xf32, #tpu.memory_space<vmem_shared>>
        tpu.enqueue_indirect_dma source(%arg11 : memref<64x128xf32, #tpu.memory_space<vmem>>) target(%dma_start3A_242 : memref<10112x128xf32, #tpu.memory_space<vmem_shared>>) offsets(%dma_start3A_239 : memref<64xi32, #tpu.memory_space<vmem>>) semaphore(%run_scoped3A_236 : memref<!tpu.dma_semaphore, #tpu.memory_space<semaphore_mem>>) {add = true}
        %dma_wait3A_243 = arith.constant 0 : i32
        %dma_wait3A_244 = tpu.memref_slice %arg8[%add3A_205, %dma_wait3A_243] : memref<40x64xi32, #tpu.memory_space<vmem>> -> memref<1x64xi32, #tpu.memory_space<vmem>>
        %dma_wait3A_245 = tpu.memref_squeeze %dma_wait3A_244 : memref<1x64xi32, #tpu.memory_space<vmem>> -> memref<64xi32, #tpu.memory_space<vmem>>
        %dma_wait3A_246 = arith.constant 0 : i32
        %dma_wait3A_247 = arith.constant 0 : i32
        %dma_wait3A_248 = tpu.memref_slice %arg13[%dma_wait3A_246, %dma_wait3A_247] : memref<10112x128xf32, #tpu.memory_space<vmem_shared>> -> memref<10112x128xf32, #tpu.memory_space<vmem_shared>>
        tpu.wait_indirect_dma semaphore(%run_scoped3A_236 : memref<!tpu.dma_semaphore, #tpu.memory_space<semaphore_mem>>) src(%arg11 : memref<64x128xf32, #tpu.memory_space<vmem>>) dst(%dma_wait3A_248 : memref<10112x128xf32, #tpu.memory_space<vmem_shared>>)
        tpu.yield
      }) : () -> ()
      %add3A_212 = arith.constant 4 : i32
      %add3A_213 = arith.addi %add3A_205, %add3A_212 : i32
      %lt3A_214 = arith.constant 40 : i32
      %lt3A_215 = arith.cmpi slt, %add3A_213, %lt3A_214 : i32
      %convert_element_type3A_216 = arith.extui %lt3A_215 : i1 to i32
      %cond3A_217 = arith.constant 0 : i32
      %cond3A_218 = arith.cmpi ne, %convert_element_type3A_216, %cond3A_217 : i32
      scf.if %cond3A_218 {
        %add3A_236 = arith.constant 4 : i32
        %add3A_237 = arith.addi %add3A_205, %add3A_236 : i32
        %dma_start3A_238 = arith.constant 0 : i32
        %dma_start3A_239 = tpu.memref_slice %arg7[%add3A_237, %dma_start3A_238] : memref<40x64xi32, #tpu.memory_space<vmem>> -> memref<1x64xi32, #tpu.memory_space<vmem>>
        %dma_start3A_240 = tpu.memref_squeeze %dma_start3A_239 : memref<1x64xi32, #tpu.memory_space<vmem>> -> memref<64xi32, #tpu.memory_space<vmem>>
        %dma_start3A_241 = arith.constant 0 : i32
        %dma_start3A_242 = arith.constant 0 : i32
        %dma_start3A_243 = tpu.memref_slice %arg2[%dma_start3A_241, %dma_start3A_242] : memref<40000x128xf32, #tpu.memory_space<hbm>> -> memref<40000x128xf32, #tpu.memory_space<hbm>>
        tpu.enqueue_indirect_dma source(%dma_start3A_243 : memref<40000x128xf32, #tpu.memory_space<hbm>>) target(%arg11 : memref<64x128xf32, #tpu.memory_space<vmem>>) offsets(%dma_start3A_240 : memref<64xi32, #tpu.memory_space<vmem>>) semaphore(%arg14 : memref<!tpu.dma_semaphore, #tpu.memory_space<semaphore_mem>>)
      } else {
      }
      %mul3A_219 = arith.constant 4 : i32
      %mul3A_220 = arith.muli %mul3A_219, %scan3A_169 : i32
      %add3A_221 = arith.constant 3 : i32
      %add3A_222 = arith.addi %mul3A_220, %add3A_221 : i32
      %dma_wait3A_223 = arith.constant 0 : i32
      %dma_wait3A_224 = tpu.memref_slice %arg7[%add3A_222, %dma_wait3A_223] : memref<40x64xi32, #tpu.memory_space<vmem>> -> memref<1x64xi32, #tpu.memory_space<vmem>>
      %dma_wait3A_225 = tpu.memref_squeeze %dma_wait3A_224 : memref<1x64xi32, #tpu.memory_space<vmem>> -> memref<64xi32, #tpu.memory_space<vmem>>
      %dma_wait3A_226 = arith.constant 0 : i32
      %dma_wait3A_227 = arith.constant 0 : i32
      %dma_wait3A_228 = tpu.memref_slice %arg2[%dma_wait3A_226, %dma_wait3A_227] : memref<40000x128xf32, #tpu.memory_space<hbm>> -> memref<40000x128xf32, #tpu.memory_space<hbm>>
      tpu.wait_indirect_dma semaphore(%arg14 : memref<!tpu.dma_semaphore, #tpu.memory_space<semaphore_mem>>) src(%dma_wait3A_228 : memref<40000x128xf32, #tpu.memory_space<hbm>>) dst(%arg12 : memref<64x128xf32, #tpu.memory_space<vmem>>)
      "tpu.region"() ({
        %run_scoped3A_236 = tpu.sem_alloc : memref<!tpu.dma_semaphore, #tpu.memory_space<semaphore_mem>>
        %dma_start3A_237 = arith.constant 0 : i32
        %dma_start3A_238 = tpu.memref_slice %arg8[%add3A_222, %dma_start3A_237] : memref<40x64xi32, #tpu.memory_space<vmem>> -> memref<1x64xi32, #tpu.memory_space<vmem>>
        %dma_start3A_239 = tpu.memref_squeeze %dma_start3A_238 : memref<1x64xi32, #tpu.memory_space<vmem>> -> memref<64xi32, #tpu.memory_space<vmem>>
        %dma_start3A_240 = arith.constant 0 : i32
        %dma_start3A_241 = arith.constant 0 : i32
        %dma_start3A_242 = tpu.memref_slice %arg13[%dma_start3A_240, %dma_start3A_241] : memref<10112x128xf32, #tpu.memory_space<vmem_shared>> -> memref<10112x128xf32, #tpu.memory_space<vmem_shared>>
        tpu.enqueue_indirect_dma source(%arg12 : memref<64x128xf32, #tpu.memory_space<vmem>>) target(%dma_start3A_242 : memref<10112x128xf32, #tpu.memory_space<vmem_shared>>) offsets(%dma_start3A_239 : memref<64xi32, #tpu.memory_space<vmem>>) semaphore(%run_scoped3A_236 : memref<!tpu.dma_semaphore, #tpu.memory_space<semaphore_mem>>) {add = true}
        %dma_wait3A_243 = arith.constant 0 : i32
        %dma_wait3A_244 = tpu.memref_slice %arg8[%add3A_222, %dma_wait3A_243] : memref<40x64xi32, #tpu.memory_space<vmem>> -> memref<1x64xi32, #tpu.memory_space<vmem>>
        %dma_wait3A_245 = tpu.memref_squeeze %dma_wait3A_244 : memref<1x64xi32, #tpu.memory_space<vmem>> -> memref<64xi32, #tpu.memory_space<vmem>>
        %dma_wait3A_246 = arith.constant 0 : i32
        %dma_wait3A_247 = arith.constant 0 : i32
        %dma_wait3A_248 = tpu.memref_slice %arg13[%dma_wait3A_246, %dma_wait3A_247] : memref<10112x128xf32, #tpu.memory_space<vmem_shared>> -> memref<10112x128xf32, #tpu.memory_space<vmem_shared>>
        tpu.wait_indirect_dma semaphore(%run_scoped3A_236 : memref<!tpu.dma_semaphore, #tpu.memory_space<semaphore_mem>>) src(%arg12 : memref<64x128xf32, #tpu.memory_space<vmem>>) dst(%dma_wait3A_248 : memref<10112x128xf32, #tpu.memory_space<vmem_shared>>)
        tpu.yield
      }) : () -> ()
      %add3A_229 = arith.constant 4 : i32
      %add3A_230 = arith.addi %add3A_222, %add3A_229 : i32
      %lt3A_231 = arith.constant 40 : i32
      %lt3A_232 = arith.cmpi slt, %add3A_230, %lt3A_231 : i32
      %convert_element_type3A_233 = arith.extui %lt3A_232 : i1 to i32
      %cond3A_234 = arith.constant 0 : i32
      %cond3A_235 = arith.cmpi ne, %convert_element_type3A_233, %cond3A_234 : i32
      scf.if %cond3A_235 {
        %add3A_236 = arith.constant 4 : i32
        %add3A_237 = arith.addi %add3A_222, %add3A_236 : i32
        %dma_start3A_238 = arith.constant 0 : i32
        %dma_start3A_239 = tpu.memref_slice %arg7[%add3A_237, %dma_start3A_238] : memref<40x64xi32, #tpu.memory_space<vmem>> -> memref<1x64xi32, #tpu.memory_space<vmem>>
        %dma_start3A_240 = tpu.memref_squeeze %dma_start3A_239 : memref<1x64xi32, #tpu.memory_space<vmem>> -> memref<64xi32, #tpu.memory_space<vmem>>
        %dma_start3A_241 = arith.constant 0 : i32
        %dma_start3A_242 = arith.constant 0 : i32
        %dma_start3A_243 = tpu.memref_slice %arg2[%dma_start3A_241, %dma_start3A_242] : memref<40000x128xf32, #tpu.memory_space<hbm>> -> memref<40000x128xf32, #tpu.memory_space<hbm>>
        tpu.enqueue_indirect_dma source(%dma_start3A_243 : memref<40000x128xf32, #tpu.memory_space<hbm>>) target(%arg12 : memref<64x128xf32, #tpu.memory_space<vmem>>) offsets(%dma_start3A_240 : memref<64xi32, #tpu.memory_space<vmem>>) semaphore(%arg14 : memref<!tpu.dma_semaphore, #tpu.memory_space<semaphore_mem>>)
      } else {
      }
    }
    %scan3A_127 = arith.constant 10 : i32
    %run_scoped3A_128 = arith.constant 3 : i32
    "tpu.region"() ({
      %run_scoped3A_169 = tpu.sem_alloc : memref<!tpu.dma_semaphore, #tpu.memory_space<semaphore_mem>>
      %dma_start3A_170 = arith.constant 0 : i32
      %dma_start3A_171 = arith.constant 0 : i32
      %dma_start3A_172 = tpu.memref_slice %arg3[%add3A, %run_scoped3A_128, %dma_start3A_170, %dma_start3A_171] : memref<32x4x40x64xi32, #tpu.memory_space<hbm>> -> memref<1x1x40x64xi32, #tpu.memory_space<hbm>>
      %dma_start3A_173 = tpu.memref_squeeze %dma_start3A_172 : memref<1x1x40x64xi32, #tpu.memory_space<hbm>> -> memref<40x64xi32, #tpu.memory_space<hbm>>
      %dma_start3A_174 = arith.constant 0 : i32
      %dma_start3A_175 = arith.constant 0 : i32
      %dma_start3A_176 = tpu.memref_slice %arg3[%add3A, %run_scoped3A_128, %dma_start3A_174, %dma_start3A_175] : memref<32x4x40x64xi32, #tpu.memory_space<hbm>> -> memref<1x1x40x64xi32, #tpu.memory_space<hbm>>
      %dma_start3A_177 = tpu.memref_squeeze %dma_start3A_176 : memref<1x1x40x64xi32, #tpu.memory_space<hbm>> -> memref<40x64xi32, #tpu.memory_space<hbm>>
      tpu.enqueue_dma source(%dma_start3A_177 : memref<40x64xi32, #tpu.memory_space<hbm>>) target(%arg7 : memref<40x64xi32, #tpu.memory_space<vmem>>) target_semaphore(%run_scoped3A_169 : memref<!tpu.dma_semaphore, #tpu.memory_space<semaphore_mem>>)
      %dma_wait3A = arith.constant 0 : i32
      %dma_wait3A_178 = arith.constant 0 : i32
      %dma_wait3A_179 = tpu.memref_slice %arg3[%add3A, %run_scoped3A_128, %dma_wait3A, %dma_wait3A_178] : memref<32x4x40x64xi32, #tpu.memory_space<hbm>> -> memref<1x1x40x64xi32, #tpu.memory_space<hbm>>
      %dma_wait3A_180 = tpu.memref_squeeze %dma_wait3A_179 : memref<1x1x40x64xi32, #tpu.memory_space<hbm>> -> memref<40x64xi32, #tpu.memory_space<hbm>>
      %dma_wait3A_181 = arith.constant 0 : i32
      %dma_wait3A_182 = arith.constant 0 : i32
      %dma_wait3A_183 = tpu.memref_slice %arg3[%add3A, %run_scoped3A_128, %dma_wait3A_181, %dma_wait3A_182] : memref<32x4x40x64xi32, #tpu.memory_space<hbm>> -> memref<1x1x40x64xi32, #tpu.memory_space<hbm>>
      %dma_wait3A_184 = tpu.memref_squeeze %dma_wait3A_183 : memref<1x1x40x64xi32, #tpu.memory_space<hbm>> -> memref<40x64xi32, #tpu.memory_space<hbm>>
      tpu.wait_dma2 semaphore(%run_scoped3A_169 : memref<!tpu.dma_semaphore, #tpu.memory_space<semaphore_mem>>) src(%dma_wait3A_184 : memref<40x64xi32, #tpu.memory_space<hbm>>) dst(%arg7 : memref<40x64xi32, #tpu.memory_space<vmem>>)
      tpu.yield
    }) : () -> ()
    %run_scoped3A_129 = arith.constant 3 : i32
    "tpu.region"() ({
      %run_scoped3A_169 = tpu.sem_alloc : memref<!tpu.dma_semaphore, #tpu.memory_space<semaphore_mem>>
      %dma_start3A_170 = arith.constant 0 : i32
      %dma_start3A_171 = arith.constant 0 : i32
      %dma_start3A_172 = tpu.memref_slice %arg4[%add3A, %run_scoped3A_129, %dma_start3A_170, %dma_start3A_171] : memref<32x4x40x64xi32, #tpu.memory_space<hbm>> -> memref<1x1x40x64xi32, #tpu.memory_space<hbm>>
      %dma_start3A_173 = tpu.memref_squeeze %dma_start3A_172 : memref<1x1x40x64xi32, #tpu.memory_space<hbm>> -> memref<40x64xi32, #tpu.memory_space<hbm>>
      %dma_start3A_174 = arith.constant 0 : i32
      %dma_start3A_175 = arith.constant 0 : i32
      %dma_start3A_176 = tpu.memref_slice %arg4[%add3A, %run_scoped3A_129, %dma_start3A_174, %dma_start3A_175] : memref<32x4x40x64xi32, #tpu.memory_space<hbm>> -> memref<1x1x40x64xi32, #tpu.memory_space<hbm>>
      %dma_start3A_177 = tpu.memref_squeeze %dma_start3A_176 : memref<1x1x40x64xi32, #tpu.memory_space<hbm>> -> memref<40x64xi32, #tpu.memory_space<hbm>>
      tpu.enqueue_dma source(%dma_start3A_177 : memref<40x64xi32, #tpu.memory_space<hbm>>) target(%arg8 : memref<40x64xi32, #tpu.memory_space<vmem>>) target_semaphore(%run_scoped3A_169 : memref<!tpu.dma_semaphore, #tpu.memory_space<semaphore_mem>>)
      %dma_wait3A = arith.constant 0 : i32
      %dma_wait3A_178 = arith.constant 0 : i32
      %dma_wait3A_179 = tpu.memref_slice %arg4[%add3A, %run_scoped3A_129, %dma_wait3A, %dma_wait3A_178] : memref<32x4x40x64xi32, #tpu.memory_space<hbm>> -> memref<1x1x40x64xi32, #tpu.memory_space<hbm>>
      %dma_wait3A_180 = tpu.memref_squeeze %dma_wait3A_179 : memref<1x1x40x64xi32, #tpu.memory_space<hbm>> -> memref<40x64xi32, #tpu.memory_space<hbm>>
      %dma_wait3A_181 = arith.constant 0 : i32
      %dma_wait3A_182 = arith.constant 0 : i32
      %dma_wait3A_183 = tpu.memref_slice %arg4[%add3A, %run_scoped3A_129, %dma_wait3A_181, %dma_wait3A_182] : memref<32x4x40x64xi32, #tpu.memory_space<hbm>> -> memref<1x1x40x64xi32, #tpu.memory_space<hbm>>
      %dma_wait3A_184 = tpu.memref_squeeze %dma_wait3A_183 : memref<1x1x40x64xi32, #tpu.memory_space<hbm>> -> memref<40x64xi32, #tpu.memory_space<hbm>>
      tpu.wait_dma2 semaphore(%run_scoped3A_169 : memref<!tpu.dma_semaphore, #tpu.memory_space<semaphore_mem>>) src(%dma_wait3A_184 : memref<40x64xi32, #tpu.memory_space<hbm>>) dst(%arg8 : memref<40x64xi32, #tpu.memory_space<vmem>>)
      tpu.yield
    }) : () -> ()
    %dma_start3A_130 = arith.constant 0 : i32
    %dma_start3A_131 = arith.constant 0 : i32
    %dma_start3A_132 = tpu.memref_slice %arg7[%dma_start3A_130, %dma_start3A_131] : memref<40x64xi32, #tpu.memory_space<vmem>> -> memref<1x64xi32, #tpu.memory_space<vmem>>
    %dma_start3A_133 = tpu.memref_squeeze %dma_start3A_132 : memref<1x64xi32, #tpu.memory_space<vmem>> -> memref<64xi32, #tpu.memory_space<vmem>>
    %dma_start3A_134 = arith.constant 0 : i32
    %dma_start3A_135 = arith.constant 0 : i32
    %dma_start3A_136 = tpu.memref_slice %arg2[%dma_start3A_134, %dma_start3A_135] : memref<40000x128xf32, #tpu.memory_space<hbm>> -> memref<40000x128xf32, #tpu.memory_space<hbm>>
    tpu.enqueue_indirect_dma source(%dma_start3A_136 : memref<40000x128xf32, #tpu.memory_space<hbm>>) target(%arg9 : memref<64x128xf32, #tpu.memory_space<vmem>>) offsets(%dma_start3A_133 : memref<64xi32, #tpu.memory_space<vmem>>) semaphore(%arg14 : memref<!tpu.dma_semaphore, #tpu.memory_space<semaphore_mem>>)
    %dma_start3A_137 = arith.constant 1 : i32
    %dma_start3A_138 = arith.constant 0 : i32
    %dma_start3A_139 = tpu.memref_slice %arg7[%dma_start3A_137, %dma_start3A_138] : memref<40x64xi32, #tpu.memory_space<vmem>> -> memref<1x64xi32, #tpu.memory_space<vmem>>
    %dma_start3A_140 = tpu.memref_squeeze %dma_start3A_139 : memref<1x64xi32, #tpu.memory_space<vmem>> -> memref<64xi32, #tpu.memory_space<vmem>>
    %dma_start3A_141 = arith.constant 0 : i32
    %dma_start3A_142 = arith.constant 0 : i32
    %dma_start3A_143 = tpu.memref_slice %arg2[%dma_start3A_141, %dma_start3A_142] : memref<40000x128xf32, #tpu.memory_space<hbm>> -> memref<40000x128xf32, #tpu.memory_space<hbm>>
    tpu.enqueue_indirect_dma source(%dma_start3A_143 : memref<40000x128xf32, #tpu.memory_space<hbm>>) target(%arg10 : memref<64x128xf32, #tpu.memory_space<vmem>>) offsets(%dma_start3A_140 : memref<64xi32, #tpu.memory_space<vmem>>) semaphore(%arg14 : memref<!tpu.dma_semaphore, #tpu.memory_space<semaphore_mem>>)
    %dma_start3A_144 = arith.constant 2 : i32
    %dma_start3A_145 = arith.constant 0 : i32
    %dma_start3A_146 = tpu.memref_slice %arg7[%dma_start3A_144, %dma_start3A_145] : memref<40x64xi32, #tpu.memory_space<vmem>> -> memref<1x64xi32, #tpu.memory_space<vmem>>
    %dma_start3A_147 = tpu.memref_squeeze %dma_start3A_146 : memref<1x64xi32, #tpu.memory_space<vmem>> -> memref<64xi32, #tpu.memory_space<vmem>>
    %dma_start3A_148 = arith.constant 0 : i32
    %dma_start3A_149 = arith.constant 0 : i32
    %dma_start3A_150 = tpu.memref_slice %arg2[%dma_start3A_148, %dma_start3A_149] : memref<40000x128xf32, #tpu.memory_space<hbm>> -> memref<40000x128xf32, #tpu.memory_space<hbm>>
    tpu.enqueue_indirect_dma source(%dma_start3A_150 : memref<40000x128xf32, #tpu.memory_space<hbm>>) target(%arg11 : memref<64x128xf32, #tpu.memory_space<vmem>>) offsets(%dma_start3A_147 : memref<64xi32, #tpu.memory_space<vmem>>) semaphore(%arg14 : memref<!tpu.dma_semaphore, #tpu.memory_space<semaphore_mem>>)
    %dma_start3A_151 = arith.constant 3 : i32
    %dma_start3A_152 = arith.constant 0 : i32
    %dma_start3A_153 = tpu.memref_slice %arg7[%dma_start3A_151, %dma_start3A_152] : memref<40x64xi32, #tpu.memory_space<vmem>> -> memref<1x64xi32, #tpu.memory_space<vmem>>
    %dma_start3A_154 = tpu.memref_squeeze %dma_start3A_153 : memref<1x64xi32, #tpu.memory_space<vmem>> -> memref<64xi32, #tpu.memory_space<vmem>>
    %dma_start3A_155 = arith.constant 0 : i32
    %dma_start3A_156 = arith.constant 0 : i32
    %dma_start3A_157 = tpu.memref_slice %arg2[%dma_start3A_155, %dma_start3A_156] : memref<40000x128xf32, #tpu.memory_space<hbm>> -> memref<40000x128xf32, #tpu.memory_space<hbm>>
    tpu.enqueue_indirect_dma source(%dma_start3A_157 : memref<40000x128xf32, #tpu.memory_space<hbm>>) target(%arg12 : memref<64x128xf32, #tpu.memory_space<vmem>>) offsets(%dma_start3A_154 : memref<64xi32, #tpu.memory_space<vmem>>) semaphore(%arg14 : memref<!tpu.dma_semaphore, #tpu.memory_space<semaphore_mem>>)
    %scan3A_158 = arith.constant 0 : i32
    %scan3A_159 = arith.constant 0 : i32
    %scan3A_160 = arith.constant 10 : i32
    %scan3A_161 = arith.addi %scan3A_159, %scan3A_160 : i32
    %scan3A_162 = arith.constant 1 : i32
    scf.for %scan3A_169 = %scan3A_159 to %scan3A_161 step %scan3A_162  : i32 {
      %mul3A_170 = arith.constant 4 : i32
      %mul3A_171 = arith.muli %mul3A_170, %scan3A_169 : i32
      %add3A_172 = arith.constant 0 : i32
      %add3A_173 = arith.addi %mul3A_171, %add3A_172 : i32
      %dma_wait3A = arith.constant 0 : i32
      %dma_wait3A_174 = tpu.memref_slice %arg7[%add3A_173, %dma_wait3A] : memref<40x64xi32, #tpu.memory_space<vmem>> -> memref<1x64xi32, #tpu.memory_space<vmem>>
      %dma_wait3A_175 = tpu.memref_squeeze %dma_wait3A_174 : memref<1x64xi32, #tpu.memory_space<vmem>> -> memref<64xi32, #tpu.memory_space<vmem>>
      %dma_wait3A_176 = arith.constant 0 : i32
      %dma_wait3A_177 = arith.constant 0 : i32
      %dma_wait3A_178 = tpu.memref_slice %arg2[%dma_wait3A_176, %dma_wait3A_177] : memref<40000x128xf32, #tpu.memory_space<hbm>> -> memref<40000x128xf32, #tpu.memory_space<hbm>>
      tpu.wait_indirect_dma semaphore(%arg14 : memref<!tpu.dma_semaphore, #tpu.memory_space<semaphore_mem>>) src(%dma_wait3A_178 : memref<40000x128xf32, #tpu.memory_space<hbm>>) dst(%arg9 : memref<64x128xf32, #tpu.memory_space<vmem>>)
      "tpu.region"() ({
        %run_scoped3A_236 = tpu.sem_alloc : memref<!tpu.dma_semaphore, #tpu.memory_space<semaphore_mem>>
        %dma_start3A_237 = arith.constant 0 : i32
        %dma_start3A_238 = tpu.memref_slice %arg8[%add3A_173, %dma_start3A_237] : memref<40x64xi32, #tpu.memory_space<vmem>> -> memref<1x64xi32, #tpu.memory_space<vmem>>
        %dma_start3A_239 = tpu.memref_squeeze %dma_start3A_238 : memref<1x64xi32, #tpu.memory_space<vmem>> -> memref<64xi32, #tpu.memory_space<vmem>>
        %dma_start3A_240 = arith.constant 0 : i32
        %dma_start3A_241 = arith.constant 0 : i32
        %dma_start3A_242 = tpu.memref_slice %arg13[%dma_start3A_240, %dma_start3A_241] : memref<10112x128xf32, #tpu.memory_space<vmem_shared>> -> memref<10112x128xf32, #tpu.memory_space<vmem_shared>>
        tpu.enqueue_indirect_dma source(%arg9 : memref<64x128xf32, #tpu.memory_space<vmem>>) target(%dma_start3A_242 : memref<10112x128xf32, #tpu.memory_space<vmem_shared>>) offsets(%dma_start3A_239 : memref<64xi32, #tpu.memory_space<vmem>>) semaphore(%run_scoped3A_236 : memref<!tpu.dma_semaphore, #tpu.memory_space<semaphore_mem>>) {add = true}
        %dma_wait3A_243 = arith.constant 0 : i32
        %dma_wait3A_244 = tpu.memref_slice %arg8[%add3A_173, %dma_wait3A_243] : memref<40x64xi32, #tpu.memory_space<vmem>> -> memref<1x64xi32, #tpu.memory_space<vmem>>
        %dma_wait3A_245 = tpu.memref_squeeze %dma_wait3A_244 : memref<1x64xi32, #tpu.memory_space<vmem>> -> memref<64xi32, #tpu.memory_space<vmem>>
        %dma_wait3A_246 = arith.constant 0 : i32
        %dma_wait3A_247 = arith.constant 0 : i32
        %dma_wait3A_248 = tpu.memref_slice %arg13[%dma_wait3A_246, %dma_wait3A_247] : memref<10112x128xf32, #tpu.memory_space<vmem_shared>> -> memref<10112x128xf32, #tpu.memory_space<vmem_shared>>
        tpu.wait_indirect_dma semaphore(%run_scoped3A_236 : memref<!tpu.dma_semaphore, #tpu.memory_space<semaphore_mem>>) src(%arg9 : memref<64x128xf32, #tpu.memory_space<vmem>>) dst(%dma_wait3A_248 : memref<10112x128xf32, #tpu.memory_space<vmem_shared>>)
        tpu.yield
      }) : () -> ()
      %add3A_179 = arith.constant 4 : i32
      %add3A_180 = arith.addi %add3A_173, %add3A_179 : i32
      %lt3A = arith.constant 40 : i32
      %lt3A_181 = arith.cmpi slt, %add3A_180, %lt3A : i32
      %convert_element_type3A_182 = arith.extui %lt3A_181 : i1 to i32
      %cond3A_183 = arith.constant 0 : i32
      %cond3A_184 = arith.cmpi ne, %convert_element_type3A_182, %cond3A_183 : i32
      scf.if %cond3A_184 {
        %add3A_236 = arith.constant 4 : i32
        %add3A_237 = arith.addi %add3A_173, %add3A_236 : i32
        %dma_start3A_238 = arith.constant 0 : i32
        %dma_start3A_239 = tpu.memref_slice %arg7[%add3A_237, %dma_start3A_238] : memref<40x64xi32, #tpu.memory_space<vmem>> -> memref<1x64xi32, #tpu.memory_space<vmem>>
        %dma_start3A_240 = tpu.memref_squeeze %dma_start3A_239 : memref<1x64xi32, #tpu.memory_space<vmem>> -> memref<64xi32, #tpu.memory_space<vmem>>
        %dma_start3A_241 = arith.constant 0 : i32
        %dma_start3A_242 = arith.constant 0 : i32
        %dma_start3A_243 = tpu.memref_slice %arg2[%dma_start3A_241, %dma_start3A_242] : memref<40000x128xf32, #tpu.memory_space<hbm>> -> memref<40000x128xf32, #tpu.memory_space<hbm>>
        tpu.enqueue_indirect_dma source(%dma_start3A_243 : memref<40000x128xf32, #tpu.memory_space<hbm>>) target(%arg9 : memref<64x128xf32, #tpu.memory_space<vmem>>) offsets(%dma_start3A_240 : memref<64xi32, #tpu.memory_space<vmem>>) semaphore(%arg14 : memref<!tpu.dma_semaphore, #tpu.memory_space<semaphore_mem>>)
      } else {
      }
      %mul3A_185 = arith.constant 4 : i32
      %mul3A_186 = arith.muli %mul3A_185, %scan3A_169 : i32
      %add3A_187 = arith.constant 1 : i32
      %add3A_188 = arith.addi %mul3A_186, %add3A_187 : i32
      %dma_wait3A_189 = arith.constant 0 : i32
      %dma_wait3A_190 = tpu.memref_slice %arg7[%add3A_188, %dma_wait3A_189] : memref<40x64xi32, #tpu.memory_space<vmem>> -> memref<1x64xi32, #tpu.memory_space<vmem>>
      %dma_wait3A_191 = tpu.memref_squeeze %dma_wait3A_190 : memref<1x64xi32, #tpu.memory_space<vmem>> -> memref<64xi32, #tpu.memory_space<vmem>>
      %dma_wait3A_192 = arith.constant 0 : i32
      %dma_wait3A_193 = arith.constant 0 : i32
      %dma_wait3A_194 = tpu.memref_slice %arg2[%dma_wait3A_192, %dma_wait3A_193] : memref<40000x128xf32, #tpu.memory_space<hbm>> -> memref<40000x128xf32, #tpu.memory_space<hbm>>
      tpu.wait_indirect_dma semaphore(%arg14 : memref<!tpu.dma_semaphore, #tpu.memory_space<semaphore_mem>>) src(%dma_wait3A_194 : memref<40000x128xf32, #tpu.memory_space<hbm>>) dst(%arg10 : memref<64x128xf32, #tpu.memory_space<vmem>>)
      "tpu.region"() ({
        %run_scoped3A_236 = tpu.sem_alloc : memref<!tpu.dma_semaphore, #tpu.memory_space<semaphore_mem>>
        %dma_start3A_237 = arith.constant 0 : i32
        %dma_start3A_238 = tpu.memref_slice %arg8[%add3A_188, %dma_start3A_237] : memref<40x64xi32, #tpu.memory_space<vmem>> -> memref<1x64xi32, #tpu.memory_space<vmem>>
        %dma_start3A_239 = tpu.memref_squeeze %dma_start3A_238 : memref<1x64xi32, #tpu.memory_space<vmem>> -> memref<64xi32, #tpu.memory_space<vmem>>
        %dma_start3A_240 = arith.constant 0 : i32
        %dma_start3A_241 = arith.constant 0 : i32
        %dma_start3A_242 = tpu.memref_slice %arg13[%dma_start3A_240, %dma_start3A_241] : memref<10112x128xf32, #tpu.memory_space<vmem_shared>> -> memref<10112x128xf32, #tpu.memory_space<vmem_shared>>
        tpu.enqueue_indirect_dma source(%arg10 : memref<64x128xf32, #tpu.memory_space<vmem>>) target(%dma_start3A_242 : memref<10112x128xf32, #tpu.memory_space<vmem_shared>>) offsets(%dma_start3A_239 : memref<64xi32, #tpu.memory_space<vmem>>) semaphore(%run_scoped3A_236 : memref<!tpu.dma_semaphore, #tpu.memory_space<semaphore_mem>>) {add = true}
        %dma_wait3A_243 = arith.constant 0 : i32
        %dma_wait3A_244 = tpu.memref_slice %arg8[%add3A_188, %dma_wait3A_243] : memref<40x64xi32, #tpu.memory_space<vmem>> -> memref<1x64xi32, #tpu.memory_space<vmem>>
        %dma_wait3A_245 = tpu.memref_squeeze %dma_wait3A_244 : memref<1x64xi32, #tpu.memory_space<vmem>> -> memref<64xi32, #tpu.memory_space<vmem>>
        %dma_wait3A_246 = arith.constant 0 : i32
        %dma_wait3A_247 = arith.constant 0 : i32
        %dma_wait3A_248 = tpu.memref_slice %arg13[%dma_wait3A_246, %dma_wait3A_247] : memref<10112x128xf32, #tpu.memory_space<vmem_shared>> -> memref<10112x128xf32, #tpu.memory_space<vmem_shared>>
        tpu.wait_indirect_dma semaphore(%run_scoped3A_236 : memref<!tpu.dma_semaphore, #tpu.memory_space<semaphore_mem>>) src(%arg10 : memref<64x128xf32, #tpu.memory_space<vmem>>) dst(%dma_wait3A_248 : memref<10112x128xf32, #tpu.memory_space<vmem_shared>>)
        tpu.yield
      }) : () -> ()
      %add3A_195 = arith.constant 4 : i32
      %add3A_196 = arith.addi %add3A_188, %add3A_195 : i32
      %lt3A_197 = arith.constant 40 : i32
      %lt3A_198 = arith.cmpi slt, %add3A_196, %lt3A_197 : i32
      %convert_element_type3A_199 = arith.extui %lt3A_198 : i1 to i32
      %cond3A_200 = arith.constant 0 : i32
      %cond3A_201 = arith.cmpi ne, %convert_element_type3A_199, %cond3A_200 : i32
      scf.if %cond3A_201 {
        %add3A_236 = arith.constant 4 : i32
        %add3A_237 = arith.addi %add3A_188, %add3A_236 : i32
        %dma_start3A_238 = arith.constant 0 : i32
        %dma_start3A_239 = tpu.memref_slice %arg7[%add3A_237, %dma_start3A_238] : memref<40x64xi32, #tpu.memory_space<vmem>> -> memref<1x64xi32, #tpu.memory_space<vmem>>
        %dma_start3A_240 = tpu.memref_squeeze %dma_start3A_239 : memref<1x64xi32, #tpu.memory_space<vmem>> -> memref<64xi32, #tpu.memory_space<vmem>>
        %dma_start3A_241 = arith.constant 0 : i32
        %dma_start3A_242 = arith.constant 0 : i32
        %dma_start3A_243 = tpu.memref_slice %arg2[%dma_start3A_241, %dma_start3A_242] : memref<40000x128xf32, #tpu.memory_space<hbm>> -> memref<40000x128xf32, #tpu.memory_space<hbm>>
        tpu.enqueue_indirect_dma source(%dma_start3A_243 : memref<40000x128xf32, #tpu.memory_space<hbm>>) target(%arg10 : memref<64x128xf32, #tpu.memory_space<vmem>>) offsets(%dma_start3A_240 : memref<64xi32, #tpu.memory_space<vmem>>) semaphore(%arg14 : memref<!tpu.dma_semaphore, #tpu.memory_space<semaphore_mem>>)
      } else {
      }
      %mul3A_202 = arith.constant 4 : i32
      %mul3A_203 = arith.muli %mul3A_202, %scan3A_169 : i32
      %add3A_204 = arith.constant 2 : i32
      %add3A_205 = arith.addi %mul3A_203, %add3A_204 : i32
      %dma_wait3A_206 = arith.constant 0 : i32
      %dma_wait3A_207 = tpu.memref_slice %arg7[%add3A_205, %dma_wait3A_206] : memref<40x64xi32, #tpu.memory_space<vmem>> -> memref<1x64xi32, #tpu.memory_space<vmem>>
      %dma_wait3A_208 = tpu.memref_squeeze %dma_wait3A_207 : memref<1x64xi32, #tpu.memory_space<vmem>> -> memref<64xi32, #tpu.memory_space<vmem>>
      %dma_wait3A_209 = arith.constant 0 : i32
      %dma_wait3A_210 = arith.constant 0 : i32
      %dma_wait3A_211 = tpu.memref_slice %arg2[%dma_wait3A_209, %dma_wait3A_210] : memref<40000x128xf32, #tpu.memory_space<hbm>> -> memref<40000x128xf32, #tpu.memory_space<hbm>>
      tpu.wait_indirect_dma semaphore(%arg14 : memref<!tpu.dma_semaphore, #tpu.memory_space<semaphore_mem>>) src(%dma_wait3A_211 : memref<40000x128xf32, #tpu.memory_space<hbm>>) dst(%arg11 : memref<64x128xf32, #tpu.memory_space<vmem>>)
      "tpu.region"() ({
        %run_scoped3A_236 = tpu.sem_alloc : memref<!tpu.dma_semaphore, #tpu.memory_space<semaphore_mem>>
        %dma_start3A_237 = arith.constant 0 : i32
        %dma_start3A_238 = tpu.memref_slice %arg8[%add3A_205, %dma_start3A_237] : memref<40x64xi32, #tpu.memory_space<vmem>> -> memref<1x64xi32, #tpu.memory_space<vmem>>
        %dma_start3A_239 = tpu.memref_squeeze %dma_start3A_238 : memref<1x64xi32, #tpu.memory_space<vmem>> -> memref<64xi32, #tpu.memory_space<vmem>>
        %dma_start3A_240 = arith.constant 0 : i32
        %dma_start3A_241 = arith.constant 0 : i32
        %dma_start3A_242 = tpu.memref_slice %arg13[%dma_start3A_240, %dma_start3A_241] : memref<10112x128xf32, #tpu.memory_space<vmem_shared>> -> memref<10112x128xf32, #tpu.memory_space<vmem_shared>>
        tpu.enqueue_indirect_dma source(%arg11 : memref<64x128xf32, #tpu.memory_space<vmem>>) target(%dma_start3A_242 : memref<10112x128xf32, #tpu.memory_space<vmem_shared>>) offsets(%dma_start3A_239 : memref<64xi32, #tpu.memory_space<vmem>>) semaphore(%run_scoped3A_236 : memref<!tpu.dma_semaphore, #tpu.memory_space<semaphore_mem>>) {add = true}
        %dma_wait3A_243 = arith.constant 0 : i32
        %dma_wait3A_244 = tpu.memref_slice %arg8[%add3A_205, %dma_wait3A_243] : memref<40x64xi32, #tpu.memory_space<vmem>> -> memref<1x64xi32, #tpu.memory_space<vmem>>
        %dma_wait3A_245 = tpu.memref_squeeze %dma_wait3A_244 : memref<1x64xi32, #tpu.memory_space<vmem>> -> memref<64xi32, #tpu.memory_space<vmem>>
        %dma_wait3A_246 = arith.constant 0 : i32
        %dma_wait3A_247 = arith.constant 0 : i32
        %dma_wait3A_248 = tpu.memref_slice %arg13[%dma_wait3A_246, %dma_wait3A_247] : memref<10112x128xf32, #tpu.memory_space<vmem_shared>> -> memref<10112x128xf32, #tpu.memory_space<vmem_shared>>
        tpu.wait_indirect_dma semaphore(%run_scoped3A_236 : memref<!tpu.dma_semaphore, #tpu.memory_space<semaphore_mem>>) src(%arg11 : memref<64x128xf32, #tpu.memory_space<vmem>>) dst(%dma_wait3A_248 : memref<10112x128xf32, #tpu.memory_space<vmem_shared>>)
        tpu.yield
      }) : () -> ()
      %add3A_212 = arith.constant 4 : i32
      %add3A_213 = arith.addi %add3A_205, %add3A_212 : i32
      %lt3A_214 = arith.constant 40 : i32
      %lt3A_215 = arith.cmpi slt, %add3A_213, %lt3A_214 : i32
      %convert_element_type3A_216 = arith.extui %lt3A_215 : i1 to i32
      %cond3A_217 = arith.constant 0 : i32
      %cond3A_218 = arith.cmpi ne, %convert_element_type3A_216, %cond3A_217 : i32
      scf.if %cond3A_218 {
        %add3A_236 = arith.constant 4 : i32
        %add3A_237 = arith.addi %add3A_205, %add3A_236 : i32
        %dma_start3A_238 = arith.constant 0 : i32
        %dma_start3A_239 = tpu.memref_slice %arg7[%add3A_237, %dma_start3A_238] : memref<40x64xi32, #tpu.memory_space<vmem>> -> memref<1x64xi32, #tpu.memory_space<vmem>>
        %dma_start3A_240 = tpu.memref_squeeze %dma_start3A_239 : memref<1x64xi32, #tpu.memory_space<vmem>> -> memref<64xi32, #tpu.memory_space<vmem>>
        %dma_start3A_241 = arith.constant 0 : i32
        %dma_start3A_242 = arith.constant 0 : i32
        %dma_start3A_243 = tpu.memref_slice %arg2[%dma_start3A_241, %dma_start3A_242] : memref<40000x128xf32, #tpu.memory_space<hbm>> -> memref<40000x128xf32, #tpu.memory_space<hbm>>
        tpu.enqueue_indirect_dma source(%dma_start3A_243 : memref<40000x128xf32, #tpu.memory_space<hbm>>) target(%arg11 : memref<64x128xf32, #tpu.memory_space<vmem>>) offsets(%dma_start3A_240 : memref<64xi32, #tpu.memory_space<vmem>>) semaphore(%arg14 : memref<!tpu.dma_semaphore, #tpu.memory_space<semaphore_mem>>)
      } else {
      }
      %mul3A_219 = arith.constant 4 : i32
      %mul3A_220 = arith.muli %mul3A_219, %scan3A_169 : i32
      %add3A_221 = arith.constant 3 : i32
      %add3A_222 = arith.addi %mul3A_220, %add3A_221 : i32
      %dma_wait3A_223 = arith.constant 0 : i32
      %dma_wait3A_224 = tpu.memref_slice %arg7[%add3A_222, %dma_wait3A_223] : memref<40x64xi32, #tpu.memory_space<vmem>> -> memref<1x64xi32, #tpu.memory_space<vmem>>
      %dma_wait3A_225 = tpu.memref_squeeze %dma_wait3A_224 : memref<1x64xi32, #tpu.memory_space<vmem>> -> memref<64xi32, #tpu.memory_space<vmem>>
      %dma_wait3A_226 = arith.constant 0 : i32
      %dma_wait3A_227 = arith.constant 0 : i32
      %dma_wait3A_228 = tpu.memref_slice %arg2[%dma_wait3A_226, %dma_wait3A_227] : memref<40000x128xf32, #tpu.memory_space<hbm>> -> memref<40000x128xf32, #tpu.memory_space<hbm>>
      tpu.wait_indirect_dma semaphore(%arg14 : memref<!tpu.dma_semaphore, #tpu.memory_space<semaphore_mem>>) src(%dma_wait3A_228 : memref<40000x128xf32, #tpu.memory_space<hbm>>) dst(%arg12 : memref<64x128xf32, #tpu.memory_space<vmem>>)
      "tpu.region"() ({
        %run_scoped3A_236 = tpu.sem_alloc : memref<!tpu.dma_semaphore, #tpu.memory_space<semaphore_mem>>
        %dma_start3A_237 = arith.constant 0 : i32
        %dma_start3A_238 = tpu.memref_slice %arg8[%add3A_222, %dma_start3A_237] : memref<40x64xi32, #tpu.memory_space<vmem>> -> memref<1x64xi32, #tpu.memory_space<vmem>>
        %dma_start3A_239 = tpu.memref_squeeze %dma_start3A_238 : memref<1x64xi32, #tpu.memory_space<vmem>> -> memref<64xi32, #tpu.memory_space<vmem>>
        %dma_start3A_240 = arith.constant 0 : i32
        %dma_start3A_241 = arith.constant 0 : i32
        %dma_start3A_242 = tpu.memref_slice %arg13[%dma_start3A_240, %dma_start3A_241] : memref<10112x128xf32, #tpu.memory_space<vmem_shared>> -> memref<10112x128xf32, #tpu.memory_space<vmem_shared>>
        tpu.enqueue_indirect_dma source(%arg12 : memref<64x128xf32, #tpu.memory_space<vmem>>) target(%dma_start3A_242 : memref<10112x128xf32, #tpu.memory_space<vmem_shared>>) offsets(%dma_start3A_239 : memref<64xi32, #tpu.memory_space<vmem>>) semaphore(%run_scoped3A_236 : memref<!tpu.dma_semaphore, #tpu.memory_space<semaphore_mem>>) {add = true}
        %dma_wait3A_243 = arith.constant 0 : i32
        %dma_wait3A_244 = tpu.memref_slice %arg8[%add3A_222, %dma_wait3A_243] : memref<40x64xi32, #tpu.memory_space<vmem>> -> memref<1x64xi32, #tpu.memory_space<vmem>>
        %dma_wait3A_245 = tpu.memref_squeeze %dma_wait3A_244 : memref<1x64xi32, #tpu.memory_space<vmem>> -> memref<64xi32, #tpu.memory_space<vmem>>
        %dma_wait3A_246 = arith.constant 0 : i32
        %dma_wait3A_247 = arith.constant 0 : i32
        %dma_wait3A_248 = tpu.memref_slice %arg13[%dma_wait3A_246, %dma_wait3A_247] : memref<10112x128xf32, #tpu.memory_space<vmem_shared>> -> memref<10112x128xf32, #tpu.memory_space<vmem_shared>>
        tpu.wait_indirect_dma semaphore(%run_scoped3A_236 : memref<!tpu.dma_semaphore, #tpu.memory_space<semaphore_mem>>) src(%arg12 : memref<64x128xf32, #tpu.memory_space<vmem>>) dst(%dma_wait3A_248 : memref<10112x128xf32, #tpu.memory_space<vmem_shared>>)
        tpu.yield
      }) : () -> ()
      %add3A_229 = arith.constant 4 : i32
      %add3A_230 = arith.addi %add3A_222, %add3A_229 : i32
      %lt3A_231 = arith.constant 40 : i32
      %lt3A_232 = arith.cmpi slt, %add3A_230, %lt3A_231 : i32
      %convert_element_type3A_233 = arith.extui %lt3A_232 : i1 to i32
      %cond3A_234 = arith.constant 0 : i32
      %cond3A_235 = arith.cmpi ne, %convert_element_type3A_233, %cond3A_234 : i32
      scf.if %cond3A_235 {
        %add3A_236 = arith.constant 4 : i32
        %add3A_237 = arith.addi %add3A_222, %add3A_236 : i32
        %dma_start3A_238 = arith.constant 0 : i32
        %dma_start3A_239 = tpu.memref_slice %arg7[%add3A_237, %dma_start3A_238] : memref<40x64xi32, #tpu.memory_space<vmem>> -> memref<1x64xi32, #tpu.memory_space<vmem>>
        %dma_start3A_240 = tpu.memref_squeeze %dma_start3A_239 : memref<1x64xi32, #tpu.memory_space<vmem>> -> memref<64xi32, #tpu.memory_space<vmem>>
        %dma_start3A_241 = arith.constant 0 : i32
        %dma_start3A_242 = arith.constant 0 : i32
        %dma_start3A_243 = tpu.memref_slice %arg2[%dma_start3A_241, %dma_start3A_242] : memref<40000x128xf32, #tpu.memory_space<hbm>> -> memref<40000x128xf32, #tpu.memory_space<hbm>>
        tpu.enqueue_indirect_dma source(%dma_start3A_243 : memref<40000x128xf32, #tpu.memory_space<hbm>>) target(%arg12 : memref<64x128xf32, #tpu.memory_space<vmem>>) offsets(%dma_start3A_240 : memref<64xi32, #tpu.memory_space<vmem>>) semaphore(%arg14 : memref<!tpu.dma_semaphore, #tpu.memory_space<semaphore_mem>>)
      } else {
      }
    }
    %scan3A_163 = arith.constant 10 : i32
    %barrier3A_164 = arith.constant 0 : index
    tpu.barrier barrier_id(%barrier3A_164)
    %mul3A_165 = arith.constant 624 : i32
    %mul3A_166 = arith.muli %arg1, %mul3A_165 : i32
    "tpu.region"() ({
      %run_scoped3A_169 = tpu.sem_alloc : memref<!tpu.dma_semaphore, #tpu.memory_space<semaphore_mem>>
      %dma_start3A_170 = arith.constant 0 : i32
      %dma_start3A_171 = tpu.memref_slice %arg6[%arg0, %mul3A_166, %dma_start3A_170] : memref<2x10000x128xf32, #tpu.memory_space<hbm>> -> memref<1x624x128xf32, #tpu.memory_space<hbm>>
      %dma_start3A_172 = tpu.memref_squeeze %dma_start3A_171 : memref<1x624x128xf32, #tpu.memory_space<hbm>> -> memref<624x128xf32, #tpu.memory_space<hbm>>
      %dma_start3A_173 = arith.constant 0 : i32
      %dma_start3A_174 = tpu.memref_slice %arg13[%mul3A_166, %dma_start3A_173] : memref<10112x128xf32, #tpu.memory_space<vmem_shared>> -> memref<624x128xf32, #tpu.memory_space<vmem_shared>>
      tpu.enqueue_dma source(%dma_start3A_174 : memref<624x128xf32, #tpu.memory_space<vmem_shared>>) target(%dma_start3A_172 : memref<624x128xf32, #tpu.memory_space<hbm>>) target_semaphore(%run_scoped3A_169 : memref<!tpu.dma_semaphore, #tpu.memory_space<semaphore_mem>>)
      %dma_wait3A = arith.constant 0 : i32
      %dma_wait3A_175 = tpu.memref_slice %arg6[%arg0, %mul3A_166, %dma_wait3A] : memref<2x10000x128xf32, #tpu.memory_space<hbm>> -> memref<1x624x128xf32, #tpu.memory_space<hbm>>
      %dma_wait3A_176 = tpu.memref_squeeze %dma_wait3A_175 : memref<1x624x128xf32, #tpu.memory_space<hbm>> -> memref<624x128xf32, #tpu.memory_space<hbm>>
      %dma_wait3A_177 = arith.constant 0 : i32
      %dma_wait3A_178 = tpu.memref_slice %arg13[%mul3A_166, %dma_wait3A_177] : memref<10112x128xf32, #tpu.memory_space<vmem_shared>> -> memref<624x128xf32, #tpu.memory_space<vmem_shared>>
      tpu.wait_dma2 semaphore(%run_scoped3A_169 : memref<!tpu.dma_semaphore, #tpu.memory_space<semaphore_mem>>) src(%dma_wait3A_178 : memref<624x128xf32, #tpu.memory_space<vmem_shared>>) dst(%dma_wait3A_176 : memref<624x128xf32, #tpu.memory_space<hbm>>)
      tpu.yield
    }) : () -> ()
    %eq3A = arith.constant 15 : i32
    %eq3A_167 = arith.cmpi eq, %arg1, %eq3A : i32
    %convert_element_type3A = arith.extui %eq3A_167 : i1 to i32
    %cond3A = arith.constant 0 : i32
    %cond3A_168 = arith.cmpi ne, %convert_element_type3A, %cond3A : i32
    scf.if %cond3A_168 {
      "tpu.region"() ({
        %run_scoped3A_169 = tpu.sem_alloc : memref<!tpu.dma_semaphore, #tpu.memory_space<semaphore_mem>>
        %dma_start3A_170 = arith.constant 9984 : i32
        %dma_start3A_171 = arith.constant 0 : i32
        %dma_start3A_172 = tpu.memref_slice %arg6[%arg0, %dma_start3A_170, %dma_start3A_171] : memref<2x10000x128xf32, #tpu.memory_space<hbm>> -> memref<1x16x128xf32, #tpu.memory_space<hbm>>
        %dma_start3A_173 = tpu.memref_squeeze %dma_start3A_172 : memref<1x16x128xf32, #tpu.memory_space<hbm>> -> memref<16x128xf32, #tpu.memory_space<hbm>>
        %dma_start3A_174 = arith.constant 9984 : i32
        %dma_start3A_175 = arith.constant 0 : i32
        %dma_start3A_176 = tpu.memref_slice %arg13[%dma_start3A_174, %dma_start3A_175] : memref<10112x128xf32, #tpu.memory_space<vmem_shared>> -> memref<16x128xf32, #tpu.memory_space<vmem_shared>>
        tpu.enqueue_dma source(%dma_start3A_176 : memref<16x128xf32, #tpu.memory_space<vmem_shared>>) target(%dma_start3A_173 : memref<16x128xf32, #tpu.memory_space<hbm>>) target_semaphore(%run_scoped3A_169 : memref<!tpu.dma_semaphore, #tpu.memory_space<semaphore_mem>>)
        %dma_wait3A = arith.constant 9984 : i32
        %dma_wait3A_177 = arith.constant 0 : i32
        %dma_wait3A_178 = tpu.memref_slice %arg6[%arg0, %dma_wait3A, %dma_wait3A_177] : memref<2x10000x128xf32, #tpu.memory_space<hbm>> -> memref<1x16x128xf32, #tpu.memory_space<hbm>>
        %dma_wait3A_179 = tpu.memref_squeeze %dma_wait3A_178 : memref<1x16x128xf32, #tpu.memory_space<hbm>> -> memref<16x128xf32, #tpu.memory_space<hbm>>
        %dma_wait3A_180 = arith.constant 9984 : i32
        %dma_wait3A_181 = arith.constant 0 : i32
        %dma_wait3A_182 = tpu.memref_slice %arg13[%dma_wait3A_180, %dma_wait3A_181] : memref<10112x128xf32, #tpu.memory_space<vmem_shared>> -> memref<16x128xf32, #tpu.memory_space<vmem_shared>>
        tpu.wait_dma2 semaphore(%run_scoped3A_169 : memref<!tpu.dma_semaphore, #tpu.memory_space<semaphore_mem>>) src(%dma_wait3A_182 : memref<16x128xf32, #tpu.memory_space<vmem_shared>>) dst(%dma_wait3A_179 : memref<16x128xf32, #tpu.memory_space<hbm>>)
        tpu.yield
      }) : () -> ()
    } else {
    }
    return
  }
}

#map = affine_map<(d0, d1) -> (0, 0)>
#map1 = affine_map<(d0, d1) -> (0, 0, 0, 0)>
#map2 = affine_map<(d0, d1) -> (0, 0, 0)>
module attributes {stable_mosaic.version = 14 : i64} {
  func.func @_sc_scatter(%arg0: i32, %arg1: i32, %arg2: memref<40000x128xf32, #tpu.memory_space<hbm>>, %arg3: memref<32x4x40x64xi32, #tpu.memory_space<hbm>>, %arg4: memref<32x4x40x64xi32, #tpu.memory_space<hbm>>, %arg5: memref<64x128xf32, #tpu.memory_space<hbm>>, %arg6: memref<2x10000x128xf32, #tpu.memory_space<hbm>>, %arg7: memref<40x64xi32, #tpu.memory_space<vmem>>, %arg8: memref<40x64xi32, #tpu.memory_space<vmem>>, %arg9: memref<64x128xf32, #tpu.memory_space<vmem>>, %arg10: memref<64x128xf32, #tpu.memory_space<vmem>>, %arg11: memref<64x128xf32, #tpu.memory_space<vmem>>, %arg12: memref<64x128xf32, #tpu.memory_space<vmem>>, %arg13: memref<10112x128xf32, #tpu.memory_space<vmem_shared>>, %arg14: memref<!tpu.dma_semaphore, #tpu.memory_space<semaphore_mem>>) attributes {dimension_semantics = [#tpu.dimension_semantics<core_parallel>, #tpu.dimension_semantics<subcore_parallel>], iteration_bounds = array<i64: 2, 16>, scalar_prefetch = 0 : i64, scratch_operands = 8 : i64, tpu.core_type = #tpu.core_type<sc_vector_subcore>, window_params = [{transform_indices = #map}, {transform_indices = #map1}, {transform_indices = #map1}, {transform_indices = #map}, {transform_indices = #map2}]} {
    %mul3A = arith.constant 2 : i32
    %mul3A_0 = arith.muli %arg1, %mul3A : i32
    %add3A = arith.addi %mul3A_0, %arg0 : i32
    "tpu.region"() ({
      %run_scoped3A_169 = tpu.sem_alloc : memref<!tpu.dma_semaphore, #tpu.memory_space<semaphore_mem>>
      tpu.enqueue_dma source(%arg5 : memref<64x128xf32, #tpu.memory_space<hbm>>) target(%arg9 : memref<64x128xf32, #tpu.memory_space<vmem>>) target_semaphore(%run_scoped3A_169 : memref<!tpu.dma_semaphore, #tpu.memory_space<semaphore_mem>>)
      tpu.wait_dma2 semaphore(%run_scoped3A_169 : memref<!tpu.dma_semaphore, #tpu.memory_space<semaphore_mem>>) src(%arg5 : memref<64x128xf32, #tpu.memory_space<hbm>>) dst(%arg9 : memref<64x128xf32, #tpu.memory_space<vmem>>)
      tpu.yield
    }) : () -> ()
    %mul3A_1 = arith.constant 632 : i32
    %mul3A_2 = arith.muli %arg1, %mul3A_1 : i32
    %add3A_3 = arith.constant 0 : i32
    %add3A_4 = arith.addi %mul3A_2, %add3A_3 : i32
    "tpu.region"() ({
      %run_scoped3A_169 = tpu.sem_alloc : memref<!tpu.dma_semaphore, #tpu.memory_space<semaphore_mem>>
      %dma_start3A_170 = arith.constant 0 : i32
      %dma_start3A_171 = tpu.memref_slice %arg13[%add3A_4, %dma_start3A_170] : memref<10112x128xf32, #tpu.memory_space<vmem_shared>> -> memref<64x128xf32, #tpu.memory_space<vmem_shared>>
      %dma_start3A_172 = arith.constant 0 : i32
      %dma_start3A_173 = tpu.memref_slice %arg13[%add3A_4, %dma_start3A_172] : memref<10112x128xf32, #tpu.memory_space<vmem_shared>> -> memref<64x128xf32, #tpu.memory_space<vmem_shared>>
      tpu.enqueue_dma source(%arg9 : memref<64x128xf32, #tpu.memory_space<vmem>>) target(%dma_start3A_173 : memref<64x128xf32, #tpu.memory_space<vmem_shared>>) target_semaphore(%run_scoped3A_169 : memref<!tpu.dma_semaphore, #tpu.memory_space<semaphore_mem>>)
      %dma_wait3A = arith.constant 0 : i32
      %dma_wait3A_174 = tpu.memref_slice %arg13[%add3A_4, %dma_wait3A] : memref<10112x128xf32, #tpu.memory_space<vmem_shared>> -> memref<64x128xf32, #tpu.memory_space<vmem_shared>>
      %dma_wait3A_175 = arith.constant 0 : i32
      %dma_wait3A_176 = tpu.memref_slice %arg13[%add3A_4, %dma_wait3A_175] : memref<10112x128xf32, #tpu.memory_space<vmem_shared>> -> memref<64x128xf32, #tpu.memory_space<vmem_shared>>
      tpu.wait_dma2 semaphore(%run_scoped3A_169 : memref<!tpu.dma_semaphore, #tpu.memory_space<semaphore_mem>>) src(%arg9 : memref<64x128xf32, #tpu.memory_space<vmem>>) dst(%dma_wait3A_176 : memref<64x128xf32, #tpu.memory_space<vmem_shared>>)
      tpu.yield
    }) : () -> ()
    %add3A_5 = arith.constant 64 : i32
    %add3A_6 = arith.addi %mul3A_2, %add3A_5 : i32
    "tpu.region"() ({
      %run_scoped3A_169 = tpu.sem_alloc : memref<!tpu.dma_semaphore, #tpu.memory_space<semaphore_mem>>
      %dma_start3A_170 = arith.constant 0 : i32
      %dma_start3A_171 = tpu.memref_slice %arg13[%add3A_6, %dma_start3A_170] : memref<10112x128xf32, #tpu.memory_space<vmem_shared>> -> memref<64x128xf32, #tpu.memory_space<vmem_shared>>
      %dma_start3A_172 = arith.constant 0 : i32
      %dma_start3A_173 = tpu.memref_slice %arg13[%add3A_6, %dma_start3A_172] : memref<10112x128xf32, #tpu.memory_space<vmem_shared>> -> memref<64x128xf32, #tpu.memory_space<vmem_shared>>
      tpu.enqueue_dma source(%arg9 : memref<64x128xf32, #tpu.memory_space<vmem>>) target(%dma_start3A_173 : memref<64x128xf32, #tpu.memory_space<vmem_shared>>) target_semaphore(%run_scoped3A_169 : memref<!tpu.dma_semaphore, #tpu.memory_space<semaphore_mem>>)
      %dma_wait3A = arith.constant 0 : i32
      %dma_wait3A_174 = tpu.memref_slice %arg13[%add3A_6, %dma_wait3A] : memref<10112x128xf32, #tpu.memory_space<vmem_shared>> -> memref<64x128xf32, #tpu.memory_space<vmem_shared>>
      %dma_wait3A_175 = arith.constant 0 : i32
      %dma_wait3A_176 = tpu.memref_slice %arg13[%add3A_6, %dma_wait3A_175] : memref<10112x128xf32, #tpu.memory_space<vmem_shared>> -> memref<64x128xf32, #tpu.memory_space<vmem_shared>>
      tpu.wait_dma2 semaphore(%run_scoped3A_169 : memref<!tpu.dma_semaphore, #tpu.memory_space<semaphore_mem>>) src(%arg9 : memref<64x128xf32, #tpu.memory_space<vmem>>) dst(%dma_wait3A_176 : memref<64x128xf32, #tpu.memory_space<vmem_shared>>)
      tpu.yield
    }) : () -> ()
    %add3A_7 = arith.constant 128 : i32
    %add3A_8 = arith.addi %mul3A_2, %add3A_7 : i32
    "tpu.region"() ({
      %run_scoped3A_169 = tpu.sem_alloc : memref<!tpu.dma_semaphore, #tpu.memory_space<semaphore_mem>>
      %dma_start3A_170 = arith.constant 0 : i32
      %dma_start3A_171 = tpu.memref_slice %arg13[%add3A_8, %dma_start3A_170] : memref<10112x128xf32, #tpu.memory_space<vmem_shared>> -> memref<64x128xf32, #tpu.memory_space<vmem_shared>>
      %dma_start3A_172 = arith.constant 0 : i32
      %dma_start3A_173 = tpu.memref_slice %arg13[%add3A_8, %dma_start3A_172] : memref<10112x128xf32, #tpu.memory_space<vmem_shared>> -> memref<64x128xf32, #tpu.memory_space<vmem_shared>>
      tpu.enqueue_dma source(%arg9 : memref<64x128xf32, #tpu.memory_space<vmem>>) target(%dma_start3A_173 : memref<64x128xf32, #tpu.memory_space<vmem_shared>>) target_semaphore(%run_scoped3A_169 : memref<!tpu.dma_semaphore, #tpu.memory_space<semaphore_mem>>)
      %dma_wait3A = arith.constant 0 : i32
      %dma_wait3A_174 = tpu.memref_slice %arg13[%add3A_8, %dma_wait3A] : memref<10112x128xf32, #tpu.memory_space<vmem_shared>> -> memref<64x128xf32, #tpu.memory_space<vmem_shared>>
      %dma_wait3A_175 = arith.constant 0 : i32
      %dma_wait3A_176 = tpu.memref_slice %arg13[%add3A_8, %dma_wait3A_175] : memref<10112x128xf32, #tpu.memory_space<vmem_shared>> -> memref<64x128xf32, #tpu.memory_space<vmem_shared>>
      tpu.wait_dma2 semaphore(%run_scoped3A_169 : memref<!tpu.dma_semaphore, #tpu.memory_space<semaphore_mem>>) src(%arg9 : memref<64x128xf32, #tpu.memory_space<vmem>>) dst(%dma_wait3A_176 : memref<64x128xf32, #tpu.memory_space<vmem_shared>>)
      tpu.yield
    }) : () -> ()
    %add3A_9 = arith.constant 192 : i32
    %add3A_10 = arith.addi %mul3A_2, %add3A_9 : i32
    "tpu.region"() ({
      %run_scoped3A_169 = tpu.sem_alloc : memref<!tpu.dma_semaphore, #tpu.memory_space<semaphore_mem>>
      %dma_start3A_170 = arith.constant 0 : i32
      %dma_start3A_171 = tpu.memref_slice %arg13[%add3A_10, %dma_start3A_170] : memref<10112x128xf32, #tpu.memory_space<vmem_shared>> -> memref<64x128xf32, #tpu.memory_space<vmem_shared>>
      %dma_start3A_172 = arith.constant 0 : i32
      %dma_start3A_173 = tpu.memref_slice %arg13[%add3A_10, %dma_start3A_172] : memref<10112x128xf32, #tpu.memory_space<vmem_shared>> -> memref<64x128xf32, #tpu.memory_space<vmem_shared>>
      tpu.enqueue_dma source(%arg9 : memref<64x128xf32, #tpu.memory_space<vmem>>) target(%dma_start3A_173 : memref<64x128xf32, #tpu.memory_space<vmem_shared>>) target_semaphore(%run_scoped3A_169 : memref<!tpu.dma_semaphore, #tpu.memory_space<semaphore_mem>>)
      %dma_wait3A = arith.constant 0 : i32
      %dma_wait3A_174 = tpu.memref_slice %arg13[%add3A_10, %dma_wait3A] : memref<10112x128xf32, #tpu.memory_space<vmem_shared>> -> memref<64x128xf32, #tpu.memory_space<vmem_shared>>
      %dma_wait3A_175 = arith.constant 0 : i32
      %dma_wait3A_176 = tpu.memref_slice %arg13[%add3A_10, %dma_wait3A_175] : memref<10112x128xf32, #tpu.memory_space<vmem_shared>> -> memref<64x128xf32, #tpu.memory_space<vmem_shared>>
      tpu.wait_dma2 semaphore(%run_scoped3A_169 : memref<!tpu.dma_semaphore, #tpu.memory_space<semaphore_mem>>) src(%arg9 : memref<64x128xf32, #tpu.memory_space<vmem>>) dst(%dma_wait3A_176 : memref<64x128xf32, #tpu.memory_space<vmem_shared>>)
      tpu.yield
    }) : () -> ()
    %add3A_11 = arith.constant 256 : i32
    %add3A_12 = arith.addi %mul3A_2, %add3A_11 : i32
    "tpu.region"() ({
      %run_scoped3A_169 = tpu.sem_alloc : memref<!tpu.dma_semaphore, #tpu.memory_space<semaphore_mem>>
      %dma_start3A_170 = arith.constant 0 : i32
      %dma_start3A_171 = tpu.memref_slice %arg13[%add3A_12, %dma_start3A_170] : memref<10112x128xf32, #tpu.memory_space<vmem_shared>> -> memref<64x128xf32, #tpu.memory_space<vmem_shared>>
      %dma_start3A_172 = arith.constant 0 : i32
      %dma_start3A_173 = tpu.memref_slice %arg13[%add3A_12, %dma_start3A_172] : memref<10112x128xf32, #tpu.memory_space<vmem_shared>> -> memref<64x128xf32, #tpu.memory_space<vmem_shared>>
      tpu.enqueue_dma source(%arg9 : memref<64x128xf32, #tpu.memory_space<vmem>>) target(%dma_start3A_173 : memref<64x128xf32, #tpu.memory_space<vmem_shared>>) target_semaphore(%run_scoped3A_169 : memref<!tpu.dma_semaphore, #tpu.memory_space<semaphore_mem>>)
      %dma_wait3A = arith.constant 0 : i32
      %dma_wait3A_174 = tpu.memref_slice %arg13[%add3A_12, %dma_wait3A] : memref<10112x128xf32, #tpu.memory_space<vmem_shared>> -> memref<64x128xf32, #tpu.memory_space<vmem_shared>>
      %dma_wait3A_175 = arith.constant 0 : i32
      %dma_wait3A_176 = tpu.memref_slice %arg13[%add3A_12, %dma_wait3A_175] : memref<10112x128xf32, #tpu.memory_space<vmem_shared>> -> memref<64x128xf32, #tpu.memory_space<vmem_shared>>
      tpu.wait_dma2 semaphore(%run_scoped3A_169 : memref<!tpu.dma_semaphore, #tpu.memory_space<semaphore_mem>>) src(%arg9 : memref<64x128xf32, #tpu.memory_space<vmem>>) dst(%dma_wait3A_176 : memref<64x128xf32, #tpu.memory_space<vmem_shared>>)
      tpu.yield
    }) : () -> ()
    %add3A_13 = arith.constant 320 : i32
    %add3A_14 = arith.addi %mul3A_2, %add3A_13 : i32
    "tpu.region"() ({
      %run_scoped3A_169 = tpu.sem_alloc : memref<!tpu.dma_semaphore, #tpu.memory_space<semaphore_mem>>
      %dma_start3A_170 = arith.constant 0 : i32
      %dma_start3A_171 = tpu.memref_slice %arg13[%add3A_14, %dma_start3A_170] : memref<10112x128xf32, #tpu.memory_space<vmem_shared>> -> memref<64x128xf32, #tpu.memory_space<vmem_shared>>
      %dma_start3A_172 = arith.constant 0 : i32
      %dma_start3A_173 = tpu.memref_slice %arg13[%add3A_14, %dma_start3A_172] : memref<10112x128xf32, #tpu.memory_space<vmem_shared>> -> memref<64x128xf32, #tpu.memory_space<vmem_shared>>
      tpu.enqueue_dma source(%arg9 : memref<64x128xf32, #tpu.memory_space<vmem>>) target(%dma_start3A_173 : memref<64x128xf32, #tpu.memory_space<vmem_shared>>) target_semaphore(%run_scoped3A_169 : memref<!tpu.dma_semaphore, #tpu.memory_space<semaphore_mem>>)
      %dma_wait3A = arith.constant 0 : i32
      %dma_wait3A_174 = tpu.memref_slice %arg13[%add3A_14, %dma_wait3A] : memref<10112x128xf32, #tpu.memory_space<vmem_shared>> -> memref<64x128xf32, #tpu.memory_space<vmem_shared>>
      %dma_wait3A_175 = arith.constant 0 : i32
      %dma_wait3A_176 = tpu.memref_slice %arg13[%add3A_14, %dma_wait3A_175] : memref<10112x128xf32, #tpu.memory_space<vmem_shared>> -> memref<64x128xf32, #tpu.memory_space<vmem_shared>>
      tpu.wait_dma2 semaphore(%run_scoped3A_169 : memref<!tpu.dma_semaphore, #tpu.memory_space<semaphore_mem>>) src(%arg9 : memref<64x128xf32, #tpu.memory_space<vmem>>) dst(%dma_wait3A_176 : memref<64x128xf32, #tpu.memory_space<vmem_shared>>)
      tpu.yield
    }) : () -> ()
    %add3A_15 = arith.constant 384 : i32
    %add3A_16 = arith.addi %mul3A_2, %add3A_15 : i32
    "tpu.region"() ({
      %run_scoped3A_169 = tpu.sem_alloc : memref<!tpu.dma_semaphore, #tpu.memory_space<semaphore_mem>>
      %dma_start3A_170 = arith.constant 0 : i32
      %dma_start3A_171 = tpu.memref_slice %arg13[%add3A_16, %dma_start3A_170] : memref<10112x128xf32, #tpu.memory_space<vmem_shared>> -> memref<64x128xf32, #tpu.memory_space<vmem_shared>>
      %dma_start3A_172 = arith.constant 0 : i32
      %dma_start3A_173 = tpu.memref_slice %arg13[%add3A_16, %dma_start3A_172] : memref<10112x128xf32, #tpu.memory_space<vmem_shared>> -> memref<64x128xf32, #tpu.memory_space<vmem_shared>>
      tpu.enqueue_dma source(%arg9 : memref<64x128xf32, #tpu.memory_space<vmem>>) target(%dma_start3A_173 : memref<64x128xf32, #tpu.memory_space<vmem_shared>>) target_semaphore(%run_scoped3A_169 : memref<!tpu.dma_semaphore, #tpu.memory_space<semaphore_mem>>)
      %dma_wait3A = arith.constant 0 : i32
      %dma_wait3A_174 = tpu.memref_slice %arg13[%add3A_16, %dma_wait3A] : memref<10112x128xf32, #tpu.memory_space<vmem_shared>> -> memref<64x128xf32, #tpu.memory_space<vmem_shared>>
      %dma_wait3A_175 = arith.constant 0 : i32
      %dma_wait3A_176 = tpu.memref_slice %arg13[%add3A_16, %dma_wait3A_175] : memref<10112x128xf32, #tpu.memory_space<vmem_shared>> -> memref<64x128xf32, #tpu.memory_space<vmem_shared>>
      tpu.wait_dma2 semaphore(%run_scoped3A_169 : memref<!tpu.dma_semaphore, #tpu.memory_space<semaphore_mem>>) src(%arg9 : memref<64x128xf32, #tpu.memory_space<vmem>>) dst(%dma_wait3A_176 : memref<64x128xf32, #tpu.memory_space<vmem_shared>>)
      tpu.yield
    }) : () -> ()
    %add3A_17 = arith.constant 448 : i32
    %add3A_18 = arith.addi %mul3A_2, %add3A_17 : i32
    "tpu.region"() ({
      %run_scoped3A_169 = tpu.sem_alloc : memref<!tpu.dma_semaphore, #tpu.memory_space<semaphore_mem>>
      %dma_start3A_170 = arith.constant 0 : i32
      %dma_start3A_171 = tpu.memref_slice %arg13[%add3A_18, %dma_start3A_170] : memref<10112x128xf32, #tpu.memory_space<vmem_shared>> -> memref<64x128xf32, #tpu.memory_space<vmem_shared>>
      %dma_start3A_172 = arith.constant 0 : i32
      %dma_start3A_173 = tpu.memref_slice %arg13[%add3A_18, %dma_start3A_172] : memref<10112x128xf32, #tpu.memory_space<vmem_shared>> -> memref<64x128xf32, #tpu.memory_space<vmem_shared>>
      tpu.enqueue_dma source(%arg9 : memref<64x128xf32, #tpu.memory_space<vmem>>) target(%dma_start3A_173 : memref<64x128xf32, #tpu.memory_space<vmem_shared>>) target_semaphore(%run_scoped3A_169 : memref<!tpu.dma_semaphore, #tpu.memory_space<semaphore_mem>>)
      %dma_wait3A = arith.constant 0 : i32
      %dma_wait3A_174 = tpu.memref_slice %arg13[%add3A_18, %dma_wait3A] : memref<10112x128xf32, #tpu.memory_space<vmem_shared>> -> memref<64x128xf32, #tpu.memory_space<vmem_shared>>
      %dma_wait3A_175 = arith.constant 0 : i32
      %dma_wait3A_176 = tpu.memref_slice %arg13[%add3A_18, %dma_wait3A_175] : memref<10112x128xf32, #tpu.memory_space<vmem_shared>> -> memref<64x128xf32, #tpu.memory_space<vmem_shared>>
      tpu.wait_dma2 semaphore(%run_scoped3A_169 : memref<!tpu.dma_semaphore, #tpu.memory_space<semaphore_mem>>) src(%arg9 : memref<64x128xf32, #tpu.memory_space<vmem>>) dst(%dma_wait3A_176 : memref<64x128xf32, #tpu.memory_space<vmem_shared>>)
      tpu.yield
    }) : () -> ()
    %add3A_19 = arith.constant 512 : i32
    %add3A_20 = arith.addi %mul3A_2, %add3A_19 : i32
    "tpu.region"() ({
      %run_scoped3A_169 = tpu.sem_alloc : memref<!tpu.dma_semaphore, #tpu.memory_space<semaphore_mem>>
      %dma_start3A_170 = arith.constant 0 : i32
      %dma_start3A_171 = tpu.memref_slice %arg13[%add3A_20, %dma_start3A_170] : memref<10112x128xf32, #tpu.memory_space<vmem_shared>> -> memref<64x128xf32, #tpu.memory_space<vmem_shared>>
      %dma_start3A_172 = arith.constant 0 : i32
      %dma_start3A_173 = tpu.memref_slice %arg13[%add3A_20, %dma_start3A_172] : memref<10112x128xf32, #tpu.memory_space<vmem_shared>> -> memref<64x128xf32, #tpu.memory_space<vmem_shared>>
      tpu.enqueue_dma source(%arg9 : memref<64x128xf32, #tpu.memory_space<vmem>>) target(%dma_start3A_173 : memref<64x128xf32, #tpu.memory_space<vmem_shared>>) target_semaphore(%run_scoped3A_169 : memref<!tpu.dma_semaphore, #tpu.memory_space<semaphore_mem>>)
      %dma_wait3A = arith.constant 0 : i32
      %dma_wait3A_174 = tpu.memref_slice %arg13[%add3A_20, %dma_wait3A] : memref<10112x128xf32, #tpu.memory_space<vmem_shared>> -> memref<64x128xf32, #tpu.memory_space<vmem_shared>>
      %dma_wait3A_175 = arith.constant 0 : i32
      %dma_wait3A_176 = tpu.memref_slice %arg13[%add3A_20, %dma_wait3A_175] : memref<10112x128xf32, #tpu.memory_space<vmem_shared>> -> memref<64x128xf32, #tpu.memory_space<vmem_shared>>
      tpu.wait_dma2 semaphore(%run_scoped3A_169 : memref<!tpu.dma_semaphore, #tpu.memory_space<semaphore_mem>>) src(%arg9 : memref<64x128xf32, #tpu.memory_space<vmem>>) dst(%dma_wait3A_176 : memref<64x128xf32, #tpu.memory_space<vmem_shared>>)
      tpu.yield
    }) : () -> ()
    %add3A_21 = arith.constant 576 : i32
    %add3A_22 = arith.addi %mul3A_2, %add3A_21 : i32
    "tpu.region"() ({
      %run_scoped3A_169 = tpu.sem_alloc : memref<!tpu.dma_semaphore, #tpu.memory_space<semaphore_mem>>
      %dma_start3A_170 = arith.constant 0 : i32
      %dma_start3A_171 = arith.constant 0 : i32
      %dma_start3A_172 = tpu.memref_slice %arg9[%dma_start3A_170, %dma_start3A_171] : memref<64x128xf32, #tpu.memory_space<vmem>> -> memref<56x128xf32, #tpu.memory_space<vmem>>
      %dma_start3A_173 = arith.constant 0 : i32
      %dma_start3A_174 = tpu.memref_slice %arg13[%add3A_22, %dma_start3A_173] : memref<10112x128xf32, #tpu.memory_space<vmem_shared>> -> memref<56x128xf32, #tpu.memory_space<vmem_shared>>
      %dma_start3A_175 = arith.constant 0 : i32
      %dma_start3A_176 = tpu.memref_slice %arg13[%add3A_22, %dma_start3A_175] : memref<10112x128xf32, #tpu.memory_space<vmem_shared>> -> memref<56x128xf32, #tpu.memory_space<vmem_shared>>
      %dma_start3A_177 = arith.constant 0 : i32
      %dma_start3A_178 = arith.constant 0 : i32
      %dma_start3A_179 = tpu.memref_slice %arg9[%dma_start3A_177, %dma_start3A_178] : memref<64x128xf32, #tpu.memory_space<vmem>> -> memref<56x128xf32, #tpu.memory_space<vmem>>
      tpu.enqueue_dma source(%dma_start3A_179 : memref<56x128xf32, #tpu.memory_space<vmem>>) target(%dma_start3A_176 : memref<56x128xf32, #tpu.memory_space<vmem_shared>>) target_semaphore(%run_scoped3A_169 : memref<!tpu.dma_semaphore, #tpu.memory_space<semaphore_mem>>)
      %dma_wait3A = arith.constant 0 : i32
      %dma_wait3A_180 = arith.constant 0 : i32
      %dma_wait3A_181 = tpu.memref_slice %arg9[%dma_wait3A, %dma_wait3A_180] : memref<64x128xf32, #tpu.memory_space<vmem>> -> memref<56x128xf32, #tpu.memory_space<vmem>>
      %dma_wait3A_182 = arith.constant 0 : i32
      %dma_wait3A_183 = tpu.memref_slice %arg13[%add3A_22, %dma_wait3A_182] : memref<10112x128xf32, #tpu.memory_space<vmem_shared>> -> memref<56x128xf32, #tpu.memory_space<vmem_shared>>
      %dma_wait3A_184 = arith.constant 0 : i32
      %dma_wait3A_185 = tpu.memref_slice %arg13[%add3A_22, %dma_wait3A_184] : memref<10112x128xf32, #tpu.memory_space<vmem_shared>> -> memref<56x128xf32, #tpu.memory_space<vmem_shared>>
      %dma_wait3A_186 = arith.constant 0 : i32
      %dma_wait3A_187 = arith.constant 0 : i32
      %dma_wait3A_188 = tpu.memref_slice %arg9[%dma_wait3A_186, %dma_wait3A_187] : memref<64x128xf32, #tpu.memory_space<vmem>> -> memref<56x128xf32, #tpu.memory_space<vmem>>
      tpu.wait_dma2 semaphore(%run_scoped3A_169 : memref<!tpu.dma_semaphore, #tpu.memory_space<semaphore_mem>>) src(%dma_wait3A_188 : memref<56x128xf32, #tpu.memory_space<vmem>>) dst(%dma_wait3A_185 : memref<56x128xf32, #tpu.memory_space<vmem_shared>>)
      tpu.yield
    }) : () -> ()
    %barrier3A = arith.constant 0 : index
    tpu.barrier barrier_id(%barrier3A)
    %run_scoped3A = arith.constant 0 : i32
    "tpu.region"() ({
      %run_scoped3A_169 = tpu.sem_alloc : memref<!tpu.dma_semaphore, #tpu.memory_space<semaphore_mem>>
      %dma_start3A_170 = arith.constant 0 : i32
      %dma_start3A_171 = arith.constant 0 : i32
      %dma_start3A_172 = tpu.memref_slice %arg3[%add3A, %run_scoped3A, %dma_start3A_170, %dma_start3A_171] : memref<32x4x40x64xi32, #tpu.memory_space<hbm>> -> memref<1x1x40x64xi32, #tpu.memory_space<hbm>>
      %dma_start3A_173 = tpu.memref_squeeze %dma_start3A_172 : memref<1x1x40x64xi32, #tpu.memory_space<hbm>> -> memref<40x64xi32, #tpu.memory_space<hbm>>
      %dma_start3A_174 = arith.constant 0 : i32
      %dma_start3A_175 = arith.constant 0 : i32
      %dma_start3A_176 = tpu.memref_slice %arg3[%add3A, %run_scoped3A, %dma_start3A_174, %dma_start3A_175] : memref<32x4x40x64xi32, #tpu.memory_space<hbm>> -> memref<1x1x40x64xi32, #tpu.memory_space<hbm>>
      %dma_start3A_177 = tpu.memref_squeeze %dma_start3A_176 : memref<1x1x40x64xi32, #tpu.memory_space<hbm>> -> memref<40x64xi32, #tpu.memory_space<hbm>>
      tpu.enqueue_dma source(%dma_start3A_177 : memref<40x64xi32, #tpu.memory_space<hbm>>) target(%arg7 : memref<40x64xi32, #tpu.memory_space<vmem>>) target_semaphore(%run_scoped3A_169 : memref<!tpu.dma_semaphore, #tpu.memory_space<semaphore_mem>>)
      %dma_wait3A = arith.constant 0 : i32
      %dma_wait3A_178 = arith.constant 0 : i32
      %dma_wait3A_179 = tpu.memref_slice %arg3[%add3A, %run_scoped3A, %dma_wait3A, %dma_wait3A_178] : memref<32x4x40x64xi32, #tpu.memory_space<hbm>> -> memref<1x1x40x64xi32, #tpu.memory_space<hbm>>
      %dma_wait3A_180 = tpu.memref_squeeze %dma_wait3A_179 : memref<1x1x40x64xi32, #tpu.memory_space<hbm>> -> memref<40x64xi32, #tpu.memory_space<hbm>>
      %dma_wait3A_181 = arith.constant 0 : i32
      %dma_wait3A_182 = arith.constant 0 : i32
      %dma_wait3A_183 = tpu.memref_slice %arg3[%add3A, %run_scoped3A, %dma_wait3A_181, %dma_wait3A_182] : memref<32x4x40x64xi32, #tpu.memory_space<hbm>> -> memref<1x1x40x64xi32, #tpu.memory_space<hbm>>
      %dma_wait3A_184 = tpu.memref_squeeze %dma_wait3A_183 : memref<1x1x40x64xi32, #tpu.memory_space<hbm>> -> memref<40x64xi32, #tpu.memory_space<hbm>>
      tpu.wait_dma2 semaphore(%run_scoped3A_169 : memref<!tpu.dma_semaphore, #tpu.memory_space<semaphore_mem>>) src(%dma_wait3A_184 : memref<40x64xi32, #tpu.memory_space<hbm>>) dst(%arg7 : memref<40x64xi32, #tpu.memory_space<vmem>>)
      tpu.yield
    }) : () -> ()
    %run_scoped3A_23 = arith.constant 0 : i32
    "tpu.region"() ({
      %run_scoped3A_169 = tpu.sem_alloc : memref<!tpu.dma_semaphore, #tpu.memory_space<semaphore_mem>>
      %dma_start3A_170 = arith.constant 0 : i32
      %dma_start3A_171 = arith.constant 0 : i32
      %dma_start3A_172 = tpu.memref_slice %arg4[%add3A, %run_scoped3A_23, %dma_start3A_170, %dma_start3A_171] : memref<32x4x40x64xi32, #tpu.memory_space<hbm>> -> memref<1x1x40x64xi32, #tpu.memory_space<hbm>>
      %dma_start3A_173 = tpu.memref_squeeze %dma_start3A_172 : memref<1x1x40x64xi32, #tpu.memory_space<hbm>> -> memref<40x64xi32, #tpu.memory_space<hbm>>
      %dma_start3A_174 = arith.constant 0 : i32
      %dma_start3A_175 = arith.constant 0 : i32
      %dma_start3A_176 = tpu.memref_slice %arg4[%add3A, %run_scoped3A_23, %dma_start3A_174, %dma_start3A_175] : memref<32x4x40x64xi32, #tpu.memory_space<hbm>> -> memref<1x1x40x64xi32, #tpu.memory_space<hbm>>
      %dma_start3A_177 = tpu.memref_squeeze %dma_start3A_176 : memref<1x1x40x64xi32, #tpu.memory_space<hbm>> -> memref<40x64xi32, #tpu.memory_space<hbm>>
      tpu.enqueue_dma source(%dma_start3A_177 : memref<40x64xi32, #tpu.memory_space<hbm>>) target(%arg8 : memref<40x64xi32, #tpu.memory_space<vmem>>) target_semaphore(%run_scoped3A_169 : memref<!tpu.dma_semaphore, #tpu.memory_space<semaphore_mem>>)
      %dma_wait3A = arith.constant 0 : i32
      %dma_wait3A_178 = arith.constant 0 : i32
      %dma_wait3A_179 = tpu.memref_slice %arg4[%add3A, %run_scoped3A_23, %dma_wait3A, %dma_wait3A_178] : memref<32x4x40x64xi32, #tpu.memory_space<hbm>> -> memref<1x1x40x64xi32, #tpu.memory_space<hbm>>
      %dma_wait3A_180 = tpu.memref_squeeze %dma_wait3A_179 : memref<1x1x40x64xi32, #tpu.memory_space<hbm>> -> memref<40x64xi32, #tpu.memory_space<hbm>>
      %dma_wait3A_181 = arith.constant 0 : i32
      %dma_wait3A_182 = arith.constant 0 : i32
      %dma_wait3A_183 = tpu.memref_slice %arg4[%add3A, %run_scoped3A_23, %dma_wait3A_181, %dma_wait3A_182] : memref<32x4x40x64xi32, #tpu.memory_space<hbm>> -> memref<1x1x40x64xi32, #tpu.memory_space<hbm>>
      %dma_wait3A_184 = tpu.memref_squeeze %dma_wait3A_183 : memref<1x1x40x64xi32, #tpu.memory_space<hbm>> -> memref<40x64xi32, #tpu.memory_space<hbm>>
      tpu.wait_dma2 semaphore(%run_scoped3A_169 : memref<!tpu.dma_semaphore, #tpu.memory_space<semaphore_mem>>) src(%dma_wait3A_184 : memref<40x64xi32, #tpu.memory_space<hbm>>) dst(%arg8 : memref<40x64xi32, #tpu.memory_space<vmem>>)
      tpu.yield
    }) : () -> ()
    %dma_start3A = arith.constant 0 : i32
    %dma_start3A_24 = arith.constant 0 : i32
    %dma_start3A_25 = tpu.memref_slice %arg7[%dma_start3A, %dma_start3A_24] : memref<40x64xi32, #tpu.memory_space<vmem>> -> memref<1x64xi32, #tpu.memory_space<vmem>>
    %dma_start3A_26 = tpu.memref_squeeze %dma_start3A_25 : memref<1x64xi32, #tpu.memory_space<vmem>> -> memref<64xi32, #tpu.memory_space<vmem>>
    %dma_start3A_27 = arith.constant 0 : i32
    %dma_start3A_28 = arith.constant 0 : i32
    %dma_start3A_29 = tpu.memref_slice %arg2[%dma_start3A_27, %dma_start3A_28] : memref<40000x128xf32, #tpu.memory_space<hbm>> -> memref<40000x128xf32, #tpu.memory_space<hbm>>
    tpu.enqueue_indirect_dma source(%dma_start3A_29 : memref<40000x128xf32, #tpu.memory_space<hbm>>) target(%arg9 : memref<64x128xf32, #tpu.memory_space<vmem>>) offsets(%dma_start3A_26 : memref<64xi32, #tpu.memory_space<vmem>>) semaphore(%arg14 : memref<!tpu.dma_semaphore, #tpu.memory_space<semaphore_mem>>)
    %dma_start3A_30 = arith.constant 1 : i32
    %dma_start3A_31 = arith.constant 0 : i32
    %dma_start3A_32 = tpu.memref_slice %arg7[%dma_start3A_30, %dma_start3A_31] : memref<40x64xi32, #tpu.memory_space<vmem>> -> memref<1x64xi32, #tpu.memory_space<vmem>>
    %dma_start3A_33 = tpu.memref_squeeze %dma_start3A_32 : memref<1x64xi32, #tpu.memory_space<vmem>> -> memref<64xi32, #tpu.memory_space<vmem>>
    %dma_start3A_34 = arith.constant 0 : i32
    %dma_start3A_35 = arith.constant 0 : i32
    %dma_start3A_36 = tpu.memref_slice %arg2[%dma_start3A_34, %dma_start3A_35] : memref<40000x128xf32, #tpu.memory_space<hbm>> -> memref<40000x128xf32, #tpu.memory_space<hbm>>
    tpu.enqueue_indirect_dma source(%dma_start3A_36 : memref<40000x128xf32, #tpu.memory_space<hbm>>) target(%arg10 : memref<64x128xf32, #tpu.memory_space<vmem>>) offsets(%dma_start3A_33 : memref<64xi32, #tpu.memory_space<vmem>>) semaphore(%arg14 : memref<!tpu.dma_semaphore, #tpu.memory_space<semaphore_mem>>)
    %dma_start3A_37 = arith.constant 2 : i32
    %dma_start3A_38 = arith.constant 0 : i32
    %dma_start3A_39 = tpu.memref_slice %arg7[%dma_start3A_37, %dma_start3A_38] : memref<40x64xi32, #tpu.memory_space<vmem>> -> memref<1x64xi32, #tpu.memory_space<vmem>>
    %dma_start3A_40 = tpu.memref_squeeze %dma_start3A_39 : memref<1x64xi32, #tpu.memory_space<vmem>> -> memref<64xi32, #tpu.memory_space<vmem>>
    %dma_start3A_41 = arith.constant 0 : i32
    %dma_start3A_42 = arith.constant 0 : i32
    %dma_start3A_43 = tpu.memref_slice %arg2[%dma_start3A_41, %dma_start3A_42] : memref<40000x128xf32, #tpu.memory_space<hbm>> -> memref<40000x128xf32, #tpu.memory_space<hbm>>
    tpu.enqueue_indirect_dma source(%dma_start3A_43 : memref<40000x128xf32, #tpu.memory_space<hbm>>) target(%arg11 : memref<64x128xf32, #tpu.memory_space<vmem>>) offsets(%dma_start3A_40 : memref<64xi32, #tpu.memory_space<vmem>>) semaphore(%arg14 : memref<!tpu.dma_semaphore, #tpu.memory_space<semaphore_mem>>)
    %dma_start3A_44 = arith.constant 3 : i32
    %dma_start3A_45 = arith.constant 0 : i32
    %dma_start3A_46 = tpu.memref_slice %arg7[%dma_start3A_44, %dma_start3A_45] : memref<40x64xi32, #tpu.memory_space<vmem>> -> memref<1x64xi32, #tpu.memory_space<vmem>>
    %dma_start3A_47 = tpu.memref_squeeze %dma_start3A_46 : memref<1x64xi32, #tpu.memory_space<vmem>> -> memref<64xi32, #tpu.memory_space<vmem>>
    %dma_start3A_48 = arith.constant 0 : i32
    %dma_start3A_49 = arith.constant 0 : i32
    %dma_start3A_50 = tpu.memref_slice %arg2[%dma_start3A_48, %dma_start3A_49] : memref<40000x128xf32, #tpu.memory_space<hbm>> -> memref<40000x128xf32, #tpu.memory_space<hbm>>
    tpu.enqueue_indirect_dma source(%dma_start3A_50 : memref<40000x128xf32, #tpu.memory_space<hbm>>) target(%arg12 : memref<64x128xf32, #tpu.memory_space<vmem>>) offsets(%dma_start3A_47 : memref<64xi32, #tpu.memory_space<vmem>>) semaphore(%arg14 : memref<!tpu.dma_semaphore, #tpu.memory_space<semaphore_mem>>)
    %scan3A = arith.constant 0 : i32
    %scan3A_51 = arith.constant 0 : i32
    %scan3A_52 = arith.constant 10 : i32
    %scan3A_53 = arith.addi %scan3A_51, %scan3A_52 : i32
    %scan3A_54 = arith.constant 1 : i32
    scf.for %scan3A_169 = %scan3A_51 to %scan3A_53 step %scan3A_54  : i32 {
      %mul3A_170 = arith.constant 4 : i32
      %mul3A_171 = arith.muli %mul3A_170, %scan3A_169 : i32
      %add3A_172 = arith.constant 0 : i32
      %add3A_173 = arith.addi %mul3A_171, %add3A_172 : i32
      %dma_wait3A = arith.constant 0 : i32
      %dma_wait3A_174 = tpu.memref_slice %arg7[%add3A_173, %dma_wait3A] : memref<40x64xi32, #tpu.memory_space<vmem>> -> memref<1x64xi32, #tpu.memory_space<vmem>>
      %dma_wait3A_175 = tpu.memref_squeeze %dma_wait3A_174 : memref<1x64xi32, #tpu.memory_space<vmem>> -> memref<64xi32, #tpu.memory_space<vmem>>
      %dma_wait3A_176 = arith.constant 0 : i32
      %dma_wait3A_177 = arith.constant 0 : i32
      %dma_wait3A_178 = tpu.memref_slice %arg2[%dma_wait3A_176, %dma_wait3A_177] : memref<40000x128xf32, #tpu.memory_space<hbm>> -> memref<40000x128xf32, #tpu.memory_space<hbm>>
      tpu.wait_indirect_dma semaphore(%arg14 : memref<!tpu.dma_semaphore, #tpu.memory_space<semaphore_mem>>) src(%dma_wait3A_178 : memref<40000x128xf32, #tpu.memory_space<hbm>>) dst(%arg9 : memref<64x128xf32, #tpu.memory_space<vmem>>)
      "tpu.region"() ({
        %run_scoped3A_236 = tpu.sem_alloc : memref<!tpu.dma_semaphore, #tpu.memory_space<semaphore_mem>>
        %dma_start3A_237 = arith.constant 0 : i32
        %dma_start3A_238 = tpu.memref_slice %arg8[%add3A_173, %dma_start3A_237] : memref<40x64xi32, #tpu.memory_space<vmem>> -> memref<1x64xi32, #tpu.memory_space<vmem>>
        %dma_start3A_239 = tpu.memref_squeeze %dma_start3A_238 : memref<1x64xi32, #tpu.memory_space<vmem>> -> memref<64xi32, #tpu.memory_space<vmem>>
        %dma_start3A_240 = arith.constant 0 : i32
        %dma_start3A_241 = arith.constant 0 : i32
        %dma_start3A_242 = tpu.memref_slice %arg13[%dma_start3A_240, %dma_start3A_241] : memref<10112x128xf32, #tpu.memory_space<vmem_shared>> -> memref<10112x128xf32, #tpu.memory_space<vmem_shared>>
        tpu.enqueue_indirect_dma source(%arg9 : memref<64x128xf32, #tpu.memory_space<vmem>>) target(%dma_start3A_242 : memref<10112x128xf32, #tpu.memory_space<vmem_shared>>) offsets(%dma_start3A_239 : memref<64xi32, #tpu.memory_space<vmem>>) semaphore(%run_scoped3A_236 : memref<!tpu.dma_semaphore, #tpu.memory_space<semaphore_mem>>) {add = true}
        %dma_wait3A_243 = arith.constant 0 : i32
        %dma_wait3A_244 = tpu.memref_slice %arg8[%add3A_173, %dma_wait3A_243] : memref<40x64xi32, #tpu.memory_space<vmem>> -> memref<1x64xi32, #tpu.memory_space<vmem>>
        %dma_wait3A_245 = tpu.memref_squeeze %dma_wait3A_244 : memref<1x64xi32, #tpu.memory_space<vmem>> -> memref<64xi32, #tpu.memory_space<vmem>>
        %dma_wait3A_246 = arith.constant 0 : i32
        %dma_wait3A_247 = arith.constant 0 : i32
        %dma_wait3A_248 = tpu.memref_slice %arg13[%dma_wait3A_246, %dma_wait3A_247] : memref<10112x128xf32, #tpu.memory_space<vmem_shared>> -> memref<10112x128xf32, #tpu.memory_space<vmem_shared>>
        tpu.wait_indirect_dma semaphore(%run_scoped3A_236 : memref<!tpu.dma_semaphore, #tpu.memory_space<semaphore_mem>>) src(%arg9 : memref<64x128xf32, #tpu.memory_space<vmem>>) dst(%dma_wait3A_248 : memref<10112x128xf32, #tpu.memory_space<vmem_shared>>)
        tpu.yield
      }) : () -> ()
      %add3A_179 = arith.constant 4 : i32
      %add3A_180 = arith.addi %add3A_173, %add3A_179 : i32
      %lt3A = arith.constant 40 : i32
      %lt3A_181 = arith.cmpi slt, %add3A_180, %lt3A : i32
      %convert_element_type3A_182 = arith.extui %lt3A_181 : i1 to i32
      %cond3A_183 = arith.constant 0 : i32
      %cond3A_184 = arith.cmpi ne, %convert_element_type3A_182, %cond3A_183 : i32
      scf.if %cond3A_184 {
        %add3A_236 = arith.constant 4 : i32
        %add3A_237 = arith.addi %add3A_173, %add3A_236 : i32
        %dma_start3A_238 = arith.constant 0 : i32
        %dma_start3A_239 = tpu.memref_slice %arg7[%add3A_237, %dma_start3A_238] : memref<40x64xi32, #tpu.memory_space<vmem>> -> memref<1x64xi32, #tpu.memory_space<vmem>>
        %dma_start3A_240 = tpu.memref_squeeze %dma_start3A_239 : memref<1x64xi32, #tpu.memory_space<vmem>> -> memref<64xi32, #tpu.memory_space<vmem>>
        %dma_start3A_241 = arith.constant 0 : i32
        %dma_start3A_242 = arith.constant 0 : i32
        %dma_start3A_243 = tpu.memref_slice %arg2[%dma_start3A_241, %dma_start3A_242] : memref<40000x128xf32, #tpu.memory_space<hbm>> -> memref<40000x128xf32, #tpu.memory_space<hbm>>
        tpu.enqueue_indirect_dma source(%dma_start3A_243 : memref<40000x128xf32, #tpu.memory_space<hbm>>) target(%arg9 : memref<64x128xf32, #tpu.memory_space<vmem>>) offsets(%dma_start3A_240 : memref<64xi32, #tpu.memory_space<vmem>>) semaphore(%arg14 : memref<!tpu.dma_semaphore, #tpu.memory_space<semaphore_mem>>)
      } else {
      }
      %mul3A_185 = arith.constant 4 : i32
      %mul3A_186 = arith.muli %mul3A_185, %scan3A_169 : i32
      %add3A_187 = arith.constant 1 : i32
      %add3A_188 = arith.addi %mul3A_186, %add3A_187 : i32
      %dma_wait3A_189 = arith.constant 0 : i32
      %dma_wait3A_190 = tpu.memref_slice %arg7[%add3A_188, %dma_wait3A_189] : memref<40x64xi32, #tpu.memory_space<vmem>> -> memref<1x64xi32, #tpu.memory_space<vmem>>
      %dma_wait3A_191 = tpu.memref_squeeze %dma_wait3A_190 : memref<1x64xi32, #tpu.memory_space<vmem>> -> memref<64xi32, #tpu.memory_space<vmem>>
      %dma_wait3A_192 = arith.constant 0 : i32
      %dma_wait3A_193 = arith.constant 0 : i32
      %dma_wait3A_194 = tpu.memref_slice %arg2[%dma_wait3A_192, %dma_wait3A_193] : memref<40000x128xf32, #tpu.memory_space<hbm>> -> memref<40000x128xf32, #tpu.memory_space<hbm>>
      tpu.wait_indirect_dma semaphore(%arg14 : memref<!tpu.dma_semaphore, #tpu.memory_space<semaphore_mem>>) src(%dma_wait3A_194 : memref<40000x128xf32, #tpu.memory_space<hbm>>) dst(%arg10 : memref<64x128xf32, #tpu.memory_space<vmem>>)
      "tpu.region"() ({
        %run_scoped3A_236 = tpu.sem_alloc : memref<!tpu.dma_semaphore, #tpu.memory_space<semaphore_mem>>
        %dma_start3A_237 = arith.constant 0 : i32
        %dma_start3A_238 = tpu.memref_slice %arg8[%add3A_188, %dma_start3A_237] : memref<40x64xi32, #tpu.memory_space<vmem>> -> memref<1x64xi32, #tpu.memory_space<vmem>>
        %dma_start3A_239 = tpu.memref_squeeze %dma_start3A_238 : memref<1x64xi32, #tpu.memory_space<vmem>> -> memref<64xi32, #tpu.memory_space<vmem>>
        %dma_start3A_240 = arith.constant 0 : i32
        %dma_start3A_241 = arith.constant 0 : i32
        %dma_start3A_242 = tpu.memref_slice %arg13[%dma_start3A_240, %dma_start3A_241] : memref<10112x128xf32, #tpu.memory_space<vmem_shared>> -> memref<10112x128xf32, #tpu.memory_space<vmem_shared>>
        tpu.enqueue_indirect_dma source(%arg10 : memref<64x128xf32, #tpu.memory_space<vmem>>) target(%dma_start3A_242 : memref<10112x128xf32, #tpu.memory_space<vmem_shared>>) offsets(%dma_start3A_239 : memref<64xi32, #tpu.memory_space<vmem>>) semaphore(%run_scoped3A_236 : memref<!tpu.dma_semaphore, #tpu.memory_space<semaphore_mem>>) {add = true}
        %dma_wait3A_243 = arith.constant 0 : i32
        %dma_wait3A_244 = tpu.memref_slice %arg8[%add3A_188, %dma_wait3A_243] : memref<40x64xi32, #tpu.memory_space<vmem>> -> memref<1x64xi32, #tpu.memory_space<vmem>>
        %dma_wait3A_245 = tpu.memref_squeeze %dma_wait3A_244 : memref<1x64xi32, #tpu.memory_space<vmem>> -> memref<64xi32, #tpu.memory_space<vmem>>
        %dma_wait3A_246 = arith.constant 0 : i32
        %dma_wait3A_247 = arith.constant 0 : i32
        %dma_wait3A_248 = tpu.memref_slice %arg13[%dma_wait3A_246, %dma_wait3A_247] : memref<10112x128xf32, #tpu.memory_space<vmem_shared>> -> memref<10112x128xf32, #tpu.memory_space<vmem_shared>>
        tpu.wait_indirect_dma semaphore(%run_scoped3A_236 : memref<!tpu.dma_semaphore, #tpu.memory_space<semaphore_mem>>) src(%arg10 : memref<64x128xf32, #tpu.memory_space<vmem>>) dst(%dma_wait3A_248 : memref<10112x128xf32, #tpu.memory_space<vmem_shared>>)
        tpu.yield
      }) : () -> ()
      %add3A_195 = arith.constant 4 : i32
      %add3A_196 = arith.addi %add3A_188, %add3A_195 : i32
      %lt3A_197 = arith.constant 40 : i32
      %lt3A_198 = arith.cmpi slt, %add3A_196, %lt3A_197 : i32
      %convert_element_type3A_199 = arith.extui %lt3A_198 : i1 to i32
      %cond3A_200 = arith.constant 0 : i32
      %cond3A_201 = arith.cmpi ne, %convert_element_type3A_199, %cond3A_200 : i32
      scf.if %cond3A_201 {
        %add3A_236 = arith.constant 4 : i32
        %add3A_237 = arith.addi %add3A_188, %add3A_236 : i32
        %dma_start3A_238 = arith.constant 0 : i32
        %dma_start3A_239 = tpu.memref_slice %arg7[%add3A_237, %dma_start3A_238] : memref<40x64xi32, #tpu.memory_space<vmem>> -> memref<1x64xi32, #tpu.memory_space<vmem>>
        %dma_start3A_240 = tpu.memref_squeeze %dma_start3A_239 : memref<1x64xi32, #tpu.memory_space<vmem>> -> memref<64xi32, #tpu.memory_space<vmem>>
        %dma_start3A_241 = arith.constant 0 : i32
        %dma_start3A_242 = arith.constant 0 : i32
        %dma_start3A_243 = tpu.memref_slice %arg2[%dma_start3A_241, %dma_start3A_242] : memref<40000x128xf32, #tpu.memory_space<hbm>> -> memref<40000x128xf32, #tpu.memory_space<hbm>>
        tpu.enqueue_indirect_dma source(%dma_start3A_243 : memref<40000x128xf32, #tpu.memory_space<hbm>>) target(%arg10 : memref<64x128xf32, #tpu.memory_space<vmem>>) offsets(%dma_start3A_240 : memref<64xi32, #tpu.memory_space<vmem>>) semaphore(%arg14 : memref<!tpu.dma_semaphore, #tpu.memory_space<semaphore_mem>>)
      } else {
      }
      %mul3A_202 = arith.constant 4 : i32
      %mul3A_203 = arith.muli %mul3A_202, %scan3A_169 : i32
      %add3A_204 = arith.constant 2 : i32
      %add3A_205 = arith.addi %mul3A_203, %add3A_204 : i32
      %dma_wait3A_206 = arith.constant 0 : i32
      %dma_wait3A_207 = tpu.memref_slice %arg7[%add3A_205, %dma_wait3A_206] : memref<40x64xi32, #tpu.memory_space<vmem>> -> memref<1x64xi32, #tpu.memory_space<vmem>>
      %dma_wait3A_208 = tpu.memref_squeeze %dma_wait3A_207 : memref<1x64xi32, #tpu.memory_space<vmem>> -> memref<64xi32, #tpu.memory_space<vmem>>
      %dma_wait3A_209 = arith.constant 0 : i32
      %dma_wait3A_210 = arith.constant 0 : i32
      %dma_wait3A_211 = tpu.memref_slice %arg2[%dma_wait3A_209, %dma_wait3A_210] : memref<40000x128xf32, #tpu.memory_space<hbm>> -> memref<40000x128xf32, #tpu.memory_space<hbm>>
      tpu.wait_indirect_dma semaphore(%arg14 : memref<!tpu.dma_semaphore, #tpu.memory_space<semaphore_mem>>) src(%dma_wait3A_211 : memref<40000x128xf32, #tpu.memory_space<hbm>>) dst(%arg11 : memref<64x128xf32, #tpu.memory_space<vmem>>)
      "tpu.region"() ({
        %run_scoped3A_236 = tpu.sem_alloc : memref<!tpu.dma_semaphore, #tpu.memory_space<semaphore_mem>>
        %dma_start3A_237 = arith.constant 0 : i32
        %dma_start3A_238 = tpu.memref_slice %arg8[%add3A_205, %dma_start3A_237] : memref<40x64xi32, #tpu.memory_space<vmem>> -> memref<1x64xi32, #tpu.memory_space<vmem>>
        %dma_start3A_239 = tpu.memref_squeeze %dma_start3A_238 : memref<1x64xi32, #tpu.memory_space<vmem>> -> memref<64xi32, #tpu.memory_space<vmem>>
        %dma_start3A_240 = arith.constant 0 : i32
        %dma_start3A_241 = arith.constant 0 : i32
        %dma_start3A_242 = tpu.memref_slice %arg13[%dma_start3A_240, %dma_start3A_241] : memref<10112x128xf32, #tpu.memory_space<vmem_shared>> -> memref<10112x128xf32, #tpu.memory_space<vmem_shared>>
        tpu.enqueue_indirect_dma source(%arg11 : memref<64x128xf32, #tpu.memory_space<vmem>>) target(%dma_start3A_242 : memref<10112x128xf32, #tpu.memory_space<vmem_shared>>) offsets(%dma_start3A_239 : memref<64xi32, #tpu.memory_space<vmem>>) semaphore(%run_scoped3A_236 : memref<!tpu.dma_semaphore, #tpu.memory_space<semaphore_mem>>) {add = true}
        %dma_wait3A_243 = arith.constant 0 : i32
        %dma_wait3A_244 = tpu.memref_slice %arg8[%add3A_205, %dma_wait3A_243] : memref<40x64xi32, #tpu.memory_space<vmem>> -> memref<1x64xi32, #tpu.memory_space<vmem>>
        %dma_wait3A_245 = tpu.memref_squeeze %dma_wait3A_244 : memref<1x64xi32, #tpu.memory_space<vmem>> -> memref<64xi32, #tpu.memory_space<vmem>>
        %dma_wait3A_246 = arith.constant 0 : i32
        %dma_wait3A_247 = arith.constant 0 : i32
        %dma_wait3A_248 = tpu.memref_slice %arg13[%dma_wait3A_246, %dma_wait3A_247] : memref<10112x128xf32, #tpu.memory_space<vmem_shared>> -> memref<10112x128xf32, #tpu.memory_space<vmem_shared>>
        tpu.wait_indirect_dma semaphore(%run_scoped3A_236 : memref<!tpu.dma_semaphore, #tpu.memory_space<semaphore_mem>>) src(%arg11 : memref<64x128xf32, #tpu.memory_space<vmem>>) dst(%dma_wait3A_248 : memref<10112x128xf32, #tpu.memory_space<vmem_shared>>)
        tpu.yield
      }) : () -> ()
      %add3A_212 = arith.constant 4 : i32
      %add3A_213 = arith.addi %add3A_205, %add3A_212 : i32
      %lt3A_214 = arith.constant 40 : i32
      %lt3A_215 = arith.cmpi slt, %add3A_213, %lt3A_214 : i32
      %convert_element_type3A_216 = arith.extui %lt3A_215 : i1 to i32
      %cond3A_217 = arith.constant 0 : i32
      %cond3A_218 = arith.cmpi ne, %convert_element_type3A_216, %cond3A_217 : i32
      scf.if %cond3A_218 {
        %add3A_236 = arith.constant 4 : i32
        %add3A_237 = arith.addi %add3A_205, %add3A_236 : i32
        %dma_start3A_238 = arith.constant 0 : i32
        %dma_start3A_239 = tpu.memref_slice %arg7[%add3A_237, %dma_start3A_238] : memref<40x64xi32, #tpu.memory_space<vmem>> -> memref<1x64xi32, #tpu.memory_space<vmem>>
        %dma_start3A_240 = tpu.memref_squeeze %dma_start3A_239 : memref<1x64xi32, #tpu.memory_space<vmem>> -> memref<64xi32, #tpu.memory_space<vmem>>
        %dma_start3A_241 = arith.constant 0 : i32
        %dma_start3A_242 = arith.constant 0 : i32
        %dma_start3A_243 = tpu.memref_slice %arg2[%dma_start3A_241, %dma_start3A_242] : memref<40000x128xf32, #tpu.memory_space<hbm>> -> memref<40000x128xf32, #tpu.memory_space<hbm>>
        tpu.enqueue_indirect_dma source(%dma_start3A_243 : memref<40000x128xf32, #tpu.memory_space<hbm>>) target(%arg11 : memref<64x128xf32, #tpu.memory_space<vmem>>) offsets(%dma_start3A_240 : memref<64xi32, #tpu.memory_space<vmem>>) semaphore(%arg14 : memref<!tpu.dma_semaphore, #tpu.memory_space<semaphore_mem>>)
      } else {
      }
      %mul3A_219 = arith.constant 4 : i32
      %mul3A_220 = arith.muli %mul3A_219, %scan3A_169 : i32
      %add3A_221 = arith.constant 3 : i32
      %add3A_222 = arith.addi %mul3A_220, %add3A_221 : i32
      %dma_wait3A_223 = arith.constant 0 : i32
      %dma_wait3A_224 = tpu.memref_slice %arg7[%add3A_222, %dma_wait3A_223] : memref<40x64xi32, #tpu.memory_space<vmem>> -> memref<1x64xi32, #tpu.memory_space<vmem>>
      %dma_wait3A_225 = tpu.memref_squeeze %dma_wait3A_224 : memref<1x64xi32, #tpu.memory_space<vmem>> -> memref<64xi32, #tpu.memory_space<vmem>>
      %dma_wait3A_226 = arith.constant 0 : i32
      %dma_wait3A_227 = arith.constant 0 : i32
      %dma_wait3A_228 = tpu.memref_slice %arg2[%dma_wait3A_226, %dma_wait3A_227] : memref<40000x128xf32, #tpu.memory_space<hbm>> -> memref<40000x128xf32, #tpu.memory_space<hbm>>
      tpu.wait_indirect_dma semaphore(%arg14 : memref<!tpu.dma_semaphore, #tpu.memory_space<semaphore_mem>>) src(%dma_wait3A_228 : memref<40000x128xf32, #tpu.memory_space<hbm>>) dst(%arg12 : memref<64x128xf32, #tpu.memory_space<vmem>>)
      "tpu.region"() ({
        %run_scoped3A_236 = tpu.sem_alloc : memref<!tpu.dma_semaphore, #tpu.memory_space<semaphore_mem>>
        %dma_start3A_237 = arith.constant 0 : i32
        %dma_start3A_238 = tpu.memref_slice %arg8[%add3A_222, %dma_start3A_237] : memref<40x64xi32, #tpu.memory_space<vmem>> -> memref<1x64xi32, #tpu.memory_space<vmem>>
        %dma_start3A_239 = tpu.memref_squeeze %dma_start3A_238 : memref<1x64xi32, #tpu.memory_space<vmem>> -> memref<64xi32, #tpu.memory_space<vmem>>
        %dma_start3A_240 = arith.constant 0 : i32
        %dma_start3A_241 = arith.constant 0 : i32
        %dma_start3A_242 = tpu.memref_slice %arg13[%dma_start3A_240, %dma_start3A_241] : memref<10112x128xf32, #tpu.memory_space<vmem_shared>> -> memref<10112x128xf32, #tpu.memory_space<vmem_shared>>
        tpu.enqueue_indirect_dma source(%arg12 : memref<64x128xf32, #tpu.memory_space<vmem>>) target(%dma_start3A_242 : memref<10112x128xf32, #tpu.memory_space<vmem_shared>>) offsets(%dma_start3A_239 : memref<64xi32, #tpu.memory_space<vmem>>) semaphore(%run_scoped3A_236 : memref<!tpu.dma_semaphore, #tpu.memory_space<semaphore_mem>>) {add = true}
        %dma_wait3A_243 = arith.constant 0 : i32
        %dma_wait3A_244 = tpu.memref_slice %arg8[%add3A_222, %dma_wait3A_243] : memref<40x64xi32, #tpu.memory_space<vmem>> -> memref<1x64xi32, #tpu.memory_space<vmem>>
        %dma_wait3A_245 = tpu.memref_squeeze %dma_wait3A_244 : memref<1x64xi32, #tpu.memory_space<vmem>> -> memref<64xi32, #tpu.memory_space<vmem>>
        %dma_wait3A_246 = arith.constant 0 : i32
        %dma_wait3A_247 = arith.constant 0 : i32
        %dma_wait3A_248 = tpu.memref_slice %arg13[%dma_wait3A_246, %dma_wait3A_247] : memref<10112x128xf32, #tpu.memory_space<vmem_shared>> -> memref<10112x128xf32, #tpu.memory_space<vmem_shared>>
        tpu.wait_indirect_dma semaphore(%run_scoped3A_236 : memref<!tpu.dma_semaphore, #tpu.memory_space<semaphore_mem>>) src(%arg12 : memref<64x128xf32, #tpu.memory_space<vmem>>) dst(%dma_wait3A_248 : memref<10112x128xf32, #tpu.memory_space<vmem_shared>>)
        tpu.yield
      }) : () -> ()
      %add3A_229 = arith.constant 4 : i32
      %add3A_230 = arith.addi %add3A_222, %add3A_229 : i32
      %lt3A_231 = arith.constant 40 : i32
      %lt3A_232 = arith.cmpi slt, %add3A_230, %lt3A_231 : i32
      %convert_element_type3A_233 = arith.extui %lt3A_232 : i1 to i32
      %cond3A_234 = arith.constant 0 : i32
      %cond3A_235 = arith.cmpi ne, %convert_element_type3A_233, %cond3A_234 : i32
      scf.if %cond3A_235 {
        %add3A_236 = arith.constant 4 : i32
        %add3A_237 = arith.addi %add3A_222, %add3A_236 : i32
        %dma_start3A_238 = arith.constant 0 : i32
        %dma_start3A_239 = tpu.memref_slice %arg7[%add3A_237, %dma_start3A_238] : memref<40x64xi32, #tpu.memory_space<vmem>> -> memref<1x64xi32, #tpu.memory_space<vmem>>
        %dma_start3A_240 = tpu.memref_squeeze %dma_start3A_239 : memref<1x64xi32, #tpu.memory_space<vmem>> -> memref<64xi32, #tpu.memory_space<vmem>>
        %dma_start3A_241 = arith.constant 0 : i32
        %dma_start3A_242 = arith.constant 0 : i32
        %dma_start3A_243 = tpu.memref_slice %arg2[%dma_start3A_241, %dma_start3A_242] : memref<40000x128xf32, #tpu.memory_space<hbm>> -> memref<40000x128xf32, #tpu.memory_space<hbm>>
        tpu.enqueue_indirect_dma source(%dma_start3A_243 : memref<40000x128xf32, #tpu.memory_space<hbm>>) target(%arg12 : memref<64x128xf32, #tpu.memory_space<vmem>>) offsets(%dma_start3A_240 : memref<64xi32, #tpu.memory_space<vmem>>) semaphore(%arg14 : memref<!tpu.dma_semaphore, #tpu.memory_space<semaphore_mem>>)
      } else {
      }
    }
    %scan3A_55 = arith.constant 10 : i32
    %run_scoped3A_56 = arith.constant 1 : i32
    "tpu.region"() ({
      %run_scoped3A_169 = tpu.sem_alloc : memref<!tpu.dma_semaphore, #tpu.memory_space<semaphore_mem>>
      %dma_start3A_170 = arith.constant 0 : i32
      %dma_start3A_171 = arith.constant 0 : i32
      %dma_start3A_172 = tpu.memref_slice %arg3[%add3A, %run_scoped3A_56, %dma_start3A_170, %dma_start3A_171] : memref<32x4x40x64xi32, #tpu.memory_space<hbm>> -> memref<1x1x40x64xi32, #tpu.memory_space<hbm>>
      %dma_start3A_173 = tpu.memref_squeeze %dma_start3A_172 : memref<1x1x40x64xi32, #tpu.memory_space<hbm>> -> memref<40x64xi32, #tpu.memory_space<hbm>>
      %dma_start3A_174 = arith.constant 0 : i32
      %dma_start3A_175 = arith.constant 0 : i32
      %dma_start3A_176 = tpu.memref_slice %arg3[%add3A, %run_scoped3A_56, %dma_start3A_174, %dma_start3A_175] : memref<32x4x40x64xi32, #tpu.memory_space<hbm>> -> memref<1x1x40x64xi32, #tpu.memory_space<hbm>>
      %dma_start3A_177 = tpu.memref_squeeze %dma_start3A_176 : memref<1x1x40x64xi32, #tpu.memory_space<hbm>> -> memref<40x64xi32, #tpu.memory_space<hbm>>
      tpu.enqueue_dma source(%dma_start3A_177 : memref<40x64xi32, #tpu.memory_space<hbm>>) target(%arg7 : memref<40x64xi32, #tpu.memory_space<vmem>>) target_semaphore(%run_scoped3A_169 : memref<!tpu.dma_semaphore, #tpu.memory_space<semaphore_mem>>)
      %dma_wait3A = arith.constant 0 : i32
      %dma_wait3A_178 = arith.constant 0 : i32
      %dma_wait3A_179 = tpu.memref_slice %arg3[%add3A, %run_scoped3A_56, %dma_wait3A, %dma_wait3A_178] : memref<32x4x40x64xi32, #tpu.memory_space<hbm>> -> memref<1x1x40x64xi32, #tpu.memory_space<hbm>>
      %dma_wait3A_180 = tpu.memref_squeeze %dma_wait3A_179 : memref<1x1x40x64xi32, #tpu.memory_space<hbm>> -> memref<40x64xi32, #tpu.memory_space<hbm>>
      %dma_wait3A_181 = arith.constant 0 : i32
      %dma_wait3A_182 = arith.constant 0 : i32
      %dma_wait3A_183 = tpu.memref_slice %arg3[%add3A, %run_scoped3A_56, %dma_wait3A_181, %dma_wait3A_182] : memref<32x4x40x64xi32, #tpu.memory_space<hbm>> -> memref<1x1x40x64xi32, #tpu.memory_space<hbm>>
      %dma_wait3A_184 = tpu.memref_squeeze %dma_wait3A_183 : memref<1x1x40x64xi32, #tpu.memory_space<hbm>> -> memref<40x64xi32, #tpu.memory_space<hbm>>
      tpu.wait_dma2 semaphore(%run_scoped3A_169 : memref<!tpu.dma_semaphore, #tpu.memory_space<semaphore_mem>>) src(%dma_wait3A_184 : memref<40x64xi32, #tpu.memory_space<hbm>>) dst(%arg7 : memref<40x64xi32, #tpu.memory_space<vmem>>)
      tpu.yield
    }) : () -> ()
    %run_scoped3A_57 = arith.constant 1 : i32
    "tpu.region"() ({
      %run_scoped3A_169 = tpu.sem_alloc : memref<!tpu.dma_semaphore, #tpu.memory_space<semaphore_mem>>
      %dma_start3A_170 = arith.constant 0 : i32
      %dma_start3A_171 = arith.constant 0 : i32
      %dma_start3A_172 = tpu.memref_slice %arg4[%add3A, %run_scoped3A_57, %dma_start3A_170, %dma_start3A_171] : memref<32x4x40x64xi32, #tpu.memory_space<hbm>> -> memref<1x1x40x64xi32, #tpu.memory_space<hbm>>
      %dma_start3A_173 = tpu.memref_squeeze %dma_start3A_172 : memref<1x1x40x64xi32, #tpu.memory_space<hbm>> -> memref<40x64xi32, #tpu.memory_space<hbm>>
      %dma_start3A_174 = arith.constant 0 : i32
      %dma_start3A_175 = arith.constant 0 : i32
      %dma_start3A_176 = tpu.memref_slice %arg4[%add3A, %run_scoped3A_57, %dma_start3A_174, %dma_start3A_175] : memref<32x4x40x64xi32, #tpu.memory_space<hbm>> -> memref<1x1x40x64xi32, #tpu.memory_space<hbm>>
      %dma_start3A_177 = tpu.memref_squeeze %dma_start3A_176 : memref<1x1x40x64xi32, #tpu.memory_space<hbm>> -> memref<40x64xi32, #tpu.memory_space<hbm>>
      tpu.enqueue_dma source(%dma_start3A_177 : memref<40x64xi32, #tpu.memory_space<hbm>>) target(%arg8 : memref<40x64xi32, #tpu.memory_space<vmem>>) target_semaphore(%run_scoped3A_169 : memref<!tpu.dma_semaphore, #tpu.memory_space<semaphore_mem>>)
      %dma_wait3A = arith.constant 0 : i32
      %dma_wait3A_178 = arith.constant 0 : i32
      %dma_wait3A_179 = tpu.memref_slice %arg4[%add3A, %run_scoped3A_57, %dma_wait3A, %dma_wait3A_178] : memref<32x4x40x64xi32, #tpu.memory_space<hbm>> -> memref<1x1x40x64xi32, #tpu.memory_space<hbm>>
      %dma_wait3A_180 = tpu.memref_squeeze %dma_wait3A_179 : memref<1x1x40x64xi32, #tpu.memory_space<hbm>> -> memref<40x64xi32, #tpu.memory_space<hbm>>
      %dma_wait3A_181 = arith.constant 0 : i32
      %dma_wait3A_182 = arith.constant 0 : i32
      %dma_wait3A_183 = tpu.memref_slice %arg4[%add3A, %run_scoped3A_57, %dma_wait3A_181, %dma_wait3A_182] : memref<32x4x40x64xi32, #tpu.memory_space<hbm>> -> memref<1x1x40x64xi32, #tpu.memory_space<hbm>>
      %dma_wait3A_184 = tpu.memref_squeeze %dma_wait3A_183 : memref<1x1x40x64xi32, #tpu.memory_space<hbm>> -> memref<40x64xi32, #tpu.memory_space<hbm>>
      tpu.wait_dma2 semaphore(%run_scoped3A_169 : memref<!tpu.dma_semaphore, #tpu.memory_space<semaphore_mem>>) src(%dma_wait3A_184 : memref<40x64xi32, #tpu.memory_space<hbm>>) dst(%arg8 : memref<40x64xi32, #tpu.memory_space<vmem>>)
      tpu.yield
    }) : () -> ()
    %dma_start3A_58 = arith.constant 0 : i32
    %dma_start3A_59 = arith.constant 0 : i32
    %dma_start3A_60 = tpu.memref_slice %arg7[%dma_start3A_58, %dma_start3A_59] : memref<40x64xi32, #tpu.memory_space<vmem>> -> memref<1x64xi32, #tpu.memory_space<vmem>>
    %dma_start3A_61 = tpu.memref_squeeze %dma_start3A_60 : memref<1x64xi32, #tpu.memory_space<vmem>> -> memref<64xi32, #tpu.memory_space<vmem>>
    %dma_start3A_62 = arith.constant 0 : i32
    %dma_start3A_63 = arith.constant 0 : i32
    %dma_start3A_64 = tpu.memref_slice %arg2[%dma_start3A_62, %dma_start3A_63] : memref<40000x128xf32, #tpu.memory_space<hbm>> -> memref<40000x128xf32, #tpu.memory_space<hbm>>
    tpu.enqueue_indirect_dma source(%dma_start3A_64 : memref<40000x128xf32, #tpu.memory_space<hbm>>) target(%arg9 : memref<64x128xf32, #tpu.memory_space<vmem>>) offsets(%dma_start3A_61 : memref<64xi32, #tpu.memory_space<vmem>>) semaphore(%arg14 : memref<!tpu.dma_semaphore, #tpu.memory_space<semaphore_mem>>)
    %dma_start3A_65 = arith.constant 1 : i32
    %dma_start3A_66 = arith.constant 0 : i32
    %dma_start3A_67 = tpu.memref_slice %arg7[%dma_start3A_65, %dma_start3A_66] : memref<40x64xi32, #tpu.memory_space<vmem>> -> memref<1x64xi32, #tpu.memory_space<vmem>>
    %dma_start3A_68 = tpu.memref_squeeze %dma_start3A_67 : memref<1x64xi32, #tpu.memory_space<vmem>> -> memref<64xi32, #tpu.memory_space<vmem>>
    %dma_start3A_69 = arith.constant 0 : i32
    %dma_start3A_70 = arith.constant 0 : i32
    %dma_start3A_71 = tpu.memref_slice %arg2[%dma_start3A_69, %dma_start3A_70] : memref<40000x128xf32, #tpu.memory_space<hbm>> -> memref<40000x128xf32, #tpu.memory_space<hbm>>
    tpu.enqueue_indirect_dma source(%dma_start3A_71 : memref<40000x128xf32, #tpu.memory_space<hbm>>) target(%arg10 : memref<64x128xf32, #tpu.memory_space<vmem>>) offsets(%dma_start3A_68 : memref<64xi32, #tpu.memory_space<vmem>>) semaphore(%arg14 : memref<!tpu.dma_semaphore, #tpu.memory_space<semaphore_mem>>)
    %dma_start3A_72 = arith.constant 2 : i32
    %dma_start3A_73 = arith.constant 0 : i32
    %dma_start3A_74 = tpu.memref_slice %arg7[%dma_start3A_72, %dma_start3A_73] : memref<40x64xi32, #tpu.memory_space<vmem>> -> memref<1x64xi32, #tpu.memory_space<vmem>>
    %dma_start3A_75 = tpu.memref_squeeze %dma_start3A_74 : memref<1x64xi32, #tpu.memory_space<vmem>> -> memref<64xi32, #tpu.memory_space<vmem>>
    %dma_start3A_76 = arith.constant 0 : i32
    %dma_start3A_77 = arith.constant 0 : i32
    %dma_start3A_78 = tpu.memref_slice %arg2[%dma_start3A_76, %dma_start3A_77] : memref<40000x128xf32, #tpu.memory_space<hbm>> -> memref<40000x128xf32, #tpu.memory_space<hbm>>
    tpu.enqueue_indirect_dma source(%dma_start3A_78 : memref<40000x128xf32, #tpu.memory_space<hbm>>) target(%arg11 : memref<64x128xf32, #tpu.memory_space<vmem>>) offsets(%dma_start3A_75 : memref<64xi32, #tpu.memory_space<vmem>>) semaphore(%arg14 : memref<!tpu.dma_semaphore, #tpu.memory_space<semaphore_mem>>)
    %dma_start3A_79 = arith.constant 3 : i32
    %dma_start3A_80 = arith.constant 0 : i32
    %dma_start3A_81 = tpu.memref_slice %arg7[%dma_start3A_79, %dma_start3A_80] : memref<40x64xi32, #tpu.memory_space<vmem>> -> memref<1x64xi32, #tpu.memory_space<vmem>>
    %dma_start3A_82 = tpu.memref_squeeze %dma_start3A_81 : memref<1x64xi32, #tpu.memory_space<vmem>> -> memref<64xi32, #tpu.memory_space<vmem>>
    %dma_start3A_83 = arith.constant 0 : i32
    %dma_start3A_84 = arith.constant 0 : i32
    %dma_start3A_85 = tpu.memref_slice %arg2[%dma_start3A_83, %dma_start3A_84] : memref<40000x128xf32, #tpu.memory_space<hbm>> -> memref<40000x128xf32, #tpu.memory_space<hbm>>
    tpu.enqueue_indirect_dma source(%dma_start3A_85 : memref<40000x128xf32, #tpu.memory_space<hbm>>) target(%arg12 : memref<64x128xf32, #tpu.memory_space<vmem>>) offsets(%dma_start3A_82 : memref<64xi32, #tpu.memory_space<vmem>>) semaphore(%arg14 : memref<!tpu.dma_semaphore, #tpu.memory_space<semaphore_mem>>)
    %scan3A_86 = arith.constant 0 : i32
    %scan3A_87 = arith.constant 0 : i32
    %scan3A_88 = arith.constant 10 : i32
    %scan3A_89 = arith.addi %scan3A_87, %scan3A_88 : i32
    %scan3A_90 = arith.constant 1 : i32
    scf.for %scan3A_169 = %scan3A_87 to %scan3A_89 step %scan3A_90  : i32 {
      %mul3A_170 = arith.constant 4 : i32
      %mul3A_171 = arith.muli %mul3A_170, %scan3A_169 : i32
      %add3A_172 = arith.constant 0 : i32
      %add3A_173 = arith.addi %mul3A_171, %add3A_172 : i32
      %dma_wait3A = arith.constant 0 : i32
      %dma_wait3A_174 = tpu.memref_slice %arg7[%add3A_173, %dma_wait3A] : memref<40x64xi32, #tpu.memory_space<vmem>> -> memref<1x64xi32, #tpu.memory_space<vmem>>
      %dma_wait3A_175 = tpu.memref_squeeze %dma_wait3A_174 : memref<1x64xi32, #tpu.memory_space<vmem>> -> memref<64xi32, #tpu.memory_space<vmem>>
      %dma_wait3A_176 = arith.constant 0 : i32
      %dma_wait3A_177 = arith.constant 0 : i32
      %dma_wait3A_178 = tpu.memref_slice %arg2[%dma_wait3A_176, %dma_wait3A_177] : memref<40000x128xf32, #tpu.memory_space<hbm>> -> memref<40000x128xf32, #tpu.memory_space<hbm>>
      tpu.wait_indirect_dma semaphore(%arg14 : memref<!tpu.dma_semaphore, #tpu.memory_space<semaphore_mem>>) src(%dma_wait3A_178 : memref<40000x128xf32, #tpu.memory_space<hbm>>) dst(%arg9 : memref<64x128xf32, #tpu.memory_space<vmem>>)
      "tpu.region"() ({
        %run_scoped3A_236 = tpu.sem_alloc : memref<!tpu.dma_semaphore, #tpu.memory_space<semaphore_mem>>
        %dma_start3A_237 = arith.constant 0 : i32
        %dma_start3A_238 = tpu.memref_slice %arg8[%add3A_173, %dma_start3A_237] : memref<40x64xi32, #tpu.memory_space<vmem>> -> memref<1x64xi32, #tpu.memory_space<vmem>>
        %dma_start3A_239 = tpu.memref_squeeze %dma_start3A_238 : memref<1x64xi32, #tpu.memory_space<vmem>> -> memref<64xi32, #tpu.memory_space<vmem>>
        %dma_start3A_240 = arith.constant 0 : i32
        %dma_start3A_241 = arith.constant 0 : i32
        %dma_start3A_242 = tpu.memref_slice %arg13[%dma_start3A_240, %dma_start3A_241] : memref<10112x128xf32, #tpu.memory_space<vmem_shared>> -> memref<10112x128xf32, #tpu.memory_space<vmem_shared>>
        tpu.enqueue_indirect_dma source(%arg9 : memref<64x128xf32, #tpu.memory_space<vmem>>) target(%dma_start3A_242 : memref<10112x128xf32, #tpu.memory_space<vmem_shared>>) offsets(%dma_start3A_239 : memref<64xi32, #tpu.memory_space<vmem>>) semaphore(%run_scoped3A_236 : memref<!tpu.dma_semaphore, #tpu.memory_space<semaphore_mem>>) {add = true}
        %dma_wait3A_243 = arith.constant 0 : i32
        %dma_wait3A_244 = tpu.memref_slice %arg8[%add3A_173, %dma_wait3A_243] : memref<40x64xi32, #tpu.memory_space<vmem>> -> memref<1x64xi32, #tpu.memory_space<vmem>>
        %dma_wait3A_245 = tpu.memref_squeeze %dma_wait3A_244 : memref<1x64xi32, #tpu.memory_space<vmem>> -> memref<64xi32, #tpu.memory_space<vmem>>
        %dma_wait3A_246 = arith.constant 0 : i32
        %dma_wait3A_247 = arith.constant 0 : i32
        %dma_wait3A_248 = tpu.memref_slice %arg13[%dma_wait3A_246, %dma_wait3A_247] : memref<10112x128xf32, #tpu.memory_space<vmem_shared>> -> memref<10112x128xf32, #tpu.memory_space<vmem_shared>>
        tpu.wait_indirect_dma semaphore(%run_scoped3A_236 : memref<!tpu.dma_semaphore, #tpu.memory_space<semaphore_mem>>) src(%arg9 : memref<64x128xf32, #tpu.memory_space<vmem>>) dst(%dma_wait3A_248 : memref<10112x128xf32, #tpu.memory_space<vmem_shared>>)
        tpu.yield
      }) : () -> ()
      %add3A_179 = arith.constant 4 : i32
      %add3A_180 = arith.addi %add3A_173, %add3A_179 : i32
      %lt3A = arith.constant 40 : i32
      %lt3A_181 = arith.cmpi slt, %add3A_180, %lt3A : i32
      %convert_element_type3A_182 = arith.extui %lt3A_181 : i1 to i32
      %cond3A_183 = arith.constant 0 : i32
      %cond3A_184 = arith.cmpi ne, %convert_element_type3A_182, %cond3A_183 : i32
      scf.if %cond3A_184 {
        %add3A_236 = arith.constant 4 : i32
        %add3A_237 = arith.addi %add3A_173, %add3A_236 : i32
        %dma_start3A_238 = arith.constant 0 : i32
        %dma_start3A_239 = tpu.memref_slice %arg7[%add3A_237, %dma_start3A_238] : memref<40x64xi32, #tpu.memory_space<vmem>> -> memref<1x64xi32, #tpu.memory_space<vmem>>
        %dma_start3A_240 = tpu.memref_squeeze %dma_start3A_239 : memref<1x64xi32, #tpu.memory_space<vmem>> -> memref<64xi32, #tpu.memory_space<vmem>>
        %dma_start3A_241 = arith.constant 0 : i32
        %dma_start3A_242 = arith.constant 0 : i32
        %dma_start3A_243 = tpu.memref_slice %arg2[%dma_start3A_241, %dma_start3A_242] : memref<40000x128xf32, #tpu.memory_space<hbm>> -> memref<40000x128xf32, #tpu.memory_space<hbm>>
        tpu.enqueue_indirect_dma source(%dma_start3A_243 : memref<40000x128xf32, #tpu.memory_space<hbm>>) target(%arg9 : memref<64x128xf32, #tpu.memory_space<vmem>>) offsets(%dma_start3A_240 : memref<64xi32, #tpu.memory_space<vmem>>) semaphore(%arg14 : memref<!tpu.dma_semaphore, #tpu.memory_space<semaphore_mem>>)
      } else {
      }
      %mul3A_185 = arith.constant 4 : i32
      %mul3A_186 = arith.muli %mul3A_185, %scan3A_169 : i32
      %add3A_187 = arith.constant 1 : i32
      %add3A_188 = arith.addi %mul3A_186, %add3A_187 : i32
      %dma_wait3A_189 = arith.constant 0 : i32
      %dma_wait3A_190 = tpu.memref_slice %arg7[%add3A_188, %dma_wait3A_189] : memref<40x64xi32, #tpu.memory_space<vmem>> -> memref<1x64xi32, #tpu.memory_space<vmem>>
      %dma_wait3A_191 = tpu.memref_squeeze %dma_wait3A_190 : memref<1x64xi32, #tpu.memory_space<vmem>> -> memref<64xi32, #tpu.memory_space<vmem>>
      %dma_wait3A_192 = arith.constant 0 : i32
      %dma_wait3A_193 = arith.constant 0 : i32
      %dma_wait3A_194 = tpu.memref_slice %arg2[%dma_wait3A_192, %dma_wait3A_193] : memref<40000x128xf32, #tpu.memory_space<hbm>> -> memref<40000x128xf32, #tpu.memory_space<hbm>>
      tpu.wait_indirect_dma semaphore(%arg14 : memref<!tpu.dma_semaphore, #tpu.memory_space<semaphore_mem>>) src(%dma_wait3A_194 : memref<40000x128xf32, #tpu.memory_space<hbm>>) dst(%arg10 : memref<64x128xf32, #tpu.memory_space<vmem>>)
      "tpu.region"() ({
        %run_scoped3A_236 = tpu.sem_alloc : memref<!tpu.dma_semaphore, #tpu.memory_space<semaphore_mem>>
        %dma_start3A_237 = arith.constant 0 : i32
        %dma_start3A_238 = tpu.memref_slice %arg8[%add3A_188, %dma_start3A_237] : memref<40x64xi32, #tpu.memory_space<vmem>> -> memref<1x64xi32, #tpu.memory_space<vmem>>
        %dma_start3A_239 = tpu.memref_squeeze %dma_start3A_238 : memref<1x64xi32, #tpu.memory_space<vmem>> -> memref<64xi32, #tpu.memory_space<vmem>>
        %dma_start3A_240 = arith.constant 0 : i32
        %dma_start3A_241 = arith.constant 0 : i32
        %dma_start3A_242 = tpu.memref_slice %arg13[%dma_start3A_240, %dma_start3A_241] : memref<10112x128xf32, #tpu.memory_space<vmem_shared>> -> memref<10112x128xf32, #tpu.memory_space<vmem_shared>>
        tpu.enqueue_indirect_dma source(%arg10 : memref<64x128xf32, #tpu.memory_space<vmem>>) target(%dma_start3A_242 : memref<10112x128xf32, #tpu.memory_space<vmem_shared>>) offsets(%dma_start3A_239 : memref<64xi32, #tpu.memory_space<vmem>>) semaphore(%run_scoped3A_236 : memref<!tpu.dma_semaphore, #tpu.memory_space<semaphore_mem>>) {add = true}
        %dma_wait3A_243 = arith.constant 0 : i32
        %dma_wait3A_244 = tpu.memref_slice %arg8[%add3A_188, %dma_wait3A_243] : memref<40x64xi32, #tpu.memory_space<vmem>> -> memref<1x64xi32, #tpu.memory_space<vmem>>
        %dma_wait3A_245 = tpu.memref_squeeze %dma_wait3A_244 : memref<1x64xi32, #tpu.memory_space<vmem>> -> memref<64xi32, #tpu.memory_space<vmem>>
        %dma_wait3A_246 = arith.constant 0 : i32
        %dma_wait3A_247 = arith.constant 0 : i32
        %dma_wait3A_248 = tpu.memref_slice %arg13[%dma_wait3A_246, %dma_wait3A_247] : memref<10112x128xf32, #tpu.memory_space<vmem_shared>> -> memref<10112x128xf32, #tpu.memory_space<vmem_shared>>
        tpu.wait_indirect_dma semaphore(%run_scoped3A_236 : memref<!tpu.dma_semaphore, #tpu.memory_space<semaphore_mem>>) src(%arg10 : memref<64x128xf32, #tpu.memory_space<vmem>>) dst(%dma_wait3A_248 : memref<10112x128xf32, #tpu.memory_space<vmem_shared>>)
        tpu.yield
      }) : () -> ()
      %add3A_195 = arith.constant 4 : i32
      %add3A_196 = arith.addi %add3A_188, %add3A_195 : i32
      %lt3A_197 = arith.constant 40 : i32
      %lt3A_198 = arith.cmpi slt, %add3A_196, %lt3A_197 : i32
      %convert_element_type3A_199 = arith.extui %lt3A_198 : i1 to i32
      %cond3A_200 = arith.constant 0 : i32
      %cond3A_201 = arith.cmpi ne, %convert_element_type3A_199, %cond3A_200 : i32
      scf.if %cond3A_201 {
        %add3A_236 = arith.constant 4 : i32
        %add3A_237 = arith.addi %add3A_188, %add3A_236 : i32
        %dma_start3A_238 = arith.constant 0 : i32
        %dma_start3A_239 = tpu.memref_slice %arg7[%add3A_237, %dma_start3A_238] : memref<40x64xi32, #tpu.memory_space<vmem>> -> memref<1x64xi32, #tpu.memory_space<vmem>>
        %dma_start3A_240 = tpu.memref_squeeze %dma_start3A_239 : memref<1x64xi32, #tpu.memory_space<vmem>> -> memref<64xi32, #tpu.memory_space<vmem>>
        %dma_start3A_241 = arith.constant 0 : i32
        %dma_start3A_242 = arith.constant 0 : i32
        %dma_start3A_243 = tpu.memref_slice %arg2[%dma_start3A_241, %dma_start3A_242] : memref<40000x128xf32, #tpu.memory_space<hbm>> -> memref<40000x128xf32, #tpu.memory_space<hbm>>
        tpu.enqueue_indirect_dma source(%dma_start3A_243 : memref<40000x128xf32, #tpu.memory_space<hbm>>) target(%arg10 : memref<64x128xf32, #tpu.memory_space<vmem>>) offsets(%dma_start3A_240 : memref<64xi32, #tpu.memory_space<vmem>>) semaphore(%arg14 : memref<!tpu.dma_semaphore, #tpu.memory_space<semaphore_mem>>)
      } else {
      }
      %mul3A_202 = arith.constant 4 : i32
      %mul3A_203 = arith.muli %mul3A_202, %scan3A_169 : i32
      %add3A_204 = arith.constant 2 : i32
      %add3A_205 = arith.addi %mul3A_203, %add3A_204 : i32
      %dma_wait3A_206 = arith.constant 0 : i32
      %dma_wait3A_207 = tpu.memref_slice %arg7[%add3A_205, %dma_wait3A_206] : memref<40x64xi32, #tpu.memory_space<vmem>> -> memref<1x64xi32, #tpu.memory_space<vmem>>
      %dma_wait3A_208 = tpu.memref_squeeze %dma_wait3A_207 : memref<1x64xi32, #tpu.memory_space<vmem>> -> memref<64xi32, #tpu.memory_space<vmem>>
      %dma_wait3A_209 = arith.constant 0 : i32
      %dma_wait3A_210 = arith.constant 0 : i32
      %dma_wait3A_211 = tpu.memref_slice %arg2[%dma_wait3A_209, %dma_wait3A_210] : memref<40000x128xf32, #tpu.memory_space<hbm>> -> memref<40000x128xf32, #tpu.memory_space<hbm>>
      tpu.wait_indirect_dma semaphore(%arg14 : memref<!tpu.dma_semaphore, #tpu.memory_space<semaphore_mem>>) src(%dma_wait3A_211 : memref<40000x128xf32, #tpu.memory_space<hbm>>) dst(%arg11 : memref<64x128xf32, #tpu.memory_space<vmem>>)
      "tpu.region"() ({
        %run_scoped3A_236 = tpu.sem_alloc : memref<!tpu.dma_semaphore, #tpu.memory_space<semaphore_mem>>
        %dma_start3A_237 = arith.constant 0 : i32
        %dma_start3A_238 = tpu.memref_slice %arg8[%add3A_205, %dma_start3A_237] : memref<40x64xi32, #tpu.memory_space<vmem>> -> memref<1x64xi32, #tpu.memory_space<vmem>>
        %dma_start3A_239 = tpu.memref_squeeze %dma_start3A_238 : memref<1x64xi32, #tpu.memory_space<vmem>> -> memref<64xi32, #tpu.memory_space<vmem>>
        %dma_start3A_240 = arith.constant 0 : i32
        %dma_start3A_241 = arith.constant 0 : i32
        %dma_start3A_242 = tpu.memref_slice %arg13[%dma_start3A_240, %dma_start3A_241] : memref<10112x128xf32, #tpu.memory_space<vmem_shared>> -> memref<10112x128xf32, #tpu.memory_space<vmem_shared>>
        tpu.enqueue_indirect_dma source(%arg11 : memref<64x128xf32, #tpu.memory_space<vmem>>) target(%dma_start3A_242 : memref<10112x128xf32, #tpu.memory_space<vmem_shared>>) offsets(%dma_start3A_239 : memref<64xi32, #tpu.memory_space<vmem>>) semaphore(%run_scoped3A_236 : memref<!tpu.dma_semaphore, #tpu.memory_space<semaphore_mem>>) {add = true}
        %dma_wait3A_243 = arith.constant 0 : i32
        %dma_wait3A_244 = tpu.memref_slice %arg8[%add3A_205, %dma_wait3A_243] : memref<40x64xi32, #tpu.memory_space<vmem>> -> memref<1x64xi32, #tpu.memory_space<vmem>>
        %dma_wait3A_245 = tpu.memref_squeeze %dma_wait3A_244 : memref<1x64xi32, #tpu.memory_space<vmem>> -> memref<64xi32, #tpu.memory_space<vmem>>
        %dma_wait3A_246 = arith.constant 0 : i32
        %dma_wait3A_247 = arith.constant 0 : i32
        %dma_wait3A_248 = tpu.memref_slice %arg13[%dma_wait3A_246, %dma_wait3A_247] : memref<10112x128xf32, #tpu.memory_space<vmem_shared>> -> memref<10112x128xf32, #tpu.memory_space<vmem_shared>>
        tpu.wait_indirect_dma semaphore(%run_scoped3A_236 : memref<!tpu.dma_semaphore, #tpu.memory_space<semaphore_mem>>) src(%arg11 : memref<64x128xf32, #tpu.memory_space<vmem>>) dst(%dma_wait3A_248 : memref<10112x128xf32, #tpu.memory_space<vmem_shared>>)
        tpu.yield
      }) : () -> ()
      %add3A_212 = arith.constant 4 : i32
      %add3A_213 = arith.addi %add3A_205, %add3A_212 : i32
      %lt3A_214 = arith.constant 40 : i32
      %lt3A_215 = arith.cmpi slt, %add3A_213, %lt3A_214 : i32
      %convert_element_type3A_216 = arith.extui %lt3A_215 : i1 to i32
      %cond3A_217 = arith.constant 0 : i32
      %cond3A_218 = arith.cmpi ne, %convert_element_type3A_216, %cond3A_217 : i32
      scf.if %cond3A_218 {
        %add3A_236 = arith.constant 4 : i32
        %add3A_237 = arith.addi %add3A_205, %add3A_236 : i32
        %dma_start3A_238 = arith.constant 0 : i32
        %dma_start3A_239 = tpu.memref_slice %arg7[%add3A_237, %dma_start3A_238] : memref<40x64xi32, #tpu.memory_space<vmem>> -> memref<1x64xi32, #tpu.memory_space<vmem>>
        %dma_start3A_240 = tpu.memref_squeeze %dma_start3A_239 : memref<1x64xi32, #tpu.memory_space<vmem>> -> memref<64xi32, #tpu.memory_space<vmem>>
        %dma_start3A_241 = arith.constant 0 : i32
        %dma_start3A_242 = arith.constant 0 : i32
        %dma_start3A_243 = tpu.memref_slice %arg2[%dma_start3A_241, %dma_start3A_242] : memref<40000x128xf32, #tpu.memory_space<hbm>> -> memref<40000x128xf32, #tpu.memory_space<hbm>>
        tpu.enqueue_indirect_dma source(%dma_start3A_243 : memref<40000x128xf32, #tpu.memory_space<hbm>>) target(%arg11 : memref<64x128xf32, #tpu.memory_space<vmem>>) offsets(%dma_start3A_240 : memref<64xi32, #tpu.memory_space<vmem>>) semaphore(%arg14 : memref<!tpu.dma_semaphore, #tpu.memory_space<semaphore_mem>>)
      } else {
      }
      %mul3A_219 = arith.constant 4 : i32
      %mul3A_220 = arith.muli %mul3A_219, %scan3A_169 : i32
      %add3A_221 = arith.constant 3 : i32
      %add3A_222 = arith.addi %mul3A_220, %add3A_221 : i32
      %dma_wait3A_223 = arith.constant 0 : i32
      %dma_wait3A_224 = tpu.memref_slice %arg7[%add3A_222, %dma_wait3A_223] : memref<40x64xi32, #tpu.memory_space<vmem>> -> memref<1x64xi32, #tpu.memory_space<vmem>>
      %dma_wait3A_225 = tpu.memref_squeeze %dma_wait3A_224 : memref<1x64xi32, #tpu.memory_space<vmem>> -> memref<64xi32, #tpu.memory_space<vmem>>
      %dma_wait3A_226 = arith.constant 0 : i32
      %dma_wait3A_227 = arith.constant 0 : i32
      %dma_wait3A_228 = tpu.memref_slice %arg2[%dma_wait3A_226, %dma_wait3A_227] : memref<40000x128xf32, #tpu.memory_space<hbm>> -> memref<40000x128xf32, #tpu.memory_space<hbm>>
      tpu.wait_indirect_dma semaphore(%arg14 : memref<!tpu.dma_semaphore, #tpu.memory_space<semaphore_mem>>) src(%dma_wait3A_228 : memref<40000x128xf32, #tpu.memory_space<hbm>>) dst(%arg12 : memref<64x128xf32, #tpu.memory_space<vmem>>)
      "tpu.region"() ({
        %run_scoped3A_236 = tpu.sem_alloc : memref<!tpu.dma_semaphore, #tpu.memory_space<semaphore_mem>>
        %dma_start3A_237 = arith.constant 0 : i32
        %dma_start3A_238 = tpu.memref_slice %arg8[%add3A_222, %dma_start3A_237] : memref<40x64xi32, #tpu.memory_space<vmem>> -> memref<1x64xi32, #tpu.memory_space<vmem>>
        %dma_start3A_239 = tpu.memref_squeeze %dma_start3A_238 : memref<1x64xi32, #tpu.memory_space<vmem>> -> memref<64xi32, #tpu.memory_space<vmem>>
        %dma_start3A_240 = arith.constant 0 : i32
        %dma_start3A_241 = arith.constant 0 : i32
        %dma_start3A_242 = tpu.memref_slice %arg13[%dma_start3A_240, %dma_start3A_241] : memref<10112x128xf32, #tpu.memory_space<vmem_shared>> -> memref<10112x128xf32, #tpu.memory_space<vmem_shared>>
        tpu.enqueue_indirect_dma source(%arg12 : memref<64x128xf32, #tpu.memory_space<vmem>>) target(%dma_start3A_242 : memref<10112x128xf32, #tpu.memory_space<vmem_shared>>) offsets(%dma_start3A_239 : memref<64xi32, #tpu.memory_space<vmem>>) semaphore(%run_scoped3A_236 : memref<!tpu.dma_semaphore, #tpu.memory_space<semaphore_mem>>) {add = true}
        %dma_wait3A_243 = arith.constant 0 : i32
        %dma_wait3A_244 = tpu.memref_slice %arg8[%add3A_222, %dma_wait3A_243] : memref<40x64xi32, #tpu.memory_space<vmem>> -> memref<1x64xi32, #tpu.memory_space<vmem>>
        %dma_wait3A_245 = tpu.memref_squeeze %dma_wait3A_244 : memref<1x64xi32, #tpu.memory_space<vmem>> -> memref<64xi32, #tpu.memory_space<vmem>>
        %dma_wait3A_246 = arith.constant 0 : i32
        %dma_wait3A_247 = arith.constant 0 : i32
        %dma_wait3A_248 = tpu.memref_slice %arg13[%dma_wait3A_246, %dma_wait3A_247] : memref<10112x128xf32, #tpu.memory_space<vmem_shared>> -> memref<10112x128xf32, #tpu.memory_space<vmem_shared>>
        tpu.wait_indirect_dma semaphore(%run_scoped3A_236 : memref<!tpu.dma_semaphore, #tpu.memory_space<semaphore_mem>>) src(%arg12 : memref<64x128xf32, #tpu.memory_space<vmem>>) dst(%dma_wait3A_248 : memref<10112x128xf32, #tpu.memory_space<vmem_shared>>)
        tpu.yield
      }) : () -> ()
      %add3A_229 = arith.constant 4 : i32
      %add3A_230 = arith.addi %add3A_222, %add3A_229 : i32
      %lt3A_231 = arith.constant 40 : i32
      %lt3A_232 = arith.cmpi slt, %add3A_230, %lt3A_231 : i32
      %convert_element_type3A_233 = arith.extui %lt3A_232 : i1 to i32
      %cond3A_234 = arith.constant 0 : i32
      %cond3A_235 = arith.cmpi ne, %convert_element_type3A_233, %cond3A_234 : i32
      scf.if %cond3A_235 {
        %add3A_236 = arith.constant 4 : i32
        %add3A_237 = arith.addi %add3A_222, %add3A_236 : i32
        %dma_start3A_238 = arith.constant 0 : i32
        %dma_start3A_239 = tpu.memref_slice %arg7[%add3A_237, %dma_start3A_238] : memref<40x64xi32, #tpu.memory_space<vmem>> -> memref<1x64xi32, #tpu.memory_space<vmem>>
        %dma_start3A_240 = tpu.memref_squeeze %dma_start3A_239 : memref<1x64xi32, #tpu.memory_space<vmem>> -> memref<64xi32, #tpu.memory_space<vmem>>
        %dma_start3A_241 = arith.constant 0 : i32
        %dma_start3A_242 = arith.constant 0 : i32
        %dma_start3A_243 = tpu.memref_slice %arg2[%dma_start3A_241, %dma_start3A_242] : memref<40000x128xf32, #tpu.memory_space<hbm>> -> memref<40000x128xf32, #tpu.memory_space<hbm>>
        tpu.enqueue_indirect_dma source(%dma_start3A_243 : memref<40000x128xf32, #tpu.memory_space<hbm>>) target(%arg12 : memref<64x128xf32, #tpu.memory_space<vmem>>) offsets(%dma_start3A_240 : memref<64xi32, #tpu.memory_space<vmem>>) semaphore(%arg14 : memref<!tpu.dma_semaphore, #tpu.memory_space<semaphore_mem>>)
      } else {
      }
    }
    %scan3A_91 = arith.constant 10 : i32
    %run_scoped3A_92 = arith.constant 2 : i32
    "tpu.region"() ({
      %run_scoped3A_169 = tpu.sem_alloc : memref<!tpu.dma_semaphore, #tpu.memory_space<semaphore_mem>>
      %dma_start3A_170 = arith.constant 0 : i32
      %dma_start3A_171 = arith.constant 0 : i32
      %dma_start3A_172 = tpu.memref_slice %arg3[%add3A, %run_scoped3A_92, %dma_start3A_170, %dma_start3A_171] : memref<32x4x40x64xi32, #tpu.memory_space<hbm>> -> memref<1x1x40x64xi32, #tpu.memory_space<hbm>>
      %dma_start3A_173 = tpu.memref_squeeze %dma_start3A_172 : memref<1x1x40x64xi32, #tpu.memory_space<hbm>> -> memref<40x64xi32, #tpu.memory_space<hbm>>
      %dma_start3A_174 = arith.constant 0 : i32
      %dma_start3A_175 = arith.constant 0 : i32
      %dma_start3A_176 = tpu.memref_slice %arg3[%add3A, %run_scoped3A_92, %dma_start3A_174, %dma_start3A_175] : memref<32x4x40x64xi32, #tpu.memory_space<hbm>> -> memref<1x1x40x64xi32, #tpu.memory_space<hbm>>
      %dma_start3A_177 = tpu.memref_squeeze %dma_start3A_176 : memref<1x1x40x64xi32, #tpu.memory_space<hbm>> -> memref<40x64xi32, #tpu.memory_space<hbm>>
      tpu.enqueue_dma source(%dma_start3A_177 : memref<40x64xi32, #tpu.memory_space<hbm>>) target(%arg7 : memref<40x64xi32, #tpu.memory_space<vmem>>) target_semaphore(%run_scoped3A_169 : memref<!tpu.dma_semaphore, #tpu.memory_space<semaphore_mem>>)
      %dma_wait3A = arith.constant 0 : i32
      %dma_wait3A_178 = arith.constant 0 : i32
      %dma_wait3A_179 = tpu.memref_slice %arg3[%add3A, %run_scoped3A_92, %dma_wait3A, %dma_wait3A_178] : memref<32x4x40x64xi32, #tpu.memory_space<hbm>> -> memref<1x1x40x64xi32, #tpu.memory_space<hbm>>
      %dma_wait3A_180 = tpu.memref_squeeze %dma_wait3A_179 : memref<1x1x40x64xi32, #tpu.memory_space<hbm>> -> memref<40x64xi32, #tpu.memory_space<hbm>>
      %dma_wait3A_181 = arith.constant 0 : i32
      %dma_wait3A_182 = arith.constant 0 : i32
      %dma_wait3A_183 = tpu.memref_slice %arg3[%add3A, %run_scoped3A_92, %dma_wait3A_181, %dma_wait3A_182] : memref<32x4x40x64xi32, #tpu.memory_space<hbm>> -> memref<1x1x40x64xi32, #tpu.memory_space<hbm>>
      %dma_wait3A_184 = tpu.memref_squeeze %dma_wait3A_183 : memref<1x1x40x64xi32, #tpu.memory_space<hbm>> -> memref<40x64xi32, #tpu.memory_space<hbm>>
      tpu.wait_dma2 semaphore(%run_scoped3A_169 : memref<!tpu.dma_semaphore, #tpu.memory_space<semaphore_mem>>) src(%dma_wait3A_184 : memref<40x64xi32, #tpu.memory_space<hbm>>) dst(%arg7 : memref<40x64xi32, #tpu.memory_space<vmem>>)
      tpu.yield
    }) : () -> ()
    %run_scoped3A_93 = arith.constant 2 : i32
    "tpu.region"() ({
      %run_scoped3A_169 = tpu.sem_alloc : memref<!tpu.dma_semaphore, #tpu.memory_space<semaphore_mem>>
      %dma_start3A_170 = arith.constant 0 : i32
      %dma_start3A_171 = arith.constant 0 : i32
      %dma_start3A_172 = tpu.memref_slice %arg4[%add3A, %run_scoped3A_93, %dma_start3A_170, %dma_start3A_171] : memref<32x4x40x64xi32, #tpu.memory_space<hbm>> -> memref<1x1x40x64xi32, #tpu.memory_space<hbm>>
      %dma_start3A_173 = tpu.memref_squeeze %dma_start3A_172 : memref<1x1x40x64xi32, #tpu.memory_space<hbm>> -> memref<40x64xi32, #tpu.memory_space<hbm>>
      %dma_start3A_174 = arith.constant 0 : i32
      %dma_start3A_175 = arith.constant 0 : i32
      %dma_start3A_176 = tpu.memref_slice %arg4[%add3A, %run_scoped3A_93, %dma_start3A_174, %dma_start3A_175] : memref<32x4x40x64xi32, #tpu.memory_space<hbm>> -> memref<1x1x40x64xi32, #tpu.memory_space<hbm>>
      %dma_start3A_177 = tpu.memref_squeeze %dma_start3A_176 : memref<1x1x40x64xi32, #tpu.memory_space<hbm>> -> memref<40x64xi32, #tpu.memory_space<hbm>>
      tpu.enqueue_dma source(%dma_start3A_177 : memref<40x64xi32, #tpu.memory_space<hbm>>) target(%arg8 : memref<40x64xi32, #tpu.memory_space<vmem>>) target_semaphore(%run_scoped3A_169 : memref<!tpu.dma_semaphore, #tpu.memory_space<semaphore_mem>>)
      %dma_wait3A = arith.constant 0 : i32
      %dma_wait3A_178 = arith.constant 0 : i32
      %dma_wait3A_179 = tpu.memref_slice %arg4[%add3A, %run_scoped3A_93, %dma_wait3A, %dma_wait3A_178] : memref<32x4x40x64xi32, #tpu.memory_space<hbm>> -> memref<1x1x40x64xi32, #tpu.memory_space<hbm>>
      %dma_wait3A_180 = tpu.memref_squeeze %dma_wait3A_179 : memref<1x1x40x64xi32, #tpu.memory_space<hbm>> -> memref<40x64xi32, #tpu.memory_space<hbm>>
      %dma_wait3A_181 = arith.constant 0 : i32
      %dma_wait3A_182 = arith.constant 0 : i32
      %dma_wait3A_183 = tpu.memref_slice %arg4[%add3A, %run_scoped3A_93, %dma_wait3A_181, %dma_wait3A_182] : memref<32x4x40x64xi32, #tpu.memory_space<hbm>> -> memref<1x1x40x64xi32, #tpu.memory_space<hbm>>
      %dma_wait3A_184 = tpu.memref_squeeze %dma_wait3A_183 : memref<1x1x40x64xi32, #tpu.memory_space<hbm>> -> memref<40x64xi32, #tpu.memory_space<hbm>>
      tpu.wait_dma2 semaphore(%run_scoped3A_169 : memref<!tpu.dma_semaphore, #tpu.memory_space<semaphore_mem>>) src(%dma_wait3A_184 : memref<40x64xi32, #tpu.memory_space<hbm>>) dst(%arg8 : memref<40x64xi32, #tpu.memory_space<vmem>>)
      tpu.yield
    }) : () -> ()
    %dma_start3A_94 = arith.constant 0 : i32
    %dma_start3A_95 = arith.constant 0 : i32
    %dma_start3A_96 = tpu.memref_slice %arg7[%dma_start3A_94, %dma_start3A_95] : memref<40x64xi32, #tpu.memory_space<vmem>> -> memref<1x64xi32, #tpu.memory_space<vmem>>
    %dma_start3A_97 = tpu.memref_squeeze %dma_start3A_96 : memref<1x64xi32, #tpu.memory_space<vmem>> -> memref<64xi32, #tpu.memory_space<vmem>>
    %dma_start3A_98 = arith.constant 0 : i32
    %dma_start3A_99 = arith.constant 0 : i32
    %dma_start3A_100 = tpu.memref_slice %arg2[%dma_start3A_98, %dma_start3A_99] : memref<40000x128xf32, #tpu.memory_space<hbm>> -> memref<40000x128xf32, #tpu.memory_space<hbm>>
    tpu.enqueue_indirect_dma source(%dma_start3A_100 : memref<40000x128xf32, #tpu.memory_space<hbm>>) target(%arg9 : memref<64x128xf32, #tpu.memory_space<vmem>>) offsets(%dma_start3A_97 : memref<64xi32, #tpu.memory_space<vmem>>) semaphore(%arg14 : memref<!tpu.dma_semaphore, #tpu.memory_space<semaphore_mem>>)
    %dma_start3A_101 = arith.constant 1 : i32
    %dma_start3A_102 = arith.constant 0 : i32
    %dma_start3A_103 = tpu.memref_slice %arg7[%dma_start3A_101, %dma_start3A_102] : memref<40x64xi32, #tpu.memory_space<vmem>> -> memref<1x64xi32, #tpu.memory_space<vmem>>
    %dma_start3A_104 = tpu.memref_squeeze %dma_start3A_103 : memref<1x64xi32, #tpu.memory_space<vmem>> -> memref<64xi32, #tpu.memory_space<vmem>>
    %dma_start3A_105 = arith.constant 0 : i32
    %dma_start3A_106 = arith.constant 0 : i32
    %dma_start3A_107 = tpu.memref_slice %arg2[%dma_start3A_105, %dma_start3A_106] : memref<40000x128xf32, #tpu.memory_space<hbm>> -> memref<40000x128xf32, #tpu.memory_space<hbm>>
    tpu.enqueue_indirect_dma source(%dma_start3A_107 : memref<40000x128xf32, #tpu.memory_space<hbm>>) target(%arg10 : memref<64x128xf32, #tpu.memory_space<vmem>>) offsets(%dma_start3A_104 : memref<64xi32, #tpu.memory_space<vmem>>) semaphore(%arg14 : memref<!tpu.dma_semaphore, #tpu.memory_space<semaphore_mem>>)
    %dma_start3A_108 = arith.constant 2 : i32
    %dma_start3A_109 = arith.constant 0 : i32
    %dma_start3A_110 = tpu.memref_slice %arg7[%dma_start3A_108, %dma_start3A_109] : memref<40x64xi32, #tpu.memory_space<vmem>> -> memref<1x64xi32, #tpu.memory_space<vmem>>
    %dma_start3A_111 = tpu.memref_squeeze %dma_start3A_110 : memref<1x64xi32, #tpu.memory_space<vmem>> -> memref<64xi32, #tpu.memory_space<vmem>>
    %dma_start3A_112 = arith.constant 0 : i32
    %dma_start3A_113 = arith.constant 0 : i32
    %dma_start3A_114 = tpu.memref_slice %arg2[%dma_start3A_112, %dma_start3A_113] : memref<40000x128xf32, #tpu.memory_space<hbm>> -> memref<40000x128xf32, #tpu.memory_space<hbm>>
    tpu.enqueue_indirect_dma source(%dma_start3A_114 : memref<40000x128xf32, #tpu.memory_space<hbm>>) target(%arg11 : memref<64x128xf32, #tpu.memory_space<vmem>>) offsets(%dma_start3A_111 : memref<64xi32, #tpu.memory_space<vmem>>) semaphore(%arg14 : memref<!tpu.dma_semaphore, #tpu.memory_space<semaphore_mem>>)
    %dma_start3A_115 = arith.constant 3 : i32
    %dma_start3A_116 = arith.constant 0 : i32
    %dma_start3A_117 = tpu.memref_slice %arg7[%dma_start3A_115, %dma_start3A_116] : memref<40x64xi32, #tpu.memory_space<vmem>> -> memref<1x64xi32, #tpu.memory_space<vmem>>
    %dma_start3A_118 = tpu.memref_squeeze %dma_start3A_117 : memref<1x64xi32, #tpu.memory_space<vmem>> -> memref<64xi32, #tpu.memory_space<vmem>>
    %dma_start3A_119 = arith.constant 0 : i32
    %dma_start3A_120 = arith.constant 0 : i32
    %dma_start3A_121 = tpu.memref_slice %arg2[%dma_start3A_119, %dma_start3A_120] : memref<40000x128xf32, #tpu.memory_space<hbm>> -> memref<40000x128xf32, #tpu.memory_space<hbm>>
    tpu.enqueue_indirect_dma source(%dma_start3A_121 : memref<40000x128xf32, #tpu.memory_space<hbm>>) target(%arg12 : memref<64x128xf32, #tpu.memory_space<vmem>>) offsets(%dma_start3A_118 : memref<64xi32, #tpu.memory_space<vmem>>) semaphore(%arg14 : memref<!tpu.dma_semaphore, #tpu.memory_space<semaphore_mem>>)
    %scan3A_122 = arith.constant 0 : i32
    %scan3A_123 = arith.constant 0 : i32
    %scan3A_124 = arith.constant 10 : i32
    %scan3A_125 = arith.addi %scan3A_123, %scan3A_124 : i32
    %scan3A_126 = arith.constant 1 : i32
    scf.for %scan3A_169 = %scan3A_123 to %scan3A_125 step %scan3A_126  : i32 {
      %mul3A_170 = arith.constant 4 : i32
      %mul3A_171 = arith.muli %mul3A_170, %scan3A_169 : i32
      %add3A_172 = arith.constant 0 : i32
      %add3A_173 = arith.addi %mul3A_171, %add3A_172 : i32
      %dma_wait3A = arith.constant 0 : i32
      %dma_wait3A_174 = tpu.memref_slice %arg7[%add3A_173, %dma_wait3A] : memref<40x64xi32, #tpu.memory_space<vmem>> -> memref<1x64xi32, #tpu.memory_space<vmem>>
      %dma_wait3A_175 = tpu.memref_squeeze %dma_wait3A_174 : memref<1x64xi32, #tpu.memory_space<vmem>> -> memref<64xi32, #tpu.memory_space<vmem>>
      %dma_wait3A_176 = arith.constant 0 : i32
      %dma_wait3A_177 = arith.constant 0 : i32
      %dma_wait3A_178 = tpu.memref_slice %arg2[%dma_wait3A_176, %dma_wait3A_177] : memref<40000x128xf32, #tpu.memory_space<hbm>> -> memref<40000x128xf32, #tpu.memory_space<hbm>>
      tpu.wait_indirect_dma semaphore(%arg14 : memref<!tpu.dma_semaphore, #tpu.memory_space<semaphore_mem>>) src(%dma_wait3A_178 : memref<40000x128xf32, #tpu.memory_space<hbm>>) dst(%arg9 : memref<64x128xf32, #tpu.memory_space<vmem>>)
      "tpu.region"() ({
        %run_scoped3A_236 = tpu.sem_alloc : memref<!tpu.dma_semaphore, #tpu.memory_space<semaphore_mem>>
        %dma_start3A_237 = arith.constant 0 : i32
        %dma_start3A_238 = tpu.memref_slice %arg8[%add3A_173, %dma_start3A_237] : memref<40x64xi32, #tpu.memory_space<vmem>> -> memref<1x64xi32, #tpu.memory_space<vmem>>
        %dma_start3A_239 = tpu.memref_squeeze %dma_start3A_238 : memref<1x64xi32, #tpu.memory_space<vmem>> -> memref<64xi32, #tpu.memory_space<vmem>>
        %dma_start3A_240 = arith.constant 0 : i32
        %dma_start3A_241 = arith.constant 0 : i32
        %dma_start3A_242 = tpu.memref_slice %arg13[%dma_start3A_240, %dma_start3A_241] : memref<10112x128xf32, #tpu.memory_space<vmem_shared>> -> memref<10112x128xf32, #tpu.memory_space<vmem_shared>>
        tpu.enqueue_indirect_dma source(%arg9 : memref<64x128xf32, #tpu.memory_space<vmem>>) target(%dma_start3A_242 : memref<10112x128xf32, #tpu.memory_space<vmem_shared>>) offsets(%dma_start3A_239 : memref<64xi32, #tpu.memory_space<vmem>>) semaphore(%run_scoped3A_236 : memref<!tpu.dma_semaphore, #tpu.memory_space<semaphore_mem>>) {add = true}
        %dma_wait3A_243 = arith.constant 0 : i32
        %dma_wait3A_244 = tpu.memref_slice %arg8[%add3A_173, %dma_wait3A_243] : memref<40x64xi32, #tpu.memory_space<vmem>> -> memref<1x64xi32, #tpu.memory_space<vmem>>
        %dma_wait3A_245 = tpu.memref_squeeze %dma_wait3A_244 : memref<1x64xi32, #tpu.memory_space<vmem>> -> memref<64xi32, #tpu.memory_space<vmem>>
        %dma_wait3A_246 = arith.constant 0 : i32
        %dma_wait3A_247 = arith.constant 0 : i32
        %dma_wait3A_248 = tpu.memref_slice %arg13[%dma_wait3A_246, %dma_wait3A_247] : memref<10112x128xf32, #tpu.memory_space<vmem_shared>> -> memref<10112x128xf32, #tpu.memory_space<vmem_shared>>
        tpu.wait_indirect_dma semaphore(%run_scoped3A_236 : memref<!tpu.dma_semaphore, #tpu.memory_space<semaphore_mem>>) src(%arg9 : memref<64x128xf32, #tpu.memory_space<vmem>>) dst(%dma_wait3A_248 : memref<10112x128xf32, #tpu.memory_space<vmem_shared>>)
        tpu.yield
      }) : () -> ()
      %add3A_179 = arith.constant 4 : i32
      %add3A_180 = arith.addi %add3A_173, %add3A_179 : i32
      %lt3A = arith.constant 40 : i32
      %lt3A_181 = arith.cmpi slt, %add3A_180, %lt3A : i32
      %convert_element_type3A_182 = arith.extui %lt3A_181 : i1 to i32
      %cond3A_183 = arith.constant 0 : i32
      %cond3A_184 = arith.cmpi ne, %convert_element_type3A_182, %cond3A_183 : i32
      scf.if %cond3A_184 {
        %add3A_236 = arith.constant 4 : i32
        %add3A_237 = arith.addi %add3A_173, %add3A_236 : i32
        %dma_start3A_238 = arith.constant 0 : i32
        %dma_start3A_239 = tpu.memref_slice %arg7[%add3A_237, %dma_start3A_238] : memref<40x64xi32, #tpu.memory_space<vmem>> -> memref<1x64xi32, #tpu.memory_space<vmem>>
        %dma_start3A_240 = tpu.memref_squeeze %dma_start3A_239 : memref<1x64xi32, #tpu.memory_space<vmem>> -> memref<64xi32, #tpu.memory_space<vmem>>
        %dma_start3A_241 = arith.constant 0 : i32
        %dma_start3A_242 = arith.constant 0 : i32
        %dma_start3A_243 = tpu.memref_slice %arg2[%dma_start3A_241, %dma_start3A_242] : memref<40000x128xf32, #tpu.memory_space<hbm>> -> memref<40000x128xf32, #tpu.memory_space<hbm>>
        tpu.enqueue_indirect_dma source(%dma_start3A_243 : memref<40000x128xf32, #tpu.memory_space<hbm>>) target(%arg9 : memref<64x128xf32, #tpu.memory_space<vmem>>) offsets(%dma_start3A_240 : memref<64xi32, #tpu.memory_space<vmem>>) semaphore(%arg14 : memref<!tpu.dma_semaphore, #tpu.memory_space<semaphore_mem>>)
      } else {
      }
      %mul3A_185 = arith.constant 4 : i32
      %mul3A_186 = arith.muli %mul3A_185, %scan3A_169 : i32
      %add3A_187 = arith.constant 1 : i32
      %add3A_188 = arith.addi %mul3A_186, %add3A_187 : i32
      %dma_wait3A_189 = arith.constant 0 : i32
      %dma_wait3A_190 = tpu.memref_slice %arg7[%add3A_188, %dma_wait3A_189] : memref<40x64xi32, #tpu.memory_space<vmem>> -> memref<1x64xi32, #tpu.memory_space<vmem>>
      %dma_wait3A_191 = tpu.memref_squeeze %dma_wait3A_190 : memref<1x64xi32, #tpu.memory_space<vmem>> -> memref<64xi32, #tpu.memory_space<vmem>>
      %dma_wait3A_192 = arith.constant 0 : i32
      %dma_wait3A_193 = arith.constant 0 : i32
      %dma_wait3A_194 = tpu.memref_slice %arg2[%dma_wait3A_192, %dma_wait3A_193] : memref<40000x128xf32, #tpu.memory_space<hbm>> -> memref<40000x128xf32, #tpu.memory_space<hbm>>
      tpu.wait_indirect_dma semaphore(%arg14 : memref<!tpu.dma_semaphore, #tpu.memory_space<semaphore_mem>>) src(%dma_wait3A_194 : memref<40000x128xf32, #tpu.memory_space<hbm>>) dst(%arg10 : memref<64x128xf32, #tpu.memory_space<vmem>>)
      "tpu.region"() ({
        %run_scoped3A_236 = tpu.sem_alloc : memref<!tpu.dma_semaphore, #tpu.memory_space<semaphore_mem>>
        %dma_start3A_237 = arith.constant 0 : i32
        %dma_start3A_238 = tpu.memref_slice %arg8[%add3A_188, %dma_start3A_237] : memref<40x64xi32, #tpu.memory_space<vmem>> -> memref<1x64xi32, #tpu.memory_space<vmem>>
        %dma_start3A_239 = tpu.memref_squeeze %dma_start3A_238 : memref<1x64xi32, #tpu.memory_space<vmem>> -> memref<64xi32, #tpu.memory_space<vmem>>
        %dma_start3A_240 = arith.constant 0 : i32
        %dma_start3A_241 = arith.constant 0 : i32
        %dma_start3A_242 = tpu.memref_slice %arg13[%dma_start3A_240, %dma_start3A_241] : memref<10112x128xf32, #tpu.memory_space<vmem_shared>> -> memref<10112x128xf32, #tpu.memory_space<vmem_shared>>
        tpu.enqueue_indirect_dma source(%arg10 : memref<64x128xf32, #tpu.memory_space<vmem>>) target(%dma_start3A_242 : memref<10112x128xf32, #tpu.memory_space<vmem_shared>>) offsets(%dma_start3A_239 : memref<64xi32, #tpu.memory_space<vmem>>) semaphore(%run_scoped3A_236 : memref<!tpu.dma_semaphore, #tpu.memory_space<semaphore_mem>>) {add = true}
        %dma_wait3A_243 = arith.constant 0 : i32
        %dma_wait3A_244 = tpu.memref_slice %arg8[%add3A_188, %dma_wait3A_243] : memref<40x64xi32, #tpu.memory_space<vmem>> -> memref<1x64xi32, #tpu.memory_space<vmem>>
        %dma_wait3A_245 = tpu.memref_squeeze %dma_wait3A_244 : memref<1x64xi32, #tpu.memory_space<vmem>> -> memref<64xi32, #tpu.memory_space<vmem>>
        %dma_wait3A_246 = arith.constant 0 : i32
        %dma_wait3A_247 = arith.constant 0 : i32
        %dma_wait3A_248 = tpu.memref_slice %arg13[%dma_wait3A_246, %dma_wait3A_247] : memref<10112x128xf32, #tpu.memory_space<vmem_shared>> -> memref<10112x128xf32, #tpu.memory_space<vmem_shared>>
        tpu.wait_indirect_dma semaphore(%run_scoped3A_236 : memref<!tpu.dma_semaphore, #tpu.memory_space<semaphore_mem>>) src(%arg10 : memref<64x128xf32, #tpu.memory_space<vmem>>) dst(%dma_wait3A_248 : memref<10112x128xf32, #tpu.memory_space<vmem_shared>>)
        tpu.yield
      }) : () -> ()
      %add3A_195 = arith.constant 4 : i32
      %add3A_196 = arith.addi %add3A_188, %add3A_195 : i32
      %lt3A_197 = arith.constant 40 : i32
      %lt3A_198 = arith.cmpi slt, %add3A_196, %lt3A_197 : i32
      %convert_element_type3A_199 = arith.extui %lt3A_198 : i1 to i32
      %cond3A_200 = arith.constant 0 : i32
      %cond3A_201 = arith.cmpi ne, %convert_element_type3A_199, %cond3A_200 : i32
      scf.if %cond3A_201 {
        %add3A_236 = arith.constant 4 : i32
        %add3A_237 = arith.addi %add3A_188, %add3A_236 : i32
        %dma_start3A_238 = arith.constant 0 : i32
        %dma_start3A_239 = tpu.memref_slice %arg7[%add3A_237, %dma_start3A_238] : memref<40x64xi32, #tpu.memory_space<vmem>> -> memref<1x64xi32, #tpu.memory_space<vmem>>
        %dma_start3A_240 = tpu.memref_squeeze %dma_start3A_239 : memref<1x64xi32, #tpu.memory_space<vmem>> -> memref<64xi32, #tpu.memory_space<vmem>>
        %dma_start3A_241 = arith.constant 0 : i32
        %dma_start3A_242 = arith.constant 0 : i32
        %dma_start3A_243 = tpu.memref_slice %arg2[%dma_start3A_241, %dma_start3A_242] : memref<40000x128xf32, #tpu.memory_space<hbm>> -> memref<40000x128xf32, #tpu.memory_space<hbm>>
        tpu.enqueue_indirect_dma source(%dma_start3A_243 : memref<40000x128xf32, #tpu.memory_space<hbm>>) target(%arg10 : memref<64x128xf32, #tpu.memory_space<vmem>>) offsets(%dma_start3A_240 : memref<64xi32, #tpu.memory_space<vmem>>) semaphore(%arg14 : memref<!tpu.dma_semaphore, #tpu.memory_space<semaphore_mem>>)
      } else {
      }
      %mul3A_202 = arith.constant 4 : i32
      %mul3A_203 = arith.muli %mul3A_202, %scan3A_169 : i32
      %add3A_204 = arith.constant 2 : i32
      %add3A_205 = arith.addi %mul3A_203, %add3A_204 : i32
      %dma_wait3A_206 = arith.constant 0 : i32
      %dma_wait3A_207 = tpu.memref_slice %arg7[%add3A_205, %dma_wait3A_206] : memref<40x64xi32, #tpu.memory_space<vmem>> -> memref<1x64xi32, #tpu.memory_space<vmem>>
      %dma_wait3A_208 = tpu.memref_squeeze %dma_wait3A_207 : memref<1x64xi32, #tpu.memory_space<vmem>> -> memref<64xi32, #tpu.memory_space<vmem>>
      %dma_wait3A_209 = arith.constant 0 : i32
      %dma_wait3A_210 = arith.constant 0 : i32
      %dma_wait3A_211 = tpu.memref_slice %arg2[%dma_wait3A_209, %dma_wait3A_210] : memref<40000x128xf32, #tpu.memory_space<hbm>> -> memref<40000x128xf32, #tpu.memory_space<hbm>>
      tpu.wait_indirect_dma semaphore(%arg14 : memref<!tpu.dma_semaphore, #tpu.memory_space<semaphore_mem>>) src(%dma_wait3A_211 : memref<40000x128xf32, #tpu.memory_space<hbm>>) dst(%arg11 : memref<64x128xf32, #tpu.memory_space<vmem>>)
      "tpu.region"() ({
        %run_scoped3A_236 = tpu.sem_alloc : memref<!tpu.dma_semaphore, #tpu.memory_space<semaphore_mem>>
        %dma_start3A_237 = arith.constant 0 : i32
        %dma_start3A_238 = tpu.memref_slice %arg8[%add3A_205, %dma_start3A_237] : memref<40x64xi32, #tpu.memory_space<vmem>> -> memref<1x64xi32, #tpu.memory_space<vmem>>
        %dma_start3A_239 = tpu.memref_squeeze %dma_start3A_238 : memref<1x64xi32, #tpu.memory_space<vmem>> -> memref<64xi32, #tpu.memory_space<vmem>>
        %dma_start3A_240 = arith.constant 0 : i32
        %dma_start3A_241 = arith.constant 0 : i32
        %dma_start3A_242 = tpu.memref_slice %arg13[%dma_start3A_240, %dma_start3A_241] : memref<10112x128xf32, #tpu.memory_space<vmem_shared>> -> memref<10112x128xf32, #tpu.memory_space<vmem_shared>>
        tpu.enqueue_indirect_dma source(%arg11 : memref<64x128xf32, #tpu.memory_space<vmem>>) target(%dma_start3A_242 : memref<10112x128xf32, #tpu.memory_space<vmem_shared>>) offsets(%dma_start3A_239 : memref<64xi32, #tpu.memory_space<vmem>>) semaphore(%run_scoped3A_236 : memref<!tpu.dma_semaphore, #tpu.memory_space<semaphore_mem>>) {add = true}
        %dma_wait3A_243 = arith.constant 0 : i32
        %dma_wait3A_244 = tpu.memref_slice %arg8[%add3A_205, %dma_wait3A_243] : memref<40x64xi32, #tpu.memory_space<vmem>> -> memref<1x64xi32, #tpu.memory_space<vmem>>
        %dma_wait3A_245 = tpu.memref_squeeze %dma_wait3A_244 : memref<1x64xi32, #tpu.memory_space<vmem>> -> memref<64xi32, #tpu.memory_space<vmem>>
        %dma_wait3A_246 = arith.constant 0 : i32
        %dma_wait3A_247 = arith.constant 0 : i32
        %dma_wait3A_248 = tpu.memref_slice %arg13[%dma_wait3A_246, %dma_wait3A_247] : memref<10112x128xf32, #tpu.memory_space<vmem_shared>> -> memref<10112x128xf32, #tpu.memory_space<vmem_shared>>
        tpu.wait_indirect_dma semaphore(%run_scoped3A_236 : memref<!tpu.dma_semaphore, #tpu.memory_space<semaphore_mem>>) src(%arg11 : memref<64x128xf32, #tpu.memory_space<vmem>>) dst(%dma_wait3A_248 : memref<10112x128xf32, #tpu.memory_space<vmem_shared>>)
        tpu.yield
      }) : () -> ()
      %add3A_212 = arith.constant 4 : i32
      %add3A_213 = arith.addi %add3A_205, %add3A_212 : i32
      %lt3A_214 = arith.constant 40 : i32
      %lt3A_215 = arith.cmpi slt, %add3A_213, %lt3A_214 : i32
      %convert_element_type3A_216 = arith.extui %lt3A_215 : i1 to i32
      %cond3A_217 = arith.constant 0 : i32
      %cond3A_218 = arith.cmpi ne, %convert_element_type3A_216, %cond3A_217 : i32
      scf.if %cond3A_218 {
        %add3A_236 = arith.constant 4 : i32
        %add3A_237 = arith.addi %add3A_205, %add3A_236 : i32
        %dma_start3A_238 = arith.constant 0 : i32
        %dma_start3A_239 = tpu.memref_slice %arg7[%add3A_237, %dma_start3A_238] : memref<40x64xi32, #tpu.memory_space<vmem>> -> memref<1x64xi32, #tpu.memory_space<vmem>>
        %dma_start3A_240 = tpu.memref_squeeze %dma_start3A_239 : memref<1x64xi32, #tpu.memory_space<vmem>> -> memref<64xi32, #tpu.memory_space<vmem>>
        %dma_start3A_241 = arith.constant 0 : i32
        %dma_start3A_242 = arith.constant 0 : i32
        %dma_start3A_243 = tpu.memref_slice %arg2[%dma_start3A_241, %dma_start3A_242] : memref<40000x128xf32, #tpu.memory_space<hbm>> -> memref<40000x128xf32, #tpu.memory_space<hbm>>
        tpu.enqueue_indirect_dma source(%dma_start3A_243 : memref<40000x128xf32, #tpu.memory_space<hbm>>) target(%arg11 : memref<64x128xf32, #tpu.memory_space<vmem>>) offsets(%dma_start3A_240 : memref<64xi32, #tpu.memory_space<vmem>>) semaphore(%arg14 : memref<!tpu.dma_semaphore, #tpu.memory_space<semaphore_mem>>)
      } else {
      }
      %mul3A_219 = arith.constant 4 : i32
      %mul3A_220 = arith.muli %mul3A_219, %scan3A_169 : i32
      %add3A_221 = arith.constant 3 : i32
      %add3A_222 = arith.addi %mul3A_220, %add3A_221 : i32
      %dma_wait3A_223 = arith.constant 0 : i32
      %dma_wait3A_224 = tpu.memref_slice %arg7[%add3A_222, %dma_wait3A_223] : memref<40x64xi32, #tpu.memory_space<vmem>> -> memref<1x64xi32, #tpu.memory_space<vmem>>
      %dma_wait3A_225 = tpu.memref_squeeze %dma_wait3A_224 : memref<1x64xi32, #tpu.memory_space<vmem>> -> memref<64xi32, #tpu.memory_space<vmem>>
      %dma_wait3A_226 = arith.constant 0 : i32
      %dma_wait3A_227 = arith.constant 0 : i32
      %dma_wait3A_228 = tpu.memref_slice %arg2[%dma_wait3A_226, %dma_wait3A_227] : memref<40000x128xf32, #tpu.memory_space<hbm>> -> memref<40000x128xf32, #tpu.memory_space<hbm>>
      tpu.wait_indirect_dma semaphore(%arg14 : memref<!tpu.dma_semaphore, #tpu.memory_space<semaphore_mem>>) src(%dma_wait3A_228 : memref<40000x128xf32, #tpu.memory_space<hbm>>) dst(%arg12 : memref<64x128xf32, #tpu.memory_space<vmem>>)
      "tpu.region"() ({
        %run_scoped3A_236 = tpu.sem_alloc : memref<!tpu.dma_semaphore, #tpu.memory_space<semaphore_mem>>
        %dma_start3A_237 = arith.constant 0 : i32
        %dma_start3A_238 = tpu.memref_slice %arg8[%add3A_222, %dma_start3A_237] : memref<40x64xi32, #tpu.memory_space<vmem>> -> memref<1x64xi32, #tpu.memory_space<vmem>>
        %dma_start3A_239 = tpu.memref_squeeze %dma_start3A_238 : memref<1x64xi32, #tpu.memory_space<vmem>> -> memref<64xi32, #tpu.memory_space<vmem>>
        %dma_start3A_240 = arith.constant 0 : i32
        %dma_start3A_241 = arith.constant 0 : i32
        %dma_start3A_242 = tpu.memref_slice %arg13[%dma_start3A_240, %dma_start3A_241] : memref<10112x128xf32, #tpu.memory_space<vmem_shared>> -> memref<10112x128xf32, #tpu.memory_space<vmem_shared>>
        tpu.enqueue_indirect_dma source(%arg12 : memref<64x128xf32, #tpu.memory_space<vmem>>) target(%dma_start3A_242 : memref<10112x128xf32, #tpu.memory_space<vmem_shared>>) offsets(%dma_start3A_239 : memref<64xi32, #tpu.memory_space<vmem>>) semaphore(%run_scoped3A_236 : memref<!tpu.dma_semaphore, #tpu.memory_space<semaphore_mem>>) {add = true}
        %dma_wait3A_243 = arith.constant 0 : i32
        %dma_wait3A_244 = tpu.memref_slice %arg8[%add3A_222, %dma_wait3A_243] : memref<40x64xi32, #tpu.memory_space<vmem>> -> memref<1x64xi32, #tpu.memory_space<vmem>>
        %dma_wait3A_245 = tpu.memref_squeeze %dma_wait3A_244 : memref<1x64xi32, #tpu.memory_space<vmem>> -> memref<64xi32, #tpu.memory_space<vmem>>
        %dma_wait3A_246 = arith.constant 0 : i32
        %dma_wait3A_247 = arith.constant 0 : i32
        %dma_wait3A_248 = tpu.memref_slice %arg13[%dma_wait3A_246, %dma_wait3A_247] : memref<10112x128xf32, #tpu.memory_space<vmem_shared>> -> memref<10112x128xf32, #tpu.memory_space<vmem_shared>>
        tpu.wait_indirect_dma semaphore(%run_scoped3A_236 : memref<!tpu.dma_semaphore, #tpu.memory_space<semaphore_mem>>) src(%arg12 : memref<64x128xf32, #tpu.memory_space<vmem>>) dst(%dma_wait3A_248 : memref<10112x128xf32, #tpu.memory_space<vmem_shared>>)
        tpu.yield
      }) : () -> ()
      %add3A_229 = arith.constant 4 : i32
      %add3A_230 = arith.addi %add3A_222, %add3A_229 : i32
      %lt3A_231 = arith.constant 40 : i32
      %lt3A_232 = arith.cmpi slt, %add3A_230, %lt3A_231 : i32
      %convert_element_type3A_233 = arith.extui %lt3A_232 : i1 to i32
      %cond3A_234 = arith.constant 0 : i32
      %cond3A_235 = arith.cmpi ne, %convert_element_type3A_233, %cond3A_234 : i32
      scf.if %cond3A_235 {
        %add3A_236 = arith.constant 4 : i32
        %add3A_237 = arith.addi %add3A_222, %add3A_236 : i32
        %dma_start3A_238 = arith.constant 0 : i32
        %dma_start3A_239 = tpu.memref_slice %arg7[%add3A_237, %dma_start3A_238] : memref<40x64xi32, #tpu.memory_space<vmem>> -> memref<1x64xi32, #tpu.memory_space<vmem>>
        %dma_start3A_240 = tpu.memref_squeeze %dma_start3A_239 : memref<1x64xi32, #tpu.memory_space<vmem>> -> memref<64xi32, #tpu.memory_space<vmem>>
        %dma_start3A_241 = arith.constant 0 : i32
        %dma_start3A_242 = arith.constant 0 : i32
        %dma_start3A_243 = tpu.memref_slice %arg2[%dma_start3A_241, %dma_start3A_242] : memref<40000x128xf32, #tpu.memory_space<hbm>> -> memref<40000x128xf32, #tpu.memory_space<hbm>>
        tpu.enqueue_indirect_dma source(%dma_start3A_243 : memref<40000x128xf32, #tpu.memory_space<hbm>>) target(%arg12 : memref<64x128xf32, #tpu.memory_space<vmem>>) offsets(%dma_start3A_240 : memref<64xi32, #tpu.memory_space<vmem>>) semaphore(%arg14 : memref<!tpu.dma_semaphore, #tpu.memory_space<semaphore_mem>>)
      } else {
      }
    }
    %scan3A_127 = arith.constant 10 : i32
    %run_scoped3A_128 = arith.constant 3 : i32
    "tpu.region"() ({
      %run_scoped3A_169 = tpu.sem_alloc : memref<!tpu.dma_semaphore, #tpu.memory_space<semaphore_mem>>
      %dma_start3A_170 = arith.constant 0 : i32
      %dma_start3A_171 = arith.constant 0 : i32
      %dma_start3A_172 = tpu.memref_slice %arg3[%add3A, %run_scoped3A_128, %dma_start3A_170, %dma_start3A_171] : memref<32x4x40x64xi32, #tpu.memory_space<hbm>> -> memref<1x1x40x64xi32, #tpu.memory_space<hbm>>
      %dma_start3A_173 = tpu.memref_squeeze %dma_start3A_172 : memref<1x1x40x64xi32, #tpu.memory_space<hbm>> -> memref<40x64xi32, #tpu.memory_space<hbm>>
      %dma_start3A_174 = arith.constant 0 : i32
      %dma_start3A_175 = arith.constant 0 : i32
      %dma_start3A_176 = tpu.memref_slice %arg3[%add3A, %run_scoped3A_128, %dma_start3A_174, %dma_start3A_175] : memref<32x4x40x64xi32, #tpu.memory_space<hbm>> -> memref<1x1x40x64xi32, #tpu.memory_space<hbm>>
      %dma_start3A_177 = tpu.memref_squeeze %dma_start3A_176 : memref<1x1x40x64xi32, #tpu.memory_space<hbm>> -> memref<40x64xi32, #tpu.memory_space<hbm>>
      tpu.enqueue_dma source(%dma_start3A_177 : memref<40x64xi32, #tpu.memory_space<hbm>>) target(%arg7 : memref<40x64xi32, #tpu.memory_space<vmem>>) target_semaphore(%run_scoped3A_169 : memref<!tpu.dma_semaphore, #tpu.memory_space<semaphore_mem>>)
      %dma_wait3A = arith.constant 0 : i32
      %dma_wait3A_178 = arith.constant 0 : i32
      %dma_wait3A_179 = tpu.memref_slice %arg3[%add3A, %run_scoped3A_128, %dma_wait3A, %dma_wait3A_178] : memref<32x4x40x64xi32, #tpu.memory_space<hbm>> -> memref<1x1x40x64xi32, #tpu.memory_space<hbm>>
      %dma_wait3A_180 = tpu.memref_squeeze %dma_wait3A_179 : memref<1x1x40x64xi32, #tpu.memory_space<hbm>> -> memref<40x64xi32, #tpu.memory_space<hbm>>
      %dma_wait3A_181 = arith.constant 0 : i32
      %dma_wait3A_182 = arith.constant 0 : i32
      %dma_wait3A_183 = tpu.memref_slice %arg3[%add3A, %run_scoped3A_128, %dma_wait3A_181, %dma_wait3A_182] : memref<32x4x40x64xi32, #tpu.memory_space<hbm>> -> memref<1x1x40x64xi32, #tpu.memory_space<hbm>>
      %dma_wait3A_184 = tpu.memref_squeeze %dma_wait3A_183 : memref<1x1x40x64xi32, #tpu.memory_space<hbm>> -> memref<40x64xi32, #tpu.memory_space<hbm>>
      tpu.wait_dma2 semaphore(%run_scoped3A_169 : memref<!tpu.dma_semaphore, #tpu.memory_space<semaphore_mem>>) src(%dma_wait3A_184 : memref<40x64xi32, #tpu.memory_space<hbm>>) dst(%arg7 : memref<40x64xi32, #tpu.memory_space<vmem>>)
      tpu.yield
    }) : () -> ()
    %run_scoped3A_129 = arith.constant 3 : i32
    "tpu.region"() ({
      %run_scoped3A_169 = tpu.sem_alloc : memref<!tpu.dma_semaphore, #tpu.memory_space<semaphore_mem>>
      %dma_start3A_170 = arith.constant 0 : i32
      %dma_start3A_171 = arith.constant 0 : i32
      %dma_start3A_172 = tpu.memref_slice %arg4[%add3A, %run_scoped3A_129, %dma_start3A_170, %dma_start3A_171] : memref<32x4x40x64xi32, #tpu.memory_space<hbm>> -> memref<1x1x40x64xi32, #tpu.memory_space<hbm>>
      %dma_start3A_173 = tpu.memref_squeeze %dma_start3A_172 : memref<1x1x40x64xi32, #tpu.memory_space<hbm>> -> memref<40x64xi32, #tpu.memory_space<hbm>>
      %dma_start3A_174 = arith.constant 0 : i32
      %dma_start3A_175 = arith.constant 0 : i32
      %dma_start3A_176 = tpu.memref_slice %arg4[%add3A, %run_scoped3A_129, %dma_start3A_174, %dma_start3A_175] : memref<32x4x40x64xi32, #tpu.memory_space<hbm>> -> memref<1x1x40x64xi32, #tpu.memory_space<hbm>>
      %dma_start3A_177 = tpu.memref_squeeze %dma_start3A_176 : memref<1x1x40x64xi32, #tpu.memory_space<hbm>> -> memref<40x64xi32, #tpu.memory_space<hbm>>
      tpu.enqueue_dma source(%dma_start3A_177 : memref<40x64xi32, #tpu.memory_space<hbm>>) target(%arg8 : memref<40x64xi32, #tpu.memory_space<vmem>>) target_semaphore(%run_scoped3A_169 : memref<!tpu.dma_semaphore, #tpu.memory_space<semaphore_mem>>)
      %dma_wait3A = arith.constant 0 : i32
      %dma_wait3A_178 = arith.constant 0 : i32
      %dma_wait3A_179 = tpu.memref_slice %arg4[%add3A, %run_scoped3A_129, %dma_wait3A, %dma_wait3A_178] : memref<32x4x40x64xi32, #tpu.memory_space<hbm>> -> memref<1x1x40x64xi32, #tpu.memory_space<hbm>>
      %dma_wait3A_180 = tpu.memref_squeeze %dma_wait3A_179 : memref<1x1x40x64xi32, #tpu.memory_space<hbm>> -> memref<40x64xi32, #tpu.memory_space<hbm>>
      %dma_wait3A_181 = arith.constant 0 : i32
      %dma_wait3A_182 = arith.constant 0 : i32
      %dma_wait3A_183 = tpu.memref_slice %arg4[%add3A, %run_scoped3A_129, %dma_wait3A_181, %dma_wait3A_182] : memref<32x4x40x64xi32, #tpu.memory_space<hbm>> -> memref<1x1x40x64xi32, #tpu.memory_space<hbm>>
      %dma_wait3A_184 = tpu.memref_squeeze %dma_wait3A_183 : memref<1x1x40x64xi32, #tpu.memory_space<hbm>> -> memref<40x64xi32, #tpu.memory_space<hbm>>
      tpu.wait_dma2 semaphore(%run_scoped3A_169 : memref<!tpu.dma_semaphore, #tpu.memory_space<semaphore_mem>>) src(%dma_wait3A_184 : memref<40x64xi32, #tpu.memory_space<hbm>>) dst(%arg8 : memref<40x64xi32, #tpu.memory_space<vmem>>)
      tpu.yield
    }) : () -> ()
    %dma_start3A_130 = arith.constant 0 : i32
    %dma_start3A_131 = arith.constant 0 : i32
    %dma_start3A_132 = tpu.memref_slice %arg7[%dma_start3A_130, %dma_start3A_131] : memref<40x64xi32, #tpu.memory_space<vmem>> -> memref<1x64xi32, #tpu.memory_space<vmem>>
    %dma_start3A_133 = tpu.memref_squeeze %dma_start3A_132 : memref<1x64xi32, #tpu.memory_space<vmem>> -> memref<64xi32, #tpu.memory_space<vmem>>
    %dma_start3A_134 = arith.constant 0 : i32
    %dma_start3A_135 = arith.constant 0 : i32
    %dma_start3A_136 = tpu.memref_slice %arg2[%dma_start3A_134, %dma_start3A_135] : memref<40000x128xf32, #tpu.memory_space<hbm>> -> memref<40000x128xf32, #tpu.memory_space<hbm>>
    tpu.enqueue_indirect_dma source(%dma_start3A_136 : memref<40000x128xf32, #tpu.memory_space<hbm>>) target(%arg9 : memref<64x128xf32, #tpu.memory_space<vmem>>) offsets(%dma_start3A_133 : memref<64xi32, #tpu.memory_space<vmem>>) semaphore(%arg14 : memref<!tpu.dma_semaphore, #tpu.memory_space<semaphore_mem>>)
    %dma_start3A_137 = arith.constant 1 : i32
    %dma_start3A_138 = arith.constant 0 : i32
    %dma_start3A_139 = tpu.memref_slice %arg7[%dma_start3A_137, %dma_start3A_138] : memref<40x64xi32, #tpu.memory_space<vmem>> -> memref<1x64xi32, #tpu.memory_space<vmem>>
    %dma_start3A_140 = tpu.memref_squeeze %dma_start3A_139 : memref<1x64xi32, #tpu.memory_space<vmem>> -> memref<64xi32, #tpu.memory_space<vmem>>
    %dma_start3A_141 = arith.constant 0 : i32
    %dma_start3A_142 = arith.constant 0 : i32
    %dma_start3A_143 = tpu.memref_slice %arg2[%dma_start3A_141, %dma_start3A_142] : memref<40000x128xf32, #tpu.memory_space<hbm>> -> memref<40000x128xf32, #tpu.memory_space<hbm>>
    tpu.enqueue_indirect_dma source(%dma_start3A_143 : memref<40000x128xf32, #tpu.memory_space<hbm>>) target(%arg10 : memref<64x128xf32, #tpu.memory_space<vmem>>) offsets(%dma_start3A_140 : memref<64xi32, #tpu.memory_space<vmem>>) semaphore(%arg14 : memref<!tpu.dma_semaphore, #tpu.memory_space<semaphore_mem>>)
    %dma_start3A_144 = arith.constant 2 : i32
    %dma_start3A_145 = arith.constant 0 : i32
    %dma_start3A_146 = tpu.memref_slice %arg7[%dma_start3A_144, %dma_start3A_145] : memref<40x64xi32, #tpu.memory_space<vmem>> -> memref<1x64xi32, #tpu.memory_space<vmem>>
    %dma_start3A_147 = tpu.memref_squeeze %dma_start3A_146 : memref<1x64xi32, #tpu.memory_space<vmem>> -> memref<64xi32, #tpu.memory_space<vmem>>
    %dma_start3A_148 = arith.constant 0 : i32
    %dma_start3A_149 = arith.constant 0 : i32
    %dma_start3A_150 = tpu.memref_slice %arg2[%dma_start3A_148, %dma_start3A_149] : memref<40000x128xf32, #tpu.memory_space<hbm>> -> memref<40000x128xf32, #tpu.memory_space<hbm>>
    tpu.enqueue_indirect_dma source(%dma_start3A_150 : memref<40000x128xf32, #tpu.memory_space<hbm>>) target(%arg11 : memref<64x128xf32, #tpu.memory_space<vmem>>) offsets(%dma_start3A_147 : memref<64xi32, #tpu.memory_space<vmem>>) semaphore(%arg14 : memref<!tpu.dma_semaphore, #tpu.memory_space<semaphore_mem>>)
    %dma_start3A_151 = arith.constant 3 : i32
    %dma_start3A_152 = arith.constant 0 : i32
    %dma_start3A_153 = tpu.memref_slice %arg7[%dma_start3A_151, %dma_start3A_152] : memref<40x64xi32, #tpu.memory_space<vmem>> -> memref<1x64xi32, #tpu.memory_space<vmem>>
    %dma_start3A_154 = tpu.memref_squeeze %dma_start3A_153 : memref<1x64xi32, #tpu.memory_space<vmem>> -> memref<64xi32, #tpu.memory_space<vmem>>
    %dma_start3A_155 = arith.constant 0 : i32
    %dma_start3A_156 = arith.constant 0 : i32
    %dma_start3A_157 = tpu.memref_slice %arg2[%dma_start3A_155, %dma_start3A_156] : memref<40000x128xf32, #tpu.memory_space<hbm>> -> memref<40000x128xf32, #tpu.memory_space<hbm>>
    tpu.enqueue_indirect_dma source(%dma_start3A_157 : memref<40000x128xf32, #tpu.memory_space<hbm>>) target(%arg12 : memref<64x128xf32, #tpu.memory_space<vmem>>) offsets(%dma_start3A_154 : memref<64xi32, #tpu.memory_space<vmem>>) semaphore(%arg14 : memref<!tpu.dma_semaphore, #tpu.memory_space<semaphore_mem>>)
    %scan3A_158 = arith.constant 0 : i32
    %scan3A_159 = arith.constant 0 : i32
    %scan3A_160 = arith.constant 10 : i32
    %scan3A_161 = arith.addi %scan3A_159, %scan3A_160 : i32
    %scan3A_162 = arith.constant 1 : i32
    scf.for %scan3A_169 = %scan3A_159 to %scan3A_161 step %scan3A_162  : i32 {
      %mul3A_170 = arith.constant 4 : i32
      %mul3A_171 = arith.muli %mul3A_170, %scan3A_169 : i32
      %add3A_172 = arith.constant 0 : i32
      %add3A_173 = arith.addi %mul3A_171, %add3A_172 : i32
      %dma_wait3A = arith.constant 0 : i32
      %dma_wait3A_174 = tpu.memref_slice %arg7[%add3A_173, %dma_wait3A] : memref<40x64xi32, #tpu.memory_space<vmem>> -> memref<1x64xi32, #tpu.memory_space<vmem>>
      %dma_wait3A_175 = tpu.memref_squeeze %dma_wait3A_174 : memref<1x64xi32, #tpu.memory_space<vmem>> -> memref<64xi32, #tpu.memory_space<vmem>>
      %dma_wait3A_176 = arith.constant 0 : i32
      %dma_wait3A_177 = arith.constant 0 : i32
      %dma_wait3A_178 = tpu.memref_slice %arg2[%dma_wait3A_176, %dma_wait3A_177] : memref<40000x128xf32, #tpu.memory_space<hbm>> -> memref<40000x128xf32, #tpu.memory_space<hbm>>
      tpu.wait_indirect_dma semaphore(%arg14 : memref<!tpu.dma_semaphore, #tpu.memory_space<semaphore_mem>>) src(%dma_wait3A_178 : memref<40000x128xf32, #tpu.memory_space<hbm>>) dst(%arg9 : memref<64x128xf32, #tpu.memory_space<vmem>>)
      "tpu.region"() ({
        %run_scoped3A_236 = tpu.sem_alloc : memref<!tpu.dma_semaphore, #tpu.memory_space<semaphore_mem>>
        %dma_start3A_237 = arith.constant 0 : i32
        %dma_start3A_238 = tpu.memref_slice %arg8[%add3A_173, %dma_start3A_237] : memref<40x64xi32, #tpu.memory_space<vmem>> -> memref<1x64xi32, #tpu.memory_space<vmem>>
        %dma_start3A_239 = tpu.memref_squeeze %dma_start3A_238 : memref<1x64xi32, #tpu.memory_space<vmem>> -> memref<64xi32, #tpu.memory_space<vmem>>
        %dma_start3A_240 = arith.constant 0 : i32
        %dma_start3A_241 = arith.constant 0 : i32
        %dma_start3A_242 = tpu.memref_slice %arg13[%dma_start3A_240, %dma_start3A_241] : memref<10112x128xf32, #tpu.memory_space<vmem_shared>> -> memref<10112x128xf32, #tpu.memory_space<vmem_shared>>
        tpu.enqueue_indirect_dma source(%arg9 : memref<64x128xf32, #tpu.memory_space<vmem>>) target(%dma_start3A_242 : memref<10112x128xf32, #tpu.memory_space<vmem_shared>>) offsets(%dma_start3A_239 : memref<64xi32, #tpu.memory_space<vmem>>) semaphore(%run_scoped3A_236 : memref<!tpu.dma_semaphore, #tpu.memory_space<semaphore_mem>>) {add = true}
        %dma_wait3A_243 = arith.constant 0 : i32
        %dma_wait3A_244 = tpu.memref_slice %arg8[%add3A_173, %dma_wait3A_243] : memref<40x64xi32, #tpu.memory_space<vmem>> -> memref<1x64xi32, #tpu.memory_space<vmem>>
        %dma_wait3A_245 = tpu.memref_squeeze %dma_wait3A_244 : memref<1x64xi32, #tpu.memory_space<vmem>> -> memref<64xi32, #tpu.memory_space<vmem>>
        %dma_wait3A_246 = arith.constant 0 : i32
        %dma_wait3A_247 = arith.constant 0 : i32
        %dma_wait3A_248 = tpu.memref_slice %arg13[%dma_wait3A_246, %dma_wait3A_247] : memref<10112x128xf32, #tpu.memory_space<vmem_shared>> -> memref<10112x128xf32, #tpu.memory_space<vmem_shared>>
        tpu.wait_indirect_dma semaphore(%run_scoped3A_236 : memref<!tpu.dma_semaphore, #tpu.memory_space<semaphore_mem>>) src(%arg9 : memref<64x128xf32, #tpu.memory_space<vmem>>) dst(%dma_wait3A_248 : memref<10112x128xf32, #tpu.memory_space<vmem_shared>>)
        tpu.yield
      }) : () -> ()
      %add3A_179 = arith.constant 4 : i32
      %add3A_180 = arith.addi %add3A_173, %add3A_179 : i32
      %lt3A = arith.constant 40 : i32
      %lt3A_181 = arith.cmpi slt, %add3A_180, %lt3A : i32
      %convert_element_type3A_182 = arith.extui %lt3A_181 : i1 to i32
      %cond3A_183 = arith.constant 0 : i32
      %cond3A_184 = arith.cmpi ne, %convert_element_type3A_182, %cond3A_183 : i32
      scf.if %cond3A_184 {
        %add3A_236 = arith.constant 4 : i32
        %add3A_237 = arith.addi %add3A_173, %add3A_236 : i32
        %dma_start3A_238 = arith.constant 0 : i32
        %dma_start3A_239 = tpu.memref_slice %arg7[%add3A_237, %dma_start3A_238] : memref<40x64xi32, #tpu.memory_space<vmem>> -> memref<1x64xi32, #tpu.memory_space<vmem>>
        %dma_start3A_240 = tpu.memref_squeeze %dma_start3A_239 : memref<1x64xi32, #tpu.memory_space<vmem>> -> memref<64xi32, #tpu.memory_space<vmem>>
        %dma_start3A_241 = arith.constant 0 : i32
        %dma_start3A_242 = arith.constant 0 : i32
        %dma_start3A_243 = tpu.memref_slice %arg2[%dma_start3A_241, %dma_start3A_242] : memref<40000x128xf32, #tpu.memory_space<hbm>> -> memref<40000x128xf32, #tpu.memory_space<hbm>>
        tpu.enqueue_indirect_dma source(%dma_start3A_243 : memref<40000x128xf32, #tpu.memory_space<hbm>>) target(%arg9 : memref<64x128xf32, #tpu.memory_space<vmem>>) offsets(%dma_start3A_240 : memref<64xi32, #tpu.memory_space<vmem>>) semaphore(%arg14 : memref<!tpu.dma_semaphore, #tpu.memory_space<semaphore_mem>>)
      } else {
      }
      %mul3A_185 = arith.constant 4 : i32
      %mul3A_186 = arith.muli %mul3A_185, %scan3A_169 : i32
      %add3A_187 = arith.constant 1 : i32
      %add3A_188 = arith.addi %mul3A_186, %add3A_187 : i32
      %dma_wait3A_189 = arith.constant 0 : i32
      %dma_wait3A_190 = tpu.memref_slice %arg7[%add3A_188, %dma_wait3A_189] : memref<40x64xi32, #tpu.memory_space<vmem>> -> memref<1x64xi32, #tpu.memory_space<vmem>>
      %dma_wait3A_191 = tpu.memref_squeeze %dma_wait3A_190 : memref<1x64xi32, #tpu.memory_space<vmem>> -> memref<64xi32, #tpu.memory_space<vmem>>
      %dma_wait3A_192 = arith.constant 0 : i32
      %dma_wait3A_193 = arith.constant 0 : i32
      %dma_wait3A_194 = tpu.memref_slice %arg2[%dma_wait3A_192, %dma_wait3A_193] : memref<40000x128xf32, #tpu.memory_space<hbm>> -> memref<40000x128xf32, #tpu.memory_space<hbm>>
      tpu.wait_indirect_dma semaphore(%arg14 : memref<!tpu.dma_semaphore, #tpu.memory_space<semaphore_mem>>) src(%dma_wait3A_194 : memref<40000x128xf32, #tpu.memory_space<hbm>>) dst(%arg10 : memref<64x128xf32, #tpu.memory_space<vmem>>)
      "tpu.region"() ({
        %run_scoped3A_236 = tpu.sem_alloc : memref<!tpu.dma_semaphore, #tpu.memory_space<semaphore_mem>>
        %dma_start3A_237 = arith.constant 0 : i32
        %dma_start3A_238 = tpu.memref_slice %arg8[%add3A_188, %dma_start3A_237] : memref<40x64xi32, #tpu.memory_space<vmem>> -> memref<1x64xi32, #tpu.memory_space<vmem>>
        %dma_start3A_239 = tpu.memref_squeeze %dma_start3A_238 : memref<1x64xi32, #tpu.memory_space<vmem>> -> memref<64xi32, #tpu.memory_space<vmem>>
        %dma_start3A_240 = arith.constant 0 : i32
        %dma_start3A_241 = arith.constant 0 : i32
        %dma_start3A_242 = tpu.memref_slice %arg13[%dma_start3A_240, %dma_start3A_241] : memref<10112x128xf32, #tpu.memory_space<vmem_shared>> -> memref<10112x128xf32, #tpu.memory_space<vmem_shared>>
        tpu.enqueue_indirect_dma source(%arg10 : memref<64x128xf32, #tpu.memory_space<vmem>>) target(%dma_start3A_242 : memref<10112x128xf32, #tpu.memory_space<vmem_shared>>) offsets(%dma_start3A_239 : memref<64xi32, #tpu.memory_space<vmem>>) semaphore(%run_scoped3A_236 : memref<!tpu.dma_semaphore, #tpu.memory_space<semaphore_mem>>) {add = true}
        %dma_wait3A_243 = arith.constant 0 : i32
        %dma_wait3A_244 = tpu.memref_slice %arg8[%add3A_188, %dma_wait3A_243] : memref<40x64xi32, #tpu.memory_space<vmem>> -> memref<1x64xi32, #tpu.memory_space<vmem>>
        %dma_wait3A_245 = tpu.memref_squeeze %dma_wait3A_244 : memref<1x64xi32, #tpu.memory_space<vmem>> -> memref<64xi32, #tpu.memory_space<vmem>>
        %dma_wait3A_246 = arith.constant 0 : i32
        %dma_wait3A_247 = arith.constant 0 : i32
        %dma_wait3A_248 = tpu.memref_slice %arg13[%dma_wait3A_246, %dma_wait3A_247] : memref<10112x128xf32, #tpu.memory_space<vmem_shared>> -> memref<10112x128xf32, #tpu.memory_space<vmem_shared>>
        tpu.wait_indirect_dma semaphore(%run_scoped3A_236 : memref<!tpu.dma_semaphore, #tpu.memory_space<semaphore_mem>>) src(%arg10 : memref<64x128xf32, #tpu.memory_space<vmem>>) dst(%dma_wait3A_248 : memref<10112x128xf32, #tpu.memory_space<vmem_shared>>)
        tpu.yield
      }) : () -> ()
      %add3A_195 = arith.constant 4 : i32
      %add3A_196 = arith.addi %add3A_188, %add3A_195 : i32
      %lt3A_197 = arith.constant 40 : i32
      %lt3A_198 = arith.cmpi slt, %add3A_196, %lt3A_197 : i32
      %convert_element_type3A_199 = arith.extui %lt3A_198 : i1 to i32
      %cond3A_200 = arith.constant 0 : i32
      %cond3A_201 = arith.cmpi ne, %convert_element_type3A_199, %cond3A_200 : i32
      scf.if %cond3A_201 {
        %add3A_236 = arith.constant 4 : i32
        %add3A_237 = arith.addi %add3A_188, %add3A_236 : i32
        %dma_start3A_238 = arith.constant 0 : i32
        %dma_start3A_239 = tpu.memref_slice %arg7[%add3A_237, %dma_start3A_238] : memref<40x64xi32, #tpu.memory_space<vmem>> -> memref<1x64xi32, #tpu.memory_space<vmem>>
        %dma_start3A_240 = tpu.memref_squeeze %dma_start3A_239 : memref<1x64xi32, #tpu.memory_space<vmem>> -> memref<64xi32, #tpu.memory_space<vmem>>
        %dma_start3A_241 = arith.constant 0 : i32
        %dma_start3A_242 = arith.constant 0 : i32
        %dma_start3A_243 = tpu.memref_slice %arg2[%dma_start3A_241, %dma_start3A_242] : memref<40000x128xf32, #tpu.memory_space<hbm>> -> memref<40000x128xf32, #tpu.memory_space<hbm>>
        tpu.enqueue_indirect_dma source(%dma_start3A_243 : memref<40000x128xf32, #tpu.memory_space<hbm>>) target(%arg10 : memref<64x128xf32, #tpu.memory_space<vmem>>) offsets(%dma_start3A_240 : memref<64xi32, #tpu.memory_space<vmem>>) semaphore(%arg14 : memref<!tpu.dma_semaphore, #tpu.memory_space<semaphore_mem>>)
      } else {
      }
      %mul3A_202 = arith.constant 4 : i32
      %mul3A_203 = arith.muli %mul3A_202, %scan3A_169 : i32
      %add3A_204 = arith.constant 2 : i32
      %add3A_205 = arith.addi %mul3A_203, %add3A_204 : i32
      %dma_wait3A_206 = arith.constant 0 : i32
      %dma_wait3A_207 = tpu.memref_slice %arg7[%add3A_205, %dma_wait3A_206] : memref<40x64xi32, #tpu.memory_space<vmem>> -> memref<1x64xi32, #tpu.memory_space<vmem>>
      %dma_wait3A_208 = tpu.memref_squeeze %dma_wait3A_207 : memref<1x64xi32, #tpu.memory_space<vmem>> -> memref<64xi32, #tpu.memory_space<vmem>>
      %dma_wait3A_209 = arith.constant 0 : i32
      %dma_wait3A_210 = arith.constant 0 : i32
      %dma_wait3A_211 = tpu.memref_slice %arg2[%dma_wait3A_209, %dma_wait3A_210] : memref<40000x128xf32, #tpu.memory_space<hbm>> -> memref<40000x128xf32, #tpu.memory_space<hbm>>
      tpu.wait_indirect_dma semaphore(%arg14 : memref<!tpu.dma_semaphore, #tpu.memory_space<semaphore_mem>>) src(%dma_wait3A_211 : memref<40000x128xf32, #tpu.memory_space<hbm>>) dst(%arg11 : memref<64x128xf32, #tpu.memory_space<vmem>>)
      "tpu.region"() ({
        %run_scoped3A_236 = tpu.sem_alloc : memref<!tpu.dma_semaphore, #tpu.memory_space<semaphore_mem>>
        %dma_start3A_237 = arith.constant 0 : i32
        %dma_start3A_238 = tpu.memref_slice %arg8[%add3A_205, %dma_start3A_237] : memref<40x64xi32, #tpu.memory_space<vmem>> -> memref<1x64xi32, #tpu.memory_space<vmem>>
        %dma_start3A_239 = tpu.memref_squeeze %dma_start3A_238 : memref<1x64xi32, #tpu.memory_space<vmem>> -> memref<64xi32, #tpu.memory_space<vmem>>
        %dma_start3A_240 = arith.constant 0 : i32
        %dma_start3A_241 = arith.constant 0 : i32
        %dma_start3A_242 = tpu.memref_slice %arg13[%dma_start3A_240, %dma_start3A_241] : memref<10112x128xf32, #tpu.memory_space<vmem_shared>> -> memref<10112x128xf32, #tpu.memory_space<vmem_shared>>
        tpu.enqueue_indirect_dma source(%arg11 : memref<64x128xf32, #tpu.memory_space<vmem>>) target(%dma_start3A_242 : memref<10112x128xf32, #tpu.memory_space<vmem_shared>>) offsets(%dma_start3A_239 : memref<64xi32, #tpu.memory_space<vmem>>) semaphore(%run_scoped3A_236 : memref<!tpu.dma_semaphore, #tpu.memory_space<semaphore_mem>>) {add = true}
        %dma_wait3A_243 = arith.constant 0 : i32
        %dma_wait3A_244 = tpu.memref_slice %arg8[%add3A_205, %dma_wait3A_243] : memref<40x64xi32, #tpu.memory_space<vmem>> -> memref<1x64xi32, #tpu.memory_space<vmem>>
        %dma_wait3A_245 = tpu.memref_squeeze %dma_wait3A_244 : memref<1x64xi32, #tpu.memory_space<vmem>> -> memref<64xi32, #tpu.memory_space<vmem>>
        %dma_wait3A_246 = arith.constant 0 : i32
        %dma_wait3A_247 = arith.constant 0 : i32
        %dma_wait3A_248 = tpu.memref_slice %arg13[%dma_wait3A_246, %dma_wait3A_247] : memref<10112x128xf32, #tpu.memory_space<vmem_shared>> -> memref<10112x128xf32, #tpu.memory_space<vmem_shared>>
        tpu.wait_indirect_dma semaphore(%run_scoped3A_236 : memref<!tpu.dma_semaphore, #tpu.memory_space<semaphore_mem>>) src(%arg11 : memref<64x128xf32, #tpu.memory_space<vmem>>) dst(%dma_wait3A_248 : memref<10112x128xf32, #tpu.memory_space<vmem_shared>>)
        tpu.yield
      }) : () -> ()
      %add3A_212 = arith.constant 4 : i32
      %add3A_213 = arith.addi %add3A_205, %add3A_212 : i32
      %lt3A_214 = arith.constant 40 : i32
      %lt3A_215 = arith.cmpi slt, %add3A_213, %lt3A_214 : i32
      %convert_element_type3A_216 = arith.extui %lt3A_215 : i1 to i32
      %cond3A_217 = arith.constant 0 : i32
      %cond3A_218 = arith.cmpi ne, %convert_element_type3A_216, %cond3A_217 : i32
      scf.if %cond3A_218 {
        %add3A_236 = arith.constant 4 : i32
        %add3A_237 = arith.addi %add3A_205, %add3A_236 : i32
        %dma_start3A_238 = arith.constant 0 : i32
        %dma_start3A_239 = tpu.memref_slice %arg7[%add3A_237, %dma_start3A_238] : memref<40x64xi32, #tpu.memory_space<vmem>> -> memref<1x64xi32, #tpu.memory_space<vmem>>
        %dma_start3A_240 = tpu.memref_squeeze %dma_start3A_239 : memref<1x64xi32, #tpu.memory_space<vmem>> -> memref<64xi32, #tpu.memory_space<vmem>>
        %dma_start3A_241 = arith.constant 0 : i32
        %dma_start3A_242 = arith.constant 0 : i32
        %dma_start3A_243 = tpu.memref_slice %arg2[%dma_start3A_241, %dma_start3A_242] : memref<40000x128xf32, #tpu.memory_space<hbm>> -> memref<40000x128xf32, #tpu.memory_space<hbm>>
        tpu.enqueue_indirect_dma source(%dma_start3A_243 : memref<40000x128xf32, #tpu.memory_space<hbm>>) target(%arg11 : memref<64x128xf32, #tpu.memory_space<vmem>>) offsets(%dma_start3A_240 : memref<64xi32, #tpu.memory_space<vmem>>) semaphore(%arg14 : memref<!tpu.dma_semaphore, #tpu.memory_space<semaphore_mem>>)
      } else {
      }
      %mul3A_219 = arith.constant 4 : i32
      %mul3A_220 = arith.muli %mul3A_219, %scan3A_169 : i32
      %add3A_221 = arith.constant 3 : i32
      %add3A_222 = arith.addi %mul3A_220, %add3A_221 : i32
      %dma_wait3A_223 = arith.constant 0 : i32
      %dma_wait3A_224 = tpu.memref_slice %arg7[%add3A_222, %dma_wait3A_223] : memref<40x64xi32, #tpu.memory_space<vmem>> -> memref<1x64xi32, #tpu.memory_space<vmem>>
      %dma_wait3A_225 = tpu.memref_squeeze %dma_wait3A_224 : memref<1x64xi32, #tpu.memory_space<vmem>> -> memref<64xi32, #tpu.memory_space<vmem>>
      %dma_wait3A_226 = arith.constant 0 : i32
      %dma_wait3A_227 = arith.constant 0 : i32
      %dma_wait3A_228 = tpu.memref_slice %arg2[%dma_wait3A_226, %dma_wait3A_227] : memref<40000x128xf32, #tpu.memory_space<hbm>> -> memref<40000x128xf32, #tpu.memory_space<hbm>>
      tpu.wait_indirect_dma semaphore(%arg14 : memref<!tpu.dma_semaphore, #tpu.memory_space<semaphore_mem>>) src(%dma_wait3A_228 : memref<40000x128xf32, #tpu.memory_space<hbm>>) dst(%arg12 : memref<64x128xf32, #tpu.memory_space<vmem>>)
      "tpu.region"() ({
        %run_scoped3A_236 = tpu.sem_alloc : memref<!tpu.dma_semaphore, #tpu.memory_space<semaphore_mem>>
        %dma_start3A_237 = arith.constant 0 : i32
        %dma_start3A_238 = tpu.memref_slice %arg8[%add3A_222, %dma_start3A_237] : memref<40x64xi32, #tpu.memory_space<vmem>> -> memref<1x64xi32, #tpu.memory_space<vmem>>
        %dma_start3A_239 = tpu.memref_squeeze %dma_start3A_238 : memref<1x64xi32, #tpu.memory_space<vmem>> -> memref<64xi32, #tpu.memory_space<vmem>>
        %dma_start3A_240 = arith.constant 0 : i32
        %dma_start3A_241 = arith.constant 0 : i32
        %dma_start3A_242 = tpu.memref_slice %arg13[%dma_start3A_240, %dma_start3A_241] : memref<10112x128xf32, #tpu.memory_space<vmem_shared>> -> memref<10112x128xf32, #tpu.memory_space<vmem_shared>>
        tpu.enqueue_indirect_dma source(%arg12 : memref<64x128xf32, #tpu.memory_space<vmem>>) target(%dma_start3A_242 : memref<10112x128xf32, #tpu.memory_space<vmem_shared>>) offsets(%dma_start3A_239 : memref<64xi32, #tpu.memory_space<vmem>>) semaphore(%run_scoped3A_236 : memref<!tpu.dma_semaphore, #tpu.memory_space<semaphore_mem>>) {add = true}
        %dma_wait3A_243 = arith.constant 0 : i32
        %dma_wait3A_244 = tpu.memref_slice %arg8[%add3A_222, %dma_wait3A_243] : memref<40x64xi32, #tpu.memory_space<vmem>> -> memref<1x64xi32, #tpu.memory_space<vmem>>
        %dma_wait3A_245 = tpu.memref_squeeze %dma_wait3A_244 : memref<1x64xi32, #tpu.memory_space<vmem>> -> memref<64xi32, #tpu.memory_space<vmem>>
        %dma_wait3A_246 = arith.constant 0 : i32
        %dma_wait3A_247 = arith.constant 0 : i32
        %dma_wait3A_248 = tpu.memref_slice %arg13[%dma_wait3A_246, %dma_wait3A_247] : memref<10112x128xf32, #tpu.memory_space<vmem_shared>> -> memref<10112x128xf32, #tpu.memory_space<vmem_shared>>
        tpu.wait_indirect_dma semaphore(%run_scoped3A_236 : memref<!tpu.dma_semaphore, #tpu.memory_space<semaphore_mem>>) src(%arg12 : memref<64x128xf32, #tpu.memory_space<vmem>>) dst(%dma_wait3A_248 : memref<10112x128xf32, #tpu.memory_space<vmem_shared>>)
        tpu.yield
      }) : () -> ()
      %add3A_229 = arith.constant 4 : i32
      %add3A_230 = arith.addi %add3A_222, %add3A_229 : i32
      %lt3A_231 = arith.constant 40 : i32
      %lt3A_232 = arith.cmpi slt, %add3A_230, %lt3A_231 : i32
      %convert_element_type3A_233 = arith.extui %lt3A_232 : i1 to i32
      %cond3A_234 = arith.constant 0 : i32
      %cond3A_235 = arith.cmpi ne, %convert_element_type3A_233, %cond3A_234 : i32
      scf.if %cond3A_235 {
        %add3A_236 = arith.constant 4 : i32
        %add3A_237 = arith.addi %add3A_222, %add3A_236 : i32
        %dma_start3A_238 = arith.constant 0 : i32
        %dma_start3A_239 = tpu.memref_slice %arg7[%add3A_237, %dma_start3A_238] : memref<40x64xi32, #tpu.memory_space<vmem>> -> memref<1x64xi32, #tpu.memory_space<vmem>>
        %dma_start3A_240 = tpu.memref_squeeze %dma_start3A_239 : memref<1x64xi32, #tpu.memory_space<vmem>> -> memref<64xi32, #tpu.memory_space<vmem>>
        %dma_start3A_241 = arith.constant 0 : i32
        %dma_start3A_242 = arith.constant 0 : i32
        %dma_start3A_243 = tpu.memref_slice %arg2[%dma_start3A_241, %dma_start3A_242] : memref<40000x128xf32, #tpu.memory_space<hbm>> -> memref<40000x128xf32, #tpu.memory_space<hbm>>
        tpu.enqueue_indirect_dma source(%dma_start3A_243 : memref<40000x128xf32, #tpu.memory_space<hbm>>) target(%arg12 : memref<64x128xf32, #tpu.memory_space<vmem>>) offsets(%dma_start3A_240 : memref<64xi32, #tpu.memory_space<vmem>>) semaphore(%arg14 : memref<!tpu.dma_semaphore, #tpu.memory_space<semaphore_mem>>)
      } else {
      }
    }
    %scan3A_163 = arith.constant 10 : i32
    %barrier3A_164 = arith.constant 0 : index
    tpu.barrier barrier_id(%barrier3A_164)
    %mul3A_165 = arith.constant 624 : i32
    %mul3A_166 = arith.muli %arg1, %mul3A_165 : i32
    "tpu.region"() ({
      %run_scoped3A_169 = tpu.sem_alloc : memref<!tpu.dma_semaphore, #tpu.memory_space<semaphore_mem>>
      %dma_start3A_170 = arith.constant 0 : i32
      %dma_start3A_171 = tpu.memref_slice %arg6[%arg0, %mul3A_166, %dma_start3A_170] : memref<2x10000x128xf32, #tpu.memory_space<hbm>> -> memref<1x624x128xf32, #tpu.memory_space<hbm>>
      %dma_start3A_172 = tpu.memref_squeeze %dma_start3A_171 : memref<1x624x128xf32, #tpu.memory_space<hbm>> -> memref<624x128xf32, #tpu.memory_space<hbm>>
      %dma_start3A_173 = arith.constant 0 : i32
      %dma_start3A_174 = tpu.memref_slice %arg13[%mul3A_166, %dma_start3A_173] : memref<10112x128xf32, #tpu.memory_space<vmem_shared>> -> memref<624x128xf32, #tpu.memory_space<vmem_shared>>
      tpu.enqueue_dma source(%dma_start3A_174 : memref<624x128xf32, #tpu.memory_space<vmem_shared>>) target(%dma_start3A_172 : memref<624x128xf32, #tpu.memory_space<hbm>>) target_semaphore(%run_scoped3A_169 : memref<!tpu.dma_semaphore, #tpu.memory_space<semaphore_mem>>)
      %dma_wait3A = arith.constant 0 : i32
      %dma_wait3A_175 = tpu.memref_slice %arg6[%arg0, %mul3A_166, %dma_wait3A] : memref<2x10000x128xf32, #tpu.memory_space<hbm>> -> memref<1x624x128xf32, #tpu.memory_space<hbm>>
      %dma_wait3A_176 = tpu.memref_squeeze %dma_wait3A_175 : memref<1x624x128xf32, #tpu.memory_space<hbm>> -> memref<624x128xf32, #tpu.memory_space<hbm>>
      %dma_wait3A_177 = arith.constant 0 : i32
      %dma_wait3A_178 = tpu.memref_slice %arg13[%mul3A_166, %dma_wait3A_177] : memref<10112x128xf32, #tpu.memory_space<vmem_shared>> -> memref<624x128xf32, #tpu.memory_space<vmem_shared>>
      tpu.wait_dma2 semaphore(%run_scoped3A_169 : memref<!tpu.dma_semaphore, #tpu.memory_space<semaphore_mem>>) src(%dma_wait3A_178 : memref<624x128xf32, #tpu.memory_space<vmem_shared>>) dst(%dma_wait3A_176 : memref<624x128xf32, #tpu.memory_space<hbm>>)
      tpu.yield
    }) : () -> ()
    %eq3A = arith.constant 15 : i32
    %eq3A_167 = arith.cmpi eq, %arg1, %eq3A : i32
    %convert_element_type3A = arith.extui %eq3A_167 : i1 to i32
    %cond3A = arith.constant 0 : i32
    %cond3A_168 = arith.cmpi ne, %convert_element_type3A, %cond3A : i32
    scf.if %cond3A_168 {
      "tpu.region"() ({
        %run_scoped3A_169 = tpu.sem_alloc : memref<!tpu.dma_semaphore, #tpu.memory_space<semaphore_mem>>
        %dma_start3A_170 = arith.constant 9984 : i32
        %dma_start3A_171 = arith.constant 0 : i32
        %dma_start3A_172 = tpu.memref_slice %arg6[%arg0, %dma_start3A_170, %dma_start3A_171] : memref<2x10000x128xf32, #tpu.memory_space<hbm>> -> memref<1x16x128xf32, #tpu.memory_space<hbm>>
        %dma_start3A_173 = tpu.memref_squeeze %dma_start3A_172 : memref<1x16x128xf32, #tpu.memory_space<hbm>> -> memref<16x128xf32, #tpu.memory_space<hbm>>
        %dma_start3A_174 = arith.constant 9984 : i32
        %dma_start3A_175 = arith.constant 0 : i32
        %dma_start3A_176 = tpu.memref_slice %arg13[%dma_start3A_174, %dma_start3A_175] : memref<10112x128xf32, #tpu.memory_space<vmem_shared>> -> memref<16x128xf32, #tpu.memory_space<vmem_shared>>
        tpu.enqueue_dma source(%dma_start3A_176 : memref<16x128xf32, #tpu.memory_space<vmem_shared>>) target(%dma_start3A_173 : memref<16x128xf32, #tpu.memory_space<hbm>>) target_semaphore(%run_scoped3A_169 : memref<!tpu.dma_semaphore, #tpu.memory_space<semaphore_mem>>)
        %dma_wait3A = arith.constant 9984 : i32
        %dma_wait3A_177 = arith.constant 0 : i32
        %dma_wait3A_178 = tpu.memref_slice %arg6[%arg0, %dma_wait3A, %dma_wait3A_177] : memref<2x10000x128xf32, #tpu.memory_space<hbm>> -> memref<1x16x128xf32, #tpu.memory_space<hbm>>
        %dma_wait3A_179 = tpu.memref_squeeze %dma_wait3A_178 : memref<1x16x128xf32, #tpu.memory_space<hbm>> -> memref<16x128xf32, #tpu.memory_space<hbm>>
        %dma_wait3A_180 = arith.constant 9984 : i32
        %dma_wait3A_181 = arith.constant 0 : i32
        %dma_wait3A_182 = tpu.memref_slice %arg13[%dma_wait3A_180, %dma_wait3A_181] : memref<10112x128xf32, #tpu.memory_space<vmem_shared>> -> memref<16x128xf32, #tpu.memory_space<vmem_shared>>
        tpu.wait_dma2 semaphore(%run_scoped3A_169 : memref<!tpu.dma_semaphore, #tpu.memory_space<semaphore_mem>>) src(%dma_wait3A_182 : memref<16x128xf32, #tpu.memory_space<vmem_shared>>) dst(%dma_wait3A_179 : memref<16x128xf32, #tpu.memory_space<hbm>>)
        tpu.yield
      }) : () -> ()
    } else {
    }
    return
  }
}

module attributes {stable_mosaic.version = 14 : i64} {
  func.func @_gru_tab_body(%arg0: i32, %arg1: memref<2x2000x128xf32, #tpu.memory_space<vmem>>, %arg2: memref<2000x128xf32, #tpu.memory_space<vmem>>, %arg3: memref<128x384xf32, #tpu.memory_space<vmem>>, %arg4: memref<128x384xf32, #tpu.memory_space<vmem>>, %arg5: memref<1x384xf32, #tpu.memory_space<vmem>>, %arg6: memref<1x384xf32, #tpu.memory_space<vmem>>, %arg7: memref<4x128x128xf32, #tpu.memory_space<vmem>>, %arg8: memref<4x128xf32, #tpu.memory_space<vmem>>, %arg9: memref<4x2000x128xf32, #tpu.memory_space<vmem>>, %arg10: memref<2000x128xf32, #tpu.memory_space<vmem>>) attributes {dimension_semantics = [#tpu.dimension_semantics<arbitrary>], iteration_bounds = array<i64: 5>, scalar_prefetch = 0 : i64, scratch_operands = 0 : i64, tpu.core_type = #tpu.core_type<tc>, window_params = [{transform_indices = @transform_0, window_bounds = array<i64: 2, 2000, 128>}, {transform_indices = @transform_1, window_bounds = array<i64: 2000, 128>}, {pipeline_mode = #tpu.pipeline_mode<synchronous>, transform_indices = @transform_2, window_bounds = array<i64: 128, 384>}, {pipeline_mode = #tpu.pipeline_mode<synchronous>, transform_indices = @transform_3, window_bounds = array<i64: 128, 384>}, {pipeline_mode = #tpu.pipeline_mode<synchronous>, transform_indices = @transform_4, window_bounds = array<i64: 1, 384>}, {pipeline_mode = #tpu.pipeline_mode<synchronous>, transform_indices = @transform_5, window_bounds = array<i64: 1, 384>}, {pipeline_mode = #tpu.pipeline_mode<synchronous>, transform_indices = @transform_6, window_bounds = array<i64: 4, 128, 128>}, {pipeline_mode = #tpu.pipeline_mode<synchronous>, transform_indices = @transform_7, window_bounds = array<i64: 4, 128>}, {transform_indices = @transform_8, window_bounds = array<i64: 4, 2000, 128>}, {transform_indices = @transform_9, window_bounds = array<i64: 2000, 128>}]} {
    %get3A = arith.constant 0 : index
    %get3A_0 = arith.constant 0 : index
    %get3A_1 = arith.constant 0 : index
    %get3A_2 = vector.load %arg1[%get3A, %get3A_0, %get3A_1] : memref<2x2000x128xf32, #tpu.memory_space<vmem>>, vector<1x2000x128xf32>
    %get3A_3 = vector.shape_cast %get3A_2 : vector<1x2000x128xf32> to vector<2000x128xf32>
    %get3A_4 = arith.constant 1 : index
    %get3A_5 = arith.constant 0 : index
    %get3A_6 = arith.constant 0 : index
    %get3A_7 = vector.load %arg1[%get3A_4, %get3A_5, %get3A_6] : memref<2x2000x128xf32, #tpu.memory_space<vmem>>, vector<1x2000x128xf32>
    %get3A_8 = vector.shape_cast %get3A_7 : vector<1x2000x128xf32> to vector<2000x128xf32>
    %add3A = arith.addf %get3A_3, %get3A_8 : vector<2000x128xf32>
    %get3A_9 = arith.constant 0 : index
    %get3A_10 = arith.constant 0 : index
    %get3A_11 = vector.load %arg2[%get3A_9, %get3A_10] : memref<2000x128xf32, #tpu.memory_space<vmem>>, vector<2000x128xf32>
    %get3A_12 = arith.constant 0 : index
    %get3A_13 = arith.constant 0 : index
    %get3A_14 = vector.load %arg3[%get3A_12, %get3A_13] : memref<128x384xf32, #tpu.memory_space<vmem>>, vector<128x384xf32>
    %dot_general3A = arith.constant dense<0.000000e+00> : vector<2000x384xf32>
    %dot_general3A_15 = tpu.matmul %add3A, %get3A_14, %dot_general3A {dimension_numbers = #tpu.dot_dimension_numbers<[1], [0], [0], [1], [0, 0, 1, 1], [], []>, transpose_lhs_hint = false} : vector<2000x128xf32>, vector<128x384xf32>, vector<2000x384xf32> -> vector<2000x384xf32>
    %get3A_16 = arith.constant 0 : index
    %get3A_17 = arith.constant 0 : index
    %get3A_18 = vector.load %arg5[%get3A_16, %get3A_17] : memref<1x384xf32, #tpu.memory_space<vmem>>, vector<1x384xf32>
    %add3A_19 = vector.broadcast %get3A_18 : vector<1x384xf32> to vector<2000x384xf32>
    %add3A_20 = arith.addf %dot_general3A_15, %add3A_19 : vector<2000x384xf32>
    %get3A_21 = arith.constant 0 : index
    %get3A_22 = arith.constant 0 : index
    %get3A_23 = vector.load %arg4[%get3A_21, %get3A_22] : memref<128x384xf32, #tpu.memory_space<vmem>>, vector<128x384xf32>
    %dot_general3A_24 = arith.constant dense<0.000000e+00> : vector<2000x384xf32>
    %dot_general3A_25 = tpu.matmul %get3A_11, %get3A_23, %dot_general3A_24 {dimension_numbers = #tpu.dot_dimension_numbers<[1], [0], [0], [1], [0, 0, 1, 1], [], []>, transpose_lhs_hint = false} : vector<2000x128xf32>, vector<128x384xf32>, vector<2000x384xf32> -> vector<2000x384xf32>
    %get3A_26 = arith.constant 0 : index
    %get3A_27 = arith.constant 0 : index
    %get3A_28 = vector.load %arg6[%get3A_26, %get3A_27] : memref<1x384xf32, #tpu.memory_space<vmem>>, vector<1x384xf32>
    %add3A_29 = vector.broadcast %get3A_28 : vector<1x384xf32> to vector<2000x384xf32>
    %add3A_30 = arith.addf %dot_general3A_25, %add3A_29 : vector<2000x384xf32>
    %slice3A = vector.extract_strided_slice %add3A_20 {offsets = [0, 0], sizes = [2000, 128], strides = [1, 1]} : vector<2000x384xf32> to vector<2000x128xf32>
    %slice3A_31 = vector.extract_strided_slice %add3A_30 {offsets = [0, 0], sizes = [2000, 128], strides = [1, 1]} : vector<2000x384xf32> to vector<2000x128xf32>
    %add3A_32 = arith.addf %slice3A, %slice3A_31 : vector<2000x128xf32>
    %neg3A = arith.constant 0.000000e+00 : f32
    %neg3A_33 = vector.broadcast %neg3A : f32 to vector<2000x128xf32>
    %neg3A_34 = arith.subf %neg3A_33, %add3A_32 : vector<2000x128xf32>
    %exp3A = math.exp %neg3A_34 : vector<2000x128xf32>
    %add3A_35 = arith.constant 1.000000e+00 : f32
    %add3A_36 = vector.broadcast %add3A_35 : f32 to vector<2000x128xf32>
    %add3A_37 = arith.addf %add3A_36, %exp3A : vector<2000x128xf32>
    %div3A = arith.constant 1.000000e+00 : f32
    %div3A_38 = vector.broadcast %div3A : f32 to vector<2000x128xf32>
    %div3A_39 = arith.divf %div3A_38, %add3A_37 : vector<2000x128xf32>
    %slice3A_40 = vector.extract_strided_slice %add3A_20 {offsets = [0, 128], sizes = [2000, 128], strides = [1, 1]} : vector<2000x384xf32> to vector<2000x128xf32>
    %slice3A_41 = vector.extract_strided_slice %add3A_30 {offsets = [0, 128], sizes = [2000, 128], strides = [1, 1]} : vector<2000x384xf32> to vector<2000x128xf32>
    %add3A_42 = arith.addf %slice3A_40, %slice3A_41 : vector<2000x128xf32>
    %neg3A_43 = arith.constant 0.000000e+00 : f32
    %neg3A_44 = vector.broadcast %neg3A_43 : f32 to vector<2000x128xf32>
    %neg3A_45 = arith.subf %neg3A_44, %add3A_42 : vector<2000x128xf32>
    %exp3A_46 = math.exp %neg3A_45 : vector<2000x128xf32>
    %add3A_47 = arith.constant 1.000000e+00 : f32
    %add3A_48 = vector.broadcast %add3A_47 : f32 to vector<2000x128xf32>
    %add3A_49 = arith.addf %add3A_48, %exp3A_46 : vector<2000x128xf32>
    %div3A_50 = arith.constant 1.000000e+00 : f32
    %div3A_51 = vector.broadcast %div3A_50 : f32 to vector<2000x128xf32>
    %div3A_52 = arith.divf %div3A_51, %add3A_49 : vector<2000x128xf32>
    %slice3A_53 = vector.extract_strided_slice %add3A_20 {offsets = [0, 256], sizes = [2000, 128], strides = [1, 1]} : vector<2000x384xf32> to vector<2000x128xf32>
    %slice3A_54 = vector.extract_strided_slice %add3A_30 {offsets = [0, 256], sizes = [2000, 128], strides = [1, 1]} : vector<2000x384xf32> to vector<2000x128xf32>
    %mul3A = arith.mulf %div3A_39, %slice3A_54 : vector<2000x128xf32>
    %add3A_55 = arith.addf %slice3A_53, %mul3A : vector<2000x128xf32>
    %tanh3A = math.tanh %add3A_55 : vector<2000x128xf32>
    %sub3A = arith.constant 1.000000e+00 : f32
    %sub3A_56 = vector.broadcast %sub3A : f32 to vector<2000x128xf32>
    %sub3A_57 = arith.subf %sub3A_56, %div3A_52 : vector<2000x128xf32>
    %mul3A_58 = arith.mulf %sub3A_57, %tanh3A : vector<2000x128xf32>
    %mul3A_59 = arith.mulf %div3A_52, %get3A_11 : vector<2000x128xf32>
    %add3A_60 = arith.addf %mul3A_58, %mul3A_59 : vector<2000x128xf32>
    %swap3A = arith.constant 0 : index
    %swap3A_61 = arith.constant 0 : index
    %swap3A_62 = vector.load %arg10[%swap3A, %swap3A_61] : memref<2000x128xf32, #tpu.memory_space<vmem>>, vector<2000x128xf32>
    tpu.vector_store %arg10[%swap3A, %swap3A_61], %add3A_60 {strides = array<i32>} : memref<2000x128xf32, #tpu.memory_space<vmem>>, vector<2000x128xf32>,
    %get3A_63 = arith.constant 0 : index
    %get3A_64 = arith.constant 0 : index
    %get3A_65 = arith.constant 0 : index
    %get3A_66 = vector.load %arg7[%get3A_63, %get3A_64, %get3A_65] : memref<4x128x128xf32, #tpu.memory_space<vmem>>, vector<4x128x128xf32>
    %get3A_67 = arith.constant 0 : index
    %get3A_68 = arith.constant 0 : index
    %get3A_69 = vector.load %arg8[%get3A_67, %get3A_68] : memref<4x128xf32, #tpu.memory_space<vmem>>, vector<4x128xf32>
    %slice3A_70 = vector.extract_strided_slice %get3A_66 {offsets = [0, 0, 0], sizes = [1, 128, 128], strides = [1, 1, 1]} : vector<4x128x128xf32> to vector<1x128x128xf32>
    %squeeze3A = vector.shape_cast %slice3A_70 : vector<1x128x128xf32> to vector<128x128xf32>
    %dot_general3A_71 = arith.constant dense<0.000000e+00> : vector<2000x128xf32>
    %dot_general3A_72 = tpu.matmul %add3A_60, %squeeze3A, %dot_general3A_71 {dimension_numbers = #tpu.dot_dimension_numbers<[1], [0], [0], [1], [0, 0, 1, 1], [], []>, transpose_lhs_hint = false} : vector<2000x128xf32>, vector<128x128xf32>, vector<2000x128xf32> -> vector<2000x128xf32>
    %slice3A_73 = vector.extract_strided_slice %get3A_69 {offsets = [0, 0], sizes = [1, 128], strides = [1, 1]} : vector<4x128xf32> to vector<1x128xf32>
    %squeeze3A_74 = vector.shape_cast %slice3A_73 : vector<1x128xf32> to vector<128xf32>
    %broadcast_in_dim3A = vector.shape_cast %squeeze3A_74 : vector<128xf32> to vector<1x128xf32>
    %add3A_75 = vector.broadcast %broadcast_in_dim3A : vector<1x128xf32> to vector<2000x128xf32>
    %add3A_76 = arith.addf %dot_general3A_72, %add3A_75 : vector<2000x128xf32>
    %swap3A_77 = arith.constant 0 : index
    %swap3A_78 = arith.constant 0 : index
    %swap3A_79 = arith.constant 0 : index
    %swap3A_80 = vector.load %arg9[%swap3A_77, %swap3A_78, %swap3A_79] : memref<4x2000x128xf32, #tpu.memory_space<vmem>>, vector<1x2000x128xf32>
    %swap3A_81 = vector.shape_cast %swap3A_80 : vector<1x2000x128xf32> to vector<2000x128xf32>
    %swap3A_82 = vector.shape_cast %add3A_76 : vector<2000x128xf32> to vector<1x2000x128xf32>
    tpu.vector_store %arg9[%swap3A_77, %swap3A_78, %swap3A_79], %swap3A_82 {strides = array<i32>} : memref<4x2000x128xf32, #tpu.memory_space<vmem>>, vector<1x2000x128xf32>,
    %slice3A_83 = vector.extract_strided_slice %get3A_66 {offsets = [1, 0, 0], sizes = [1, 128, 128], strides = [1, 1, 1]} : vector<4x128x128xf32> to vector<1x128x128xf32>
    %squeeze3A_84 = vector.shape_cast %slice3A_83 : vector<1x128x128xf32> to vector<128x128xf32>
    %dot_general3A_85 = arith.constant dense<0.000000e+00> : vector<2000x128xf32>
    %dot_general3A_86 = tpu.matmul %add3A_60, %squeeze3A_84, %dot_general3A_85 {dimension_numbers = #tpu.dot_dimension_numbers<[1], [0], [0], [1], [0, 0, 1, 1], [], []>, transpose_lhs_hint = false} : vector<2000x128xf32>, vector<128x128xf32>, vector<2000x128xf32> -> vector<2000x128xf32>
    %slice3A_87 = vector.extract_strided_slice %get3A_69 {offsets = [1, 0], sizes = [1, 128], strides = [1, 1]} : vector<4x128xf32> to vector<1x128xf32>
    %squeeze3A_88 = vector.shape_cast %slice3A_87 : vector<1x128xf32> to vector<128xf32>
    %broadcast_in_dim3A_89 = vector.shape_cast %squeeze3A_88 : vector<128xf32> to vector<1x128xf32>
    %add3A_90 = vector.broadcast %broadcast_in_dim3A_89 : vector<1x128xf32> to vector<2000x128xf32>
    %add3A_91 = arith.addf %dot_general3A_86, %add3A_90 : vector<2000x128xf32>
    %swap3A_92 = arith.constant 1 : index
    %swap3A_93 = arith.constant 0 : index
    %swap3A_94 = arith.constant 0 : index
    %swap3A_95 = vector.load %arg9[%swap3A_92, %swap3A_93, %swap3A_94] : memref<4x2000x128xf32, #tpu.memory_space<vmem>>, vector<1x2000x128xf32>
    %swap3A_96 = vector.shape_cast %swap3A_95 : vector<1x2000x128xf32> to vector<2000x128xf32>
    %swap3A_97 = vector.shape_cast %add3A_91 : vector<2000x128xf32> to vector<1x2000x128xf32>
    tpu.vector_store %arg9[%swap3A_92, %swap3A_93, %swap3A_94], %swap3A_97 {strides = array<i32>} : memref<4x2000x128xf32, #tpu.memory_space<vmem>>, vector<1x2000x128xf32>,
    %slice3A_98 = vector.extract_strided_slice %get3A_66 {offsets = [2, 0, 0], sizes = [1, 128, 128], strides = [1, 1, 1]} : vector<4x128x128xf32> to vector<1x128x128xf32>
    %squeeze3A_99 = vector.shape_cast %slice3A_98 : vector<1x128x128xf32> to vector<128x128xf32>
    %dot_general3A_100 = arith.constant dense<0.000000e+00> : vector<2000x128xf32>
    %dot_general3A_101 = tpu.matmul %add3A_60, %squeeze3A_99, %dot_general3A_100 {dimension_numbers = #tpu.dot_dimension_numbers<[1], [0], [0], [1], [0, 0, 1, 1], [], []>, transpose_lhs_hint = false} : vector<2000x128xf32>, vector<128x128xf32>, vector<2000x128xf32> -> vector<2000x128xf32>
    %slice3A_102 = vector.extract_strided_slice %get3A_69 {offsets = [2, 0], sizes = [1, 128], strides = [1, 1]} : vector<4x128xf32> to vector<1x128xf32>
    %squeeze3A_103 = vector.shape_cast %slice3A_102 : vector<1x128xf32> to vector<128xf32>
    %broadcast_in_dim3A_104 = vector.shape_cast %squeeze3A_103 : vector<128xf32> to vector<1x128xf32>
    %add3A_105 = vector.broadcast %broadcast_in_dim3A_104 : vector<1x128xf32> to vector<2000x128xf32>
    %add3A_106 = arith.addf %dot_general3A_101, %add3A_105 : vector<2000x128xf32>
    %swap3A_107 = arith.constant 2 : index
    %swap3A_108 = arith.constant 0 : index
    %swap3A_109 = arith.constant 0 : index
    %swap3A_110 = vector.load %arg9[%swap3A_107, %swap3A_108, %swap3A_109] : memref<4x2000x128xf32, #tpu.memory_space<vmem>>, vector<1x2000x128xf32>
    %swap3A_111 = vector.shape_cast %swap3A_110 : vector<1x2000x128xf32> to vector<2000x128xf32>
    %swap3A_112 = vector.shape_cast %add3A_106 : vector<2000x128xf32> to vector<1x2000x128xf32>
    tpu.vector_store %arg9[%swap3A_107, %swap3A_108, %swap3A_109], %swap3A_112 {strides = array<i32>} : memref<4x2000x128xf32, #tpu.memory_space<vmem>>, vector<1x2000x128xf32>,
    %slice3A_113 = vector.extract_strided_slice %get3A_66 {offsets = [3, 0, 0], sizes = [1, 128, 128], strides = [1, 1, 1]} : vector<4x128x128xf32> to vector<1x128x128xf32>
    %squeeze3A_114 = vector.shape_cast %slice3A_113 : vector<1x128x128xf32> to vector<128x128xf32>
    %dot_general3A_115 = arith.constant dense<0.000000e+00> : vector<2000x128xf32>
    %dot_general3A_116 = tpu.matmul %add3A_60, %squeeze3A_114, %dot_general3A_115 {dimension_numbers = #tpu.dot_dimension_numbers<[1], [0], [0], [1], [0, 0, 1, 1], [], []>, transpose_lhs_hint = false} : vector<2000x128xf32>, vector<128x128xf32>, vector<2000x128xf32> -> vector<2000x128xf32>
    %slice3A_117 = vector.extract_strided_slice %get3A_69 {offsets = [3, 0], sizes = [1, 128], strides = [1, 1]} : vector<4x128xf32> to vector<1x128xf32>
    %squeeze3A_118 = vector.shape_cast %slice3A_117 : vector<1x128xf32> to vector<128xf32>
    %broadcast_in_dim3A_119 = vector.shape_cast %squeeze3A_118 : vector<128xf32> to vector<1x128xf32>
    %add3A_120 = vector.broadcast %broadcast_in_dim3A_119 : vector<1x128xf32> to vector<2000x128xf32>
    %add3A_121 = arith.addf %dot_general3A_116, %add3A_120 : vector<2000x128xf32>
    %swap3A_122 = arith.constant 3 : index
    %swap3A_123 = arith.constant 0 : index
    %swap3A_124 = arith.constant 0 : index
    %swap3A_125 = vector.load %arg9[%swap3A_122, %swap3A_123, %swap3A_124] : memref<4x2000x128xf32, #tpu.memory_space<vmem>>, vector<1x2000x128xf32>
    %swap3A_126 = vector.shape_cast %swap3A_125 : vector<1x2000x128xf32> to vector<2000x128xf32>
    %swap3A_127 = vector.shape_cast %add3A_121 : vector<2000x128xf32> to vector<1x2000x128xf32>
    tpu.vector_store %arg9[%swap3A_122, %swap3A_123, %swap3A_124], %swap3A_127 {strides = array<i32>} : memref<4x2000x128xf32, #tpu.memory_space<vmem>>, vector<1x2000x128xf32>,
    return
  }
  func.func @transform_0(%arg0: i32) -> (i32, i32, i32) {
    %c0_i32 = arith.constant 0 : i32
    %c0_i32_0 = arith.constant 0 : i32
    %c0_i32_1 = arith.constant 0 : i32
    return %c0_i32, %arg0, %c0_i32_0 : i32, i32, i32
  }
  func.func @transform_1(%arg0: i32) -> (i32, i32) {
    %c0_i32 = arith.constant 0 : i32
    %c0_i32_0 = arith.constant 0 : i32
    return %arg0, %c0_i32 : i32, i32
  }
  func.func @transform_2(%arg0: i32) -> (i32, i32) {
    %c0_i32 = arith.constant 0 : i32
    %c0_i32_0 = arith.constant 0 : i32
    %c0_i32_1 = arith.constant 0 : i32
    return %c0_i32, %c0_i32_0 : i32, i32
  }
  func.func @transform_3(%arg0: i32) -> (i32, i32) {
    %c0_i32 = arith.constant 0 : i32
    %c0_i32_0 = arith.constant 0 : i32
    %c0_i32_1 = arith.constant 0 : i32
    return %c0_i32, %c0_i32_0 : i32, i32
  }
  func.func @transform_4(%arg0: i32) -> (i32, i32) {
    %c0_i32 = arith.constant 0 : i32
    %c0_i32_0 = arith.constant 0 : i32
    %c0_i32_1 = arith.constant 0 : i32
    return %c0_i32, %c0_i32_0 : i32, i32
  }
  func.func @transform_5(%arg0: i32) -> (i32, i32) {
    %c0_i32 = arith.constant 0 : i32
    %c0_i32_0 = arith.constant 0 : i32
    %c0_i32_1 = arith.constant 0 : i32
    return %c0_i32, %c0_i32_0 : i32, i32
  }
  func.func @transform_6(%arg0: i32) -> (i32, i32, i32) {
    %c0_i32 = arith.constant 0 : i32
    %c0_i32_0 = arith.constant 0 : i32
    %c0_i32_1 = arith.constant 0 : i32
    %c0_i32_2 = arith.constant 0 : i32
    return %c0_i32, %c0_i32_0, %c0_i32_1 : i32, i32, i32
  }
  func.func @transform_7(%arg0: i32) -> (i32, i32) {
    %c0_i32 = arith.constant 0 : i32
    %c0_i32_0 = arith.constant 0 : i32
    %c0_i32_1 = arith.constant 0 : i32
    return %c0_i32, %c0_i32_0 : i32, i32
  }
  func.func @transform_8(%arg0: i32) -> (i32, i32, i32) {
    %c0_i32 = arith.constant 0 : i32
    %c0_i32_0 = arith.constant 0 : i32
    %c0_i32_1 = arith.constant 0 : i32
    return %c0_i32, %arg0, %c0_i32_0 : i32, i32, i32
  }
  func.func @transform_9(%arg0: i32) -> (i32, i32) {
    %c0_i32 = arith.constant 0 : i32
    %c0_i32_0 = arith.constant 0 : i32
    return %arg0, %c0_i32 : i32, i32
  }
}

module attributes {stable_mosaic.version = 14 : i64} {
  func.func @_th_body(%arg0: i32, %arg1: memref<2000x128xf32, #tpu.memory_space<vmem>>, %arg2: memref<4x128x128xf32, #tpu.memory_space<vmem>>, %arg3: memref<4x128xf32, #tpu.memory_space<vmem>>, %arg4: memref<4x2000x128xf32, #tpu.memory_space<vmem>>) attributes {dimension_semantics = [#tpu.dimension_semantics<arbitrary>], iteration_bounds = array<i64: 5>, scalar_prefetch = 0 : i64, scratch_operands = 0 : i64, tpu.core_type = #tpu.core_type<tc>, window_params = [{transform_indices = @transform_0, window_bounds = array<i64: 2000, 128>}, {pipeline_mode = #tpu.pipeline_mode<synchronous>, transform_indices = @transform_1, window_bounds = array<i64: 4, 128, 128>}, {pipeline_mode = #tpu.pipeline_mode<synchronous>, transform_indices = @transform_2, window_bounds = array<i64: 4, 128>}, {transform_indices = @transform_3, window_bounds = array<i64: 4, 2000, 128>}]} {
    %get3A = arith.constant 0 : index
    %get3A_0 = arith.constant 0 : index
    %get3A_1 = vector.load %arg1[%get3A, %get3A_0] : memref<2000x128xf32, #tpu.memory_space<vmem>>, vector<2000x128xf32>
    %get3A_2 = arith.constant 0 : index
    %get3A_3 = arith.constant 0 : index
    %get3A_4 = arith.constant 0 : index
    %get3A_5 = vector.load %arg2[%get3A_2, %get3A_3, %get3A_4] : memref<4x128x128xf32, #tpu.memory_space<vmem>>, vector<4x128x128xf32>
    %get3A_6 = arith.constant 0 : index
    %get3A_7 = arith.constant 0 : index
    %get3A_8 = vector.load %arg3[%get3A_6, %get3A_7] : memref<4x128xf32, #tpu.memory_space<vmem>>, vector<4x128xf32>
    %slice3A = vector.extract_strided_slice %get3A_5 {offsets = [0, 0, 0], sizes = [1, 128, 128], strides = [1, 1, 1]} : vector<4x128x128xf32> to vector<1x128x128xf32>
    %squeeze3A = vector.shape_cast %slice3A : vector<1x128x128xf32> to vector<128x128xf32>
    %dot_general3A = arith.constant dense<0.000000e+00> : vector<2000x128xf32>
    %dot_general3A_9 = tpu.matmul %get3A_1, %squeeze3A, %dot_general3A {dimension_numbers = #tpu.dot_dimension_numbers<[1], [0], [0], [1], [0, 0, 1, 1], [], []>, transpose_lhs_hint = false} : vector<2000x128xf32>, vector<128x128xf32>, vector<2000x128xf32> -> vector<2000x128xf32>
    %slice3A_10 = vector.extract_strided_slice %get3A_8 {offsets = [0, 0], sizes = [1, 128], strides = [1, 1]} : vector<4x128xf32> to vector<1x128xf32>
    %squeeze3A_11 = vector.shape_cast %slice3A_10 : vector<1x128xf32> to vector<128xf32>
    %broadcast_in_dim3A = vector.shape_cast %squeeze3A_11 : vector<128xf32> to vector<1x128xf32>
    %add3A = vector.broadcast %broadcast_in_dim3A : vector<1x128xf32> to vector<2000x128xf32>
    %add3A_12 = arith.addf %dot_general3A_9, %add3A : vector<2000x128xf32>
    %swap3A = arith.constant 0 : index
    %swap3A_13 = arith.constant 0 : index
    %swap3A_14 = arith.constant 0 : index
    %swap3A_15 = vector.load %arg4[%swap3A, %swap3A_13, %swap3A_14] : memref<4x2000x128xf32, #tpu.memory_space<vmem>>, vector<1x2000x128xf32>
    %swap3A_16 = vector.shape_cast %swap3A_15 : vector<1x2000x128xf32> to vector<2000x128xf32>
    %swap3A_17 = vector.shape_cast %add3A_12 : vector<2000x128xf32> to vector<1x2000x128xf32>
    tpu.vector_store %arg4[%swap3A, %swap3A_13, %swap3A_14], %swap3A_17 {strides = array<i32>} : memref<4x2000x128xf32, #tpu.memory_space<vmem>>, vector<1x2000x128xf32>,
    %slice3A_18 = vector.extract_strided_slice %get3A_5 {offsets = [1, 0, 0], sizes = [1, 128, 128], strides = [1, 1, 1]} : vector<4x128x128xf32> to vector<1x128x128xf32>
    %squeeze3A_19 = vector.shape_cast %slice3A_18 : vector<1x128x128xf32> to vector<128x128xf32>
    %dot_general3A_20 = arith.constant dense<0.000000e+00> : vector<2000x128xf32>
    %dot_general3A_21 = tpu.matmul %get3A_1, %squeeze3A_19, %dot_general3A_20 {dimension_numbers = #tpu.dot_dimension_numbers<[1], [0], [0], [1], [0, 0, 1, 1], [], []>, transpose_lhs_hint = false} : vector<2000x128xf32>, vector<128x128xf32>, vector<2000x128xf32> -> vector<2000x128xf32>
    %slice3A_22 = vector.extract_strided_slice %get3A_8 {offsets = [1, 0], sizes = [1, 128], strides = [1, 1]} : vector<4x128xf32> to vector<1x128xf32>
    %squeeze3A_23 = vector.shape_cast %slice3A_22 : vector<1x128xf32> to vector<128xf32>
    %broadcast_in_dim3A_24 = vector.shape_cast %squeeze3A_23 : vector<128xf32> to vector<1x128xf32>
    %add3A_25 = vector.broadcast %broadcast_in_dim3A_24 : vector<1x128xf32> to vector<2000x128xf32>
    %add3A_26 = arith.addf %dot_general3A_21, %add3A_25 : vector<2000x128xf32>
    %swap3A_27 = arith.constant 1 : index
    %swap3A_28 = arith.constant 0 : index
    %swap3A_29 = arith.constant 0 : index
    %swap3A_30 = vector.load %arg4[%swap3A_27, %swap3A_28, %swap3A_29] : memref<4x2000x128xf32, #tpu.memory_space<vmem>>, vector<1x2000x128xf32>
    %swap3A_31 = vector.shape_cast %swap3A_30 : vector<1x2000x128xf32> to vector<2000x128xf32>
    %swap3A_32 = vector.shape_cast %add3A_26 : vector<2000x128xf32> to vector<1x2000x128xf32>
    tpu.vector_store %arg4[%swap3A_27, %swap3A_28, %swap3A_29], %swap3A_32 {strides = array<i32>} : memref<4x2000x128xf32, #tpu.memory_space<vmem>>, vector<1x2000x128xf32>,
    %slice3A_33 = vector.extract_strided_slice %get3A_5 {offsets = [2, 0, 0], sizes = [1, 128, 128], strides = [1, 1, 1]} : vector<4x128x128xf32> to vector<1x128x128xf32>
    %squeeze3A_34 = vector.shape_cast %slice3A_33 : vector<1x128x128xf32> to vector<128x128xf32>
    %dot_general3A_35 = arith.constant dense<0.000000e+00> : vector<2000x128xf32>
    %dot_general3A_36 = tpu.matmul %get3A_1, %squeeze3A_34, %dot_general3A_35 {dimension_numbers = #tpu.dot_dimension_numbers<[1], [0], [0], [1], [0, 0, 1, 1], [], []>, transpose_lhs_hint = false} : vector<2000x128xf32>, vector<128x128xf32>, vector<2000x128xf32> -> vector<2000x128xf32>
    %slice3A_37 = vector.extract_strided_slice %get3A_8 {offsets = [2, 0], sizes = [1, 128], strides = [1, 1]} : vector<4x128xf32> to vector<1x128xf32>
    %squeeze3A_38 = vector.shape_cast %slice3A_37 : vector<1x128xf32> to vector<128xf32>
    %broadcast_in_dim3A_39 = vector.shape_cast %squeeze3A_38 : vector<128xf32> to vector<1x128xf32>
    %add3A_40 = vector.broadcast %broadcast_in_dim3A_39 : vector<1x128xf32> to vector<2000x128xf32>
    %add3A_41 = arith.addf %dot_general3A_36, %add3A_40 : vector<2000x128xf32>
    %swap3A_42 = arith.constant 2 : index
    %swap3A_43 = arith.constant 0 : index
    %swap3A_44 = arith.constant 0 : index
    %swap3A_45 = vector.load %arg4[%swap3A_42, %swap3A_43, %swap3A_44] : memref<4x2000x128xf32, #tpu.memory_space<vmem>>, vector<1x2000x128xf32>
    %swap3A_46 = vector.shape_cast %swap3A_45 : vector<1x2000x128xf32> to vector<2000x128xf32>
    %swap3A_47 = vector.shape_cast %add3A_41 : vector<2000x128xf32> to vector<1x2000x128xf32>
    tpu.vector_store %arg4[%swap3A_42, %swap3A_43, %swap3A_44], %swap3A_47 {strides = array<i32>} : memref<4x2000x128xf32, #tpu.memory_space<vmem>>, vector<1x2000x128xf32>,
    %slice3A_48 = vector.extract_strided_slice %get3A_5 {offsets = [3, 0, 0], sizes = [1, 128, 128], strides = [1, 1, 1]} : vector<4x128x128xf32> to vector<1x128x128xf32>
    %squeeze3A_49 = vector.shape_cast %slice3A_48 : vector<1x128x128xf32> to vector<128x128xf32>
    %dot_general3A_50 = arith.constant dense<0.000000e+00> : vector<2000x128xf32>
    %dot_general3A_51 = tpu.matmul %get3A_1, %squeeze3A_49, %dot_general3A_50 {dimension_numbers = #tpu.dot_dimension_numbers<[1], [0], [0], [1], [0, 0, 1, 1], [], []>, transpose_lhs_hint = false} : vector<2000x128xf32>, vector<128x128xf32>, vector<2000x128xf32> -> vector<2000x128xf32>
    %slice3A_52 = vector.extract_strided_slice %get3A_8 {offsets = [3, 0], sizes = [1, 128], strides = [1, 1]} : vector<4x128xf32> to vector<1x128xf32>
    %squeeze3A_53 = vector.shape_cast %slice3A_52 : vector<1x128xf32> to vector<128xf32>
    %broadcast_in_dim3A_54 = vector.shape_cast %squeeze3A_53 : vector<128xf32> to vector<1x128xf32>
    %add3A_55 = vector.broadcast %broadcast_in_dim3A_54 : vector<1x128xf32> to vector<2000x128xf32>
    %add3A_56 = arith.addf %dot_general3A_51, %add3A_55 : vector<2000x128xf32>
    %swap3A_57 = arith.constant 3 : index
    %swap3A_58 = arith.constant 0 : index
    %swap3A_59 = arith.constant 0 : index
    %swap3A_60 = vector.load %arg4[%swap3A_57, %swap3A_58, %swap3A_59] : memref<4x2000x128xf32, #tpu.memory_space<vmem>>, vector<1x2000x128xf32>
    %swap3A_61 = vector.shape_cast %swap3A_60 : vector<1x2000x128xf32> to vector<2000x128xf32>
    %swap3A_62 = vector.shape_cast %add3A_56 : vector<2000x128xf32> to vector<1x2000x128xf32>
    tpu.vector_store %arg4[%swap3A_57, %swap3A_58, %swap3A_59], %swap3A_62 {strides = array<i32>} : memref<4x2000x128xf32, #tpu.memory_space<vmem>>, vector<1x2000x128xf32>,
    return
  }
  func.func @transform_0(%arg0: i32) -> (i32, i32) {
    %c0_i32 = arith.constant 0 : i32
    %c0_i32_0 = arith.constant 0 : i32
    return %arg0, %c0_i32 : i32, i32
  }
  func.func @transform_1(%arg0: i32) -> (i32, i32, i32) {
    %c0_i32 = arith.constant 0 : i32
    %c0_i32_0 = arith.constant 0 : i32
    %c0_i32_1 = arith.constant 0 : i32
    %c0_i32_2 = arith.constant 0 : i32
    return %c0_i32, %c0_i32_0, %c0_i32_1 : i32, i32, i32
  }
  func.func @transform_2(%arg0: i32) -> (i32, i32) {
    %c0_i32 = arith.constant 0 : i32
    %c0_i32_0 = arith.constant 0 : i32
    %c0_i32_1 = arith.constant 0 : i32
    return %c0_i32, %c0_i32_0 : i32, i32
  }
  func.func @transform_3(%arg0: i32) -> (i32, i32, i32) {
    %c0_i32 = arith.constant 0 : i32
    %c0_i32_0 = arith.constant 0 : i32
    %c0_i32_1 = arith.constant 0 : i32
    return %c0_i32, %arg0, %c0_i32_0 : i32, i32, i32
  }
}

module attributes {stable_mosaic.version = 14 : i64} {
  func.func @_gru_fin_body(%arg0: i32, %arg1: memref<2x2000x128xf32, #tpu.memory_space<vmem>>, %arg2: memref<2000x128xf32, #tpu.memory_space<vmem>>, %arg3: memref<128x384xf32, #tpu.memory_space<vmem>>, %arg4: memref<128x384xf32, #tpu.memory_space<vmem>>, %arg5: memref<1x384xf32, #tpu.memory_space<vmem>>, %arg6: memref<1x384xf32, #tpu.memory_space<vmem>>, %arg7: memref<1x128xf32, #tpu.memory_space<vmem>>, %arg8: memref<1x128xf32, #tpu.memory_space<vmem>>, %arg9: memref<1x128xf32, #tpu.memory_space<vmem>>, %arg10: memref<2000x128xf32, #tpu.memory_space<vmem>>, %arg11: memref<2000x1xf32, #tpu.memory_space<vmem>>) attributes {dimension_semantics = [#tpu.dimension_semantics<arbitrary>], iteration_bounds = array<i64: 5>, scalar_prefetch = 0 : i64, scratch_operands = 0 : i64, tpu.core_type = #tpu.core_type<tc>, window_params = [{transform_indices = @transform_0, window_bounds = array<i64: 2, 2000, 128>}, {transform_indices = @transform_1, window_bounds = array<i64: 2000, 128>}, {pipeline_mode = #tpu.pipeline_mode<synchronous>, transform_indices = @transform_2, window_bounds = array<i64: 128, 384>}, {pipeline_mode = #tpu.pipeline_mode<synchronous>, transform_indices = @transform_3, window_bounds = array<i64: 128, 384>}, {pipeline_mode = #tpu.pipeline_mode<synchronous>, transform_indices = @transform_4, window_bounds = array<i64: 1, 384>}, {pipeline_mode = #tpu.pipeline_mode<synchronous>, transform_indices = @transform_5, window_bounds = array<i64: 1, 384>}, {pipeline_mode = #tpu.pipeline_mode<synchronous>, transform_indices = @transform_6, window_bounds = array<i64: 1, 128>}, {pipeline_mode = #tpu.pipeline_mode<synchronous>, transform_indices = @transform_7, window_bounds = array<i64: 1, 128>}, {pipeline_mode = #tpu.pipeline_mode<synchronous>, transform_indices = @transform_8, window_bounds = array<i64: 1, 128>}, {transform_indices = @transform_9, window_bounds = array<i64: 2000, 128>}, {transform_indices = @transform_10, window_bounds = array<i64: 2000, 1>}]} {
    %get3A = arith.constant 0 : index
    %get3A_0 = arith.constant 0 : index
    %get3A_1 = arith.constant 0 : index
    %get3A_2 = vector.load %arg1[%get3A, %get3A_0, %get3A_1] : memref<2x2000x128xf32, #tpu.memory_space<vmem>>, vector<1x2000x128xf32>
    %get3A_3 = vector.shape_cast %get3A_2 : vector<1x2000x128xf32> to vector<2000x128xf32>
    %get3A_4 = arith.constant 1 : index
    %get3A_5 = arith.constant 0 : index
    %get3A_6 = arith.constant 0 : index
    %get3A_7 = vector.load %arg1[%get3A_4, %get3A_5, %get3A_6] : memref<2x2000x128xf32, #tpu.memory_space<vmem>>, vector<1x2000x128xf32>
    %get3A_8 = vector.shape_cast %get3A_7 : vector<1x2000x128xf32> to vector<2000x128xf32>
    %add3A = arith.addf %get3A_3, %get3A_8 : vector<2000x128xf32>
    %get3A_9 = arith.constant 0 : index
    %get3A_10 = arith.constant 0 : index
    %get3A_11 = vector.load %arg2[%get3A_9, %get3A_10] : memref<2000x128xf32, #tpu.memory_space<vmem>>, vector<2000x128xf32>
    %get3A_12 = arith.constant 0 : index
    %get3A_13 = arith.constant 0 : index
    %get3A_14 = vector.load %arg3[%get3A_12, %get3A_13] : memref<128x384xf32, #tpu.memory_space<vmem>>, vector<128x384xf32>
    %dot_general3A = arith.constant dense<0.000000e+00> : vector<2000x384xf32>
    %dot_general3A_15 = tpu.matmul %add3A, %get3A_14, %dot_general3A {dimension_numbers = #tpu.dot_dimension_numbers<[1], [0], [0], [1], [0, 0, 1, 1], [], []>, transpose_lhs_hint = false} : vector<2000x128xf32>, vector<128x384xf32>, vector<2000x384xf32> -> vector<2000x384xf32>
    %get3A_16 = arith.constant 0 : index
    %get3A_17 = arith.constant 0 : index
    %get3A_18 = vector.load %arg5[%get3A_16, %get3A_17] : memref<1x384xf32, #tpu.memory_space<vmem>>, vector<1x384xf32>
    %add3A_19 = vector.broadcast %get3A_18 : vector<1x384xf32> to vector<2000x384xf32>
    %add3A_20 = arith.addf %dot_general3A_15, %add3A_19 : vector<2000x384xf32>
    %get3A_21 = arith.constant 0 : index
    %get3A_22 = arith.constant 0 : index
    %get3A_23 = vector.load %arg4[%get3A_21, %get3A_22] : memref<128x384xf32, #tpu.memory_space<vmem>>, vector<128x384xf32>
    %dot_general3A_24 = arith.constant dense<0.000000e+00> : vector<2000x384xf32>
    %dot_general3A_25 = tpu.matmul %get3A_11, %get3A_23, %dot_general3A_24 {dimension_numbers = #tpu.dot_dimension_numbers<[1], [0], [0], [1], [0, 0, 1, 1], [], []>, transpose_lhs_hint = false} : vector<2000x128xf32>, vector<128x384xf32>, vector<2000x384xf32> -> vector<2000x384xf32>
    %get3A_26 = arith.constant 0 : index
    %get3A_27 = arith.constant 0 : index
    %get3A_28 = vector.load %arg6[%get3A_26, %get3A_27] : memref<1x384xf32, #tpu.memory_space<vmem>>, vector<1x384xf32>
    %add3A_29 = vector.broadcast %get3A_28 : vector<1x384xf32> to vector<2000x384xf32>
    %add3A_30 = arith.addf %dot_general3A_25, %add3A_29 : vector<2000x384xf32>
    %slice3A = vector.extract_strided_slice %add3A_20 {offsets = [0, 0], sizes = [2000, 128], strides = [1, 1]} : vector<2000x384xf32> to vector<2000x128xf32>
    %slice3A_31 = vector.extract_strided_slice %add3A_30 {offsets = [0, 0], sizes = [2000, 128], strides = [1, 1]} : vector<2000x384xf32> to vector<2000x128xf32>
    %add3A_32 = arith.addf %slice3A, %slice3A_31 : vector<2000x128xf32>
    %neg3A = arith.constant 0.000000e+00 : f32
    %neg3A_33 = vector.broadcast %neg3A : f32 to vector<2000x128xf32>
    %neg3A_34 = arith.subf %neg3A_33, %add3A_32 : vector<2000x128xf32>
    %exp3A = math.exp %neg3A_34 : vector<2000x128xf32>
    %add3A_35 = arith.constant 1.000000e+00 : f32
    %add3A_36 = vector.broadcast %add3A_35 : f32 to vector<2000x128xf32>
    %add3A_37 = arith.addf %add3A_36, %exp3A : vector<2000x128xf32>
    %div3A = arith.constant 1.000000e+00 : f32
    %div3A_38 = vector.broadcast %div3A : f32 to vector<2000x128xf32>
    %div3A_39 = arith.divf %div3A_38, %add3A_37 : vector<2000x128xf32>
    %slice3A_40 = vector.extract_strided_slice %add3A_20 {offsets = [0, 128], sizes = [2000, 128], strides = [1, 1]} : vector<2000x384xf32> to vector<2000x128xf32>
    %slice3A_41 = vector.extract_strided_slice %add3A_30 {offsets = [0, 128], sizes = [2000, 128], strides = [1, 1]} : vector<2000x384xf32> to vector<2000x128xf32>
    %add3A_42 = arith.addf %slice3A_40, %slice3A_41 : vector<2000x128xf32>
    %neg3A_43 = arith.constant 0.000000e+00 : f32
    %neg3A_44 = vector.broadcast %neg3A_43 : f32 to vector<2000x128xf32>
    %neg3A_45 = arith.subf %neg3A_44, %add3A_42 : vector<2000x128xf32>
    %exp3A_46 = math.exp %neg3A_45 : vector<2000x128xf32>
    %add3A_47 = arith.constant 1.000000e+00 : f32
    %add3A_48 = vector.broadcast %add3A_47 : f32 to vector<2000x128xf32>
    %add3A_49 = arith.addf %add3A_48, %exp3A_46 : vector<2000x128xf32>
    %div3A_50 = arith.constant 1.000000e+00 : f32
    %div3A_51 = vector.broadcast %div3A_50 : f32 to vector<2000x128xf32>
    %div3A_52 = arith.divf %div3A_51, %add3A_49 : vector<2000x128xf32>
    %slice3A_53 = vector.extract_strided_slice %add3A_20 {offsets = [0, 256], sizes = [2000, 128], strides = [1, 1]} : vector<2000x384xf32> to vector<2000x128xf32>
    %slice3A_54 = vector.extract_strided_slice %add3A_30 {offsets = [0, 256], sizes = [2000, 128], strides = [1, 1]} : vector<2000x384xf32> to vector<2000x128xf32>
    %mul3A = arith.mulf %div3A_39, %slice3A_54 : vector<2000x128xf32>
    %add3A_55 = arith.addf %slice3A_53, %mul3A : vector<2000x128xf32>
    %tanh3A = math.tanh %add3A_55 : vector<2000x128xf32>
    %sub3A = arith.constant 1.000000e+00 : f32
    %sub3A_56 = vector.broadcast %sub3A : f32 to vector<2000x128xf32>
    %sub3A_57 = arith.subf %sub3A_56, %div3A_52 : vector<2000x128xf32>
    %mul3A_58 = arith.mulf %sub3A_57, %tanh3A : vector<2000x128xf32>
    %mul3A_59 = arith.mulf %div3A_52, %get3A_11 : vector<2000x128xf32>
    %add3A_60 = arith.addf %mul3A_58, %mul3A_59 : vector<2000x128xf32>
    %gt3A = arith.constant 0.000000e+00 : f32
    %gt3A_61 = vector.broadcast %gt3A : f32 to vector<2000x128xf32>
    %gt3A_62 = arith.cmpf ogt, %add3A_60, %gt3A_61 : vector<2000x128xf32>
    %exp3A_63 = math.exp %add3A_60 : vector<2000x128xf32>
    %sub3A_64 = arith.constant 1.000000e+00 : f32
    %sub3A_65 = vector.broadcast %sub3A_64 : f32 to vector<2000x128xf32>
    %sub3A_66 = arith.subf %exp3A_63, %sub3A_65 : vector<2000x128xf32>
    %select_n3A = arith.select %gt3A_62, %add3A_60, %sub3A_66 : vector<2000x128xi1>, vector<2000x128xf32>
    %get3A_67 = arith.constant 0 : index
    %get3A_68 = arith.constant 0 : index
    %get3A_69 = vector.load %arg7[%get3A_67, %get3A_68] : memref<1x128xf32, #tpu.memory_space<vmem>>, vector<1x128xf32>
    %mul3A_70 = arith.constant 0.999994993 : f32
    %mul3A_71 = vector.broadcast %mul3A_70 : f32 to vector<1x128xf32>
    %mul3A_72 = arith.mulf %get3A_69, %mul3A_71 : vector<1x128xf32>
    %mul3A_73 = vector.broadcast %mul3A_72 : vector<1x128xf32> to vector<2000x128xf32>
    %mul3A_74 = arith.mulf %select_n3A, %mul3A_73 : vector<2000x128xf32>
    %get3A_75 = arith.constant 0 : index
    %get3A_76 = arith.constant 0 : index
    %get3A_77 = vector.load %arg8[%get3A_75, %get3A_76] : memref<1x128xf32, #tpu.memory_space<vmem>>, vector<1x128xf32>
    %add3A_78 = vector.broadcast %get3A_77 : vector<1x128xf32> to vector<2000x128xf32>
    %add3A_79 = arith.addf %mul3A_74, %add3A_78 : vector<2000x128xf32>
    %swap3A = arith.constant 0 : index
    %swap3A_80 = arith.constant 0 : index
    %swap3A_81 = vector.load %arg10[%swap3A, %swap3A_80] : memref<2000x128xf32, #tpu.memory_space<vmem>>, vector<2000x128xf32>
    tpu.vector_store %arg10[%swap3A, %swap3A_80], %add3A_79 {strides = array<i32>} : memref<2000x128xf32, #tpu.memory_space<vmem>>, vector<2000x128xf32>,
    %get3A_82 = arith.constant 0 : index
    %get3A_83 = arith.constant 0 : index
    %get3A_84 = vector.load %arg9[%get3A_82, %get3A_83] : memref<1x128xf32, #tpu.memory_space<vmem>>, vector<1x128xf32>
    %mul3A_85 = vector.broadcast %get3A_84 : vector<1x128xf32> to vector<2000x128xf32>
    %mul3A_86 = arith.mulf %add3A_79, %mul3A_85 : vector<2000x128xf32>
    %reduce_sum3A = arith.constant dense<0.000000e+00> : vector<2000xf32>
    %reduce_sum3A_87 = vector.multi_reduction <add>, %mul3A_86, %reduce_sum3A [1] : vector<2000x128xf32> to vector<2000xf32>
    %broadcast_in_dim3A = vector.shape_cast %reduce_sum3A_87 : vector<2000xf32> to vector<2000x1xf32>
    %swap3A_88 = arith.constant 0 : index
    %swap3A_89 = arith.constant 0 : index
    %swap3A_90 = vector.load %arg11[%swap3A_88, %swap3A_89] : memref<2000x1xf32, #tpu.memory_space<vmem>>, vector<2000x1xf32>
    tpu.vector_store %arg11[%swap3A_88, %swap3A_89], %broadcast_in_dim3A {strides = array<i32>} : memref<2000x1xf32, #tpu.memory_space<vmem>>, vector<2000x1xf32>,
    return
  }
  func.func @transform_0(%arg0: i32) -> (i32, i32, i32) {
    %c0_i32 = arith.constant 0 : i32
    %c0_i32_0 = arith.constant 0 : i32
    %c0_i32_1 = arith.constant 0 : i32
    return %c0_i32, %arg0, %c0_i32_0 : i32, i32, i32
  }
  func.func @transform_1(%arg0: i32) -> (i32, i32) {
    %c0_i32 = arith.constant 0 : i32
    %c0_i32_0 = arith.constant 0 : i32
    return %arg0, %c0_i32 : i32, i32
  }
  func.func @transform_2(%arg0: i32) -> (i32, i32) {
    %c0_i32 = arith.constant 0 : i32
    %c0_i32_0 = arith.constant 0 : i32
    %c0_i32_1 = arith.constant 0 : i32
    return %c0_i32, %c0_i32_0 : i32, i32
  }
  func.func @transform_3(%arg0: i32) -> (i32, i32) {
    %c0_i32 = arith.constant 0 : i32
    %c0_i32_0 = arith.constant 0 : i32
    %c0_i32_1 = arith.constant 0 : i32
    return %c0_i32, %c0_i32_0 : i32, i32
  }
  func.func @transform_4(%arg0: i32) -> (i32, i32) {
    %c0_i32 = arith.constant 0 : i32
    %c0_i32_0 = arith.constant 0 : i32
    %c0_i32_1 = arith.constant 0 : i32
    return %c0_i32, %c0_i32_0 : i32, i32
  }
  func.func @transform_5(%arg0: i32) -> (i32, i32) {
    %c0_i32 = arith.constant 0 : i32
    %c0_i32_0 = arith.constant 0 : i32
    %c0_i32_1 = arith.constant 0 : i32
    return %c0_i32, %c0_i32_0 : i32, i32
  }
  func.func @transform_6(%arg0: i32) -> (i32, i32) {
    %c0_i32 = arith.constant 0 : i32
    %c0_i32_0 = arith.constant 0 : i32
    %c0_i32_1 = arith.constant 0 : i32
    return %c0_i32, %c0_i32_0 : i32, i32
  }
  func.func @transform_7(%arg0: i32) -> (i32, i32) {
    %c0_i32 = arith.constant 0 : i32
    %c0_i32_0 = arith.constant 0 : i32
    %c0_i32_1 = arith.constant 0 : i32
    return %c0_i32, %c0_i32_0 : i32, i32
  }
  func.func @transform_8(%arg0: i32) -> (i32, i32) {
    %c0_i32 = arith.constant 0 : i32
    %c0_i32_0 = arith.constant 0 : i32
    %c0_i32_1 = arith.constant 0 : i32
    return %c0_i32, %c0_i32_0 : i32, i32
  }
  func.func @transform_9(%arg0: i32) -> (i32, i32) {
    %c0_i32 = arith.constant 0 : i32
    %c0_i32_0 = arith.constant 0 : i32
    return %arg0, %c0_i32 : i32, i32
  }
  func.func @transform_10(%arg0: i32) -> (i32, i32) {
    %c0_i32 = arith.constant 0 : i32
    %c0_i32_0 = arith.constant 0 : i32
    return %arg0, %c0_i32 : i32, i32
  }
}

module attributes {stable_mosaic.version = 14 : i64} {
  func.func @_pool_body(%arg0: memref<10000x128xf32, #tpu.memory_space<vmem>>, %arg1: memref<10000x1xf32, #tpu.memory_space<vmem>>, %arg2: memref<128x64xf32, #tpu.memory_space<vmem>>, %arg3: memref<1x64xf32, #tpu.memory_space<vmem>>, %arg4: memref<64x10xf32, #tpu.memory_space<vmem>>, %arg5: memref<1x10xf32, #tpu.memory_space<vmem>>, %arg6: memref<1x10xf32, #tpu.memory_space<vmem>>) attributes {dimension_semantics = [], scalar_prefetch = 0 : i64, scratch_operands = 0 : i64, tpu.core_type = #tpu.core_type<tc>} {
    %get3A = arith.constant 0 : index
    %get3A_0 = arith.constant 0 : index
    %get3A_1 = vector.load %arg0[%get3A, %get3A_0] : memref<10000x128xf32, #tpu.memory_space<vmem>>, vector<10000x128xf32>
    %get3A_2 = arith.constant 0 : index
    %get3A_3 = arith.constant 0 : index
    %get3A_4 = vector.load %arg1[%get3A_2, %get3A_3] : memref<10000x1xf32, #tpu.memory_space<vmem>>, vector<10000x1xf32>
    %reduce_max3A = vector.shape_cast %get3A_4 : vector<10000x1xf32> to vector<1x10000x1xf32>
    %reduce_max3A_5 = arith.constant dense<0xFF800000> : vector<1xf32>
    %reduce_max3A_6 = vector.multi_reduction <maximumf>, %reduce_max3A, %reduce_max3A_5 [1, 2] : vector<1x10000x1xf32> to vector<1xf32>
    %reduce_max3A_7 = vector.shape_cast %reduce_max3A_6 : vector<1xf32> to vector<1x1x1xf32>
    %reduce_max3A_8 = vector.extract %reduce_max3A_7[0, 0, 0] : f32 from vector<1x1x1xf32>
    %sub3A = vector.broadcast %reduce_max3A_8 : f32 to vector<10000x1xf32>
    %sub3A_9 = arith.subf %get3A_4, %sub3A : vector<10000x1xf32>
    %exp3A = math.exp %sub3A_9 : vector<10000x1xf32>
    %reduce_sum3A = vector.shape_cast %exp3A : vector<10000x1xf32> to vector<1x10000x1xf32>
    %reduce_sum3A_10 = arith.constant dense<0.000000e+00> : vector<1xf32>
    %reduce_sum3A_11 = vector.multi_reduction <add>, %reduce_sum3A, %reduce_sum3A_10 [1, 2] : vector<1x10000x1xf32> to vector<1xf32>
    %reduce_sum3A_12 = vector.shape_cast %reduce_sum3A_11 : vector<1xf32> to vector<1x1x1xf32>
    %reduce_sum3A_13 = vector.extract %reduce_sum3A_12[0, 0, 0] : f32 from vector<1x1x1xf32>
    %div3A = vector.broadcast %reduce_sum3A_13 : f32 to vector<10000x1xf32>
    %div3A_14 = arith.divf %exp3A, %div3A : vector<10000x1xf32>
    %mul3A = vector.broadcast %div3A_14 : vector<10000x1xf32> to vector<10000x128xf32>
    %mul3A_15 = arith.mulf %mul3A, %get3A_1 : vector<10000x128xf32>
    %reduce_sum3A_16 = arith.constant dense<0.000000e+00> : vector<128xf32>
    %reduce_sum3A_17 = vector.multi_reduction <add>, %mul3A_15, %reduce_sum3A_16 [0] : vector<10000x128xf32> to vector<128xf32>
    %broadcast_in_dim3A = vector.shape_cast %reduce_sum3A_17 : vector<128xf32> to vector<1x128xf32>
    %broadcast_in_dim3A_18 = vector.shape_cast %broadcast_in_dim3A : vector<1x128xf32> to vector<1x128xf32>
    %broadcast_in_dim3A_19 = vector.broadcast %broadcast_in_dim3A_18 : vector<1x128xf32> to vector<8x128xf32>
    %get3A_20 = arith.constant 0 : index
    %get3A_21 = arith.constant 0 : index
    %get3A_22 = vector.load %arg2[%get3A_20, %get3A_21] : memref<128x64xf32, #tpu.memory_space<vmem>>, vector<128x64xf32>
    %dot_general3A = arith.constant dense<0.000000e+00> : vector<8x64xf32>
    %dot_general3A_23 = tpu.matmul %broadcast_in_dim3A_19, %get3A_22, %dot_general3A {dimension_numbers = #tpu.dot_dimension_numbers<[1], [0], [0], [1], [0, 0, 1, 1], [], []>, transpose_lhs_hint = false} : vector<8x128xf32>, vector<128x64xf32>, vector<8x64xf32> -> vector<8x64xf32>
    %get3A_24 = arith.constant 0 : index
    %get3A_25 = arith.constant 0 : index
    %get3A_26 = vector.load %arg3[%get3A_24, %get3A_25] : memref<1x64xf32, #tpu.memory_space<vmem>>, vector<1x64xf32>
    %add3A = vector.broadcast %get3A_26 : vector<1x64xf32> to vector<8x64xf32>
    %add3A_27 = arith.addf %dot_general3A_23, %add3A : vector<8x64xf32>
    %max3A = arith.constant 0.000000e+00 : f32
    %max3A_28 = vector.broadcast %max3A : f32 to vector<8x64xf32>
    %max3A_29 = arith.maximumf %add3A_27, %max3A_28 : vector<8x64xf32>
    %get3A_30 = arith.constant 0 : index
    %get3A_31 = arith.constant 0 : index
    %get3A_32 = vector.load %arg4[%get3A_30, %get3A_31] : memref<64x10xf32, #tpu.memory_space<vmem>>, vector<64x10xf32>
    %dot_general3A_33 = arith.constant dense<0.000000e+00> : vector<8x10xf32>
    %dot_general3A_34 = tpu.matmul %max3A_29, %get3A_32, %dot_general3A_33 {dimension_numbers = #tpu.dot_dimension_numbers<[1], [0], [0], [1], [0, 0, 1, 1], [], []>, transpose_lhs_hint = false} : vector<8x64xf32>, vector<64x10xf32>, vector<8x10xf32> -> vector<8x10xf32>
    %get3A_35 = arith.constant 0 : index
    %get3A_36 = arith.constant 0 : index
    %get3A_37 = vector.load %arg5[%get3A_35, %get3A_36] : memref<1x10xf32, #tpu.memory_space<vmem>>, vector<1x10xf32>
    %add3A_38 = vector.broadcast %get3A_37 : vector<1x10xf32> to vector<8x10xf32>
    %add3A_39 = arith.addf %dot_general3A_34, %add3A_38 : vector<8x10xf32>
    %slice3A = vector.extract_strided_slice %add3A_39 {offsets = [0, 0], sizes = [1, 10], strides = [1, 1]} : vector<8x10xf32> to vector<1x10xf32>
    %swap3A = arith.constant 0 : index
    %swap3A_40 = arith.constant 0 : index
    %swap3A_41 = vector.load %arg6[%swap3A, %swap3A_40] : memref<1x10xf32, #tpu.memory_space<vmem>>, vector<1x10xf32>
    tpu.vector_store %arg6[%swap3A, %swap3A_40], %slice3A {strides = array<i32>} : memref<1x10xf32, #tpu.memory_space<vmem>>, vector<1x10xf32>,
    return
  }
}

</mosaic_0001>

<sc_bundles>
// kernel: kernel.11.cloned.1.call-start
scs
__scs_entry_jumppad:
0x0: {  	(pc) =	sbr.rel $0x88, $3  }
0x1: {  	(tag) =	ssettag $0x0;
	lr =	simm.s32 $0x1  }
0x2: {  	[smem:$0x3F91] =	sst lr;
	_ =	strace $0xD0000000  }
0x3: {  	_ = 	snop  }
0x4: {  	_ = 	snop  }
0x5: {  	_ = 	snop  }
0x6: {  	_ = 	snop  }
0x7: {  	_ = 	snop  }
__scs_overlays_trampoline_lowered:
0x8: {  	[smem:$0x3FA0] =	sst s0  }
0x9: {  	[smem:$0x3FA1] =	sst s1  }
0xa: {  	[smem:$0x3FA2] =	sst s2  }
0xb: {  	[smem:$0x3FA3] =	sst s3  }
0xc: {  	[smem:$0x3FA4] =	sst s4  }
0xd: {  	[smem:$0x3FA5] =	sst s5  }
0xe: {  	[smem:$0x3FA6] =	sst s6  }
0xf: {  	[smem:$0x3FA7] =	sst s7  }
0x10: {  	[smem:$0x3FA8] =	sst s8  }
0x11: {  	[smem:$0x3FA9] =	sst s9;
	s0 =	simm.s32 @!p0 $0x0  }
0x12: {  	s1 =	sld [smem:$0x3F8F];
	s0 =	simm.s32 @p0 $0x1  }
0x13: {  	[smem:$0x3FAA] =	sst s0;
	s0 =	simm.s32 @!p1 $0x0  }
0x14: {  	s2 =	sld [smem:$0x3F8E];
	s0 =	simm.s32 @p1 $0x1  }
0x15: {  	[smem:$0x3FAB] =	sst s0;
	s0 =	simm.s32 @!p2 $0x0  }
0x16: {  	s3 =	sld [smem:$0x3FDB];
	s0 =	simm.s32 @p2 $0x1  }
0x17: {  	s4 =	simm.s32 $0x1BF5;
	[smem:$0x3FAD] =	sst s0  }
0x18: {  	s0 =	sld [smem:$0x3F90];
	_ =	swait.ge [sflag:s4], $0x0  }
0x19: {  	s7 =	sld [smem:$0x3F91]  }
0x1a: {  	s8 =	sadd.s32 $0xFFFFE003, lr  }
0x1b: {  	s9 =	sadd.s32 $0xFFFFFEF7, lr;
	s5 =	simm.s32 $0xFFFFFFFF;
	p2 =	slt.u32 s8, $0xFFFFF086  }
0x1c: {  	p1 =	slt.u32 s9, $0xF7A;
	s5 =	simm.s32 @!p2 $0x0  }
0x1d: {  	s5 =	simm.s32 @p1 $0x1;
	p0 =	seq.s32 s7, s2  }
0x1e: {  	s7 =	smul.u32 @!p0 $0xF7A, s2;
	p2 =	seq.s32 @!p0 s5, $0x0  }
0x1f: {  	s9 =	smul.u32 $0xF7A, s1;
	s8 =	simm.s32 @!p0 $0x1BF5;
	p2 =	por !p2, p0  }
0x20: {  	[sflag:s8] =	ssyncset.s32 @!p0 $0xFFFFF086;
	s6 =	sadd.s32 @!p0 s3, s7;
	s7 =	simm.s32 @!p0 $0x108  }
0x21: {  	s3 =	sadd.s32 s3, s9;
	s6 =	sadd.s32 @!p0 $0x88, s6;
	s7 =	simm.s32 @p2 $0x1082  }
0x22: {  	[simem:s7], [sflag:s8] =	dma.local @!p0 [hbm:s6], $0xF7A  }
0x23: {  	s9 =	sor.u32 $0xD0000000, s2;
	s6 =	simm.s32 $0x108;
	_ =	swait.ge @!p0 [sflag:s8], $0x0  }
0x24: {  	s3 =	sadd.s32 $0x88, s3;
	s6 =	simm.s32 @!p1 $0x1082;
	[sflag:s4] =	ssyncset.s32 $0xFFFFF086  }
0x25: {  	[simem:s6], [sflag:s4] =	dma.local [hbm:s3], $0xF7A  }
0x26: {  	[smem:$0x3F91] =	sst s1;
	(tag) =	ssettag s2;
	_ =	strace s9  }
0x27: {  	s1 =	sld [smem:$0x3FA1]  }
0x28: {  	s2 =	sld [smem:$0x3FA2]  }
0x29: {  	s4 =	sld [smem:$0x3FA4]  }
0x2a: {  	p0 =	seq.s32 s5, $0x0;
	s5 =	sld [smem:$0x3FA5]  }
0x2b: {  	s6 =	sld [smem:$0x3FA6]  }
0x2c: {  	s7 =	sld [smem:$0x3FA7]  }
0x2d: {  	s3 =	simm.s32 $0x108;
	s8 =	sld [smem:$0x3FA8]  }
0x2e: {  	s3 =	simm.s32 @!p0 $0x1082;
	s9 =	sld [smem:$0x3FA9]  }
0x2f: {  	lr =	sadd.s32 s0, s3;
	s0 =	sld [smem:$0x3FA0]  }
0x30: {  	s3 =	sld [smem:$0x3FA3]  }
0x31: {  	[smem:$0x3FAC] =	sst s10  }
0x32: {  	s10 =	sld [smem:$0x3FAA];
	_ =	sdelay $0x3  }
0x33: {  	p0 =	seq.s32 s10, $0x1;
	s10 =	sld [smem:$0x3FAC];
	_ =	sdelay $0x3  }
0x34: {  	[smem:$0x3FAC] =	sst s10  }
0x35: {  	s10 =	sld [smem:$0x3FAB];
	_ =	sdelay $0x3  }
0x36: {  	p1 =	seq.s32 s10, $0x1;
	s10 =	sld [smem:$0x3FAC];
	_ =	sdelay $0x3  }
0x37: {  	[smem:$0x3FAC] =	sst s10  }
0x38: {  	s10 =	sld [smem:$0x3FAD]  }
0x39: {  	_ = 	snop;
	(pc) =	sbr.ind lr, $3  }
0x3a: {  	_ = 	snop  }
0x3b: {  	_ = 	snop  }
0x3c: {  	p2 =	seq.s32 s10, $0x1;
	s10 =	sld [smem:$0x3FAC]  }
0x3d: {  	_ =	shalt  }
0x3e: {  	_ =	shalt  }
0x3f: {  	_ =	shalt  }
0x40: {  	_ =	shalt  }
0x41: {  	_ =	shalt  }
0x42: {  	_ =	shalt  }
0x43: {  	_ =	shalt  }
0x44: {  	_ =	shalt  }
0x45: {  	_ =	shalt  }
0x46: {  	_ =	shalt  }
0x47: {  	_ =	shalt  }
0x48: {  	_ =	shalt  }
0x49: {  	_ =	shalt  }
0x4a: {  	_ =	shalt  }
0x4b: {  	_ =	shalt  }
0x4c: {  	_ =	shalt  }
0x4d: {  	_ =	shalt  }
0x4e: {  	_ =	shalt  }
0x4f: {  	_ =	shalt  }
0x50: {  	_ =	shalt  }
0x51: {  	_ =	shalt  }
0x52: {  	_ =	shalt  }
0x53: {  	_ =	shalt  }
0x54: {  	_ =	shalt  }
0x55: {  	_ =	shalt  }
0x56: {  	_ =	shalt  }
0x57: {  	_ =	shalt  }
0x58: {  	_ =	shalt  }
0x59: {  	_ =	shalt  }
0x5a: {  	_ =	shalt  }
0x5b: {  	_ =	shalt  }
0x5c: {  	_ =	shalt  }
0x5d: {  	_ =	shalt  }
0x5e: {  	_ =	shalt  }
0x5f: {  	_ =	shalt  }
0x60: {  	_ =	shalt  }
0x61: {  	_ =	shalt  }
0x62: {  	_ =	shalt  }
0x63: {  	_ =	shalt  }
0x64: {  	_ =	shalt  }
0x65: {  	_ =	shalt  }
0x66: {  	_ =	shalt  }
0x67: {  	_ =	shalt  }
0x68: {  	_ =	shalt  }
0x69: {  	_ =	shalt  }
0x6a: {  	_ =	shalt  }
0x6b: {  	_ =	shalt  }
0x6c: {  	_ =	shalt  }
0x6d: {  	_ =	shalt  }
0x6e: {  	_ =	shalt  }
0x6f: {  	_ =	shalt  }
0x70: {  	_ =	shalt  }
0x71: {  	_ =	shalt  }
0x72: {  	_ =	shalt  }
0x73: {  	_ =	shalt  }
0x74: {  	_ =	shalt  }
0x75: {  	_ =	shalt  }
0x76: {  	_ =	shalt  }
0x77: {  	_ =	shalt  }
0x78: {  	_ =	shalt  }
0x79: {  	_ =	shalt  }
0x7a: {  	_ =	shalt  }
0x7b: {  	_ =	shalt  }
0x7c: {  	_ =	shalt  }
0x7d: {  	_ =	shalt  }
0x7e: {  	_ =	shalt  }
0x7f: {  	_ =	shalt  }
0x80: {  	_ =	shalt  }
0x81: {  	_ =	shalt  }
0x82: {  	_ =	shalt  }
0x83: {  	_ =	shalt  }
0x84: {  	_ =	shalt  }
0x85: {  	_ =	shalt  }
0x86: {  	_ =	shalt  }
0x87: {  	_ =	shalt  }
.Lfunc_end0:
.L_simem_size_0:
called_computation.1_lowered:
.L_overlay_start_0:
0x88: {  	s2 =	sld [smem:$0x3FD9]  }
0x89: {  	s3 =	sld [smem:$0x3FFE];
	_ =	sdelay $0x1  }
0x8a: {  	s1 =	srdreg.scid  }
0x8b: {  	s0 =	sand.u32 $0x1, s1  }
0x8c: {  	s16 =	sshll.u32 s0, $0xA;
	s2 =	sadd.s32 s3, s2  }
0x8d: {  	s2 =	sadd.s32 s2, s16  }
0x8e: {  	[smem:$0x3FB8] =	sst s2  }
0x8f: {  	_ = 	snop  }
0x90: {  	(tm) =	ssettm $0x1  }
0x91: {  	s17 =	sld [smem:$0x3FFB];
	_ =	sdelay $0x3  }
0x92: {  	_ =	strace s17  }
0x93: {  	s2 =	sld [smem:$0x3FFC];
	_ =	sdelay $0x3  }
0x94: {  	_ =	strace s2  }
0x95: {  	s2 =	sld [smem:$0x3FFD];
	_ =	sdelay $0x3  }
0x96: {  	_ =	strace s2  }
0x97: {  	_ =	strace $0x8FFFFFFF  }
0x98: {  	s18 =	sld [smem:$0x3FDB];
	_ =	sdelay $0x1  }
0x99: {  	s19 =	simm.s32 $_scs_section_size  }
0x9a: {  	s4 =	simm.s32 $_size__tile_overlayer_lowered;
	s5 =	simm.s32 $_tile_overlayer_lowered  }
0x9b: {  	s22 =	simm.s32 $0x1BFF;
	s21 =	sshll.u32 s5, $0x1;
	s2 =	sadd.s32 s19, s18  }
0x9c: {  	s6 =	simm.s32 $0x0;
	s20 =	sshll.u32 s4, $0x1;
	s4 =	sadd.s32 s21, s2  }
0x9d: {  	[timem:s6], [sflag:s22] =	dma.local [hbm:s4], s20  }
0x9e: {  	_ =	swait.ge [sflag:s22], s20  }
0x9f: {  	s3 =	ssub.s32 $0x0, s20;
	[sflag:s22] =	ssyncset.done $0x0  }
0xa0: {  	[sflag:s22] =	ssyncadd.s32 s3;
	_ =	sdelay $0x1  }
0xa1: {  	s23 =	simm.s32 $0x1B8B  }
0xa2: {  	_ =	swait.ge [sflag:s23], $0x1  }
0xa3: {  	[sflag:s23] =	ssyncset.done $0x0  }
0xa4: {  	s25 =	simm.s32 $0x1B8E;
	s24 =	sld [smem:$0x3FFE];
	[sflag:s23] =	ssyncadd.s32 $0xFFFFFFFF  }
0xa5: {  	s26 =	simm.s32 $execute0_lowered;
	[smem:$0x3FD2] =	sst s25  }
0xa6: {  	s4 =	sshll.u32 s26, $0x1;
	_ =	strace $0x80000049;
	[dreg:$0x1] =	wrdreg $0xFFFFFFFF  }
0xa7: {  	s28 =	simm.s32 $_size_execute0_lowered;
	s2 =	sadd.s32 s2, s4;
	[dreg:$0x0] =	wrdreg $0x0  }
0xa8: {  	s4 =	sshll.u32 s28, $0x1;
	[dreg:$0x2] =	wrdreg s2  }
0xa9: {  	[dreg:$0x3] =	wrdreg s4  }
0xaa: {  	[dreg:$0x4] =	wrdreg $0xC0  }
0xab: {  	_ =	task [dreg:s6], $0x5FFFF  }
0xac: {  	[dreg:$0x1] =	wrdreg $0xFFFFFFFF  }
0xad: {  	[dreg:$0x0] =	wrdreg $0x60  }
0xae: {  	[dreg:$0x2] =	wrdreg s24  }
0xaf: {  	[dreg:$0x3] =	wrdreg $0xA8000  }
0xb0: {  	[dreg:$0x4] =	wrdreg $0x9  }
0xb1: {  	_ =	task.clear_ibuf [dreg:s6], $0x5FFFF;
	_ =	strace $0x90000049  }
0xb2: {  	s29 =	simm.s32 $0x9;
	_ =	strace $0x8000004B  }
0xb3: {  	_ =	swait.ge [sflag:s29], $0x1  }
0xb4: {  	[sflag:s29] =	ssyncadd.s32 $0xFFFFFFFF  }
0xb5: {  	_ =	strace $0x9000004B  }
0xb6: {  	_ =	sfence  }
0xb7: {  	s30 =	sld [smem:$0x0];
	_ =	sdelay $0x2  }
0xb8: {  	s31 =	sshll.u32 s1, $0xD;
	s1 =	sshrl.u32 s1, $0x2  }
0xb9: {  	s3 =	sand.u32 $0x4000, s31;
	s1 =	sadd.s32 s1, s30  }
0xba: {  	s0 =	sor.u32 s3, s0;
	s1 =	sshll.u32 s1, $0x11  }
0xbb: {  	s0 =	sor.u32 s1, s0  }
0xbc: {  	s0 =	sadd.s32 $0x8F2B, s0  }
0xbd: {  	[sflag:s0] =	ssyncadd.remote.s32 $0x1  }
0xbe: {  	_ =	sfence.sel $0xFFFF  }
0xbf: {  	[dreg:$0x0] =	wrdreg $0xFFFFFFFF;
	(pc) =	sbr.abs _section_cstart, $3  }
0xc0: {  	[dreg:$0x1] =	wrdreg $0xFFFFFFFF  }
0xc1: {  	_ =	task.clear_ibuf [dreg:s6], $0x2FFFF;
	_ =	strace $0x9FFFFFFF  }
0xc2: {  	(tm) =	ssettm $0x7FFFFFFF  }
0xc3: {  	_ =	shalt  }
tec
execute0_lowered:
.L_overlay_start_1:
0x0: {  	(tag) =	ssettag $0x1  }
0x1: {  	s0 =	rddreg [dreg:$0x0]  }
0x2: {  	s1 =	rddreg [dreg:$0x1];
	s2 =	simm.s32 $0x0  }
0x3: {  	s12 =	stileid.u32;
	s20 =	srdreg.scid;
	s30 =	simm.s32 $0x2800  }
0x4: {  	s31 =	simm.s32 $0x2;
	[smem:$0x7FF] =	sst s2;
	s4 =	sadd.s32 $0x2AA00, s0  }
0x5: {  	s3 =	sadd.s32 $0x2A00, s0;
	s5 =	sadd.s32 $0x16A00, s0;
	s6 =	sadd.s32 $0xC6E00, s0  }
0x6: {  	s7 =	smul.u32 $0x4F000, s12;
	s0 =	sadd.s32 $0xC7200, s0;
	s8 =	sand.u32 $0x1, s20  }
0x7: {  	s21 =	sshll.u32 s12, $0x1;
	p0 =	sne.s32 s12, $0xF;
	_ =	strace $0x8000004A  }
0x8: {  	s9 =	ssub.s32 $0x2, s8;
	s10 =	sor.u32 s8, s21;
	s8 =	smul.u32 $0x138800, s8  }
0x9: {  	[dreg:$0x3] =	wrdreg s6;
	s21 =	smul.u32 $0x13800, s12;
	s22 =	sshrl.u32 s7, $0x2  }
0xa: {  	s23 =	sshrl.u32 s9, $0x1;
	s10 =	smul.u32 $0x5000, s10;
	s6 =	sadd.s32 s22, s1  }
0xb: {  	s7 =	ssub.s32 s9, s23;
	s23 =	smul.u32 $0x4E000, s12;
	s24 =	sadd.s32 $0x2000, s6  }
0xc: {  	s12 =	simm.s32 $0x1;
	s25 =	sadd.s32 $0x4000, s6;
	[dreg:$0x4] =	wrdreg s24  }
0xd: {  	s26 =	sadd.s32 $0x6000, s6;
	s11 =	sadd.s32 $0x8000, s6;
	[dreg:$0x5] =	wrdreg s25  }
0xe: {  	s13 =	sshrl.u32 s10, $0x3;
	s14 =	sadd.s32 $0xA000, s6;
	[dreg:$0x6] =	wrdreg s26  }
0xf: {  	s28 =	sadd.s32 $0x10000, s6;
	s29 =	sadd.s32 $0x12000, s6;
	[dreg:$0x7] =	wrdreg s11  }
0x10: {  	[dreg:$0x8] =	wrdreg s14;
	s15 =	sadd.s32 s3, s13;
	s16 =	sadd.s32 $0x280, s13  }
0x11: {  	s11 =	sadd.s32 s5, s13;
	s18 =	sadd.s32 $0x500, s13;
	s9 =	sadd.s32 $0x780, s13  }
0x12: {  	s24 =	sadd.s32 $0xC000, s6;
	s25 =	sadd.s32 s21, s8;
	[dreg:$0x9] =	wrdreg s15  }
0x13: {  	s8 =	sshrl.u32 s8, $0x3;
	s13 =	simm.s32 $0x2600;
	[dreg:$0xa] =	wrdreg s11  }
0x14: {  	s14 =	simm.s32 $0x2680;
	s17 =	sadd.s32 s3, s16;
	[dreg:$0x11] =	wrdreg s24  }
0x15: {  	s10 =	sadd.s32 s5, s16;
	s19 =	sadd.s32 s3, s18;
	[dreg:$0xb] =	wrdreg s17  }
0x16: {  	s20 =	sadd.s32 s5, s18;
	s3 =	sadd.s32 s3, s9;
	[dreg:$0xc] =	wrdreg s10  }
0x17: {  	s22 =	sadd.s32 s5, s9;
	s5 =	sshrl.u32 s25, $0x3;
	[dreg:$0xd] =	wrdreg s19  }
0x18: {  	s8 =	sadd.s32 s0, s8;
	s9 =	simm.s32 $0x6800;
	[dreg:$0xe] =	wrdreg s20  }
0x19: {  	s11 =	simm.s32 $0x8800;
	s15 =	simm.s32 $0x2700;
	[dreg:$0xf] =	wrdreg s3  }
0x1a: {  	s16 =	simm.s32 $0x2780;
	[dreg:$0x10] =	wrdreg s22;
	s3 =	sshrl.u32 s23, $0x2  }
0x1b: {  	s21 =	sadd.s32 s0, s5;
	s22 =	sadd.s32 $0x27000, s8;
	s23 =	smax.u32 s7, $0x1  }
0x1c: {  	s0 =	simm.s32 $0x1400;
	s5 =	simm.s32 $0x80;
	s7 =	simm.s32 $0x4800  }
0x1d: {  	s8 =	simm.s32 $0x100;
	s10 =	simm.s32 $0x180;
	s26 =	sadd.s32 s3, s1  }
0x1e: {  	s17 =	simm.s32 $0x0;
	s3 =	sadd.s32 $0x138000, s1;
	s24 =	sshrl.u32 s26, $0x3  }
0x1f: {  	s25 =	sshrl.u32 @!p0 s3, $0x3;
	s26 =	sadd.s32 $0xE000, s6;
	s3 =	simm.s32 $0x40  }
.LBB2_1:
0x20: {  	s18 =	rddreg [dreg:$0x3]  }
0x21: {  	[tilespmem:s30], [sflag:$0x2] =	stream.linear.gather [hbm4b:s18+s2], $0x2000, $0x38;
	[tilespmem:$0x1E400] =	vst v63  }
0x22: {  	_ =	swait.ge [sflag:s31], $0x2000  }
0x23: {  	[sflag:s31] =	ssyncset.done $0x0  }
0x24: {  	[sflag:s31] =	ssyncadd.s32 $0xFFFFE000  }
0x25: {  	[spmem:s6] =	stream.linear.scatter [tilespmem:s30], [sflag:$0x2], $0x2000, $0x38;
	[tilespmem:$0x1E400] =	vst v63  }
0x26: {  	_ =	swait.ge [sflag:s31], $0x2000  }
0x27: {  	[sflag:s31] =	ssyncset.done $0x0  }
0x28: {  	s20 =	rddreg [dreg:$0x4];
	[sflag:s31] =	ssyncadd.s32 $0xFFFFE000  }
0x29: {  	[spmem:s20] =	stream.linear.scatter [tilespmem:s30], [sflag:$0x2], $0x2000, $0x38;
	[tilespmem:$0x1E400] =	vst v63  }
0x2a: {  	_ =	swait.ge [sflag:s31], $0x2000  }
0x2b: {  	[sflag:s31] =	ssyncset.done $0x0  }
0x2c: {  	s19 =	rddreg [dreg:$0x5];
	[sflag:s31] =	ssyncadd.s32 $0xFFFFE000  }
0x2d: {  	[spmem:s19] =	stream.linear.scatter [tilespmem:s30], [sflag:$0x2], $0x2000, $0x38;
	[tilespmem:$0x1E400] =	vst v63  }
0x2e: {  	_ =	swait.ge [sflag:s31], $0x2000  }
0x2f: {  	[sflag:s31] =	ssyncset.done $0x0  }
0x30: {  	s20 =	rddreg [dreg:$0x6];
	[sflag:s31] =	ssyncadd.s32 $0xFFFFE000  }
0x31: {  	[spmem:s20] =	stream.linear.scatter [tilespmem:s30], [sflag:$0x2], $0x2000, $0x38;
	[tilespmem:$0x1E400] =	vst v63  }
0x32: {  	_ =	swait.ge [sflag:s31], $0x2000  }
0x33: {  	[sflag:s31] =	ssyncset.done $0x0  }
0x34: {  	s19 =	rddreg [dreg:$0x7];
	[sflag:s31] =	ssyncadd.s32 $0xFFFFE000  }
0x35: {  	[spmem:s19] =	stream.linear.scatter [tilespmem:s30], [sflag:$0x2], $0x2000, $0x38;
	[tilespmem:$0x1E400] =	vst v63  }
0x36: {  	_ =	swait.ge [sflag:s31], $0x2000  }
0x37: {  	[sflag:s31] =	ssyncset.done $0x0  }
0x38: {  	s20 =	rddreg [dreg:$0x8];
	[sflag:s31] =	ssyncadd.s32 $0xFFFFE000  }
0x39: {  	[spmem:s20] =	stream.linear.scatter [tilespmem:s30], [sflag:$0x2], $0x2000, $0x38;
	[tilespmem:$0x1E400] =	vst v63  }
0x3a: {  	_ =	swait.ge [sflag:s31], $0x2000  }
0x3b: {  	[sflag:s31] =	ssyncset.done $0x0  }
0x3c: {  	s19 =	rddreg [dreg:$0x11];
	[sflag:s31] =	ssyncadd.s32 $0xFFFFE000  }
0x3d: {  	[spmem:s19] =	stream.linear.scatter [tilespmem:s30], [sflag:$0x2], $0x2000, $0x38;
	[tilespmem:$0x1E400] =	vst v63  }
0x3e: {  	_ =	swait.ge [sflag:s31], $0x2000  }
0x3f: {  	[sflag:s31] =	ssyncset.done $0x0  }
0x40: {  	[sflag:s31] =	ssyncadd.s32 $0xFFFFE000  }
0x41: {  	[spmem:s26] =	stream.linear.scatter [tilespmem:s30], [sflag:$0x2], $0x2000, $0x38;
	[tilespmem:$0x1E400] =	vst v63  }
0x42: {  	_ =	swait.ge [sflag:s31], $0x2000  }
0x43: {  	[sflag:s31] =	ssyncset.done $0x0  }
0x44: {  	[sflag:s31] =	ssyncadd.s32 $0xFFFFE000  }
0x45: {  	[spmem:s28] =	stream.linear.scatter [tilespmem:s30], [sflag:$0x2], $0x2000, $0x38;
	[tilespmem:$0x1E400] =	vst v63  }
0x46: {  	_ =	swait.ge [sflag:s31], $0x2000  }
0x47: {  	[sflag:s31] =	ssyncset.done $0x0  }
0x48: {  	[sflag:s31] =	ssyncadd.s32 $0xFFFFE000  }
0x49: {  	[spmem:s29] =	stream.linear.scatter [tilespmem:s30], [sflag:$0x2], $0x1C00, $0x38;
	[tilespmem:$0x1E400] =	vst v63  }
0x4a: {  	_ =	swait.ge [sflag:s31], $0x1C00  }
0x4b: {  	[sflag:s31] =	ssyncset.done $0x0  }
0x4c: {  	[sflag:s31] =	ssyncadd.s32 $0xFFFFE400  }
0x4d: {  	[bflag:$0x0] =	sbarrier.arrive $0xFFFF  }
0x4e: {  	s20 =	rddreg [dreg:$0x9]  }
0x4f: {  	[tilespmem:s2], [sflag:$0x2] =	stream.linear.gather [hbm4b:s20+s2], $0x1400, $0x38;
	[tilespmem:$0x1E400] =	vst v63  }
0x50: {  	_ =	swait.ge [sflag:s31], $0x1400  }
0x51: {  	[sflag:s31] =	ssyncset.done $0x0  }
0x52: {  	s19 =	rddreg [dreg:$0xa];
	[sflag:s31] =	ssyncadd.s32 $0xFFFFEC00  }
0x53: {  	[tilespmem:s0], [sflag:$0x2] =	stream.linear.gather [hbm4b:s19+s2], $0x1400, $0x38;
	[tilespmem:$0x1E400] =	vst v63  }
0x54: {  	_ =	swait.ge [sflag:s31], $0x1400  }
0x55: {  	[sflag:s31] =	ssyncset.done $0x0  }
0x56: {  	[sflag:s31] =	ssyncadd.s32 $0xFFFFEC00  }
0x57: {  	[tilespmem:s30], [sflag:$0x1] =	stream.indirect.gather [hbm4b:s4+s3], $0x80, s2, s3, $0xb8;
	[tilespmem:$0x1E400] =	vst v63  }
0x58: {  	_ = 	snop  }
0x59: {  	[tilespmem:s7], [sflag:$0x1] =	stream.indirect.gather [hbm4b:s4+s3], $0x80, s5, s3, $0xb8;
	[tilespmem:$0x1E400] =	vst v63  }
0x5a: {  	_ = 	snop  }
0x5b: {  	[tilespmem:s9], [sflag:$0x1] =	stream.indirect.gather [hbm4b:s4+s3], $0x80, s8, s3, $0xb8;
	[tilespmem:$0x1E400] =	vst v63  }
0x5c: {  	_ = 	snop  }
0x5d: {  	[tilespmem:s11], [sflag:$0x1] =	stream.indirect.gather [hbm4b:s4+s3], $0x80, s10, s3, $0xb8;
	[tilespmem:$0x1E400] =	vst v63  }
0x5e: {  	_ =	swait.ge [sflag:s12], $0x2000  }
0x5f: {  	[sflag:s12] =	ssyncset.done $0x0  }
0x60: {  	s20 =	simm.s32 $0x1400;
	[sflag:s12] =	ssyncadd.s32 $0xFFFFE000  }
0x61: {  	[spmem:s1] =	stream.indirect.scatter.add.f32 [tilespmem:s30], [sflag:$0x2], $0x80, s20, s3, $0xb8;
	[tilespmem:$0x1E400] =	vst v63  }
0x62: {  	_ =	swait.ge [sflag:s31], $0x2000  }
0x63: {  	[sflag:s31] =	ssyncset.done $0x0  }
0x64: {  	s19 =	simm.s32 $0x200;
	[sflag:s31] =	ssyncadd.s32 $0xFFFFE000  }
0x65: {  	[tilespmem:s30], [sflag:$0x1] =	stream.indirect.gather [hbm4b:s4+s3], $0x80, s19, s3, $0xb8;
	[tilespmem:$0x1E400] =	vst v63  }
0x66: {  	_ =	swait.ge [sflag:s12], $0x2000  }
0x67: {  	[sflag:s12] =	ssyncset.done $0x0  }
0x68: {  	s20 =	simm.s32 $0x1480;
	[sflag:s12] =	ssyncadd.s32 $0xFFFFE000  }
0x69: {  	[spmem:s1] =	stream.indirect.scatter.add.f32 [tilespmem:s7], [sflag:$0x2], $0x80, s20, s3, $0xb8;
	[tilespmem:$0x1E400] =	vst v63  }
0x6a: {  	_ =	swait.ge [sflag:s31], $0x2000  }
0x6b: {  	[sflag:s31] =	ssyncset.done $0x0  }
0x6c: {  	s19 =	simm.s32 $0x280;
	[sflag:s31] =	ssyncadd.s32 $0xFFFFE000  }
0x6d: {  	[tilespmem:s7], [sflag:$0x1] =	stream.indirect.gather [hbm4b:s4+s3], $0x80, s19, s3, $0xb8;
	[tilespmem:$0x1E400] =	vst v63  }
0x6e: {  	_ =	swait.ge [sflag:s12], $0x2000  }
0x6f: {  	[sflag:s12] =	ssyncset.done $0x0  }
0x70: {  	s20 =	simm.s32 $0x1500;
	[sflag:s12] =	ssyncadd.s32 $0xFFFFE000  }
0x71: {  	[spmem:s1] =	stream.indirect.scatter.add.f32 [tilespmem:s9], [sflag:$0x2], $0x80, s20, s3, $0xb8;
	[tilespmem:$0x1E400] =	vst v63  }
0x72: {  	_ =	swait.ge [sflag:s31], $0x2000  }
0x73: {  	[sflag:s31] =	ssyncset.done $0x0  }
0x74: {  	s19 =	simm.s32 $0x300;
	[sflag:s31] =	ssyncadd.s32 $0xFFFFE000  }
0x75: {  	[tilespmem:s9], [sflag:$0x1] =	stream.indirect.gather [hbm4b:s4+s3], $0x80, s19, s3, $0xb8;
	[tilespmem:$0x1E400] =	vst v63  }
0x76: {  	_ =	swait.ge [sflag:s12], $0x2000  }
0x77: {  	[sflag:s12] =	ssyncset.done $0x0  }
0x78: {  	s20 =	simm.s32 $0x1580;
	[sflag:s12] =	ssyncadd.s32 $0xFFFFE000  }
0x79: {  	[spmem:s1] =	stream.indirect.scatter.add.f32 [tilespmem:s11], [sflag:$0x2], $0x80, s20, s3, $0xb8;
	[tilespmem:$0x1E400] =	vst v63  }
0x7a: {  	_ =	swait.ge [sflag:s31], $0x2000  }
0x7b: {  	[sflag:s31] =	ssyncset.done $0x0  }
0x7c: {  	s18 =	simm.s32 $0x800;
	s19 =	simm.s32 $0x380;
	[sflag:s31] =	ssyncadd.s32 $0xFFFFE000  }
.LBB2_2:
0x7d: {  	[tilespmem:s11], [sflag:$0x1] =	stream.indirect.gather [hbm4b:s4+s3], $0x80, s19, s3, $0xb8;
	[tilespmem:$0x1E400] =	vst v63  }
0x7e: {  	s19 =	smov.u32 s18  }
0x7f: {  	p1 =	sne.s32 s18, $0x4000;
	s18 =	sadd.s32 $0x800, s18;
	_ =	swait.ge [sflag:s12], $0x2000  }
0x80: {  	s19 =	sshra.s32 s19, $0x2;
	[sflag:s12] =	ssyncset.done $0x0  }
0x81: {  	s20 =	sadd.s32 $0x1400, s19;
	[sflag:s12] =	ssyncadd.s32 $0xFFFFE000  }
0x82: {  	[spmem:s1] =	stream.indirect.scatter.add.f32 [tilespmem:s30], [sflag:$0x2], $0x80, s20, s3, $0xb8;
	[tilespmem:$0x1E400] =	vst v63  }
0x83: {  	_ =	swait.ge [sflag:s31], $0x2000  }
0x84: {  	[sflag:s31] =	ssyncset.done $0x0  }
0x85: {  	s20 =	sadd.s32 $0x200, s19;
	[sflag:s31] =	ssyncadd.s32 $0xFFFFE000  }
0x86: {  	[tilespmem:s30], [sflag:$0x1] =	stream.indirect.gather [hbm4b:s4+s3], $0x80, s20, s3, $0xb8;
	[tilespmem:$0x1E400] =	vst v63  }
0x87: {  	_ =	swait.ge [sflag:s12], $0x2000  }
0x88: {  	[sflag:s12] =	ssyncset.done $0x0  }
0x89: {  	s20 =	sadd.s32 $0x1480, s19;
	[sflag:s12] =	ssyncadd.s32 $0xFFFFE000  }
0x8a: {  	[spmem:s1] =	stream.indirect.scatter.add.f32 [tilespmem:s7], [sflag:$0x2], $0x80, s20, s3, $0xb8;
	[tilespmem:$0x1E400] =	vst v63  }
0x8b: {  	_ =	swait.ge [sflag:s31], $0x2000  }
0x8c: {  	[sflag:s31] =	ssyncset.done $0x0  }
0x8d: {  	s20 =	sadd.s32 $0x280, s19;
	[sflag:s31] =	ssyncadd.s32 $0xFFFFE000  }
0x8e: {  	[tilespmem:s7], [sflag:$0x1] =	stream.indirect.gather [hbm4b:s4+s3], $0x80, s20, s3, $0xb8;
	[tilespmem:$0x1E400] =	vst v63  }
0x8f: {  	_ =	swait.ge [sflag:s12], $0x2000  }
0x90: {  	[sflag:s12] =	ssyncset.done $0x0  }
0x91: {  	s20 =	sadd.s32 $0x1500, s19;
	[sflag:s12] =	ssyncadd.s32 $0xFFFFE000  }
0x92: {  	[spmem:s1] =	stream.indirect.scatter.add.f32 [tilespmem:s9], [sflag:$0x2], $0x80, s20, s3, $0xb8;
	[tilespmem:$0x1E400] =	vst v63  }
0x93: {  	_ =	swait.ge [sflag:s31], $0x2000  }
0x94: {  	[sflag:s31] =	ssyncset.done $0x0  }
0x95: {  	s20 =	sadd.s32 $0x300, s19;
	[sflag:s31] =	ssyncadd.s32 $0xFFFFE000  }
0x96: {  	[tilespmem:s9], [sflag:$0x1] =	stream.indirect.gather [hbm4b:s4+s3], $0x80, s20, s3, $0xb8;
	[tilespmem:$0x1E400] =	vst v63  }
0x97: {  	_ =	swait.ge [sflag:s12], $0x2000  }
0x98: {  	[sflag:s12] =	ssyncset.done $0x0  }
.Ltmp0:
0x99: {  	s20 =	sadd.s32 $0x1580, s19;
	[sflag:s12] =	ssyncadd.s32 $0xFFFFE000;
	(pc) =	sbr.rel @p1 .LBB2_2-.Ltmp0, $4  }
0x9a: {  	[spmem:s1] =	stream.indirect.scatter.add.f32 [tilespmem:s11], [sflag:$0x2], $0x80, s20, s3, $0xb8;
	[tilespmem:$0x1E400] =	vst v63  }
0x9b: {  	_ =	swait.ge [sflag:s31], $0x2000  }
0x9c: {  	[sflag:s31] =	ssyncset.done $0x0  }
0x9d: {  	s19 =	sadd.s32 $0x380, s19;
	[sflag:s31] =	ssyncadd.s32 $0xFFFFE000  }
0x9e: {  	[tilespmem:s11], [sflag:$0x1] =	stream.indirect.gather [hbm4b:s4+s3], $0x80, s19, s3, $0xb8;
	[tilespmem:$0x1E400] =	vst v63  }
0x9f: {  	_ =	swait.ge [sflag:s12], $0x2000  }
0xa0: {  	[sflag:s12] =	ssyncset.done $0x0  }
0xa1: {  	[sflag:s12] =	ssyncadd.s32 $0xFFFFE000  }
0xa2: {  	[spmem:s1] =	stream.indirect.scatter.add.f32 [tilespmem:s30], [sflag:$0x2], $0x80, s13, s3, $0xb8;
	[tilespmem:$0x1E400] =	vst v63  }
0xa3: {  	_ =	swait.ge [sflag:s31], $0x2000  }
0xa4: {  	[sflag:s31] =	ssyncset.done $0x0  }
0xa5: {  	[sflag:s31] =	ssyncadd.s32 $0xFFFFE000  }
0xa6: {  	_ =	swait.ge [sflag:s12], $0x2000  }
0xa7: {  	[sflag:s12] =	ssyncset.done $0x0  }
0xa8: {  	[sflag:s12] =	ssyncadd.s32 $0xFFFFE000  }
0xa9: {  	[spmem:s1] =	stream.indirect.scatter.add.f32 [tilespmem:s7], [sflag:$0x2], $0x80, s14, s3, $0xb8;
	[tilespmem:$0x1E400] =	vst v63  }
0xaa: {  	_ =	swait.ge [sflag:s31], $0x2000  }
0xab: {  	[sflag:s31] =	ssyncset.done $0x0  }
0xac: {  	[sflag:s31] =	ssyncadd.s32 $0xFFFFE000  }
0xad: {  	_ =	swait.ge [sflag:s12], $0x2000  }
0xae: {  	[sflag:s12] =	ssyncset.done $0x0  }
0xaf: {  	[sflag:s12] =	ssyncadd.s32 $0xFFFFE000  }
0xb0: {  	[spmem:s1] =	stream.indirect.scatter.add.f32 [tilespmem:s9], [sflag:$0x2], $0x80, s15, s3, $0xb8;
	[tilespmem:$0x1E400] =	vst v63  }
0xb1: {  	_ =	swait.ge [sflag:s31], $0x2000  }
0xb2: {  	[sflag:s31] =	ssyncset.done $0x0  }
0xb3: {  	[sflag:s31] =	ssyncadd.s32 $0xFFFFE000  }
0xb4: {  	_ =	swait.ge [sflag:s12], $0x2000  }
0xb5: {  	[sflag:s12] =	ssyncset.done $0x0  }
0xb6: {  	[sflag:s12] =	ssyncadd.s32 $0xFFFFE000  }
0xb7: {  	[spmem:s1] =	stream.indirect.scatter.add.f32 [tilespmem:s11], [sflag:$0x2], $0x80, s16, s3, $0xb8;
	[tilespmem:$0x1E400] =	vst v63  }
0xb8: {  	_ =	swait.ge [sflag:s31], $0x2000  }
0xb9: {  	[sflag:s31] =	ssyncset.done $0x0  }
0xba: {  	s18 =	simm.s32 $0x0;
	s20 =	rddreg [dreg:$0xb];
	[sflag:s31] =	ssyncadd.s32 $0xFFFFE000  }
0xbb: {  	[tilespmem:s18], [sflag:$0x2] =	stream.linear.gather [hbm4b:s20+s18], $0x1400, $0x38;
	[tilespmem:$0x1E400] =	vst v63  }
0xbc: {  	_ =	swait.ge [sflag:s31], $0x1400  }
0xbd: {  	[sflag:s31] =	ssyncset.done $0x0  }
0xbe: {  	s20 =	rddreg [dreg:$0xc];
	[sflag:s31] =	ssyncadd.s32 $0xFFFFEC00  }
0xbf: {  	[tilespmem:s0], [sflag:$0x2] =	stream.linear.gather [hbm4b:s20+s18], $0x1400, $0x38;
	[tilespmem:$0x1E400] =	vst v63  }
0xc0: {  	_ =	swait.ge [sflag:s31], $0x1400  }
0xc1: {  	[sflag:s31] =	ssyncset.done $0x0  }
0xc2: {  	[sflag:s31] =	ssyncadd.s32 $0xFFFFEC00  }
0xc3: {  	[tilespmem:s30], [sflag:$0x1] =	stream.indirect.gather [hbm4b:s4+s3], $0x80, s18, s3, $0xb8;
	[tilespmem:$0x1E400] =	vst v63  }
0xc4: {  	_ = 	snop  }
0xc5: {  	[tilespmem:s7], [sflag:$0x1] =	stream.indirect.gather [hbm4b:s4+s3], $0x80, s5, s3, $0xb8;
	[tilespmem:$0x1E400] =	vst v63  }
0xc6: {  	_ = 	snop  }
0xc7: {  	[tilespmem:s9], [sflag:$0x1] =	stream.indirect.gather [hbm4b:s4+s3], $0x80, s8, s3, $0xb8;
	[tilespmem:$0x1E400] =	vst v63  }
0xc8: {  	_ = 	snop  }
0xc9: {  	[tilespmem:s11], [sflag:$0x1] =	stream.indirect.gather [hbm4b:s4+s3], $0x80, s10, s3, $0xb8;
	[tilespmem:$0x1E400] =	vst v63  }
0xca: {  	_ =	swait.ge [sflag:s12], $0x2000  }
0xcb: {  	[sflag:s12] =	ssyncset.done $0x0  }
0xcc: {  	s20 =	simm.s32 $0x1400;
	[sflag:s12] =	ssyncadd.s32 $0xFFFFE000  }
0xcd: {  	[spmem:s1] =	stream.indirect.scatter.add.f32 [tilespmem:s30], [sflag:$0x2], $0x80, s20, s3, $0xb8;
	[tilespmem:$0x1E400] =	vst v63  }
0xce: {  	_ =	swait.ge [sflag:s31], $0x2000  }
0xcf: {  	[sflag:s31] =	ssyncset.done $0x0  }
0xd0: {  	s19 =	simm.s32 $0x200;
	[sflag:s31] =	ssyncadd.s32 $0xFFFFE000  }
0xd1: {  	[tilespmem:s30], [sflag:$0x1] =	stream.indirect.gather [hbm4b:s4+s3], $0x80, s19, s3, $0xb8;
	[tilespmem:$0x1E400] =	vst v63  }
0xd2: {  	_ =	swait.ge [sflag:s12], $0x2000  }
0xd3: {  	[sflag:s12] =	ssyncset.done $0x0  }
0xd4: {  	s20 =	simm.s32 $0x1480;
	[sflag:s12] =	ssyncadd.s32 $0xFFFFE000  }
0xd5: {  	[spmem:s1] =	stream.indirect.scatter.add.f32 [tilespmem:s7], [sflag:$0x2], $0x80, s20, s3, $0xb8;
	[tilespmem:$0x1E400] =	vst v63  }
0xd6: {  	_ =	swait.ge [sflag:s31], $0x2000  }
0xd7: {  	[sflag:s31] =	ssyncset.done $0x0  }
0xd8: {  	s19 =	simm.s32 $0x280;
	[sflag:s31] =	ssyncadd.s32 $0xFFFFE000  }
0xd9: {  	[tilespmem:s7], [sflag:$0x1] =	stream.indirect.gather [hbm4b:s4+s3], $0x80, s19, s3, $0xb8;
	[tilespmem:$0x1E400] =	vst v63  }
0xda: {  	_ =	swait.ge [sflag:s12], $0x2000  }
0xdb: {  	[sflag:s12] =	ssyncset.done $0x0  }
0xdc: {  	s20 =	simm.s32 $0x1500;
	[sflag:s12] =	ssyncadd.s32 $0xFFFFE000  }
0xdd: {  	[spmem:s1] =	stream.indirect.scatter.add.f32 [tilespmem:s9], [sflag:$0x2], $0x80, s20, s3, $0xb8;
	[tilespmem:$0x1E400] =	vst v63  }
0xde: {  	_ =	swait.ge [sflag:s31], $0x2000  }
0xdf: {  	[sflag:s31] =	ssyncset.done $0x0  }
0xe0: {  	s19 =	simm.s32 $0x300;
	[sflag:s31] =	ssyncadd.s32 $0xFFFFE000  }
0xe1: {  	[tilespmem:s9], [sflag:$0x1] =	stream.indirect.gather [hbm4b:s4+s3], $0x80, s19, s3, $0xb8;
	[tilespmem:$0x1E400] =	vst v63  }
0xe2: {  	_ =	swait.ge [sflag:s12], $0x2000  }
0xe3: {  	[sflag:s12] =	ssyncset.done $0x0  }
0xe4: {  	s20 =	simm.s32 $0x1580;
	[sflag:s12] =	ssyncadd.s32 $0xFFFFE000  }
0xe5: {  	[spmem:s1] =	stream.indirect.scatter.add.f32 [tilespmem:s11], [sflag:$0x2], $0x80, s20, s3, $0xb8;
	[tilespmem:$0x1E400] =	vst v63  }
0xe6: {  	_ =	swait.ge [sflag:s31], $0x2000  }
0xe7: {  	[sflag:s31] =	ssyncset.done $0x0  }
0xe8: {  	s18 =	simm.s32 $0x800;
	s19 =	simm.s32 $0x380;
	[sflag:s31] =	ssyncadd.s32 $0xFFFFE000  }
.LBB2_4:
0xe9: {  	[tilespmem:s11], [sflag:$0x1] =	stream.indirect.gather [hbm4b:s4+s3], $0x80, s19, s3, $0xb8;
	[tilespmem:$0x1E400] =	vst v63  }
0xea: {  	s19 =	smov.u32 s18  }
0xeb: {  	p1 =	sne.s32 s18, $0x4000;
	s18 =	sadd.s32 $0x800, s18;
	_ =	swait.ge [sflag:s12], $0x2000  }
0xec: {  	s19 =	sshra.s32 s19, $0x2;
	[sflag:s12] =	ssyncset.done $0x0  }
0xed: {  	s20 =	sadd.s32 $0x1400, s19;
	[sflag:s12] =	ssyncadd.s32 $0xFFFFE000  }
0xee: {  	[spmem:s1] =	stream.indirect.scatter.add.f32 [tilespmem:s30], [sflag:$0x2], $0x80, s20, s3, $0xb8;
	[tilespmem:$0x1E400] =	vst v63  }
0xef: {  	_ =	swait.ge [sflag:s31], $0x2000  }
0xf0: {  	[sflag:s31] =	ssyncset.done $0x0  }
0xf1: {  	s20 =	sadd.s32 $0x200, s19;
	[sflag:s31] =	ssyncadd.s32 $0xFFFFE000  }
0xf2: {  	[tilespmem:s30], [sflag:$0x1] =	stream.indirect.gather [hbm4b:s4+s3], $0x80, s20, s3, $0xb8;
	[tilespmem:$0x1E400] =	vst v63  }
0xf3: {  	_ =	swait.ge [sflag:s12], $0x2000  }
0xf4: {  	[sflag:s12] =	ssyncset.done $0x0  }
0xf5: {  	s20 =	sadd.s32 $0x1480, s19;
	[sflag:s12] =	ssyncadd.s32 $0xFFFFE000  }
0xf6: {  	[spmem:s1] =	stream.indirect.scatter.add.f32 [tilespmem:s7], [sflag:$0x2], $0x80, s20, s3, $0xb8;
	[tilespmem:$0x1E400] =	vst v63  }
0xf7: {  	_ =	swait.ge [sflag:s31], $0x2000  }
0xf8: {  	[sflag:s31] =	ssyncset.done $0x0  }
0xf9: {  	s20 =	sadd.s32 $0x280, s19;
	[sflag:s31] =	ssyncadd.s32 $0xFFFFE000  }
0xfa: {  	[tilespmem:s7], [sflag:$0x1] =	stream.indirect.gather [hbm4b:s4+s3], $0x80, s20, s3, $0xb8;
	[tilespmem:$0x1E400] =	vst v63  }
0xfb: {  	_ =	swait.ge [sflag:s12], $0x2000  }
0xfc: {  	[sflag:s12] =	ssyncset.done $0x0  }
0xfd: {  	s20 =	sadd.s32 $0x1500, s19;
	[sflag:s12] =	ssyncadd.s32 $0xFFFFE000  }
0xfe: {  	[spmem:s1] =	stream.indirect.scatter.add.f32 [tilespmem:s9], [sflag:$0x2], $0x80, s20, s3, $0xb8;
	[tilespmem:$0x1E400] =	vst v63  }
0xff: {  	_ =	swait.ge [sflag:s31], $0x2000  }
0x100: {  	[sflag:s31] =	ssyncset.done $0x0  }
0x101: {  	s20 =	sadd.s32 $0x300, s19;
	[sflag:s31] =	ssyncadd.s32 $0xFFFFE000  }
0x102: {  	[tilespmem:s9], [sflag:$0x1] =	stream.indirect.gather [hbm4b:s4+s3], $0x80, s20, s3, $0xb8;
	[tilespmem:$0x1E400] =	vst v63  }
0x103: {  	_ =	swait.ge [sflag:s12], $0x2000  }
0x104: {  	[sflag:s12] =	ssyncset.done $0x0  }
.Ltmp1:
0x105: {  	s20 =	sadd.s32 $0x1580, s19;
	[sflag:s12] =	ssyncadd.s32 $0xFFFFE000;
	(pc) =	sbr.rel @p1 .LBB2_4-.Ltmp1, $4  }
0x106: {  	[spmem:s1] =	stream.indirect.scatter.add.f32 [tilespmem:s11], [sflag:$0x2], $0x80, s20, s3, $0xb8;
	[tilespmem:$0x1E400] =	vst v63  }
0x107: {  	_ =	swait.ge [sflag:s31], $0x2000  }
0x108: {  	[sflag:s31] =	ssyncset.done $0x0  }
0x109: {  	s19 =	sadd.s32 $0x380, s19;
	[sflag:s31] =	ssyncadd.s32 $0xFFFFE000  }
0x10a: {  	[tilespmem:s11], [sflag:$0x1] =	stream.indirect.gather [hbm4b:s4+s3], $0x80, s19, s3, $0xb8;
	[tilespmem:$0x1E400] =	vst v63  }
0x10b: {  	_ =	swait.ge [sflag:s12], $0x2000  }
0x10c: {  	[sflag:s12] =	ssyncset.done $0x0  }
0x10d: {  	[sflag:s12] =	ssyncadd.s32 $0xFFFFE000  }
0x10e: {  	[spmem:s1] =	stream.indirect.scatter.add.f32 [tilespmem:s30], [sflag:$0x2], $0x80, s13, s3, $0xb8;
	[tilespmem:$0x1E400] =	vst v63  }
0x10f: {  	_ =	swait.ge [sflag:s31], $0x2000  }
0x110: {  	[sflag:s31] =	ssyncset.done $0x0  }
0x111: {  	[sflag:s31] =	ssyncadd.s32 $0xFFFFE000  }
0x112: {  	_ =	swait.ge [sflag:s12], $0x2000  }
0x113: {  	[sflag:s12] =	ssyncset.done $0x0  }
0x114: {  	[sflag:s12] =	ssyncadd.s32 $0xFFFFE000  }
0x115: {  	[spmem:s1] =	stream.indirect.scatter.add.f32 [tilespmem:s7], [sflag:$0x2], $0x80, s14, s3, $0xb8;
	[tilespmem:$0x1E400] =	vst v63  }
0x116: {  	_ =	swait.ge [sflag:s31], $0x2000  }
0x117: {  	[sflag:s31] =	ssyncset.done $0x0  }
0x118: {  	[sflag:s31] =	ssyncadd.s32 $0xFFFFE000  }
0x119: {  	_ =	swait.ge [sflag:s12], $0x2000  }
0x11a: {  	[sflag:s12] =	ssyncset.done $0x0  }
0x11b: {  	[sflag:s12] =	ssyncadd.s32 $0xFFFFE000  }
0x11c: {  	[spmem:s1] =	stream.indirect.scatter.add.f32 [tilespmem:s9], [sflag:$0x2], $0x80, s15, s3, $0xb8;
	[tilespmem:$0x1E400] =	vst v63  }
0x11d: {  	_ =	swait.ge [sflag:s31], $0x2000  }
0x11e: {  	[sflag:s31] =	ssyncset.done $0x0  }
0x11f: {  	[sflag:s31] =	ssyncadd.s32 $0xFFFFE000  }
0x120: {  	_ =	swait.ge [sflag:s12], $0x2000  }
0x121: {  	[sflag:s12] =	ssyncset.done $0x0  }
0x122: {  	[sflag:s12] =	ssyncadd.s32 $0xFFFFE000  }
0x123: {  	[spmem:s1] =	stream.indirect.scatter.add.f32 [tilespmem:s11], [sflag:$0x2], $0x80, s16, s3, $0xb8;
	[tilespmem:$0x1E400] =	vst v63  }
0x124: {  	_ =	swait.ge [sflag:s31], $0x2000  }
0x125: {  	[sflag:s31] =	ssyncset.done $0x0  }
0x126: {  	s18 =	simm.s32 $0x0;
	s20 =	rddreg [dreg:$0xd];
	[sflag:s31] =	ssyncadd.s32 $0xFFFFE000  }
0x127: {  	[tilespmem:s18], [sflag:$0x2] =	stream.linear.gather [hbm4b:s20+s18], $0x1400, $0x38;
	[tilespmem:$0x1E400] =	vst v63  }
0x128: {  	_ =	swait.ge [sflag:s31], $0x1400  }
0x129: {  	[sflag:s31] =	ssyncset.done $0x0  }
0x12a: {  	s20 =	rddreg [dreg:$0xe];
	[sflag:s31] =	ssyncadd.s32 $0xFFFFEC00  }
0x12b: {  	[tilespmem:s0], [sflag:$0x2] =	stream.linear.gather [hbm4b:s20+s18], $0x1400, $0x38;
	[tilespmem:$0x1E400] =	vst v63  }
0x12c: {  	_ =	swait.ge [sflag:s31], $0x1400  }
0x12d: {  	[sflag:s31] =	ssyncset.done $0x0  }
0x12e: {  	[sflag:s31] =	ssyncadd.s32 $0xFFFFEC00  }
0x12f: {  	[tilespmem:s30], [sflag:$0x1] =	stream.indirect.gather [hbm4b:s4+s3], $0x80, s18, s3, $0xb8;
	[tilespmem:$0x1E400] =	vst v63  }
0x130: {  	_ = 	snop  }
0x131: {  	[tilespmem:s7], [sflag:$0x1] =	stream.indirect.gather [hbm4b:s4+s3], $0x80, s5, s3, $0xb8;
	[tilespmem:$0x1E400] =	vst v63  }
0x132: {  	_ = 	snop  }
0x133: {  	[tilespmem:s9], [sflag:$0x1] =	stream.indirect.gather [hbm4b:s4+s3], $0x80, s8, s3, $0xb8;
	[tilespmem:$0x1E400] =	vst v63  }
0x134: {  	_ = 	snop  }
0x135: {  	[tilespmem:s11], [sflag:$0x1] =	stream.indirect.gather [hbm4b:s4+s3], $0x80, s10, s3, $0xb8;
	[tilespmem:$0x1E400] =	vst v63  }
0x136: {  	_ =	swait.ge [sflag:s12], $0x2000  }
0x137: {  	[sflag:s12] =	ssyncset.done $0x0  }
0x138: {  	s20 =	simm.s32 $0x1400;
	[sflag:s12] =	ssyncadd.s32 $0xFFFFE000  }
0x139: {  	[spmem:s1] =	stream.indirect.scatter.add.f32 [tilespmem:s30], [sflag:$0x2], $0x80, s20, s3, $0xb8;
	[tilespmem:$0x1E400] =	vst v63  }
0x13a: {  	_ =	swait.ge [sflag:s31], $0x2000  }
0x13b: {  	[sflag:s31] =	ssyncset.done $0x0  }
0x13c: {  	s19 =	simm.s32 $0x200;
	[sflag:s31] =	ssyncadd.s32 $0xFFFFE000  }
0x13d: {  	[tilespmem:s30], [sflag:$0x1] =	stream.indirect.gather [hbm4b:s4+s3], $0x80, s19, s3, $0xb8;
	[tilespmem:$0x1E400] =	vst v63  }
0x13e: {  	_ =	swait.ge [sflag:s12], $0x2000  }
0x13f: {  	[sflag:s12] =	ssyncset.done $0x0  }
0x140: {  	s20 =	simm.s32 $0x1480;
	[sflag:s12] =	ssyncadd.s32 $0xFFFFE000  }
0x141: {  	[spmem:s1] =	stream.indirect.scatter.add.f32 [tilespmem:s7], [sflag:$0x2], $0x80, s20, s3, $0xb8;
	[tilespmem:$0x1E400] =	vst v63  }
0x142: {  	_ =	swait.ge [sflag:s31], $0x2000  }
0x143: {  	[sflag:s31] =	ssyncset.done $0x0  }
0x144: {  	s19 =	simm.s32 $0x280;
	[sflag:s31] =	ssyncadd.s32 $0xFFFFE000  }
0x145: {  	[tilespmem:s7], [sflag:$0x1] =	stream.indirect.gather [hbm4b:s4+s3], $0x80, s19, s3, $0xb8;
	[tilespmem:$0x1E400] =	vst v63  }
0x146: {  	_ =	swait.ge [sflag:s12], $0x2000  }
0x147: {  	[sflag:s12] =	ssyncset.done $0x0  }
0x148: {  	s20 =	simm.s32 $0x1500;
	[sflag:s12] =	ssyncadd.s32 $0xFFFFE000  }
0x149: {  	[spmem:s1] =	stream.indirect.scatter.add.f32 [tilespmem:s9], [sflag:$0x2], $0x80, s20, s3, $0xb8;
	[tilespmem:$0x1E400] =	vst v63  }
0x14a: {  	_ =	swait.ge [sflag:s31], $0x2000  }
0x14b: {  	[sflag:s31] =	ssyncset.done $0x0  }
0x14c: {  	s19 =	simm.s32 $0x300;
	[sflag:s31] =	ssyncadd.s32 $0xFFFFE000  }
0x14d: {  	[tilespmem:s9], [sflag:$0x1] =	stream.indirect.gather [hbm4b:s4+s3], $0x80, s19, s3, $0xb8;
	[tilespmem:$0x1E400] =	vst v63  }
0x14e: {  	_ =	swait.ge [sflag:s12], $0x2000  }
0x14f: {  	[sflag:s12] =	ssyncset.done $0x0  }
0x150: {  	s20 =	simm.s32 $0x1580;
	[sflag:s12] =	ssyncadd.s32 $0xFFFFE000  }
0x151: {  	[spmem:s1] =	stream.indirect.scatter.add.f32 [tilespmem:s11], [sflag:$0x2], $0x80, s20, s3, $0xb8;
	[tilespmem:$0x1E400] =	vst v63  }
0x152: {  	_ =	swait.ge [sflag:s31], $0x2000  }
0x153: {  	[sflag:s31] =	ssyncset.done $0x0  }
0x154: {  	s18 =	simm.s32 $0x800;
	s19 =	simm.s32 $0x380;
	[sflag:s31] =	ssyncadd.s32 $0xFFFFE000  }
.LBB2_6:
0x155: {  	[tilespmem:s11], [sflag:$0x1] =	stream.indirect.gather [hbm4b:s4+s3], $0x80, s19, s3, $0xb8;
	[tilespmem:$0x1E400] =	vst v63  }
0x156: {  	s19 =	smov.u32 s18  }
0x157: {  	p1 =	sne.s32 s18, $0x4000;
	s18 =	sadd.s32 $0x800, s18;
	_ =	swait.ge [sflag:s12], $0x2000  }
0x158: {  	s19 =	sshra.s32 s19, $0x2;
	[sflag:s12] =	ssyncset.done $0x0  }
0x159: {  	s20 =	sadd.s32 $0x1400, s19;
	[sflag:s12] =	ssyncadd.s32 $0xFFFFE000  }
0x15a: {  	[spmem:s1] =	stream.indirect.scatter.add.f32 [tilespmem:s30], [sflag:$0x2], $0x80, s20, s3, $0xb8;
	[tilespmem:$0x1E400] =	vst v63  }
0x15b: {  	_ =	swait.ge [sflag:s31], $0x2000  }
0x15c: {  	[sflag:s31] =	ssyncset.done $0x0  }
0x15d: {  	s20 =	sadd.s32 $0x200, s19;
	[sflag:s31] =	ssyncadd.s32 $0xFFFFE000  }
0x15e: {  	[tilespmem:s30], [sflag:$0x1] =	stream.indirect.gather [hbm4b:s4+s3], $0x80, s20, s3, $0xb8;
	[tilespmem:$0x1E400] =	vst v63  }
0x15f: {  	_ =	swait.ge [sflag:s12], $0x2000  }
0x160: {  	[sflag:s12] =	ssyncset.done $0x0  }
0x161: {  	s20 =	sadd.s32 $0x1480, s19;
	[sflag:s12] =	ssyncadd.s32 $0xFFFFE000  }
0x162: {  	[spmem:s1] =	stream.indirect.scatter.add.f32 [tilespmem:s7], [sflag:$0x2], $0x80, s20, s3, $0xb8;
	[tilespmem:$0x1E400] =	vst v63  }
0x163: {  	_ =	swait.ge [sflag:s31], $0x2000  }
0x164: {  	[sflag:s31] =	ssyncset.done $0x0  }
0x165: {  	s20 =	sadd.s32 $0x280, s19;
	[sflag:s31] =	ssyncadd.s32 $0xFFFFE000  }
0x166: {  	[tilespmem:s7], [sflag:$0x1] =	stream.indirect.gather [hbm4b:s4+s3], $0x80, s20, s3, $0xb8;
	[tilespmem:$0x1E400] =	vst v63  }
0x167: {  	_ =	swait.ge [sflag:s12], $0x2000  }
0x168: {  	[sflag:s12] =	ssyncset.done $0x0  }
0x169: {  	s20 =	sadd.s32 $0x1500, s19;
	[sflag:s12] =	ssyncadd.s32 $0xFFFFE000  }
0x16a: {  	[spmem:s1] =	stream.indirect.scatter.add.f32 [tilespmem:s9], [sflag:$0x2], $0x80, s20, s3, $0xb8;
	[tilespmem:$0x1E400] =	vst v63  }
0x16b: {  	_ =	swait.ge [sflag:s31], $0x2000  }
0x16c: {  	[sflag:s31] =	ssyncset.done $0x0  }
0x16d: {  	s20 =	sadd.s32 $0x300, s19;
	[sflag:s31] =	ssyncadd.s32 $0xFFFFE000  }
0x16e: {  	[tilespmem:s9], [sflag:$0x1] =	stream.indirect.gather [hbm4b:s4+s3], $0x80, s20, s3, $0xb8;
	[tilespmem:$0x1E400] =	vst v63  }
0x16f: {  	_ =	swait.ge [sflag:s12], $0x2000  }
0x170: {  	[sflag:s12] =	ssyncset.done $0x0  }
.Ltmp2:
0x171: {  	s20 =	sadd.s32 $0x1580, s19;
	[sflag:s12] =	ssyncadd.s32 $0xFFFFE000;
	(pc) =	sbr.rel @p1 .LBB2_6-.Ltmp2, $4  }
0x172: {  	[spmem:s1] =	stream.indirect.scatter.add.f32 [tilespmem:s11], [sflag:$0x2], $0x80, s20, s3, $0xb8;
	[tilespmem:$0x1E400] =	vst v63  }
0x173: {  	_ =	swait.ge [sflag:s31], $0x2000  }
0x174: {  	[sflag:s31] =	ssyncset.done $0x0  }
0x175: {  	s19 =	sadd.s32 $0x380, s19;
	[sflag:s31] =	ssyncadd.s32 $0xFFFFE000  }
0x176: {  	[tilespmem:s11], [sflag:$0x1] =	stream.indirect.gather [hbm4b:s4+s3], $0x80, s19, s3, $0xb8;
	[tilespmem:$0x1E400] =	vst v63  }
0x177: {  	_ =	swait.ge [sflag:s12], $0x2000  }
0x178: {  	[sflag:s12] =	ssyncset.done $0x0  }
0x179: {  	[sflag:s12] =	ssyncadd.s32 $0xFFFFE000  }
0x17a: {  	[spmem:s1] =	stream.indirect.scatter.add.f32 [tilespmem:s30], [sflag:$0x2], $0x80, s13, s3, $0xb8;
	[tilespmem:$0x1E400] =	vst v63  }
0x17b: {  	_ =	swait.ge [sflag:s31], $0x2000  }
0x17c: {  	[sflag:s31] =	ssyncset.done $0x0  }
0x17d: {  	[sflag:s31] =	ssyncadd.s32 $0xFFFFE000  }
0x17e: {  	_ =	swait.ge [sflag:s12], $0x2000  }
0x17f: {  	[sflag:s12] =	ssyncset.done $0x0  }
0x180: {  	[sflag:s12] =	ssyncadd.s32 $0xFFFFE000  }
0x181: {  	[spmem:s1] =	stream.indirect.scatter.add.f32 [tilespmem:s7], [sflag:$0x2], $0x80, s14, s3, $0xb8;
	[tilespmem:$0x1E400] =	vst v63  }
0x182: {  	_ =	swait.ge [sflag:s31], $0x2000  }
0x183: {  	[sflag:s31] =	ssyncset.done $0x0  }
0x184: {  	[sflag:s31] =	ssyncadd.s32 $0xFFFFE000  }
0x185: {  	_ =	swait.ge [sflag:s12], $0x2000  }
0x186: {  	[sflag:s12] =	ssyncset.done $0x0  }
0x187: {  	[sflag:s12] =	ssyncadd.s32 $0xFFFFE000  }
0x188: {  	[spmem:s1] =	stream.indirect.scatter.add.f32 [tilespmem:s9], [sflag:$0x2], $0x80, s15, s3, $0xb8;
	[tilespmem:$0x1E400] =	vst v63  }
0x189: {  	_ =	swait.ge [sflag:s31], $0x2000  }
0x18a: {  	[sflag:s31] =	ssyncset.done $0x0  }
0x18b: {  	[sflag:s31] =	ssyncadd.s32 $0xFFFFE000  }
0x18c: {  	_ =	swait.ge [sflag:s12], $0x2000  }
0x18d: {  	[sflag:s12] =	ssyncset.done $0x0  }
0x18e: {  	[sflag:s12] =	ssyncadd.s32 $0xFFFFE000  }
0x18f: {  	[spmem:s1] =	stream.indirect.scatter.add.f32 [tilespmem:s11], [sflag:$0x2], $0x80, s16, s3, $0xb8;
	[tilespmem:$0x1E400] =	vst v63  }
0x190: {  	_ =	swait.ge [sflag:s31], $0x2000  }
0x191: {  	[sflag:s31] =	ssyncset.done $0x0  }
0x192: {  	s18 =	simm.s32 $0x0;
	s20 =	rddreg [dreg:$0xf];
	[sflag:s31] =	ssyncadd.s32 $0xFFFFE000  }
0x193: {  	[tilespmem:s18], [sflag:$0x2] =	stream.linear.gather [hbm4b:s20+s18], $0x1400, $0x38;
	[tilespmem:$0x1E400] =	vst v63  }
0x194: {  	_ =	swait.ge [sflag:s31], $0x1400  }
0x195: {  	[sflag:s31] =	ssyncset.done $0x0  }
0x196: {  	s20 =	rddreg [dreg:$0x10];
	[sflag:s31] =	ssyncadd.s32 $0xFFFFEC00  }
0x197: {  	[tilespmem:s0], [sflag:$0x2] =	stream.linear.gather [hbm4b:s20+s18], $0x1400, $0x38;
	[tilespmem:$0x1E400] =	vst v63  }
0x198: {  	_ =	swait.ge [sflag:s31], $0x1400  }
0x199: {  	[sflag:s31] =	ssyncset.done $0x0  }
0x19a: {  	[sflag:s31] =	ssyncadd.s32 $0xFFFFEC00  }
0x19b: {  	[tilespmem:s30], [sflag:$0x1] =	stream.indirect.gather [hbm4b:s4+s3], $0x80, s18, s3, $0xb8;
	[tilespmem:$0x1E400] =	vst v63  }
0x19c: {  	_ = 	snop  }
0x19d: {  	[tilespmem:s7], [sflag:$0x1] =	stream.indirect.gather [hbm4b:s4+s3], $0x80, s5, s3, $0xb8;
	[tilespmem:$0x1E400] =	vst v63  }
0x19e: {  	_ = 	snop  }
0x19f: {  	[tilespmem:s9], [sflag:$0x1] =	stream.indirect.gather [hbm4b:s4+s3], $0x80, s8, s3, $0xb8;
	[tilespmem:$0x1E400] =	vst v63  }
0x1a0: {  	_ = 	snop  }
0x1a1: {  	[tilespmem:s11], [sflag:$0x1] =	stream.indirect.gather [hbm4b:s4+s3], $0x80, s10, s3, $0xb8;
	[tilespmem:$0x1E400] =	vst v63  }
0x1a2: {  	_ =	swait.ge [sflag:s12], $0x2000  }
0x1a3: {  	[sflag:s12] =	ssyncset.done $0x0  }
0x1a4: {  	s20 =	simm.s32 $0x1400;
	[sflag:s12] =	ssyncadd.s32 $0xFFFFE000  }
0x1a5: {  	[spmem:s1] =	stream.indirect.scatter.add.f32 [tilespmem:s30], [sflag:$0x2], $0x80, s20, s3, $0xb8;
	[tilespmem:$0x1E400] =	vst v63  }
0x1a6: {  	_ =	swait.ge [sflag:s31], $0x2000  }
0x1a7: {  	[sflag:s31] =	ssyncset.done $0x0  }
0x1a8: {  	s19 =	simm.s32 $0x200;
	[sflag:s31] =	ssyncadd.s32 $0xFFFFE000  }
0x1a9: {  	[tilespmem:s30], [sflag:$0x1] =	stream.indirect.gather [hbm4b:s4+s3], $0x80, s19, s3, $0xb8;
	[tilespmem:$0x1E400] =	vst v63  }
0x1aa: {  	_ =	swait.ge [sflag:s12], $0x2000  }
0x1ab: {  	[sflag:s12] =	ssyncset.done $0x0  }
0x1ac: {  	s20 =	simm.s32 $0x1480;
	[sflag:s12] =	ssyncadd.s32 $0xFFFFE000  }
0x1ad: {  	[spmem:s1] =	stream.indirect.scatter.add.f32 [tilespmem:s7], [sflag:$0x2], $0x80, s20, s3, $0xb8;
	[tilespmem:$0x1E400] =	vst v63  }
0x1ae: {  	_ =	swait.ge [sflag:s31], $0x2000  }
0x1af: {  	[sflag:s31] =	ssyncset.done $0x0  }
0x1b0: {  	s19 =	simm.s32 $0x280;
	[sflag:s31] =	ssyncadd.s32 $0xFFFFE000  }
0x1b1: {  	[tilespmem:s7], [sflag:$0x1] =	stream.indirect.gather [hbm4b:s4+s3], $0x80, s19, s3, $0xb8;
	[tilespmem:$0x1E400] =	vst v63  }
0x1b2: {  	_ =	swait.ge [sflag:s12], $0x2000  }
0x1b3: {  	[sflag:s12] =	ssyncset.done $0x0  }
0x1b4: {  	s20 =	simm.s32 $0x1500;
	[sflag:s12] =	ssyncadd.s32 $0xFFFFE000  }
0x1b5: {  	[spmem:s1] =	stream.indirect.scatter.add.f32 [tilespmem:s9], [sflag:$0x2], $0x80, s20, s3, $0xb8;
	[tilespmem:$0x1E400] =	vst v63  }
0x1b6: {  	_ =	swait.ge [sflag:s31], $0x2000  }
0x1b7: {  	[sflag:s31] =	ssyncset.done $0x0  }
0x1b8: {  	s19 =	simm.s32 $0x300;
	[sflag:s31] =	ssyncadd.s32 $0xFFFFE000  }
0x1b9: {  	[tilespmem:s9], [sflag:$0x1] =	stream.indirect.gather [hbm4b:s4+s3], $0x80, s19, s3, $0xb8;
	[tilespmem:$0x1E400] =	vst v63  }
0x1ba: {  	_ =	swait.ge [sflag:s12], $0x2000  }
0x1bb: {  	[sflag:s12] =	ssyncset.done $0x0  }
0x1bc: {  	s20 =	simm.s32 $0x1580;
	[sflag:s12] =	ssyncadd.s32 $0xFFFFE000  }
0x1bd: {  	[spmem:s1] =	stream.indirect.scatter.add.f32 [tilespmem:s11], [sflag:$0x2], $0x80, s20, s3, $0xb8;
	[tilespmem:$0x1E400] =	vst v63  }
0x1be: {  	_ =	swait.ge [sflag:s31], $0x2000  }
0x1bf: {  	[sflag:s31] =	ssyncset.done $0x0  }
0x1c0: {  	s18 =	simm.s32 $0x800;
	s19 =	simm.s32 $0x380;
	[sflag:s31] =	ssyncadd.s32 $0xFFFFE000  }
.LBB2_8:
0x1c1: {  	[tilespmem:s11], [sflag:$0x1] =	stream.indirect.gather [hbm4b:s4+s3], $0x80, s19, s3, $0xb8;
	[tilespmem:$0x1E400] =	vst v63  }
0x1c2: {  	s19 =	smov.u32 s18  }
0x1c3: {  	p1 =	sne.s32 s18, $0x4000;
	s18 =	sadd.s32 $0x800, s18;
	_ =	swait.ge [sflag:s12], $0x2000  }
0x1c4: {  	s19 =	sshra.s32 s19, $0x2;
	[sflag:s12] =	ssyncset.done $0x0  }
0x1c5: {  	s20 =	sadd.s32 $0x1400, s19;
	[sflag:s12] =	ssyncadd.s32 $0xFFFFE000  }
0x1c6: {  	[spmem:s1] =	stream.indirect.scatter.add.f32 [tilespmem:s30], [sflag:$0x2], $0x80, s20, s3, $0xb8;
	[tilespmem:$0x1E400] =	vst v63  }
0x1c7: {  	_ =	swait.ge [sflag:s31], $0x2000  }
0x1c8: {  	[sflag:s31] =	ssyncset.done $0x0  }
0x1c9: {  	s20 =	sadd.s32 $0x200, s19;
	[sflag:s31] =	ssyncadd.s32 $0xFFFFE000  }
0x1ca: {  	[tilespmem:s30], [sflag:$0x1] =	stream.indirect.gather [hbm4b:s4+s3], $0x80, s20, s3, $0xb8;
	[tilespmem:$0x1E400] =	vst v63  }
0x1cb: {  	_ =	swait.ge [sflag:s12], $0x2000  }
0x1cc: {  	[sflag:s12] =	ssyncset.done $0x0  }
0x1cd: {  	s20 =	sadd.s32 $0x1480, s19;
	[sflag:s12] =	ssyncadd.s32 $0xFFFFE000  }
0x1ce: {  	[spmem:s1] =	stream.indirect.scatter.add.f32 [tilespmem:s7], [sflag:$0x2], $0x80, s20, s3, $0xb8;
	[tilespmem:$0x1E400] =	vst v63  }
0x1cf: {  	_ =	swait.ge [sflag:s31], $0x2000  }
0x1d0: {  	[sflag:s31] =	ssyncset.done $0x0  }
0x1d1: {  	s20 =	sadd.s32 $0x280, s19;
	[sflag:s31] =	ssyncadd.s32 $0xFFFFE000  }
0x1d2: {  	[tilespmem:s7], [sflag:$0x1] =	stream.indirect.gather [hbm4b:s4+s3], $0x80, s20, s3, $0xb8;
	[tilespmem:$0x1E400] =	vst v63  }
0x1d3: {  	_ =	swait.ge [sflag:s12], $0x2000  }
0x1d4: {  	[sflag:s12] =	ssyncset.done $0x0  }
0x1d5: {  	s20 =	sadd.s32 $0x1500, s19;
	[sflag:s12] =	ssyncadd.s32 $0xFFFFE000  }
0x1d6: {  	[spmem:s1] =	stream.indirect.scatter.add.f32 [tilespmem:s9], [sflag:$0x2], $0x80, s20, s3, $0xb8;
	[tilespmem:$0x1E400] =	vst v63  }
0x1d7: {  	_ =	swait.ge [sflag:s31], $0x2000  }
0x1d8: {  	[sflag:s31] =	ssyncset.done $0x0  }
0x1d9: {  	s20 =	sadd.s32 $0x300, s19;
	[sflag:s31] =	ssyncadd.s32 $0xFFFFE000  }
0x1da: {  	[tilespmem:s9], [sflag:$0x1] =	stream.indirect.gather [hbm4b:s4+s3], $0x80, s20, s3, $0xb8;
	[tilespmem:$0x1E400] =	vst v63  }
0x1db: {  	_ =	swait.ge [sflag:s12], $0x2000  }
0x1dc: {  	[sflag:s12] =	ssyncset.done $0x0  }
.Ltmp3:
0x1dd: {  	s20 =	sadd.s32 $0x1580, s19;
	[sflag:s12] =	ssyncadd.s32 $0xFFFFE000;
	(pc) =	sbr.rel @p1 .LBB2_8-.Ltmp3, $4  }
0x1de: {  	[spmem:s1] =	stream.indirect.scatter.add.f32 [tilespmem:s11], [sflag:$0x2], $0x80, s20, s3, $0xb8;
	[tilespmem:$0x1E400] =	vst v63  }
0x1df: {  	_ =	swait.ge [sflag:s31], $0x2000  }
0x1e0: {  	[sflag:s31] =	ssyncset.done $0x0  }
0x1e1: {  	s19 =	sadd.s32 $0x380, s19;
	[sflag:s31] =	ssyncadd.s32 $0xFFFFE000  }
0x1e2: {  	[tilespmem:s11], [sflag:$0x1] =	stream.indirect.gather [hbm4b:s4+s3], $0x80, s19, s3, $0xb8;
	[tilespmem:$0x1E400] =	vst v63  }
0x1e3: {  	_ =	swait.ge [sflag:s12], $0x2000  }
0x1e4: {  	[sflag:s12] =	ssyncset.done $0x0  }
0x1e5: {  	[sflag:s12] =	ssyncadd.s32 $0xFFFFE000  }
0x1e6: {  	[spmem:s1] =	stream.indirect.scatter.add.f32 [tilespmem:s30], [sflag:$0x2], $0x80, s13, s3, $0xb8;
	[tilespmem:$0x1E400] =	vst v63  }
0x1e7: {  	_ =	swait.ge [sflag:s31], $0x2000  }
0x1e8: {  	[sflag:s31] =	ssyncset.done $0x0  }
0x1e9: {  	[sflag:s31] =	ssyncadd.s32 $0xFFFFE000  }
0x1ea: {  	_ =	swait.ge [sflag:s12], $0x2000  }
0x1eb: {  	[sflag:s12] =	ssyncset.done $0x0  }
0x1ec: {  	[sflag:s12] =	ssyncadd.s32 $0xFFFFE000  }
0x1ed: {  	[spmem:s1] =	stream.indirect.scatter.add.f32 [tilespmem:s7], [sflag:$0x2], $0x80, s14, s3, $0xb8;
	[tilespmem:$0x1E400] =	vst v63  }
0x1ee: {  	_ =	swait.ge [sflag:s31], $0x2000  }
0x1ef: {  	[sflag:s31] =	ssyncset.done $0x0  }
0x1f0: {  	[sflag:s31] =	ssyncadd.s32 $0xFFFFE000  }
0x1f1: {  	_ =	swait.ge [sflag:s12], $0x2000  }
0x1f2: {  	[sflag:s12] =	ssyncset.done $0x0  }
0x1f3: {  	[sflag:s12] =	ssyncadd.s32 $0xFFFFE000  }
0x1f4: {  	[spmem:s1] =	stream.indirect.scatter.add.f32 [tilespmem:s9], [sflag:$0x2], $0x80, s15, s3, $0xb8;
	[tilespmem:$0x1E400] =	vst v63  }
0x1f5: {  	_ =	swait.ge [sflag:s31], $0x2000  }
0x1f6: {  	[sflag:s31] =	ssyncset.done $0x0  }
0x1f7: {  	[sflag:s31] =	ssyncadd.s32 $0xFFFFE000  }
0x1f8: {  	_ =	swait.ge [sflag:s12], $0x2000  }
0x1f9: {  	[sflag:s12] =	ssyncset.done $0x0  }
0x1fa: {  	[sflag:s12] =	ssyncadd.s32 $0xFFFFE000  }
0x1fb: {  	[spmem:s1] =	stream.indirect.scatter.add.f32 [tilespmem:s11], [sflag:$0x2], $0x80, s16, s3, $0xb8;
	[tilespmem:$0x1E400] =	vst v63  }
0x1fc: {  	_ =	swait.ge [sflag:s31], $0x2000  }
0x1fd: {  	s18 =	stileid.u32;
	[sflag:s31] =	ssyncset.done $0x0  }
0x1fe: {  	s18 =	sshll.u32 s18, $0x6;
	[sflag:s31] =	ssyncadd.s32 $0xFFFFE000  }
0x1ff: {  	s18 =	sor.u32 $0x1C02, s18;
	[bflag:$0x0] =	sbarrier.arrive $0xFFFF  }
0x200: {  	[hbm:s21], [sflag:s18] =	dma.local [spmem:s24], $0x2700  }
0x201: {  	_ =	swait.ge [sflag:s31], $0x2700  }
0x202: {  	s17 =	sadd.s32 $0x1, s17;
	[sflag:s31] =	ssyncset.done $0x0  }
0x203: {  	p1 =	sne.s32 s17, s23;
	[sflag:s31] =	ssyncadd.s32 $0xFFFFD900  }
0x204: {  	[hbm:s22], [sflag:s18] =	dma.local @!p0 [spmem:s25], $0x100  }
.Ltmp4:
0x205: {  	_ = 	snop;
	(pc) =	sbr.rel @p1 .LBB2_1-.Ltmp4, $4  }
0x206: {  	s18 =	simm.s32 @!p0 $0x2  }
0x207: {  	_ =	swait.ge @!p0 [sflag:s18], $0x100  }
0x208: {  	[sflag:s18] =	ssyncset.done @!p0 $0x0  }
0x209: {  	[sflag:s18] =	ssyncadd.s32 @!p0 $0xFFFFFF00  }
0x20a: {  	_ =	sfence.sel $0x180000  }
0x20b: {  	[bflag:$0x0] =	sbarrier.arrive $0xFFFF  }
0x20c: {  	_ =	strace $0x9000004A  }
0x20d: {  	s0 =	stileid.u32;
	[bflag:$0x2] =	sbarrier.arrive $0xFFFF  }
0x20e: {  	p0 =	sne.s32 s0, $0x0;
	s0 =	rddreg [dreg:$0x2]  }
0x20f: {  	s0 =	sadd.s32 @!p0 $0x100000, s0  }
0x210: {  	[sflag:s0] =	ssyncadd.tile.s32 @!p0 $0x1;
	_ =	shalt  }
.Lfunc_end2:
_tile_overlayer_lowered:
.L_overlay_start_2:
0x211: {  	(tag) =	ssettag $0x2  }
0x212: {  	s0 =	rddreg [dreg:$0x0];
	s2 =	stileid.u32  }
0x213: {  	s1 =	rddreg [dreg:$0x1];
	p0 =	sne.s32 s2, $0x0  }
0x214: {  	s3 =	rddreg [dreg:$0x2];
	[bflag:$0x3] =	sbarrier.arrive $0xFFFF;
	s2 =	simm.s32 @!p0 $0x1C02  }
0x215: {  	[timem:s3], [sflag:s2] =	dma.local @!p0 [hbm:s0], s1  }
0x216: {  	s0 =	simm.s32 @!p0 $0x2  }
0x217: {  	_ =	swait.ge @!p0 [sflag:s0], s1  }
0x218: {  	s1 =	ssub.s32 @!p0 $0x0, s1;
	[sflag:s0] =	ssyncset.done @!p0 $0x0  }
0x219: {  	[sflag:s0] =	ssyncadd.s32 @!p0 s1  }
0x21a: {  	[bflag:$0x3] =	sbarrier.arrive $0xFFFF  }
0x21b: {  	_ =	shalt  }

// kernel: kernel.8.cloned.1.call-start
scs
__scs_entry_jumppad:
0x0: {  	(pc) =	sbr.rel $0x88, $3  }
0x1: {  	(tag) =	ssettag $0x0;
	lr =	simm.s32 $0x1  }
0x2: {  	[smem:$0x3F91] =	sst lr;
	_ =	strace $0xD0000000  }
0x3: {  	_ = 	snop  }
0x4: {  	_ = 	snop  }
0x5: {  	_ = 	snop  }
0x6: {  	_ = 	snop  }
0x7: {  	_ = 	snop  }
__scs_overlays_trampoline_lowered:
0x8: {  	[smem:$0x3FA0] =	sst s0  }
0x9: {  	[smem:$0x3FA1] =	sst s1  }
0xa: {  	[smem:$0x3FA2] =	sst s2  }
0xb: {  	[smem:$0x3FA3] =	sst s3  }
0xc: {  	[smem:$0x3FA4] =	sst s4  }
0xd: {  	[smem:$0x3FA5] =	sst s5  }
0xe: {  	[smem:$0x3FA6] =	sst s6  }
0xf: {  	[smem:$0x3FA7] =	sst s7  }
0x10: {  	[smem:$0x3FA8] =	sst s8  }
0x11: {  	[smem:$0x3FA9] =	sst s9;
	s0 =	simm.s32 @!p0 $0x0  }
0x12: {  	s1 =	sld [smem:$0x3F8F];
	s0 =	simm.s32 @p0 $0x1  }
0x13: {  	[smem:$0x3FAA] =	sst s0;
	s0 =	simm.s32 @!p1 $0x0  }
0x14: {  	s2 =	sld [smem:$0x3F8E];
	s0 =	simm.s32 @p1 $0x1  }
0x15: {  	[smem:$0x3FAB] =	sst s0;
	s0 =	simm.s32 @!p2 $0x0  }
0x16: {  	s3 =	sld [smem:$0x3FDB];
	s0 =	simm.s32 @p2 $0x1  }
0x17: {  	s4 =	simm.s32 $0x1BF5;
	[smem:$0x3FAD] =	sst s0  }
0x18: {  	s0 =	sld [smem:$0x3F90];
	_ =	swait.ge [sflag:s4], $0x0  }
0x19: {  	s7 =	sld [smem:$0x3F91]  }
0x1a: {  	s8 =	sadd.s32 $0xFFFFE003, lr  }
0x1b: {  	s9 =	sadd.s32 $0xFFFFFEF7, lr;
	s5 =	simm.s32 $0xFFFFFFFF;
	p2 =	slt.u32 s8, $0xFFFFF086  }
0x1c: {  	p1 =	slt.u32 s9, $0xF7A;
	s5 =	simm.s32 @!p2 $0x0  }
0x1d: {  	s5 =	simm.s32 @p1 $0x1;
	p0 =	seq.s32 s7, s2  }
0x1e: {  	s7 =	smul.u32 @!p0 $0xF7A, s2;
	p2 =	seq.s32 @!p0 s5, $0x0  }
0x1f: {  	s9 =	smul.u32 $0xF7A, s1;
	s8 =	simm.s32 @!p0 $0x1BF5;
	p2 =	por !p2, p0  }
0x20: {  	[sflag:s8] =	ssyncset.s32 @!p0 $0xFFFFF086;
	s6 =	sadd.s32 @!p0 s3, s7;
	s7 =	simm.s32 @!p0 $0x108  }
0x21: {  	s3 =	sadd.s32 s3, s9;
	s6 =	sadd.s32 @!p0 $0x88, s6;
	s7 =	simm.s32 @p2 $0x1082  }
0x22: {  	[simem:s7], [sflag:s8] =	dma.local @!p0 [hbm:s6], $0xF7A  }
0x23: {  	s9 =	sor.u32 $0xD0000000, s2;
	s6 =	simm.s32 $0x108;
	_ =	swait.ge @!p0 [sflag:s8], $0x0  }
0x24: {  	s3 =	sadd.s32 $0x88, s3;
	s6 =	simm.s32 @!p1 $0x1082;
	[sflag:s4] =	ssyncset.s32 $0xFFFFF086  }
0x25: {  	[simem:s6], [sflag:s4] =	dma.local [hbm:s3], $0xF7A  }
0x26: {  	[smem:$0x3F91] =	sst s1;
	(tag) =	ssettag s2;
	_ =	strace s9  }
0x27: {  	s1 =	sld [smem:$0x3FA1]  }
0x28: {  	s2 =	sld [smem:$0x3FA2]  }
0x29: {  	s4 =	sld [smem:$0x3FA4]  }
0x2a: {  	p0 =	seq.s32 s5, $0x0;
	s5 =	sld [smem:$0x3FA5]  }
0x2b: {  	s6 =	sld [smem:$0x3FA6]  }
0x2c: {  	s7 =	sld [smem:$0x3FA7]  }
0x2d: {  	s3 =	simm.s32 $0x108;
	s8 =	sld [smem:$0x3FA8]  }
0x2e: {  	s3 =	simm.s32 @!p0 $0x1082;
	s9 =	sld [smem:$0x3FA9]  }
0x2f: {  	lr =	sadd.s32 s0, s3;
	s0 =	sld [smem:$0x3FA0]  }
0x30: {  	s3 =	sld [smem:$0x3FA3]  }
0x31: {  	[smem:$0x3FAC] =	sst s10  }
0x32: {  	s10 =	sld [smem:$0x3FAA];
	_ =	sdelay $0x3  }
0x33: {  	p0 =	seq.s32 s10, $0x1;
	s10 =	sld [smem:$0x3FAC];
	_ =	sdelay $0x3  }
0x34: {  	[smem:$0x3FAC] =	sst s10  }
0x35: {  	s10 =	sld [smem:$0x3FAB];
	_ =	sdelay $0x3  }
0x36: {  	p1 =	seq.s32 s10, $0x1;
	s10 =	sld [smem:$0x3FAC];
	_ =	sdelay $0x3  }
0x37: {  	[smem:$0x3FAC] =	sst s10  }
0x38: {  	s10 =	sld [smem:$0x3FAD]  }
0x39: {  	_ = 	snop;
	(pc) =	sbr.ind lr, $3  }
0x3a: {  	_ = 	snop  }
0x3b: {  	_ = 	snop  }
0x3c: {  	p2 =	seq.s32 s10, $0x1;
	s10 =	sld [smem:$0x3FAC]  }
0x3d: {  	_ =	shalt  }
0x3e: {  	_ =	shalt  }
0x3f: {  	_ =	shalt  }
0x40: {  	_ =	shalt  }
0x41: {  	_ =	shalt  }
0x42: {  	_ =	shalt  }
0x43: {  	_ =	shalt  }
0x44: {  	_ =	shalt  }
0x45: {  	_ =	shalt  }
0x46: {  	_ =	shalt  }
0x47: {  	_ =	shalt  }
0x48: {  	_ =	shalt  }
0x49: {  	_ =	shalt  }
0x4a: {  	_ =	shalt  }
0x4b: {  	_ =	shalt  }
0x4c: {  	_ =	shalt  }
0x4d: {  	_ =	shalt  }
0x4e: {  	_ =	shalt  }
0x4f: {  	_ =	shalt  }
0x50: {  	_ =	shalt  }
0x51: {  	_ =	shalt  }
0x52: {  	_ =	shalt  }
0x53: {  	_ =	shalt  }
0x54: {  	_ =	shalt  }
0x55: {  	_ =	shalt  }
0x56: {  	_ =	shalt  }
0x57: {  	_ =	shalt  }
0x58: {  	_ =	shalt  }
0x59: {  	_ =	shalt  }
0x5a: {  	_ =	shalt  }
0x5b: {  	_ =	shalt  }
0x5c: {  	_ =	shalt  }
0x5d: {  	_ =	shalt  }
0x5e: {  	_ =	shalt  }
0x5f: {  	_ =	shalt  }
0x60: {  	_ =	shalt  }
0x61: {  	_ =	shalt  }
0x62: {  	_ =	shalt  }
0x63: {  	_ =	shalt  }
0x64: {  	_ =	shalt  }
0x65: {  	_ =	shalt  }
0x66: {  	_ =	shalt  }
0x67: {  	_ =	shalt  }
0x68: {  	_ =	shalt  }
0x69: {  	_ =	shalt  }
0x6a: {  	_ =	shalt  }
0x6b: {  	_ =	shalt  }
0x6c: {  	_ =	shalt  }
0x6d: {  	_ =	shalt  }
0x6e: {  	_ =	shalt  }
0x6f: {  	_ =	shalt  }
0x70: {  	_ =	shalt  }
0x71: {  	_ =	shalt  }
0x72: {  	_ =	shalt  }
0x73: {  	_ =	shalt  }
0x74: {  	_ =	shalt  }
0x75: {  	_ =	shalt  }
0x76: {  	_ =	shalt  }
0x77: {  	_ =	shalt  }
0x78: {  	_ =	shalt  }
0x79: {  	_ =	shalt  }
0x7a: {  	_ =	shalt  }
0x7b: {  	_ =	shalt  }
0x7c: {  	_ =	shalt  }
0x7d: {  	_ =	shalt  }
0x7e: {  	_ =	shalt  }
0x7f: {  	_ =	shalt  }
0x80: {  	_ =	shalt  }
0x81: {  	_ =	shalt  }
0x82: {  	_ =	shalt  }
0x83: {  	_ =	shalt  }
0x84: {  	_ =	shalt  }
0x85: {  	_ =	shalt  }
0x86: {  	_ =	shalt  }
0x87: {  	_ =	shalt  }
.Lfunc_end0:
.L_simem_size_0:
called_computation_lowered:
.L_overlay_start_0:
0x88: {  	s2 =	sld [smem:$0x3FD9]  }
0x89: {  	s3 =	sld [smem:$0x3FFE];
	_ =	sdelay $0x1  }
0x8a: {  	s1 =	srdreg.scid  }
0x8b: {  	s0 =	sand.u32 $0x1, s1  }
0x8c: {  	s16 =	sshll.u32 s0, $0xA;
	s2 =	sadd.s32 s3, s2  }
0x8d: {  	s2 =	sadd.s32 s2, s16  }
0x8e: {  	[smem:$0x3FB8] =	sst s2  }
0x8f: {  	_ = 	snop  }
0x90: {  	(tm) =	ssettm $0x1  }
0x91: {  	s17 =	sld [smem:$0x3FFB];
	_ =	sdelay $0x3  }
0x92: {  	_ =	strace s17  }
0x93: {  	s2 =	sld [smem:$0x3FFC];
	_ =	sdelay $0x3  }
0x94: {  	_ =	strace s2  }
0x95: {  	s2 =	sld [smem:$0x3FFD];
	_ =	sdelay $0x3  }
0x96: {  	_ =	strace s2  }
0x97: {  	_ =	strace $0x8FFFFFFF  }
0x98: {  	s18 =	sld [smem:$0x3FDB];
	_ =	sdelay $0x1  }
0x99: {  	s19 =	simm.s32 $_scs_section_size  }
0x9a: {  	s4 =	simm.s32 $_size__tile_overlayer_lowered;
	s5 =	simm.s32 $_tile_overlayer_lowered  }
0x9b: {  	s22 =	simm.s32 $0x1BFF;
	s21 =	sshll.u32 s5, $0x1;
	s2 =	sadd.s32 s19, s18  }
0x9c: {  	s6 =	simm.s32 $0x0;
	s20 =	sshll.u32 s4, $0x1;
	s4 =	sadd.s32 s21, s2  }
0x9d: {  	[timem:s6], [sflag:s22] =	dma.local [hbm:s4], s20  }
0x9e: {  	_ =	swait.ge [sflag:s22], s20  }
0x9f: {  	s3 =	ssub.s32 $0x0, s20;
	[sflag:s22] =	ssyncset.done $0x0  }
0xa0: {  	[sflag:s22] =	ssyncadd.s32 s3;
	_ =	sdelay $0x1  }
0xa1: {  	s23 =	simm.s32 $0x1B8B  }
0xa2: {  	_ =	swait.ge [sflag:s23], $0x1  }
0xa3: {  	[sflag:s23] =	ssyncset.done $0x0  }
0xa4: {  	s25 =	simm.s32 $0x1B8E;
	s24 =	sld [smem:$0x3FFE];
	[sflag:s23] =	ssyncadd.s32 $0xFFFFFFFF  }
0xa5: {  	s26 =	simm.s32 $execute0_lowered;
	[smem:$0x3FD2] =	sst s25  }
0xa6: {  	s4 =	sshll.u32 s26, $0x1;
	_ =	strace $0x80000046;
	[dreg:$0x1] =	wrdreg $0xFFFFFFFF  }
0xa7: {  	s28 =	simm.s32 $_size_execute0_lowered;
	s2 =	sadd.s32 s2, s4;
	[dreg:$0x0] =	wrdreg $0x0  }
0xa8: {  	s4 =	sshll.u32 s28, $0x1;
	[dreg:$0x2] =	wrdreg s2  }
0xa9: {  	[dreg:$0x3] =	wrdreg s4  }
0xaa: {  	[dreg:$0x4] =	wrdreg $0xC0  }
0xab: {  	_ =	task [dreg:s6], $0x5FFFF  }
0xac: {  	[dreg:$0x1] =	wrdreg $0xFFFFFFFF  }
0xad: {  	[dreg:$0x0] =	wrdreg $0x60  }
0xae: {  	[dreg:$0x2] =	wrdreg s24  }
0xaf: {  	[dreg:$0x3] =	wrdreg $0xA8000  }
0xb0: {  	[dreg:$0x4] =	wrdreg $0x9  }
0xb1: {  	_ =	task.clear_ibuf [dreg:s6], $0x5FFFF;
	_ =	strace $0x90000046  }
0xb2: {  	s29 =	simm.s32 $0x9;
	_ =	strace $0x80000048  }
0xb3: {  	_ =	swait.ge [sflag:s29], $0x1  }
0xb4: {  	[sflag:s29] =	ssyncadd.s32 $0xFFFFFFFF  }
0xb5: {  	_ =	strace $0x90000048  }
0xb6: {  	_ =	sfence  }
0xb7: {  	s30 =	sld [smem:$0x0];
	_ =	sdelay $0x2  }
0xb8: {  	s31 =	sshll.u32 s1, $0xD;
	s1 =	sshrl.u32 s1, $0x2  }
0xb9: {  	s3 =	sand.u32 $0x4000, s31;
	s1 =	sadd.s32 s1, s30  }
0xba: {  	s0 =	sor.u32 s3, s0;
	s1 =	sshll.u32 s1, $0x11  }
0xbb: {  	s0 =	sor.u32 s1, s0  }
0xbc: {  	s0 =	sadd.s32 $0x8F2B, s0  }
0xbd: {  	[sflag:s0] =	ssyncadd.remote.s32 $0x1  }
0xbe: {  	_ =	sfence.sel $0xFFFF  }
0xbf: {  	[dreg:$0x0] =	wrdreg $0xFFFFFFFF;
	(pc) =	sbr.abs _section_cstart, $3  }
0xc0: {  	[dreg:$0x1] =	wrdreg $0xFFFFFFFF  }
0xc1: {  	_ =	task.clear_ibuf [dreg:s6], $0x2FFFF;
	_ =	strace $0x9FFFFFFF  }
0xc2: {  	(tm) =	ssettm $0x7FFFFFFF  }
0xc3: {  	_ =	shalt  }
tec
execute0_lowered:
.L_overlay_start_1:
0x0: {  	(tag) =	ssettag $0x1  }
0x1: {  	s0 =	rddreg [dreg:$0x0]  }
0x2: {  	s1 =	rddreg [dreg:$0x1];
	s2 =	simm.s32 $0x0  }
0x3: {  	s12 =	stileid.u32;
	s20 =	srdreg.scid;
	s30 =	simm.s32 $0x2800  }
0x4: {  	s31 =	simm.s32 $0x2;
	[smem:$0x7FF] =	sst s2;
	s4 =	sadd.s32 $0x2AA00, s0  }
0x5: {  	s3 =	sadd.s32 $0x2A00, s0;
	s5 =	sadd.s32 $0x16A00, s0;
	s6 =	sadd.s32 $0xC6E00, s0  }
0x6: {  	s7 =	smul.u32 $0x4F000, s12;
	s0 =	sadd.s32 $0xC7200, s0;
	s8 =	sand.u32 $0x1, s20  }
0x7: {  	s21 =	sshll.u32 s12, $0x1;
	p0 =	sne.s32 s12, $0xF;
	_ =	strace $0x80000047  }
0x8: {  	s9 =	ssub.s32 $0x2, s8;
	s10 =	sor.u32 s8, s21;
	s8 =	smul.u32 $0x138800, s8  }
0x9: {  	[dreg:$0x3] =	wrdreg s6;
	s21 =	smul.u32 $0x13800, s12;
	s22 =	sshrl.u32 s7, $0x2  }
0xa: {  	s23 =	sshrl.u32 s9, $0x1;
	s10 =	smul.u32 $0x5000, s10;
	s6 =	sadd.s32 s22, s1  }
0xb: {  	s7 =	ssub.s32 s9, s23;
	s23 =	smul.u32 $0x4E000, s12;
	s24 =	sadd.s32 $0x2000, s6  }
0xc: {  	s12 =	simm.s32 $0x1;
	s25 =	sadd.s32 $0x4000, s6;
	[dreg:$0x4] =	wrdreg s24  }
0xd: {  	s26 =	sadd.s32 $0x6000, s6;
	s11 =	sadd.s32 $0x8000, s6;
	[dreg:$0x5] =	wrdreg s25  }
0xe: {  	s13 =	sshrl.u32 s10, $0x3;
	s14 =	sadd.s32 $0xA000, s6;
	[dreg:$0x6] =	wrdreg s26  }
0xf: {  	s28 =	sadd.s32 $0x10000, s6;
	s29 =	sadd.s32 $0x12000, s6;
	[dreg:$0x7] =	wrdreg s11  }
0x10: {  	[dreg:$0x8] =	wrdreg s14;
	s15 =	sadd.s32 s3, s13;
	s16 =	sadd.s32 $0x280, s13  }
0x11: {  	s11 =	sadd.s32 s5, s13;
	s18 =	sadd.s32 $0x500, s13;
	s9 =	sadd.s32 $0x780, s13  }
0x12: {  	s24 =	sadd.s32 $0xC000, s6;
	s25 =	sadd.s32 s21, s8;
	[dreg:$0x9] =	wrdreg s15  }
0x13: {  	s8 =	sshrl.u32 s8, $0x3;
	s13 =	simm.s32 $0x2600;
	[dreg:$0xa] =	wrdreg s11  }
0x14: {  	s14 =	simm.s32 $0x2680;
	s17 =	sadd.s32 s3, s16;
	[dreg:$0x11] =	wrdreg s24  }
0x15: {  	s10 =	sadd.s32 s5, s16;
	s19 =	sadd.s32 s3, s18;
	[dreg:$0xb] =	wrdreg s17  }
0x16: {  	s20 =	sadd.s32 s5, s18;
	s3 =	sadd.s32 s3, s9;
	[dreg:$0xc] =	wrdreg s10  }
0x17: {  	s22 =	sadd.s32 s5, s9;
	s5 =	sshrl.u32 s25, $0x3;
	[dreg:$0xd] =	wrdreg s19  }
0x18: {  	s8 =	sadd.s32 s0, s8;
	s9 =	simm.s32 $0x6800;
	[dreg:$0xe] =	wrdreg s20  }
0x19: {  	s11 =	simm.s32 $0x8800;
	s15 =	simm.s32 $0x2700;
	[dreg:$0xf] =	wrdreg s3  }
0x1a: {  	s16 =	simm.s32 $0x2780;
	[dreg:$0x10] =	wrdreg s22;
	s3 =	sshrl.u32 s23, $0x2  }
0x1b: {  	s21 =	sadd.s32 s0, s5;
	s22 =	sadd.s32 $0x27000, s8;
	s23 =	smax.u32 s7, $0x1  }
0x1c: {  	s0 =	simm.s32 $0x1400;
	s5 =	simm.s32 $0x80;
	s7 =	simm.s32 $0x4800  }
0x1d: {  	s8 =	simm.s32 $0x100;
	s10 =	simm.s32 $0x180;
	s26 =	sadd.s32 s3, s1  }
0x1e: {  	s17 =	simm.s32 $0x0;
	s3 =	sadd.s32 $0x138000, s1;
	s24 =	sshrl.u32 s26, $0x3  }
0x1f: {  	s25 =	sshrl.u32 @!p0 s3, $0x3;
	s26 =	sadd.s32 $0xE000, s6;
	s3 =	simm.s32 $0x40  }
.LBB2_1:
0x20: {  	s18 =	rddreg [dreg:$0x3]  }
0x21: {  	[tilespmem:s30], [sflag:$0x2] =	stream.linear.gather [hbm4b:s18+s2], $0x2000, $0x38;
	[tilespmem:$0x1E400] =	vst v63  }
0x22: {  	_ =	swait.ge [sflag:s31], $0x2000  }
0x23: {  	[sflag:s31] =	ssyncset.done $0x0  }
0x24: {  	[sflag:s31] =	ssyncadd.s32 $0xFFFFE000  }
0x25: {  	[spmem:s6] =	stream.linear.scatter [tilespmem:s30], [sflag:$0x2], $0x2000, $0x38;
	[tilespmem:$0x1E400] =	vst v63  }
0x26: {  	_ =	swait.ge [sflag:s31], $0x2000  }
0x27: {  	[sflag:s31] =	ssyncset.done $0x0  }
0x28: {  	s20 =	rddreg [dreg:$0x4];
	[sflag:s31] =	ssyncadd.s32 $0xFFFFE000  }
0x29: {  	[spmem:s20] =	stream.linear.scatter [tilespmem:s30], [sflag:$0x2], $0x2000, $0x38;
	[tilespmem:$0x1E400] =	vst v63  }
0x2a: {  	_ =	swait.ge [sflag:s31], $0x2000  }
0x2b: {  	[sflag:s31] =	ssyncset.done $0x0  }
0x2c: {  	s19 =	rddreg [dreg:$0x5];
	[sflag:s31] =	ssyncadd.s32 $0xFFFFE000  }
0x2d: {  	[spmem:s19] =	stream.linear.scatter [tilespmem:s30], [sflag:$0x2], $0x2000, $0x38;
	[tilespmem:$0x1E400] =	vst v63  }
0x2e: {  	_ =	swait.ge [sflag:s31], $0x2000  }
0x2f: {  	[sflag:s31] =	ssyncset.done $0x0  }
0x30: {  	s20 =	rddreg [dreg:$0x6];
	[sflag:s31] =	ssyncadd.s32 $0xFFFFE000  }
0x31: {  	[spmem:s20] =	stream.linear.scatter [tilespmem:s30], [sflag:$0x2], $0x2000, $0x38;
	[tilespmem:$0x1E400] =	vst v63  }
0x32: {  	_ =	swait.ge [sflag:s31], $0x2000  }
0x33: {  	[sflag:s31] =	ssyncset.done $0x0  }
0x34: {  	s19 =	rddreg [dreg:$0x7];
	[sflag:s31] =	ssyncadd.s32 $0xFFFFE000  }
0x35: {  	[spmem:s19] =	stream.linear.scatter [tilespmem:s30], [sflag:$0x2], $0x2000, $0x38;
	[tilespmem:$0x1E400] =	vst v63  }
0x36: {  	_ =	swait.ge [sflag:s31], $0x2000  }
0x37: {  	[sflag:s31] =	ssyncset.done $0x0  }
0x38: {  	s20 =	rddreg [dreg:$0x8];
	[sflag:s31] =	ssyncadd.s32 $0xFFFFE000  }
0x39: {  	[spmem:s20] =	stream.linear.scatter [tilespmem:s30], [sflag:$0x2], $0x2000, $0x38;
	[tilespmem:$0x1E400] =	vst v63  }
0x3a: {  	_ =	swait.ge [sflag:s31], $0x2000  }
0x3b: {  	[sflag:s31] =	ssyncset.done $0x0  }
0x3c: {  	s19 =	rddreg [dreg:$0x11];
	[sflag:s31] =	ssyncadd.s32 $0xFFFFE000  }
0x3d: {  	[spmem:s19] =	stream.linear.scatter [tilespmem:s30], [sflag:$0x2], $0x2000, $0x38;
	[tilespmem:$0x1E400] =	vst v63  }
0x3e: {  	_ =	swait.ge [sflag:s31], $0x2000  }
0x3f: {  	[sflag:s31] =	ssyncset.done $0x0  }
0x40: {  	[sflag:s31] =	ssyncadd.s32 $0xFFFFE000  }
0x41: {  	[spmem:s26] =	stream.linear.scatter [tilespmem:s30], [sflag:$0x2], $0x2000, $0x38;
	[tilespmem:$0x1E400] =	vst v63  }
0x42: {  	_ =	swait.ge [sflag:s31], $0x2000  }
0x43: {  	[sflag:s31] =	ssyncset.done $0x0  }
0x44: {  	[sflag:s31] =	ssyncadd.s32 $0xFFFFE000  }
0x45: {  	[spmem:s28] =	stream.linear.scatter [tilespmem:s30], [sflag:$0x2], $0x2000, $0x38;
	[tilespmem:$0x1E400] =	vst v63  }
0x46: {  	_ =	swait.ge [sflag:s31], $0x2000  }
0x47: {  	[sflag:s31] =	ssyncset.done $0x0  }
0x48: {  	[sflag:s31] =	ssyncadd.s32 $0xFFFFE000  }
0x49: {  	[spmem:s29] =	stream.linear.scatter [tilespmem:s30], [sflag:$0x2], $0x1C00, $0x38;
	[tilespmem:$0x1E400] =	vst v63  }
0x4a: {  	_ =	swait.ge [sflag:s31], $0x1C00  }
0x4b: {  	[sflag:s31] =	ssyncset.done $0x0  }
0x4c: {  	[sflag:s31] =	ssyncadd.s32 $0xFFFFE400  }
0x4d: {  	[bflag:$0x0] =	sbarrier.arrive $0xFFFF  }
0x4e: {  	s20 =	rddreg [dreg:$0x9]  }
0x4f: {  	[tilespmem:s2], [sflag:$0x2] =	stream.linear.gather [hbm4b:s20+s2], $0x1400, $0x38;
	[tilespmem:$0x1E400] =	vst v63  }
0x50: {  	_ =	swait.ge [sflag:s31], $0x1400  }
0x51: {  	[sflag:s31] =	ssyncset.done $0x0  }
0x52: {  	s19 =	rddreg [dreg:$0xa];
	[sflag:s31] =	ssyncadd.s32 $0xFFFFEC00  }
0x53: {  	[tilespmem:s0], [sflag:$0x2] =	stream.linear.gather [hbm4b:s19+s2], $0x1400, $0x38;
	[tilespmem:$0x1E400] =	vst v63  }
0x54: {  	_ =	swait.ge [sflag:s31], $0x1400  }
0x55: {  	[sflag:s31] =	ssyncset.done $0x0  }
0x56: {  	[sflag:s31] =	ssyncadd.s32 $0xFFFFEC00  }
0x57: {  	[tilespmem:s30], [sflag:$0x1] =	stream.indirect.gather [hbm4b:s4+s3], $0x80, s2, s3, $0xb8;
	[tilespmem:$0x1E400] =	vst v63  }
0x58: {  	_ = 	snop  }
0x59: {  	[tilespmem:s7], [sflag:$0x1] =	stream.indirect.gather [hbm4b:s4+s3], $0x80, s5, s3, $0xb8;
	[tilespmem:$0x1E400] =	vst v63  }
0x5a: {  	_ = 	snop  }
0x5b: {  	[tilespmem:s9], [sflag:$0x1] =	stream.indirect.gather [hbm4b:s4+s3], $0x80, s8, s3, $0xb8;
	[tilespmem:$0x1E400] =	vst v63  }
0x5c: {  	_ = 	snop  }
0x5d: {  	[tilespmem:s11], [sflag:$0x1] =	stream.indirect.gather [hbm4b:s4+s3], $0x80, s10, s3, $0xb8;
	[tilespmem:$0x1E400] =	vst v63  }
0x5e: {  	_ =	swait.ge [sflag:s12], $0x2000  }
0x5f: {  	[sflag:s12] =	ssyncset.done $0x0  }
0x60: {  	s20 =	simm.s32 $0x1400;
	[sflag:s12] =	ssyncadd.s32 $0xFFFFE000  }
0x61: {  	[spmem:s1] =	stream.indirect.scatter.add.f32 [tilespmem:s30], [sflag:$0x2], $0x80, s20, s3, $0xb8;
	[tilespmem:$0x1E400] =	vst v63  }
0x62: {  	_ =	swait.ge [sflag:s31], $0x2000  }
0x63: {  	[sflag:s31] =	ssyncset.done $0x0  }
0x64: {  	s19 =	simm.s32 $0x200;
	[sflag:s31] =	ssyncadd.s32 $0xFFFFE000  }
0x65: {  	[tilespmem:s30], [sflag:$0x1] =	stream.indirect.gather [hbm4b:s4+s3], $0x80, s19, s3, $0xb8;
	[tilespmem:$0x1E400] =	vst v63  }
0x66: {  	_ =	swait.ge [sflag:s12], $0x2000  }
0x67: {  	[sflag:s12] =	ssyncset.done $0x0  }
0x68: {  	s20 =	simm.s32 $0x1480;
	[sflag:s12] =	ssyncadd.s32 $0xFFFFE000  }
0x69: {  	[spmem:s1] =	stream.indirect.scatter.add.f32 [tilespmem:s7], [sflag:$0x2], $0x80, s20, s3, $0xb8;
	[tilespmem:$0x1E400] =	vst v63  }
0x6a: {  	_ =	swait.ge [sflag:s31], $0x2000  }
0x6b: {  	[sflag:s31] =	ssyncset.done $0x0  }
0x6c: {  	s19 =	simm.s32 $0x280;
	[sflag:s31] =	ssyncadd.s32 $0xFFFFE000  }
0x6d: {  	[tilespmem:s7], [sflag:$0x1] =	stream.indirect.gather [hbm4b:s4+s3], $0x80, s19, s3, $0xb8;
	[tilespmem:$0x1E400] =	vst v63  }
0x6e: {  	_ =	swait.ge [sflag:s12], $0x2000  }
0x6f: {  	[sflag:s12] =	ssyncset.done $0x0  }
0x70: {  	s20 =	simm.s32 $0x1500;
	[sflag:s12] =	ssyncadd.s32 $0xFFFFE000  }
0x71: {  	[spmem:s1] =	stream.indirect.scatter.add.f32 [tilespmem:s9], [sflag:$0x2], $0x80, s20, s3, $0xb8;
	[tilespmem:$0x1E400] =	vst v63  }
0x72: {  	_ =	swait.ge [sflag:s31], $0x2000  }
0x73: {  	[sflag:s31] =	ssyncset.done $0x0  }
0x74: {  	s19 =	simm.s32 $0x300;
	[sflag:s31] =	ssyncadd.s32 $0xFFFFE000  }
0x75: {  	[tilespmem:s9], [sflag:$0x1] =	stream.indirect.gather [hbm4b:s4+s3], $0x80, s19, s3, $0xb8;
	[tilespmem:$0x1E400] =	vst v63  }
0x76: {  	_ =	swait.ge [sflag:s12], $0x2000  }
0x77: {  	[sflag:s12] =	ssyncset.done $0x0  }
0x78: {  	s20 =	simm.s32 $0x1580;
	[sflag:s12] =	ssyncadd.s32 $0xFFFFE000  }
0x79: {  	[spmem:s1] =	stream.indirect.scatter.add.f32 [tilespmem:s11], [sflag:$0x2], $0x80, s20, s3, $0xb8;
	[tilespmem:$0x1E400] =	vst v63  }
0x7a: {  	_ =	swait.ge [sflag:s31], $0x2000  }
0x7b: {  	[sflag:s31] =	ssyncset.done $0x0  }
0x7c: {  	s18 =	simm.s32 $0x800;
	s19 =	simm.s32 $0x380;
	[sflag:s31] =	ssyncadd.s32 $0xFFFFE000  }
.LBB2_2:
0x7d: {  	[tilespmem:s11], [sflag:$0x1] =	stream.indirect.gather [hbm4b:s4+s3], $0x80, s19, s3, $0xb8;
	[tilespmem:$0x1E400] =	vst v63  }
0x7e: {  	s19 =	smov.u32 s18  }
0x7f: {  	p1 =	sne.s32 s18, $0x4000;
	s18 =	sadd.s32 $0x800, s18;
	_ =	swait.ge [sflag:s12], $0x2000  }
0x80: {  	s19 =	sshra.s32 s19, $0x2;
	[sflag:s12] =	ssyncset.done $0x0  }
0x81: {  	s20 =	sadd.s32 $0x1400, s19;
	[sflag:s12] =	ssyncadd.s32 $0xFFFFE000  }
0x82: {  	[spmem:s1] =	stream.indirect.scatter.add.f32 [tilespmem:s30], [sflag:$0x2], $0x80, s20, s3, $0xb8;
	[tilespmem:$0x1E400] =	vst v63  }
0x83: {  	_ =	swait.ge [sflag:s31], $0x2000  }
0x84: {  	[sflag:s31] =	ssyncset.done $0x0  }
0x85: {  	s20 =	sadd.s32 $0x200, s19;
	[sflag:s31] =	ssyncadd.s32 $0xFFFFE000  }
0x86: {  	[tilespmem:s30], [sflag:$0x1] =	stream.indirect.gather [hbm4b:s4+s3], $0x80, s20, s3, $0xb8;
	[tilespmem:$0x1E400] =	vst v63  }
0x87: {  	_ =	swait.ge [sflag:s12], $0x2000  }
0x88: {  	[sflag:s12] =	ssyncset.done $0x0  }
0x89: {  	s20 =	sadd.s32 $0x1480, s19;
	[sflag:s12] =	ssyncadd.s32 $0xFFFFE000  }
0x8a: {  	[spmem:s1] =	stream.indirect.scatter.add.f32 [tilespmem:s7], [sflag:$0x2], $0x80, s20, s3, $0xb8;
	[tilespmem:$0x1E400] =	vst v63  }
0x8b: {  	_ =	swait.ge [sflag:s31], $0x2000  }
0x8c: {  	[sflag:s31] =	ssyncset.done $0x0  }
0x8d: {  	s20 =	sadd.s32 $0x280, s19;
	[sflag:s31] =	ssyncadd.s32 $0xFFFFE000  }
0x8e: {  	[tilespmem:s7], [sflag:$0x1] =	stream.indirect.gather [hbm4b:s4+s3], $0x80, s20, s3, $0xb8;
	[tilespmem:$0x1E400] =	vst v63  }
0x8f: {  	_ =	swait.ge [sflag:s12], $0x2000  }
0x90: {  	[sflag:s12] =	ssyncset.done $0x0  }
0x91: {  	s20 =	sadd.s32 $0x1500, s19;
	[sflag:s12] =	ssyncadd.s32 $0xFFFFE000  }
0x92: {  	[spmem:s1] =	stream.indirect.scatter.add.f32 [tilespmem:s9], [sflag:$0x2], $0x80, s20, s3, $0xb8;
	[tilespmem:$0x1E400] =	vst v63  }
0x93: {  	_ =	swait.ge [sflag:s31], $0x2000  }
0x94: {  	[sflag:s31] =	ssyncset.done $0x0  }
0x95: {  	s20 =	sadd.s32 $0x300, s19;
	[sflag:s31] =	ssyncadd.s32 $0xFFFFE000  }
0x96: {  	[tilespmem:s9], [sflag:$0x1] =	stream.indirect.gather [hbm4b:s4+s3], $0x80, s20, s3, $0xb8;
	[tilespmem:$0x1E400] =	vst v63  }
0x97: {  	_ =	swait.ge [sflag:s12], $0x2000  }
0x98: {  	[sflag:s12] =	ssyncset.done $0x0  }
.Ltmp0:
0x99: {  	s20 =	sadd.s32 $0x1580, s19;
	[sflag:s12] =	ssyncadd.s32 $0xFFFFE000;
	(pc) =	sbr.rel @p1 .LBB2_2-.Ltmp0, $4  }
0x9a: {  	[spmem:s1] =	stream.indirect.scatter.add.f32 [tilespmem:s11], [sflag:$0x2], $0x80, s20, s3, $0xb8;
	[tilespmem:$0x1E400] =	vst v63  }
0x9b: {  	_ =	swait.ge [sflag:s31], $0x2000  }
0x9c: {  	[sflag:s31] =	ssyncset.done $0x0  }
0x9d: {  	s19 =	sadd.s32 $0x380, s19;
	[sflag:s31] =	ssyncadd.s32 $0xFFFFE000  }
0x9e: {  	[tilespmem:s11], [sflag:$0x1] =	stream.indirect.gather [hbm4b:s4+s3], $0x80, s19, s3, $0xb8;
	[tilespmem:$0x1E400] =	vst v63  }
0x9f: {  	_ =	swait.ge [sflag:s12], $0x2000  }
0xa0: {  	[sflag:s12] =	ssyncset.done $0x0  }
0xa1: {  	[sflag:s12] =	ssyncadd.s32 $0xFFFFE000  }
0xa2: {  	[spmem:s1] =	stream.indirect.scatter.add.f32 [tilespmem:s30], [sflag:$0x2], $0x80, s13, s3, $0xb8;
	[tilespmem:$0x1E400] =	vst v63  }
0xa3: {  	_ =	swait.ge [sflag:s31], $0x2000  }
0xa4: {  	[sflag:s31] =	ssyncset.done $0x0  }
0xa5: {  	[sflag:s31] =	ssyncadd.s32 $0xFFFFE000  }
0xa6: {  	_ =	swait.ge [sflag:s12], $0x2000  }
0xa7: {  	[sflag:s12] =	ssyncset.done $0x0  }
0xa8: {  	[sflag:s12] =	ssyncadd.s32 $0xFFFFE000  }
0xa9: {  	[spmem:s1] =	stream.indirect.scatter.add.f32 [tilespmem:s7], [sflag:$0x2], $0x80, s14, s3, $0xb8;
	[tilespmem:$0x1E400] =	vst v63  }
0xaa: {  	_ =	swait.ge [sflag:s31], $0x2000  }
0xab: {  	[sflag:s31] =	ssyncset.done $0x0  }
0xac: {  	[sflag:s31] =	ssyncadd.s32 $0xFFFFE000  }
0xad: {  	_ =	swait.ge [sflag:s12], $0x2000  }
0xae: {  	[sflag:s12] =	ssyncset.done $0x0  }
0xaf: {  	[sflag:s12] =	ssyncadd.s32 $0xFFFFE000  }
0xb0: {  	[spmem:s1] =	stream.indirect.scatter.add.f32 [tilespmem:s9], [sflag:$0x2], $0x80, s15, s3, $0xb8;
	[tilespmem:$0x1E400] =	vst v63  }
0xb1: {  	_ =	swait.ge [sflag:s31], $0x2000  }
0xb2: {  	[sflag:s31] =	ssyncset.done $0x0  }
0xb3: {  	[sflag:s31] =	ssyncadd.s32 $0xFFFFE000  }
0xb4: {  	_ =	swait.ge [sflag:s12], $0x2000  }
0xb5: {  	[sflag:s12] =	ssyncset.done $0x0  }
0xb6: {  	[sflag:s12] =	ssyncadd.s32 $0xFFFFE000  }
0xb7: {  	[spmem:s1] =	stream.indirect.scatter.add.f32 [tilespmem:s11], [sflag:$0x2], $0x80, s16, s3, $0xb8;
	[tilespmem:$0x1E400] =	vst v63  }
0xb8: {  	_ =	swait.ge [sflag:s31], $0x2000  }
0xb9: {  	[sflag:s31] =	ssyncset.done $0x0  }
0xba: {  	s18 =	simm.s32 $0x0;
	s20 =	rddreg [dreg:$0xb];
	[sflag:s31] =	ssyncadd.s32 $0xFFFFE000  }
0xbb: {  	[tilespmem:s18], [sflag:$0x2] =	stream.linear.gather [hbm4b:s20+s18], $0x1400, $0x38;
	[tilespmem:$0x1E400] =	vst v63  }
0xbc: {  	_ =	swait.ge [sflag:s31], $0x1400  }
0xbd: {  	[sflag:s31] =	ssyncset.done $0x0  }
0xbe: {  	s20 =	rddreg [dreg:$0xc];
	[sflag:s31] =	ssyncadd.s32 $0xFFFFEC00  }
0xbf: {  	[tilespmem:s0], [sflag:$0x2] =	stream.linear.gather [hbm4b:s20+s18], $0x1400, $0x38;
	[tilespmem:$0x1E400] =	vst v63  }
0xc0: {  	_ =	swait.ge [sflag:s31], $0x1400  }
0xc1: {  	[sflag:s31] =	ssyncset.done $0x0  }
0xc2: {  	[sflag:s31] =	ssyncadd.s32 $0xFFFFEC00  }
0xc3: {  	[tilespmem:s30], [sflag:$0x1] =	stream.indirect.gather [hbm4b:s4+s3], $0x80, s18, s3, $0xb8;
	[tilespmem:$0x1E400] =	vst v63  }
0xc4: {  	_ = 	snop  }
0xc5: {  	[tilespmem:s7], [sflag:$0x1] =	stream.indirect.gather [hbm4b:s4+s3], $0x80, s5, s3, $0xb8;
	[tilespmem:$0x1E400] =	vst v63  }
0xc6: {  	_ = 	snop  }
0xc7: {  	[tilespmem:s9], [sflag:$0x1] =	stream.indirect.gather [hbm4b:s4+s3], $0x80, s8, s3, $0xb8;
	[tilespmem:$0x1E400] =	vst v63  }
0xc8: {  	_ = 	snop  }
0xc9: {  	[tilespmem:s11], [sflag:$0x1] =	stream.indirect.gather [hbm4b:s4+s3], $0x80, s10, s3, $0xb8;
	[tilespmem:$0x1E400] =	vst v63  }
0xca: {  	_ =	swait.ge [sflag:s12], $0x2000  }
0xcb: {  	[sflag:s12] =	ssyncset.done $0x0  }
0xcc: {  	s20 =	simm.s32 $0x1400;
	[sflag:s12] =	ssyncadd.s32 $0xFFFFE000  }
0xcd: {  	[spmem:s1] =	stream.indirect.scatter.add.f32 [tilespmem:s30], [sflag:$0x2], $0x80, s20, s3, $0xb8;
	[tilespmem:$0x1E400] =	vst v63  }
0xce: {  	_ =	swait.ge [sflag:s31], $0x2000  }
0xcf: {  	[sflag:s31] =	ssyncset.done $0x0  }
0xd0: {  	s19 =	simm.s32 $0x200;
	[sflag:s31] =	ssyncadd.s32 $0xFFFFE000  }
0xd1: {  	[tilespmem:s30], [sflag:$0x1] =	stream.indirect.gather [hbm4b:s4+s3], $0x80, s19, s3, $0xb8;
	[tilespmem:$0x1E400] =	vst v63  }
0xd2: {  	_ =	swait.ge [sflag:s12], $0x2000  }
0xd3: {  	[sflag:s12] =	ssyncset.done $0x0  }
0xd4: {  	s20 =	simm.s32 $0x1480;
	[sflag:s12] =	ssyncadd.s32 $0xFFFFE000  }
0xd5: {  	[spmem:s1] =	stream.indirect.scatter.add.f32 [tilespmem:s7], [sflag:$0x2], $0x80, s20, s3, $0xb8;
	[tilespmem:$0x1E400] =	vst v63  }
0xd6: {  	_ =	swait.ge [sflag:s31], $0x2000  }
0xd7: {  	[sflag:s31] =	ssyncset.done $0x0  }
0xd8: {  	s19 =	simm.s32 $0x280;
	[sflag:s31] =	ssyncadd.s32 $0xFFFFE000  }
0xd9: {  	[tilespmem:s7], [sflag:$0x1] =	stream.indirect.gather [hbm4b:s4+s3], $0x80, s19, s3, $0xb8;
	[tilespmem:$0x1E400] =	vst v63  }
0xda: {  	_ =	swait.ge [sflag:s12], $0x2000  }
0xdb: {  	[sflag:s12] =	ssyncset.done $0x0  }
0xdc: {  	s20 =	simm.s32 $0x1500;
	[sflag:s12] =	ssyncadd.s32 $0xFFFFE000  }
0xdd: {  	[spmem:s1] =	stream.indirect.scatter.add.f32 [tilespmem:s9], [sflag:$0x2], $0x80, s20, s3, $0xb8;
	[tilespmem:$0x1E400] =	vst v63  }
0xde: {  	_ =	swait.ge [sflag:s31], $0x2000  }
0xdf: {  	[sflag:s31] =	ssyncset.done $0x0  }
0xe0: {  	s19 =	simm.s32 $0x300;
	[sflag:s31] =	ssyncadd.s32 $0xFFFFE000  }
0xe1: {  	[tilespmem:s9], [sflag:$0x1] =	stream.indirect.gather [hbm4b:s4+s3], $0x80, s19, s3, $0xb8;
	[tilespmem:$0x1E400] =	vst v63  }
0xe2: {  	_ =	swait.ge [sflag:s12], $0x2000  }
0xe3: {  	[sflag:s12] =	ssyncset.done $0x0  }
0xe4: {  	s20 =	simm.s32 $0x1580;
	[sflag:s12] =	ssyncadd.s32 $0xFFFFE000  }
0xe5: {  	[spmem:s1] =	stream.indirect.scatter.add.f32 [tilespmem:s11], [sflag:$0x2], $0x80, s20, s3, $0xb8;
	[tilespmem:$0x1E400] =	vst v63  }
0xe6: {  	_ =	swait.ge [sflag:s31], $0x2000  }
0xe7: {  	[sflag:s31] =	ssyncset.done $0x0  }
0xe8: {  	s18 =	simm.s32 $0x800;
	s19 =	simm.s32 $0x380;
	[sflag:s31] =	ssyncadd.s32 $0xFFFFE000  }
.LBB2_4:
0xe9: {  	[tilespmem:s11], [sflag:$0x1] =	stream.indirect.gather [hbm4b:s4+s3], $0x80, s19, s3, $0xb8;
	[tilespmem:$0x1E400] =	vst v63  }
0xea: {  	s19 =	smov.u32 s18  }
0xeb: {  	p1 =	sne.s32 s18, $0x4000;
	s18 =	sadd.s32 $0x800, s18;
	_ =	swait.ge [sflag:s12], $0x2000  }
0xec: {  	s19 =	sshra.s32 s19, $0x2;
	[sflag:s12] =	ssyncset.done $0x0  }
0xed: {  	s20 =	sadd.s32 $0x1400, s19;
	[sflag:s12] =	ssyncadd.s32 $0xFFFFE000  }
0xee: {  	[spmem:s1] =	stream.indirect.scatter.add.f32 [tilespmem:s30], [sflag:$0x2], $0x80, s20, s3, $0xb8;
	[tilespmem:$0x1E400] =	vst v63  }
0xef: {  	_ =	swait.ge [sflag:s31], $0x2000  }
0xf0: {  	[sflag:s31] =	ssyncset.done $0x0  }
0xf1: {  	s20 =	sadd.s32 $0x200, s19;
	[sflag:s31] =	ssyncadd.s32 $0xFFFFE000  }
0xf2: {  	[tilespmem:s30], [sflag:$0x1] =	stream.indirect.gather [hbm4b:s4+s3], $0x80, s20, s3, $0xb8;
	[tilespmem:$0x1E400] =	vst v63  }
0xf3: {  	_ =	swait.ge [sflag:s12], $0x2000  }
0xf4: {  	[sflag:s12] =	ssyncset.done $0x0  }
0xf5: {  	s20 =	sadd.s32 $0x1480, s19;
	[sflag:s12] =	ssyncadd.s32 $0xFFFFE000  }
0xf6: {  	[spmem:s1] =	stream.indirect.scatter.add.f32 [tilespmem:s7], [sflag:$0x2], $0x80, s20, s3, $0xb8;
	[tilespmem:$0x1E400] =	vst v63  }
0xf7: {  	_ =	swait.ge [sflag:s31], $0x2000  }
0xf8: {  	[sflag:s31] =	ssyncset.done $0x0  }
0xf9: {  	s20 =	sadd.s32 $0x280, s19;
	[sflag:s31] =	ssyncadd.s32 $0xFFFFE000  }
0xfa: {  	[tilespmem:s7], [sflag:$0x1] =	stream.indirect.gather [hbm4b:s4+s3], $0x80, s20, s3, $0xb8;
	[tilespmem:$0x1E400] =	vst v63  }
0xfb: {  	_ =	swait.ge [sflag:s12], $0x2000  }
0xfc: {  	[sflag:s12] =	ssyncset.done $0x0  }
0xfd: {  	s20 =	sadd.s32 $0x1500, s19;
	[sflag:s12] =	ssyncadd.s32 $0xFFFFE000  }
0xfe: {  	[spmem:s1] =	stream.indirect.scatter.add.f32 [tilespmem:s9], [sflag:$0x2], $0x80, s20, s3, $0xb8;
	[tilespmem:$0x1E400] =	vst v63  }
0xff: {  	_ =	swait.ge [sflag:s31], $0x2000  }
0x100: {  	[sflag:s31] =	ssyncset.done $0x0  }
0x101: {  	s20 =	sadd.s32 $0x300, s19;
	[sflag:s31] =	ssyncadd.s32 $0xFFFFE000  }
0x102: {  	[tilespmem:s9], [sflag:$0x1] =	stream.indirect.gather [hbm4b:s4+s3], $0x80, s20, s3, $0xb8;
	[tilespmem:$0x1E400] =	vst v63  }
0x103: {  	_ =	swait.ge [sflag:s12], $0x2000  }
0x104: {  	[sflag:s12] =	ssyncset.done $0x0  }
.Ltmp1:
0x105: {  	s20 =	sadd.s32 $0x1580, s19;
	[sflag:s12] =	ssyncadd.s32 $0xFFFFE000;
	(pc) =	sbr.rel @p1 .LBB2_4-.Ltmp1, $4  }
0x106: {  	[spmem:s1] =	stream.indirect.scatter.add.f32 [tilespmem:s11], [sflag:$0x2], $0x80, s20, s3, $0xb8;
	[tilespmem:$0x1E400] =	vst v63  }
0x107: {  	_ =	swait.ge [sflag:s31], $0x2000  }
0x108: {  	[sflag:s31] =	ssyncset.done $0x0  }
0x109: {  	s19 =	sadd.s32 $0x380, s19;
	[sflag:s31] =	ssyncadd.s32 $0xFFFFE000  }
0x10a: {  	[tilespmem:s11], [sflag:$0x1] =	stream.indirect.gather [hbm4b:s4+s3], $0x80, s19, s3, $0xb8;
	[tilespmem:$0x1E400] =	vst v63  }
0x10b: {  	_ =	swait.ge [sflag:s12], $0x2000  }
0x10c: {  	[sflag:s12] =	ssyncset.done $0x0  }
0x10d: {  	[sflag:s12] =	ssyncadd.s32 $0xFFFFE000  }
0x10e: {  	[spmem:s1] =	stream.indirect.scatter.add.f32 [tilespmem:s30], [sflag:$0x2], $0x80, s13, s3, $0xb8;
	[tilespmem:$0x1E400] =	vst v63  }
0x10f: {  	_ =	swait.ge [sflag:s31], $0x2000  }
0x110: {  	[sflag:s31] =	ssyncset.done $0x0  }
0x111: {  	[sflag:s31] =	ssyncadd.s32 $0xFFFFE000  }
0x112: {  	_ =	swait.ge [sflag:s12], $0x2000  }
0x113: {  	[sflag:s12] =	ssyncset.done $0x0  }
0x114: {  	[sflag:s12] =	ssyncadd.s32 $0xFFFFE000  }
0x115: {  	[spmem:s1] =	stream.indirect.scatter.add.f32 [tilespmem:s7], [sflag:$0x2], $0x80, s14, s3, $0xb8;
	[tilespmem:$0x1E400] =	vst v63  }
0x116: {  	_ =	swait.ge [sflag:s31], $0x2000  }
0x117: {  	[sflag:s31] =	ssyncset.done $0x0  }
0x118: {  	[sflag:s31] =	ssyncadd.s32 $0xFFFFE000  }
0x119: {  	_ =	swait.ge [sflag:s12], $0x2000  }
0x11a: {  	[sflag:s12] =	ssyncset.done $0x0  }
0x11b: {  	[sflag:s12] =	ssyncadd.s32 $0xFFFFE000  }
0x11c: {  	[spmem:s1] =	stream.indirect.scatter.add.f32 [tilespmem:s9], [sflag:$0x2], $0x80, s15, s3, $0xb8;
	[tilespmem:$0x1E400] =	vst v63  }
0x11d: {  	_ =	swait.ge [sflag:s31], $0x2000  }
0x11e: {  	[sflag:s31] =	ssyncset.done $0x0  }
0x11f: {  	[sflag:s31] =	ssyncadd.s32 $0xFFFFE000  }
0x120: {  	_ =	swait.ge [sflag:s12], $0x2000  }
0x121: {  	[sflag:s12] =	ssyncset.done $0x0  }
0x122: {  	[sflag:s12] =	ssyncadd.s32 $0xFFFFE000  }
0x123: {  	[spmem:s1] =	stream.indirect.scatter.add.f32 [tilespmem:s11], [sflag:$0x2], $0x80, s16, s3, $0xb8;
	[tilespmem:$0x1E400] =	vst v63  }
0x124: {  	_ =	swait.ge [sflag:s31], $0x2000  }
0x125: {  	[sflag:s31] =	ssyncset.done $0x0  }
0x126: {  	s18 =	simm.s32 $0x0;
	s20 =	rddreg [dreg:$0xd];
	[sflag:s31] =	ssyncadd.s32 $0xFFFFE000  }
0x127: {  	[tilespmem:s18], [sflag:$0x2] =	stream.linear.gather [hbm4b:s20+s18], $0x1400, $0x38;
	[tilespmem:$0x1E400] =	vst v63  }
0x128: {  	_ =	swait.ge [sflag:s31], $0x1400  }
0x129: {  	[sflag:s31] =	ssyncset.done $0x0  }
0x12a: {  	s20 =	rddreg [dreg:$0xe];
	[sflag:s31] =	ssyncadd.s32 $0xFFFFEC00  }
0x12b: {  	[tilespmem:s0], [sflag:$0x2] =	stream.linear.gather [hbm4b:s20+s18], $0x1400, $0x38;
	[tilespmem:$0x1E400] =	vst v63  }
0x12c: {  	_ =	swait.ge [sflag:s31], $0x1400  }
0x12d: {  	[sflag:s31] =	ssyncset.done $0x0  }
0x12e: {  	[sflag:s31] =	ssyncadd.s32 $0xFFFFEC00  }
0x12f: {  	[tilespmem:s30], [sflag:$0x1] =	stream.indirect.gather [hbm4b:s4+s3], $0x80, s18, s3, $0xb8;
	[tilespmem:$0x1E400] =	vst v63  }
0x130: {  	_ = 	snop  }
0x131: {  	[tilespmem:s7], [sflag:$0x1] =	stream.indirect.gather [hbm4b:s4+s3], $0x80, s5, s3, $0xb8;
	[tilespmem:$0x1E400] =	vst v63  }
0x132: {  	_ = 	snop  }
0x133: {  	[tilespmem:s9], [sflag:$0x1] =	stream.indirect.gather [hbm4b:s4+s3], $0x80, s8, s3, $0xb8;
	[tilespmem:$0x1E400] =	vst v63  }
0x134: {  	_ = 	snop  }
0x135: {  	[tilespmem:s11], [sflag:$0x1] =	stream.indirect.gather [hbm4b:s4+s3], $0x80, s10, s3, $0xb8;
	[tilespmem:$0x1E400] =	vst v63  }
0x136: {  	_ =	swait.ge [sflag:s12], $0x2000  }
0x137: {  	[sflag:s12] =	ssyncset.done $0x0  }
0x138: {  	s20 =	simm.s32 $0x1400;
	[sflag:s12] =	ssyncadd.s32 $0xFFFFE000  }
0x139: {  	[spmem:s1] =	stream.indirect.scatter.add.f32 [tilespmem:s30], [sflag:$0x2], $0x80, s20, s3, $0xb8;
	[tilespmem:$0x1E400] =	vst v63  }
0x13a: {  	_ =	swait.ge [sflag:s31], $0x2000  }
0x13b: {  	[sflag:s31] =	ssyncset.done $0x0  }
0x13c: {  	s19 =	simm.s32 $0x200;
	[sflag:s31] =	ssyncadd.s32 $0xFFFFE000  }
0x13d: {  	[tilespmem:s30], [sflag:$0x1] =	stream.indirect.gather [hbm4b:s4+s3], $0x80, s19, s3, $0xb8;
	[tilespmem:$0x1E400] =	vst v63  }
0x13e: {  	_ =	swait.ge [sflag:s12], $0x2000  }
0x13f: {  	[sflag:s12] =	ssyncset.done $0x0  }
0x140: {  	s20 =	simm.s32 $0x1480;
	[sflag:s12] =	ssyncadd.s32 $0xFFFFE000  }
0x141: {  	[spmem:s1] =	stream.indirect.scatter.add.f32 [tilespmem:s7], [sflag:$0x2], $0x80, s20, s3, $0xb8;
	[tilespmem:$0x1E400] =	vst v63  }
0x142: {  	_ =	swait.ge [sflag:s31], $0x2000  }
0x143: {  	[sflag:s31] =	ssyncset.done $0x0  }
0x144: {  	s19 =	simm.s32 $0x280;
	[sflag:s31] =	ssyncadd.s32 $0xFFFFE000  }
0x145: {  	[tilespmem:s7], [sflag:$0x1] =	stream.indirect.gather [hbm4b:s4+s3], $0x80, s19, s3, $0xb8;
	[tilespmem:$0x1E400] =	vst v63  }
0x146: {  	_ =	swait.ge [sflag:s12], $0x2000  }
0x147: {  	[sflag:s12] =	ssyncset.done $0x0  }
0x148: {  	s20 =	simm.s32 $0x1500;
	[sflag:s12] =	ssyncadd.s32 $0xFFFFE000  }
0x149: {  	[spmem:s1] =	stream.indirect.scatter.add.f32 [tilespmem:s9], [sflag:$0x2], $0x80, s20, s3, $0xb8;
	[tilespmem:$0x1E400] =	vst v63  }
0x14a: {  	_ =	swait.ge [sflag:s31], $0x2000  }
0x14b: {  	[sflag:s31] =	ssyncset.done $0x0  }
0x14c: {  	s19 =	simm.s32 $0x300;
	[sflag:s31] =	ssyncadd.s32 $0xFFFFE000  }
0x14d: {  	[tilespmem:s9], [sflag:$0x1] =	stream.indirect.gather [hbm4b:s4+s3], $0x80, s19, s3, $0xb8;
	[tilespmem:$0x1E400] =	vst v63  }
0x14e: {  	_ =	swait.ge [sflag:s12], $0x2000  }
0x14f: {  	[sflag:s12] =	ssyncset.done $0x0  }
0x150: {  	s20 =	simm.s32 $0x1580;
	[sflag:s12] =	ssyncadd.s32 $0xFFFFE000  }
0x151: {  	[spmem:s1] =	stream.indirect.scatter.add.f32 [tilespmem:s11], [sflag:$0x2], $0x80, s20, s3, $0xb8;
	[tilespmem:$0x1E400] =	vst v63  }
0x152: {  	_ =	swait.ge [sflag:s31], $0x2000  }
0x153: {  	[sflag:s31] =	ssyncset.done $0x0  }
0x154: {  	s18 =	simm.s32 $0x800;
	s19 =	simm.s32 $0x380;
	[sflag:s31] =	ssyncadd.s32 $0xFFFFE000  }
.LBB2_6:
0x155: {  	[tilespmem:s11], [sflag:$0x1] =	stream.indirect.gather [hbm4b:s4+s3], $0x80, s19, s3, $0xb8;
	[tilespmem:$0x1E400] =	vst v63  }
0x156: {  	s19 =	smov.u32 s18  }
0x157: {  	p1 =	sne.s32 s18, $0x4000;
	s18 =	sadd.s32 $0x800, s18;
	_ =	swait.ge [sflag:s12], $0x2000  }
0x158: {  	s19 =	sshra.s32 s19, $0x2;
	[sflag:s12] =	ssyncset.done $0x0  }
0x159: {  	s20 =	sadd.s32 $0x1400, s19;
	[sflag:s12] =	ssyncadd.s32 $0xFFFFE000  }
0x15a: {  	[spmem:s1] =	stream.indirect.scatter.add.f32 [tilespmem:s30], [sflag:$0x2], $0x80, s20, s3, $0xb8;
	[tilespmem:$0x1E400] =	vst v63  }
0x15b: {  	_ =	swait.ge [sflag:s31], $0x2000  }
0x15c: {  	[sflag:s31] =	ssyncset.done $0x0  }
0x15d: {  	s20 =	sadd.s32 $0x200, s19;
	[sflag:s31] =	ssyncadd.s32 $0xFFFFE000  }
0x15e: {  	[tilespmem:s30], [sflag:$0x1] =	stream.indirect.gather [hbm4b:s4+s3], $0x80, s20, s3, $0xb8;
	[tilespmem:$0x1E400] =	vst v63  }
0x15f: {  	_ =	swait.ge [sflag:s12], $0x2000  }
0x160: {  	[sflag:s12] =	ssyncset.done $0x0  }
0x161: {  	s20 =	sadd.s32 $0x1480, s19;
	[sflag:s12] =	ssyncadd.s32 $0xFFFFE000  }
0x162: {  	[spmem:s1] =	stream.indirect.scatter.add.f32 [tilespmem:s7], [sflag:$0x2], $0x80, s20, s3, $0xb8;
	[tilespmem:$0x1E400] =	vst v63  }
0x163: {  	_ =	swait.ge [sflag:s31], $0x2000  }
0x164: {  	[sflag:s31] =	ssyncset.done $0x0  }
0x165: {  	s20 =	sadd.s32 $0x280, s19;
	[sflag:s31] =	ssyncadd.s32 $0xFFFFE000  }
0x166: {  	[tilespmem:s7], [sflag:$0x1] =	stream.indirect.gather [hbm4b:s4+s3], $0x80, s20, s3, $0xb8;
	[tilespmem:$0x1E400] =	vst v63  }
0x167: {  	_ =	swait.ge [sflag:s12], $0x2000  }
0x168: {  	[sflag:s12] =	ssyncset.done $0x0  }
0x169: {  	s20 =	sadd.s32 $0x1500, s19;
	[sflag:s12] =	ssyncadd.s32 $0xFFFFE000  }
0x16a: {  	[spmem:s1] =	stream.indirect.scatter.add.f32 [tilespmem:s9], [sflag:$0x2], $0x80, s20, s3, $0xb8;
	[tilespmem:$0x1E400] =	vst v63  }
0x16b: {  	_ =	swait.ge [sflag:s31], $0x2000  }
0x16c: {  	[sflag:s31] =	ssyncset.done $0x0  }
0x16d: {  	s20 =	sadd.s32 $0x300, s19;
	[sflag:s31] =	ssyncadd.s32 $0xFFFFE000  }
0x16e: {  	[tilespmem:s9], [sflag:$0x1] =	stream.indirect.gather [hbm4b:s4+s3], $0x80, s20, s3, $0xb8;
	[tilespmem:$0x1E400] =	vst v63  }
0x16f: {  	_ =	swait.ge [sflag:s12], $0x2000  }
0x170: {  	[sflag:s12] =	ssyncset.done $0x0  }
.Ltmp2:
0x171: {  	s20 =	sadd.s32 $0x1580, s19;
	[sflag:s12] =	ssyncadd.s32 $0xFFFFE000;
	(pc) =	sbr.rel @p1 .LBB2_6-.Ltmp2, $4  }
0x172: {  	[spmem:s1] =	stream.indirect.scatter.add.f32 [tilespmem:s11], [sflag:$0x2], $0x80, s20, s3, $0xb8;
	[tilespmem:$0x1E400] =	vst v63  }
0x173: {  	_ =	swait.ge [sflag:s31], $0x2000  }
0x174: {  	[sflag:s31] =	ssyncset.done $0x0  }
0x175: {  	s19 =	sadd.s32 $0x380, s19;
	[sflag:s31] =	ssyncadd.s32 $0xFFFFE000  }
0x176: {  	[tilespmem:s11], [sflag:$0x1] =	stream.indirect.gather [hbm4b:s4+s3], $0x80, s19, s3, $0xb8;
	[tilespmem:$0x1E400] =	vst v63  }
0x177: {  	_ =	swait.ge [sflag:s12], $0x2000  }
0x178: {  	[sflag:s12] =	ssyncset.done $0x0  }
0x179: {  	[sflag:s12] =	ssyncadd.s32 $0xFFFFE000  }
0x17a: {  	[spmem:s1] =	stream.indirect.scatter.add.f32 [tilespmem:s30], [sflag:$0x2], $0x80, s13, s3, $0xb8;
	[tilespmem:$0x1E400] =	vst v63  }
0x17b: {  	_ =	swait.ge [sflag:s31], $0x2000  }
0x17c: {  	[sflag:s31] =	ssyncset.done $0x0  }
0x17d: {  	[sflag:s31] =	ssyncadd.s32 $0xFFFFE000  }
0x17e: {  	_ =	swait.ge [sflag:s12], $0x2000  }
0x17f: {  	[sflag:s12] =	ssyncset.done $0x0  }
0x180: {  	[sflag:s12] =	ssyncadd.s32 $0xFFFFE000  }
0x181: {  	[spmem:s1] =	stream.indirect.scatter.add.f32 [tilespmem:s7], [sflag:$0x2], $0x80, s14, s3, $0xb8;
	[tilespmem:$0x1E400] =	vst v63  }
0x182: {  	_ =	swait.ge [sflag:s31], $0x2000  }
0x183: {  	[sflag:s31] =	ssyncset.done $0x0  }
0x184: {  	[sflag:s31] =	ssyncadd.s32 $0xFFFFE000  }
0x185: {  	_ =	swait.ge [sflag:s12], $0x2000  }
0x186: {  	[sflag:s12] =	ssyncset.done $0x0  }
0x187: {  	[sflag:s12] =	ssyncadd.s32 $0xFFFFE000  }
0x188: {  	[spmem:s1] =	stream.indirect.scatter.add.f32 [tilespmem:s9], [sflag:$0x2], $0x80, s15, s3, $0xb8;
	[tilespmem:$0x1E400] =	vst v63  }
0x189: {  	_ =	swait.ge [sflag:s31], $0x2000  }
0x18a: {  	[sflag:s31] =	ssyncset.done $0x0  }
0x18b: {  	[sflag:s31] =	ssyncadd.s32 $0xFFFFE000  }
0x18c: {  	_ =	swait.ge [sflag:s12], $0x2000  }
0x18d: {  	[sflag:s12] =	ssyncset.done $0x0  }
0x18e: {  	[sflag:s12] =	ssyncadd.s32 $0xFFFFE000  }
0x18f: {  	[spmem:s1] =	stream.indirect.scatter.add.f32 [tilespmem:s11], [sflag:$0x2], $0x80, s16, s3, $0xb8;
	[tilespmem:$0x1E400] =	vst v63  }
0x190: {  	_ =	swait.ge [sflag:s31], $0x2000  }
0x191: {  	[sflag:s31] =	ssyncset.done $0x0  }
0x192: {  	s18 =	simm.s32 $0x0;
	s20 =	rddreg [dreg:$0xf];
	[sflag:s31] =	ssyncadd.s32 $0xFFFFE000  }
0x193: {  	[tilespmem:s18], [sflag:$0x2] =	stream.linear.gather [hbm4b:s20+s18], $0x1400, $0x38;
	[tilespmem:$0x1E400] =	vst v63  }
0x194: {  	_ =	swait.ge [sflag:s31], $0x1400  }
0x195: {  	[sflag:s31] =	ssyncset.done $0x0  }
0x196: {  	s20 =	rddreg [dreg:$0x10];
	[sflag:s31] =	ssyncadd.s32 $0xFFFFEC00  }
0x197: {  	[tilespmem:s0], [sflag:$0x2] =	stream.linear.gather [hbm4b:s20+s18], $0x1400, $0x38;
	[tilespmem:$0x1E400] =	vst v63  }
0x198: {  	_ =	swait.ge [sflag:s31], $0x1400  }
0x199: {  	[sflag:s31] =	ssyncset.done $0x0  }
0x19a: {  	[sflag:s31] =	ssyncadd.s32 $0xFFFFEC00  }
0x19b: {  	[tilespmem:s30], [sflag:$0x1] =	stream.indirect.gather [hbm4b:s4+s3], $0x80, s18, s3, $0xb8;
	[tilespmem:$0x1E400] =	vst v63  }
0x19c: {  	_ = 	snop  }
0x19d: {  	[tilespmem:s7], [sflag:$0x1] =	stream.indirect.gather [hbm4b:s4+s3], $0x80, s5, s3, $0xb8;
	[tilespmem:$0x1E400] =	vst v63  }
0x19e: {  	_ = 	snop  }
0x19f: {  	[tilespmem:s9], [sflag:$0x1] =	stream.indirect.gather [hbm4b:s4+s3], $0x80, s8, s3, $0xb8;
	[tilespmem:$0x1E400] =	vst v63  }
0x1a0: {  	_ = 	snop  }
0x1a1: {  	[tilespmem:s11], [sflag:$0x1] =	stream.indirect.gather [hbm4b:s4+s3], $0x80, s10, s3, $0xb8;
	[tilespmem:$0x1E400] =	vst v63  }
0x1a2: {  	_ =	swait.ge [sflag:s12], $0x2000  }
0x1a3: {  	[sflag:s12] =	ssyncset.done $0x0  }
0x1a4: {  	s20 =	simm.s32 $0x1400;
	[sflag:s12] =	ssyncadd.s32 $0xFFFFE000  }
0x1a5: {  	[spmem:s1] =	stream.indirect.scatter.add.f32 [tilespmem:s30], [sflag:$0x2], $0x80, s20, s3, $0xb8;
	[tilespmem:$0x1E400] =	vst v63  }
0x1a6: {  	_ =	swait.ge [sflag:s31], $0x2000  }
0x1a7: {  	[sflag:s31] =	ssyncset.done $0x0  }
0x1a8: {  	s19 =	simm.s32 $0x200;
	[sflag:s31] =	ssyncadd.s32 $0xFFFFE000  }
0x1a9: {  	[tilespmem:s30], [sflag:$0x1] =	stream.indirect.gather [hbm4b:s4+s3], $0x80, s19, s3, $0xb8;
	[tilespmem:$0x1E400] =	vst v63  }
0x1aa: {  	_ =	swait.ge [sflag:s12], $0x2000  }
0x1ab: {  	[sflag:s12] =	ssyncset.done $0x0  }
0x1ac: {  	s20 =	simm.s32 $0x1480;
	[sflag:s12] =	ssyncadd.s32 $0xFFFFE000  }
0x1ad: {  	[spmem:s1] =	stream.indirect.scatter.add.f32 [tilespmem:s7], [sflag:$0x2], $0x80, s20, s3, $0xb8;
	[tilespmem:$0x1E400] =	vst v63  }
0x1ae: {  	_ =	swait.ge [sflag:s31], $0x2000  }
0x1af: {  	[sflag:s31] =	ssyncset.done $0x0  }
0x1b0: {  	s19 =	simm.s32 $0x280;
	[sflag:s31] =	ssyncadd.s32 $0xFFFFE000  }
0x1b1: {  	[tilespmem:s7], [sflag:$0x1] =	stream.indirect.gather [hbm4b:s4+s3], $0x80, s19, s3, $0xb8;
	[tilespmem:$0x1E400] =	vst v63  }
0x1b2: {  	_ =	swait.ge [sflag:s12], $0x2000  }
0x1b3: {  	[sflag:s12] =	ssyncset.done $0x0  }
0x1b4: {  	s20 =	simm.s32 $0x1500;
	[sflag:s12] =	ssyncadd.s32 $0xFFFFE000  }
0x1b5: {  	[spmem:s1] =	stream.indirect.scatter.add.f32 [tilespmem:s9], [sflag:$0x2], $0x80, s20, s3, $0xb8;
	[tilespmem:$0x1E400] =	vst v63  }
0x1b6: {  	_ =	swait.ge [sflag:s31], $0x2000  }
0x1b7: {  	[sflag:s31] =	ssyncset.done $0x0  }
0x1b8: {  	s19 =	simm.s32 $0x300;
	[sflag:s31] =	ssyncadd.s32 $0xFFFFE000  }
0x1b9: {  	[tilespmem:s9], [sflag:$0x1] =	stream.indirect.gather [hbm4b:s4+s3], $0x80, s19, s3, $0xb8;
	[tilespmem:$0x1E400] =	vst v63  }
0x1ba: {  	_ =	swait.ge [sflag:s12], $0x2000  }
0x1bb: {  	[sflag:s12] =	ssyncset.done $0x0  }
0x1bc: {  	s20 =	simm.s32 $0x1580;
	[sflag:s12] =	ssyncadd.s32 $0xFFFFE000  }
0x1bd: {  	[spmem:s1] =	stream.indirect.scatter.add.f32 [tilespmem:s11], [sflag:$0x2], $0x80, s20, s3, $0xb8;
	[tilespmem:$0x1E400] =	vst v63  }
0x1be: {  	_ =	swait.ge [sflag:s31], $0x2000  }
0x1bf: {  	[sflag:s31] =	ssyncset.done $0x0  }
0x1c0: {  	s18 =	simm.s32 $0x800;
	s19 =	simm.s32 $0x380;
	[sflag:s31] =	ssyncadd.s32 $0xFFFFE000  }
.LBB2_8:
0x1c1: {  	[tilespmem:s11], [sflag:$0x1] =	stream.indirect.gather [hbm4b:s4+s3], $0x80, s19, s3, $0xb8;
	[tilespmem:$0x1E400] =	vst v63  }
0x1c2: {  	s19 =	smov.u32 s18  }
0x1c3: {  	p1 =	sne.s32 s18, $0x4000;
	s18 =	sadd.s32 $0x800, s18;
	_ =	swait.ge [sflag:s12], $0x2000  }
0x1c4: {  	s19 =	sshra.s32 s19, $0x2;
	[sflag:s12] =	ssyncset.done $0x0  }
0x1c5: {  	s20 =	sadd.s32 $0x1400, s19;
	[sflag:s12] =	ssyncadd.s32 $0xFFFFE000  }
0x1c6: {  	[spmem:s1] =	stream.indirect.scatter.add.f32 [tilespmem:s30], [sflag:$0x2], $0x80, s20, s3, $0xb8;
	[tilespmem:$0x1E400] =	vst v63  }
0x1c7: {  	_ =	swait.ge [sflag:s31], $0x2000  }
0x1c8: {  	[sflag:s31] =	ssyncset.done $0x0  }
0x1c9: {  	s20 =	sadd.s32 $0x200, s19;
	[sflag:s31] =	ssyncadd.s32 $0xFFFFE000  }
0x1ca: {  	[tilespmem:s30], [sflag:$0x1] =	stream.indirect.gather [hbm4b:s4+s3], $0x80, s20, s3, $0xb8;
	[tilespmem:$0x1E400] =	vst v63  }
0x1cb: {  	_ =	swait.ge [sflag:s12], $0x2000  }
0x1cc: {  	[sflag:s12] =	ssyncset.done $0x0  }
0x1cd: {  	s20 =	sadd.s32 $0x1480, s19;
	[sflag:s12] =	ssyncadd.s32 $0xFFFFE000  }
0x1ce: {  	[spmem:s1] =	stream.indirect.scatter.add.f32 [tilespmem:s7], [sflag:$0x2], $0x80, s20, s3, $0xb8;
	[tilespmem:$0x1E400] =	vst v63  }
0x1cf: {  	_ =	swait.ge [sflag:s31], $0x2000  }
0x1d0: {  	[sflag:s31] =	ssyncset.done $0x0  }
0x1d1: {  	s20 =	sadd.s32 $0x280, s19;
	[sflag:s31] =	ssyncadd.s32 $0xFFFFE000  }
0x1d2: {  	[tilespmem:s7], [sflag:$0x1] =	stream.indirect.gather [hbm4b:s4+s3], $0x80, s20, s3, $0xb8;
	[tilespmem:$0x1E400] =	vst v63  }
0x1d3: {  	_ =	swait.ge [sflag:s12], $0x2000  }
0x1d4: {  	[sflag:s12] =	ssyncset.done $0x0  }
0x1d5: {  	s20 =	sadd.s32 $0x1500, s19;
	[sflag:s12] =	ssyncadd.s32 $0xFFFFE000  }
0x1d6: {  	[spmem:s1] =	stream.indirect.scatter.add.f32 [tilespmem:s9], [sflag:$0x2], $0x80, s20, s3, $0xb8;
	[tilespmem:$0x1E400] =	vst v63  }
0x1d7: {  	_ =	swait.ge [sflag:s31], $0x2000  }
0x1d8: {  	[sflag:s31] =	ssyncset.done $0x0  }
0x1d9: {  	s20 =	sadd.s32 $0x300, s19;
	[sflag:s31] =	ssyncadd.s32 $0xFFFFE000  }
0x1da: {  	[tilespmem:s9], [sflag:$0x1] =	stream.indirect.gather [hbm4b:s4+s3], $0x80, s20, s3, $0xb8;
	[tilespmem:$0x1E400] =	vst v63  }
0x1db: {  	_ =	swait.ge [sflag:s12], $0x2000  }
0x1dc: {  	[sflag:s12] =	ssyncset.done $0x0  }
.Ltmp3:
0x1dd: {  	s20 =	sadd.s32 $0x1580, s19;
	[sflag:s12] =	ssyncadd.s32 $0xFFFFE000;
	(pc) =	sbr.rel @p1 .LBB2_8-.Ltmp3, $4  }
0x1de: {  	[spmem:s1] =	stream.indirect.scatter.add.f32 [tilespmem:s11], [sflag:$0x2], $0x80, s20, s3, $0xb8;
	[tilespmem:$0x1E400] =	vst v63  }
0x1df: {  	_ =	swait.ge [sflag:s31], $0x2000  }
0x1e0: {  	[sflag:s31] =	ssyncset.done $0x0  }
0x1e1: {  	s19 =	sadd.s32 $0x380, s19;
	[sflag:s31] =	ssyncadd.s32 $0xFFFFE000  }
0x1e2: {  	[tilespmem:s11], [sflag:$0x1] =	stream.indirect.gather [hbm4b:s4+s3], $0x80, s19, s3, $0xb8;
	[tilespmem:$0x1E400] =	vst v63  }
0x1e3: {  	_ =	swait.ge [sflag:s12], $0x2000  }
0x1e4: {  	[sflag:s12] =	ssyncset.done $0x0  }
0x1e5: {  	[sflag:s12] =	ssyncadd.s32 $0xFFFFE000  }
0x1e6: {  	[spmem:s1] =	stream.indirect.scatter.add.f32 [tilespmem:s30], [sflag:$0x2], $0x80, s13, s3, $0xb8;
	[tilespmem:$0x1E400] =	vst v63  }
0x1e7: {  	_ =	swait.ge [sflag:s31], $0x2000  }
0x1e8: {  	[sflag:s31] =	ssyncset.done $0x0  }
0x1e9: {  	[sflag:s31] =	ssyncadd.s32 $0xFFFFE000  }
0x1ea: {  	_ =	swait.ge [sflag:s12], $0x2000  }
0x1eb: {  	[sflag:s12] =	ssyncset.done $0x0  }
0x1ec: {  	[sflag:s12] =	ssyncadd.s32 $0xFFFFE000  }
0x1ed: {  	[spmem:s1] =	stream.indirect.scatter.add.f32 [tilespmem:s7], [sflag:$0x2], $0x80, s14, s3, $0xb8;
	[tilespmem:$0x1E400] =	vst v63  }
0x1ee: {  	_ =	swait.ge [sflag:s31], $0x2000  }
0x1ef: {  	[sflag:s31] =	ssyncset.done $0x0  }
0x1f0: {  	[sflag:s31] =	ssyncadd.s32 $0xFFFFE000  }
0x1f1: {  	_ =	swait.ge [sflag:s12], $0x2000  }
0x1f2: {  	[sflag:s12] =	ssyncset.done $0x0  }
0x1f3: {  	[sflag:s12] =	ssyncadd.s32 $0xFFFFE000  }
0x1f4: {  	[spmem:s1] =	stream.indirect.scatter.add.f32 [tilespmem:s9], [sflag:$0x2], $0x80, s15, s3, $0xb8;
	[tilespmem:$0x1E400] =	vst v63  }
0x1f5: {  	_ =	swait.ge [sflag:s31], $0x2000  }
0x1f6: {  	[sflag:s31] =	ssyncset.done $0x0  }
0x1f7: {  	[sflag:s31] =	ssyncadd.s32 $0xFFFFE000  }
0x1f8: {  	_ =	swait.ge [sflag:s12], $0x2000  }
0x1f9: {  	[sflag:s12] =	ssyncset.done $0x0  }
0x1fa: {  	[sflag:s12] =	ssyncadd.s32 $0xFFFFE000  }
0x1fb: {  	[spmem:s1] =	stream.indirect.scatter.add.f32 [tilespmem:s11], [sflag:$0x2], $0x80, s16, s3, $0xb8;
	[tilespmem:$0x1E400] =	vst v63  }
0x1fc: {  	_ =	swait.ge [sflag:s31], $0x2000  }
0x1fd: {  	s18 =	stileid.u32;
	[sflag:s31] =	ssyncset.done $0x0  }
0x1fe: {  	s18 =	sshll.u32 s18, $0x6;
	[sflag:s31] =	ssyncadd.s32 $0xFFFFE000  }
0x1ff: {  	s18 =	sor.u32 $0x1C02, s18;
	[bflag:$0x0] =	sbarrier.arrive $0xFFFF  }
0x200: {  	[hbm:s21], [sflag:s18] =	dma.local [spmem:s24], $0x2700  }
0x201: {  	_ =	swait.ge [sflag:s31], $0x2700  }
0x202: {  	s17 =	sadd.s32 $0x1, s17;
	[sflag:s31] =	ssyncset.done $0x0  }
0x203: {  	p1 =	sne.s32 s17, s23;
	[sflag:s31] =	ssyncadd.s32 $0xFFFFD900  }
0x204: {  	[hbm:s22], [sflag:s18] =	dma.local @!p0 [spmem:s25], $0x100  }
.Ltmp4:
0x205: {  	_ = 	snop;
	(pc) =	sbr.rel @p1 .LBB2_1-.Ltmp4, $4  }
0x206: {  	s18 =	simm.s32 @!p0 $0x2  }
0x207: {  	_ =	swait.ge @!p0 [sflag:s18], $0x100  }
0x208: {  	[sflag:s18] =	ssyncset.done @!p0 $0x0  }
0x209: {  	[sflag:s18] =	ssyncadd.s32 @!p0 $0xFFFFFF00  }
0x20a: {  	_ =	sfence.sel $0x180000  }
0x20b: {  	[bflag:$0x0] =	sbarrier.arrive $0xFFFF  }
0x20c: {  	_ =	strace $0x90000047  }
0x20d: {  	s0 =	stileid.u32;
	[bflag:$0x2] =	sbarrier.arrive $0xFFFF  }
0x20e: {  	p0 =	sne.s32 s0, $0x0;
	s0 =	rddreg [dreg:$0x2]  }
0x20f: {  	s0 =	sadd.s32 @!p0 $0x100000, s0  }
0x210: {  	[sflag:s0] =	ssyncadd.tile.s32 @!p0 $0x1;
	_ =	shalt  }
.Lfunc_end2:
_tile_overlayer_lowered:
.L_overlay_start_2:
0x211: {  	(tag) =	ssettag $0x2  }
0x212: {  	s0 =	rddreg [dreg:$0x0];
	s2 =	stileid.u32  }
0x213: {  	s1 =	rddreg [dreg:$0x1];
	p0 =	sne.s32 s2, $0x0  }
0x214: {  	s3 =	rddreg [dreg:$0x2];
	[bflag:$0x3] =	sbarrier.arrive $0xFFFF;
	s2 =	simm.s32 @!p0 $0x1C02  }
0x215: {  	[timem:s3], [sflag:s2] =	dma.local @!p0 [hbm:s0], s1  }
0x216: {  	s0 =	simm.s32 @!p0 $0x2  }
0x217: {  	_ =	swait.ge @!p0 [sflag:s0], s1  }
0x218: {  	s1 =	ssub.s32 @!p0 $0x0, s1;
	[sflag:s0] =	ssyncset.done @!p0 $0x0  }
0x219: {  	[sflag:s0] =	ssyncadd.s32 @!p0 s1  }
0x21a: {  	[bflag:$0x3] =	sbarrier.arrive $0xFFFF  }
0x21b: {  	_ =	shalt  }

</sc_bundles>
